<compile_context>
chip_gen: v7x
topology: tpu7x:2x2x1
jax: 0.10.2.dev20260603
libtpu: 0.0.44.dev20260713+nightly
codegen_flags: <defaults>
</compile_context>

<pallas_src>
import functools

import jax
import jax.numpy as jnp
from jax import lax
from jax.experimental import pallas as pl
from jax.experimental.pallas import tpu as pltpu
from jax.experimental.pallas import tpu_sc as plsc

VOCAB = 100000
EMBED_DIM = 300
D_PAD = 304
BATCH = 4096
SEQ_LEN = 200

_B = BATCH * SEQ_LEN
_NW = 32
_B_PER_W = _B // _NW
_CHUNK = 64
_N_CHUNKS = _B_PER_W // _CHUNK
_CHUNK_WORDS = _CHUNK * EMBED_DIM
_LANES = 16


def _make_sc_gather():
    mesh = plsc.VectorSubcoreMesh(core_axis_name="c", subcore_axis_name="s")

    @functools.partial(
        pl.kernel,
        mesh=mesh,
        out_type=jax.ShapeDtypeStruct((_B * EMBED_DIM,), jnp.float32),
        compiler_params=pltpu.CompilerParams(use_tc_tiling_on_sc=False),
        scratch_types=[
            pltpu.VMEM((_N_CHUNKS, _CHUNK), jnp.int32),
            pltpu.VMEM((_CHUNK, D_PAD), jnp.float32),
            pltpu.VMEM((_CHUNK, D_PAD), jnp.float32),
            pltpu.VMEM((_CHUNK_WORDS,), jnp.float32),
            pltpu.VMEM((_CHUNK_WORDS,), jnp.float32),
            pltpu.SemaphoreType.DMA,
            pltpu.SemaphoreType.DMA,
            pltpu.SemaphoreType.DMA,
            pltpu.SemaphoreType.DMA,
        ],
    )
    def k(idx_hbm, table_hbm, out_hbm, idx_v, buf0, buf1, cb0, cb1,
          sem0, sem1, osem0, osem1):
        wid = lax.axis_index("s") * 2 + lax.axis_index("c")
        obase = wid * _B_PER_W * EMBED_DIM

        pltpu.sync_copy(idx_hbm.at[wid], idx_v)

        bufs = (buf0, buf1)
        cbs = (cb0, cb1)
        sems = (sem0, sem1)
        osems = (osem0, osem1)

        pltpu.async_copy(table_hbm.at[idx_v.at[0]], buf0, sem0)

        def compact(src, dst):
            def row(r, carry):
                o = r * EMBED_DIM
                for kk in range(EMBED_DIM // _LANES):
                    v = src[r, pl.ds(kk * _LANES, _LANES)]
                    dst[pl.ds(o + kk * _LANES, _LANES)] = v
                v = src[r, pl.ds(EMBED_DIM - _LANES, _LANES)]
                dst[pl.ds(o + EMBED_DIM - _LANES, _LANES)] = v
                return carry

            lax.fori_loop(0, _CHUNK, row, 0, unroll=8)

        def outer(i, carry):
            for p in range(2):
                j = i * 2 + p
                cur, cur_sem = bufs[p], sems[p]
                cb, osem = cbs[p], osems[p]
                nxt, nxt_sem = bufs[1 - p], sems[1 - p]

                @pl.when(j + 1 < _N_CHUNKS)
                def _():
                    pltpu.async_copy(table_hbm.at[idx_v.at[j + 1]], nxt, nxt_sem)

                pltpu.make_async_copy(table_hbm.at[idx_v.at[j]], cur, cur_sem).wait()

                @pl.when(j >= 2)
                def _():
                    pltpu.make_async_copy(
                        cb, out_hbm.at[pl.ds(0, _CHUNK_WORDS)], osem
                    ).wait()

                compact(cur, cb)
                pltpu.async_copy(
                    cb,
                    out_hbm.at[pl.ds(obase + j * _CHUNK_WORDS, _CHUNK_WORDS)],
                    osem,
                )
            return carry

        lax.fori_loop(0, _N_CHUNKS // 2, outer, 0)

        pltpu.make_async_copy(cb0, out_hbm.at[pl.ds(0, _CHUNK_WORDS)], osem0).wait()
        pltpu.make_async_copy(cb1, out_hbm.at[pl.ds(0, _CHUNK_WORDS)], osem1).wait()

    return k


_sc_gather = _make_sc_gather()


def kernel(indices, table):
    idx = indices.reshape(_NW, _N_CHUNKS, _CHUNK).astype(jnp.int32)
    table_pad = jnp.pad(table, ((0, 0), (0, D_PAD - EMBED_DIM)))
    out = _sc_gather(idx, table_pad)
    return out.reshape(BATCH, SEQ_LEN, EMBED_DIM)

# --- scband reference (transcript-rebuilt; emitter-appended) ---
"""Pipeline reference for scband-glove-embedding-21028159881596 (READ-ONLY COPY).

The authoritative reference and input builder live on the scoring server;
editing this copy changes nothing except your own understanding.
"""

import jax, jax.numpy as jnp
import numpy as np

VOCAB = 100000
EMBED_DIM = 300
BATCH = 4096
SEQ_LEN = 200

def setup_inputs(seed: int = 0) -> dict:
    key = jax.random.key(seed)
    k_idx, k_tab = jax.random.split(key)
    indices = jax.random.randint(k_idx, (BATCH, SEQ_LEN), 0, VOCAB, dtype=jnp.int64 if jax.config.jax_enable_x64 else jnp.int32)
    table = jax.random.normal(k_tab, (VOCAB, EMBED_DIM), dtype=jnp.float32)
    return {"indices": indices, "table": table}

def reference(indices, table):
    # Faithful to nn.Embedding.from_pretrained(weights)(indices):
    # plain row gather from the embedding table, returning
    # (batch_size, sequence_length, embed_dim=300).
    return jnp.take(table, indices, axis=0)

if __name__ == "__main__":
    import jax
    _d = setup_inputs()
    print(jax.jit(kernel)(*tuple(_d.values())))

</pallas_src>

<mosaic_0001>
#map = affine_map<(d0, d1) -> (0, 0, 0)>
#map1 = affine_map<(d0, d1) -> (0, 0)>
#map2 = affine_map<(d0, d1) -> (0)>
module attributes {stable_mosaic.version = 14 : i64} {
  func.func @k(%arg0: i32, %arg1: i32, %arg2: memref<32x400x64xi32, #tpu.memory_space<hbm>>, %arg3: memref<100000x304xf32, #tpu.memory_space<hbm>>, %arg4: memref<245760000xf32, #tpu.memory_space<hbm>>, %arg5: memref<400x64xi32, #tpu.memory_space<vmem>>, %arg6: memref<64x304xf32, #tpu.memory_space<vmem>>, %arg7: memref<64x304xf32, #tpu.memory_space<vmem>>, %arg8: memref<19200xf32, #tpu.memory_space<vmem>>, %arg9: memref<19200xf32, #tpu.memory_space<vmem>>, %arg10: memref<!tpu.dma_semaphore, #tpu.memory_space<semaphore_mem>>, %arg11: memref<!tpu.dma_semaphore, #tpu.memory_space<semaphore_mem>>, %arg12: memref<!tpu.dma_semaphore, #tpu.memory_space<semaphore_mem>>, %arg13: memref<!tpu.dma_semaphore, #tpu.memory_space<semaphore_mem>>) attributes {dimension_semantics = [#tpu.dimension_semantics<core_parallel>, #tpu.dimension_semantics<subcore_parallel>], iteration_bounds = array<i64: 2, 16>, scalar_prefetch = 0 : i64, scratch_operands = 9 : i64, tpu.core_type = #tpu.core_type<sc_vector_subcore>, window_params = [{transform_indices = #map}, {transform_indices = #map1}, {transform_indices = #map2}]} {
    %mul3A = arith.constant 2 : i32
    %mul3A_0 = arith.muli %arg1, %mul3A : i32
    %add3A = arith.addi %mul3A_0, %arg0 : i32
    %mul3A_1 = arith.constant 25600 : i32
    %mul3A_2 = arith.muli %add3A, %mul3A_1 : i32
    %mul3A_3 = arith.constant 300 : i32
    %mul3A_4 = arith.muli %mul3A_2, %mul3A_3 : i32
    "tpu.region"() ({
      %run_scoped3A = tpu.sem_alloc : memref<!tpu.dma_semaphore, #tpu.memory_space<semaphore_mem>>
      %dma_start3A_23 = arith.constant 0 : i32
      %dma_start3A_24 = arith.constant 0 : i32
      %dma_start3A_25 = tpu.memref_slice %arg2[%add3A, %dma_start3A_23, %dma_start3A_24] : memref<32x400x64xi32, #tpu.memory_space<hbm>> -> memref<1x400x64xi32, #tpu.memory_space<hbm>>
      %dma_start3A_26 = tpu.memref_squeeze %dma_start3A_25 : memref<1x400x64xi32, #tpu.memory_space<hbm>> -> memref<400x64xi32, #tpu.memory_space<hbm>>
      %dma_start3A_27 = arith.constant 0 : i32
      %dma_start3A_28 = arith.constant 0 : i32
      %dma_start3A_29 = tpu.memref_slice %arg2[%add3A, %dma_start3A_27, %dma_start3A_28] : memref<32x400x64xi32, #tpu.memory_space<hbm>> -> memref<1x400x64xi32, #tpu.memory_space<hbm>>
      %dma_start3A_30 = tpu.memref_squeeze %dma_start3A_29 : memref<1x400x64xi32, #tpu.memory_space<hbm>> -> memref<400x64xi32, #tpu.memory_space<hbm>>
      tpu.enqueue_dma source(%dma_start3A_30 : memref<400x64xi32, #tpu.memory_space<hbm>>) target(%arg5 : memref<400x64xi32, #tpu.memory_space<vmem>>) target_semaphore(%run_scoped3A : memref<!tpu.dma_semaphore, #tpu.memory_space<semaphore_mem>>)
      %dma_wait3A_31 = arith.constant 0 : i32
      %dma_wait3A_32 = arith.constant 0 : i32
      %dma_wait3A_33 = tpu.memref_slice %arg2[%add3A, %dma_wait3A_31, %dma_wait3A_32] : memref<32x400x64xi32, #tpu.memory_space<hbm>> -> memref<1x400x64xi32, #tpu.memory_space<hbm>>
      %dma_wait3A_34 = tpu.memref_squeeze %dma_wait3A_33 : memref<1x400x64xi32, #tpu.memory_space<hbm>> -> memref<400x64xi32, #tpu.memory_space<hbm>>
      %dma_wait3A_35 = arith.constant 0 : i32
      %dma_wait3A_36 = arith.constant 0 : i32
      %dma_wait3A_37 = tpu.memref_slice %arg2[%add3A, %dma_wait3A_35, %dma_wait3A_36] : memref<32x400x64xi32, #tpu.memory_space<hbm>> -> memref<1x400x64xi32, #tpu.memory_space<hbm>>
      %dma_wait3A_38 = tpu.memref_squeeze %dma_wait3A_37 : memref<1x400x64xi32, #tpu.memory_space<hbm>> -> memref<400x64xi32, #tpu.memory_space<hbm>>
      tpu.wait_dma2 semaphore(%run_scoped3A : memref<!tpu.dma_semaphore, #tpu.memory_space<semaphore_mem>>) src(%dma_wait3A_38 : memref<400x64xi32, #tpu.memory_space<hbm>>) dst(%arg5 : memref<400x64xi32, #tpu.memory_space<vmem>>)
      tpu.yield
    }) : () -> ()
    %dma_start3A = arith.constant 0 : i32
    %dma_start3A_5 = arith.constant 0 : i32
    %dma_start3A_6 = tpu.memref_slice %arg5[%dma_start3A, %dma_start3A_5] : memref<400x64xi32, #tpu.memory_space<vmem>> -> memref<1x64xi32, #tpu.memory_space<vmem>>
    %dma_start3A_7 = tpu.memref_squeeze %dma_start3A_6 : memref<1x64xi32, #tpu.memory_space<vmem>> -> memref<64xi32, #tpu.memory_space<vmem>>
    %dma_start3A_8 = arith.constant 0 : i32
    %dma_start3A_9 = arith.constant 0 : i32
    %dma_start3A_10 = tpu.memref_slice %arg3[%dma_start3A_8, %dma_start3A_9] : memref<100000x304xf32, #tpu.memory_space<hbm>> -> memref<100000x304xf32, #tpu.memory_space<hbm>>
    tpu.enqueue_indirect_dma source(%dma_start3A_10 : memref<100000x304xf32, #tpu.memory_space<hbm>>) target(%arg6 : memref<64x304xf32, #tpu.memory_space<vmem>>) offsets(%dma_start3A_7 : memref<64xi32, #tpu.memory_space<vmem>>) semaphore(%arg10 : memref<!tpu.dma_semaphore, #tpu.memory_space<semaphore_mem>>)
    %scan3A = arith.constant 0 : i32
    %scan3A_11 = arith.constant 0 : i32
    %scan3A_12 = arith.constant 200 : i32
    %scan3A_13 = arith.addi %scan3A_11, %scan3A_12 : i32
    %scan3A_14 = arith.constant 1 : i32
    scf.for %scan3A_23 = %scan3A_11 to %scan3A_13 step %scan3A_14  : i32 {
      %mul3A_24 = arith.constant 2 : i32
      %mul3A_25 = arith.muli %scan3A_23, %mul3A_24 : i32
      %add3A_26 = arith.constant 0 : i32
      %add3A_27 = arith.addi %mul3A_25, %add3A_26 : i32
      %add3A_28 = arith.constant 1 : i32
      %add3A_29 = arith.addi %add3A_27, %add3A_28 : i32
      %lt3A = arith.constant 400 : i32
      %lt3A_30 = arith.cmpi slt, %add3A_29, %lt3A : i32
      %convert_element_type3A = arith.extui %lt3A_30 : i1 to i32
      %cond3A = arith.constant 0 : i32
      %cond3A_31 = arith.cmpi ne, %convert_element_type3A, %cond3A : i32
      scf.if %cond3A_31 {
        %add3A_86 = arith.constant 1 : i32
        %add3A_87 = arith.addi %add3A_27, %add3A_86 : i32
        %dma_start3A_88 = arith.constant 0 : i32
        %dma_start3A_89 = tpu.memref_slice %arg5[%add3A_87, %dma_start3A_88] : memref<400x64xi32, #tpu.memory_space<vmem>> -> memref<1x64xi32, #tpu.memory_space<vmem>>
        %dma_start3A_90 = tpu.memref_squeeze %dma_start3A_89 : memref<1x64xi32, #tpu.memory_space<vmem>> -> memref<64xi32, #tpu.memory_space<vmem>>
        %dma_start3A_91 = arith.constant 0 : i32
        %dma_start3A_92 = arith.constant 0 : i32
        %dma_start3A_93 = tpu.memref_slice %arg3[%dma_start3A_91, %dma_start3A_92] : memref<100000x304xf32, #tpu.memory_space<hbm>> -> memref<100000x304xf32, #tpu.memory_space<hbm>>
        tpu.enqueue_indirect_dma source(%dma_start3A_93 : memref<100000x304xf32, #tpu.memory_space<hbm>>) target(%arg7 : memref<64x304xf32, #tpu.memory_space<vmem>>) offsets(%dma_start3A_90 : memref<64xi32, #tpu.memory_space<vmem>>) semaphore(%arg11 : memref<!tpu.dma_semaphore, #tpu.memory_space<semaphore_mem>>)
      } else {
      }
      %dma_wait3A_32 = arith.constant 0 : i32
      %dma_wait3A_33 = tpu.memref_slice %arg5[%add3A_27, %dma_wait3A_32] : memref<400x64xi32, #tpu.memory_space<vmem>> -> memref<1x64xi32, #tpu.memory_space<vmem>>
      %dma_wait3A_34 = tpu.memref_squeeze %dma_wait3A_33 : memref<1x64xi32, #tpu.memory_space<vmem>> -> memref<64xi32, #tpu.memory_space<vmem>>
      %dma_wait3A_35 = arith.constant 0 : i32
      %dma_wait3A_36 = arith.constant 0 : i32
      %dma_wait3A_37 = tpu.memref_slice %arg3[%dma_wait3A_35, %dma_wait3A_36] : memref<100000x304xf32, #tpu.memory_space<hbm>> -> memref<100000x304xf32, #tpu.memory_space<hbm>>
      tpu.wait_indirect_dma semaphore(%arg10 : memref<!tpu.dma_semaphore, #tpu.memory_space<semaphore_mem>>) src(%dma_wait3A_37 : memref<100000x304xf32, #tpu.memory_space<hbm>>) dst(%arg6 : memref<64x304xf32, #tpu.memory_space<vmem>>)
      %ge3A = arith.constant 2 : i32
      %ge3A_38 = arith.cmpi sge, %add3A_27, %ge3A : i32
      %convert_element_type3A_39 = arith.extui %ge3A_38 : i1 to i32
      %cond3A_40 = arith.constant 0 : i32
      %cond3A_41 = arith.cmpi ne, %convert_element_type3A_39, %cond3A_40 : i32
      scf.if %cond3A_41 {
        %dma_wait3A_86 = arith.constant 0 : i32
        %dma_wait3A_87 = tpu.memref_slice %arg4[%dma_wait3A_86] : memref<245760000xf32, #tpu.memory_space<hbm>> -> memref<19200xf32, #tpu.memory_space<hbm>>
        %dma_wait3A_88 = arith.constant 0 : i32
        %dma_wait3A_89 = tpu.memref_slice %arg4[%dma_wait3A_88] : memref<245760000xf32, #tpu.memory_space<hbm>> -> memref<19200xf32, #tpu.memory_space<hbm>>
        tpu.wait_dma2 semaphore(%arg12 : memref<!tpu.dma_semaphore, #tpu.memory_space<semaphore_mem>>) src(%arg8 : memref<19200xf32, #tpu.memory_space<vmem>>) dst(%dma_wait3A_89 : memref<19200xf32, #tpu.memory_space<hbm>>)
      } else {
      }
      %scan3A_42 = arith.constant 0 : i32
      %scan3A_43 = arith.constant 0 : i32
      %scan3A_44 = arith.constant 64 : i32
      %scan3A_45 = arith.addi %scan3A_43, %scan3A_44 : i32
      %scan3A_46 = arith.constant 8 : i32
      scf.for %scan3A_86 = %scan3A_43 to %scan3A_45 step %scan3A_46  : i32 {
        %mul3A_87 = arith.constant 300 : i32
        %mul3A_88 = arith.muli %scan3A_86, %mul3A_87 : i32
        %get3A = arith.index_cast %scan3A_86 : i32 to index
        %get3A_89 = arith.constant 0 : index
        %get3A_90 = tpu.vector_load %arg6[%get3A, %get3A_89] {strides = array<i32>} : memref<64x304xf32, #tpu.memory_space<vmem>>, vector<1x16xf32>,
        %get3A_91 = vector.shape_cast %get3A_90 : vector<1x16xf32> to vector<16xf32>
        %add3A_92 = arith.constant 0 : i32
        %add3A_93 = arith.addi %mul3A_88, %add3A_92 : i32
        %swap3A = arith.index_cast %add3A_93 : i32 to index
        %swap3A_94 = tpu.vector_load %arg8[%swap3A] {strides = array<i32>} : memref<19200xf32, #tpu.memory_space<vmem>>, vector<16xf32>,
        %swap3A_95 = vector.shape_cast %swap3A_94 : vector<16xf32> to vector<16xf32>
        %swap3A_96 = vector.shape_cast %get3A_91 : vector<16xf32> to vector<16xf32>
        tpu.vector_store %arg8[%swap3A], %swap3A_96 {strides = array<i32>} : memref<19200xf32, #tpu.memory_space<vmem>>, vector<16xf32>,
        %get3A_97 = arith.index_cast %scan3A_86 : i32 to index
        %get3A_98 = arith.constant 16 : index
        %get3A_99 = tpu.vector_load %arg6[%get3A_97, %get3A_98] {strides = array<i32>} : memref<64x304xf32, #tpu.memory_space<vmem>>, vector<1x16xf32>,
        %get3A_100 = vector.shape_cast %get3A_99 : vector<1x16xf32> to vector<16xf32>
        %add3A_101 = arith.constant 16 : i32
        %add3A_102 = arith.addi %mul3A_88, %add3A_101 : i32
        %swap3A_103 = arith.index_cast %add3A_102 : i32 to index
        %swap3A_104 = tpu.vector_load %arg8[%swap3A_103] {strides = array<i32>} : memref<19200xf32, #tpu.memory_space<vmem>>, vector<16xf32>,
        %swap3A_105 = vector.shape_cast %swap3A_104 : vector<16xf32> to vector<16xf32>
        %swap3A_106 = vector.shape_cast %get3A_100 : vector<16xf32> to vector<16xf32>
        tpu.vector_store %arg8[%swap3A_103], %swap3A_106 {strides = array<i32>} : memref<19200xf32, #tpu.memory_space<vmem>>, vector<16xf32>,
        %get3A_107 = arith.index_cast %scan3A_86 : i32 to index
        %get3A_108 = arith.constant 32 : index
        %get3A_109 = tpu.vector_load %arg6[%get3A_107, %get3A_108] {strides = array<i32>} : memref<64x304xf32, #tpu.memory_space<vmem>>, vector<1x16xf32>,
        %get3A_110 = vector.shape_cast %get3A_109 : vector<1x16xf32> to vector<16xf32>
        %add3A_111 = arith.constant 32 : i32
        %add3A_112 = arith.addi %mul3A_88, %add3A_111 : i32
        %swap3A_113 = arith.index_cast %add3A_112 : i32 to index
        %swap3A_114 = tpu.vector_load %arg8[%swap3A_113] {strides = array<i32>} : memref<19200xf32, #tpu.memory_space<vmem>>, vector<16xf32>,
        %swap3A_115 = vector.shape_cast %swap3A_114 : vector<16xf32> to vector<16xf32>
        %swap3A_116 = vector.shape_cast %get3A_110 : vector<16xf32> to vector<16xf32>
        tpu.vector_store %arg8[%swap3A_113], %swap3A_116 {strides = array<i32>} : memref<19200xf32, #tpu.memory_space<vmem>>, vector<16xf32>,
        %get3A_117 = arith.index_cast %scan3A_86 : i32 to index
        %get3A_118 = arith.constant 48 : index
        %get3A_119 = tpu.vector_load %arg6[%get3A_117, %get3A_118] {strides = array<i32>} : memref<64x304xf32, #tpu.memory_space<vmem>>, vector<1x16xf32>,
        %get3A_120 = vector.shape_cast %get3A_119 : vector<1x16xf32> to vector<16xf32>
        %add3A_121 = arith.constant 48 : i32
        %add3A_122 = arith.addi %mul3A_88, %add3A_121 : i32
        %swap3A_123 = arith.index_cast %add3A_122 : i32 to index
        %swap3A_124 = tpu.vector_load %arg8[%swap3A_123] {strides = array<i32>} : memref<19200xf32, #tpu.memory_space<vmem>>, vector<16xf32>,
        %swap3A_125 = vector.shape_cast %swap3A_124 : vector<16xf32> to vector<16xf32>
        %swap3A_126 = vector.shape_cast %get3A_120 : vector<16xf32> to vector<16xf32>
        tpu.vector_store %arg8[%swap3A_123], %swap3A_126 {strides = array<i32>} : memref<19200xf32, #tpu.memory_space<vmem>>, vector<16xf32>,
        %get3A_127 = arith.index_cast %scan3A_86 : i32 to index
        %get3A_128 = arith.constant 64 : index
        %get3A_129 = tpu.vector_load %arg6[%get3A_127, %get3A_128] {strides = array<i32>} : memref<64x304xf32, #tpu.memory_space<vmem>>, vector<1x16xf32>,
        %get3A_130 = vector.shape_cast %get3A_129 : vector<1x16xf32> to vector<16xf32>
        %add3A_131 = arith.constant 64 : i32
        %add3A_132 = arith.addi %mul3A_88, %add3A_131 : i32
        %swap3A_133 = arith.index_cast %add3A_132 : i32 to index
        %swap3A_134 = tpu.vector_load %arg8[%swap3A_133] {strides = array<i32>} : memref<19200xf32, #tpu.memory_space<vmem>>, vector<16xf32>,
        %swap3A_135 = vector.shape_cast %swap3A_134 : vector<16xf32> to vector<16xf32>
        %swap3A_136 = vector.shape_cast %get3A_130 : vector<16xf32> to vector<16xf32>
        tpu.vector_store %arg8[%swap3A_133], %swap3A_136 {strides = array<i32>} : memref<19200xf32, #tpu.memory_space<vmem>>, vector<16xf32>,
        %get3A_137 = arith.index_cast %scan3A_86 : i32 to index
        %get3A_138 = arith.constant 80 : index
        %get3A_139 = tpu.vector_load %arg6[%get3A_137, %get3A_138] {strides = array<i32>} : memref<64x304xf32, #tpu.memory_space<vmem>>, vector<1x16xf32>,
        %get3A_140 = vector.shape_cast %get3A_139 : vector<1x16xf32> to vector<16xf32>
        %add3A_141 = arith.constant 80 : i32
        %add3A_142 = arith.addi %mul3A_88, %add3A_141 : i32
        %swap3A_143 = arith.index_cast %add3A_142 : i32 to index
        %swap3A_144 = tpu.vector_load %arg8[%swap3A_143] {strides = array<i32>} : memref<19200xf32, #tpu.memory_space<vmem>>, vector<16xf32>,
        %swap3A_145 = vector.shape_cast %swap3A_144 : vector<16xf32> to vector<16xf32>
        %swap3A_146 = vector.shape_cast %get3A_140 : vector<16xf32> to vector<16xf32>
        tpu.vector_store %arg8[%swap3A_143], %swap3A_146 {strides = array<i32>} : memref<19200xf32, #tpu.memory_space<vmem>>, vector<16xf32>,
        %get3A_147 = arith.index_cast %scan3A_86 : i32 to index
        %get3A_148 = arith.constant 96 : index
        %get3A_149 = tpu.vector_load %arg6[%get3A_147, %get3A_148] {strides = array<i32>} : memref<64x304xf32, #tpu.memory_space<vmem>>, vector<1x16xf32>,
        %get3A_150 = vector.shape_cast %get3A_149 : vector<1x16xf32> to vector<16xf32>
        %add3A_151 = arith.constant 96 : i32
        %add3A_152 = arith.addi %mul3A_88, %add3A_151 : i32
        %swap3A_153 = arith.index_cast %add3A_152 : i32 to index
        %swap3A_154 = tpu.vector_load %arg8[%swap3A_153] {strides = array<i32>} : memref<19200xf32, #tpu.memory_space<vmem>>, vector<16xf32>,
        %swap3A_155 = vector.shape_cast %swap3A_154 : vector<16xf32> to vector<16xf32>
        %swap3A_156 = vector.shape_cast %get3A_150 : vector<16xf32> to vector<16xf32>
        tpu.vector_store %arg8[%swap3A_153], %swap3A_156 {strides = array<i32>} : memref<19200xf32, #tpu.memory_space<vmem>>, vector<16xf32>,
        %get3A_157 = arith.index_cast %scan3A_86 : i32 to index
        %get3A_158 = arith.constant 112 : index
        %get3A_159 = tpu.vector_load %arg6[%get3A_157, %get3A_158] {strides = array<i32>} : memref<64x304xf32, #tpu.memory_space<vmem>>, vector<1x16xf32>,
        %get3A_160 = vector.shape_cast %get3A_159 : vector<1x16xf32> to vector<16xf32>
        %add3A_161 = arith.constant 112 : i32
        %add3A_162 = arith.addi %mul3A_88, %add3A_161 : i32
        %swap3A_163 = arith.index_cast %add3A_162 : i32 to index
        %swap3A_164 = tpu.vector_load %arg8[%swap3A_163] {strides = array<i32>} : memref<19200xf32, #tpu.memory_space<vmem>>, vector<16xf32>,
        %swap3A_165 = vector.shape_cast %swap3A_164 : vector<16xf32> to vector<16xf32>
        %swap3A_166 = vector.shape_cast %get3A_160 : vector<16xf32> to vector<16xf32>
        tpu.vector_store %arg8[%swap3A_163], %swap3A_166 {strides = array<i32>} : memref<19200xf32, #tpu.memory_space<vmem>>, vector<16xf32>,
        %get3A_167 = arith.index_cast %scan3A_86 : i32 to index
        %get3A_168 = arith.constant 128 : index
        %get3A_169 = tpu.vector_load %arg6[%get3A_167, %get3A_168] {strides = array<i32>} : memref<64x304xf32, #tpu.memory_space<vmem>>, vector<1x16xf32>,
        %get3A_170 = vector.shape_cast %get3A_169 : vector<1x16xf32> to vector<16xf32>
        %add3A_171 = arith.constant 128 : i32
        %add3A_172 = arith.addi %mul3A_88, %add3A_171 : i32
        %swap3A_173 = arith.index_cast %add3A_172 : i32 to index
        %swap3A_174 = tpu.vector_load %arg8[%swap3A_173] {strides = array<i32>} : memref<19200xf32, #tpu.memory_space<vmem>>, vector<16xf32>,
        %swap3A_175 = vector.shape_cast %swap3A_174 : vector<16xf32> to vector<16xf32>
        %swap3A_176 = vector.shape_cast %get3A_170 : vector<16xf32> to vector<16xf32>
        tpu.vector_store %arg8[%swap3A_173], %swap3A_176 {strides = array<i32>} : memref<19200xf32, #tpu.memory_space<vmem>>, vector<16xf32>,
        %get3A_177 = arith.index_cast %scan3A_86 : i32 to index
        %get3A_178 = arith.constant 144 : index
        %get3A_179 = tpu.vector_load %arg6[%get3A_177, %get3A_178] {strides = array<i32>} : memref<64x304xf32, #tpu.memory_space<vmem>>, vector<1x16xf32>,
        %get3A_180 = vector.shape_cast %get3A_179 : vector<1x16xf32> to vector<16xf32>
        %add3A_181 = arith.constant 144 : i32
        %add3A_182 = arith.addi %mul3A_88, %add3A_181 : i32
        %swap3A_183 = arith.index_cast %add3A_182 : i32 to index
        %swap3A_184 = tpu.vector_load %arg8[%swap3A_183] {strides = array<i32>} : memref<19200xf32, #tpu.memory_space<vmem>>, vector<16xf32>,
        %swap3A_185 = vector.shape_cast %swap3A_184 : vector<16xf32> to vector<16xf32>
        %swap3A_186 = vector.shape_cast %get3A_180 : vector<16xf32> to vector<16xf32>
        tpu.vector_store %arg8[%swap3A_183], %swap3A_186 {strides = array<i32>} : memref<19200xf32, #tpu.memory_space<vmem>>, vector<16xf32>,
        %get3A_187 = arith.index_cast %scan3A_86 : i32 to index
        %get3A_188 = arith.constant 160 : index
        %get3A_189 = tpu.vector_load %arg6[%get3A_187, %get3A_188] {strides = array<i32>} : memref<64x304xf32, #tpu.memory_space<vmem>>, vector<1x16xf32>,
        %get3A_190 = vector.shape_cast %get3A_189 : vector<1x16xf32> to vector<16xf32>
        %add3A_191 = arith.constant 160 : i32
        %add3A_192 = arith.addi %mul3A_88, %add3A_191 : i32
        %swap3A_193 = arith.index_cast %add3A_192 : i32 to index
        %swap3A_194 = tpu.vector_load %arg8[%swap3A_193] {strides = array<i32>} : memref<19200xf32, #tpu.memory_space<vmem>>, vector<16xf32>,
        %swap3A_195 = vector.shape_cast %swap3A_194 : vector<16xf32> to vector<16xf32>
        %swap3A_196 = vector.shape_cast %get3A_190 : vector<16xf32> to vector<16xf32>
        tpu.vector_store %arg8[%swap3A_193], %swap3A_196 {strides = array<i32>} : memref<19200xf32, #tpu.memory_space<vmem>>, vector<16xf32>,
        %get3A_197 = arith.index_cast %scan3A_86 : i32 to index
        %get3A_198 = arith.constant 176 : index
        %get3A_199 = tpu.vector_load %arg6[%get3A_197, %get3A_198] {strides = array<i32>} : memref<64x304xf32, #tpu.memory_space<vmem>>, vector<1x16xf32>,
        %get3A_200 = vector.shape_cast %get3A_199 : vector<1x16xf32> to vector<16xf32>
        %add3A_201 = arith.constant 176 : i32
        %add3A_202 = arith.addi %mul3A_88, %add3A_201 : i32
        %swap3A_203 = arith.index_cast %add3A_202 : i32 to index
        %swap3A_204 = tpu.vector_load %arg8[%swap3A_203] {strides = array<i32>} : memref<19200xf32, #tpu.memory_space<vmem>>, vector<16xf32>,
        %swap3A_205 = vector.shape_cast %swap3A_204 : vector<16xf32> to vector<16xf32>
        %swap3A_206 = vector.shape_cast %get3A_200 : vector<16xf32> to vector<16xf32>
        tpu.vector_store %arg8[%swap3A_203], %swap3A_206 {strides = array<i32>} : memref<19200xf32, #tpu.memory_space<vmem>>, vector<16xf32>,
        %get3A_207 = arith.index_cast %scan3A_86 : i32 to index
        %get3A_208 = arith.constant 192 : index
        %get3A_209 = tpu.vector_load %arg6[%get3A_207, %get3A_208] {strides = array<i32>} : memref<64x304xf32, #tpu.memory_space<vmem>>, vector<1x16xf32>,
        %get3A_210 = vector.shape_cast %get3A_209 : vector<1x16xf32> to vector<16xf32>
        %add3A_211 = arith.constant 192 : i32
        %add3A_212 = arith.addi %mul3A_88, %add3A_211 : i32
        %swap3A_213 = arith.index_cast %add3A_212 : i32 to index
        %swap3A_214 = tpu.vector_load %arg8[%swap3A_213] {strides = array<i32>} : memref<19200xf32, #tpu.memory_space<vmem>>, vector<16xf32>,
        %swap3A_215 = vector.shape_cast %swap3A_214 : vector<16xf32> to vector<16xf32>
        %swap3A_216 = vector.shape_cast %get3A_210 : vector<16xf32> to vector<16xf32>
        tpu.vector_store %arg8[%swap3A_213], %swap3A_216 {strides = array<i32>} : memref<19200xf32, #tpu.memory_space<vmem>>, vector<16xf32>,
        %get3A_217 = arith.index_cast %scan3A_86 : i32 to index
        %get3A_218 = arith.constant 208 : index
        %get3A_219 = tpu.vector_load %arg6[%get3A_217, %get3A_218] {strides = array<i32>} : memref<64x304xf32, #tpu.memory_space<vmem>>, vector<1x16xf32>,
        %get3A_220 = vector.shape_cast %get3A_219 : vector<1x16xf32> to vector<16xf32>
        %add3A_221 = arith.constant 208 : i32
        %add3A_222 = arith.addi %mul3A_88, %add3A_221 : i32
        %swap3A_223 = arith.index_cast %add3A_222 : i32 to index
        %swap3A_224 = tpu.vector_load %arg8[%swap3A_223] {strides = array<i32>} : memref<19200xf32, #tpu.memory_space<vmem>>, vector<16xf32>,
        %swap3A_225 = vector.shape_cast %swap3A_224 : vector<16xf32> to vector<16xf32>
        %swap3A_226 = vector.shape_cast %get3A_220 : vector<16xf32> to vector<16xf32>
        tpu.vector_store %arg8[%swap3A_223], %swap3A_226 {strides = array<i32>} : memref<19200xf32, #tpu.memory_space<vmem>>, vector<16xf32>,
        %get3A_227 = arith.index_cast %scan3A_86 : i32 to index
        %get3A_228 = arith.constant 224 : index
        %get3A_229 = tpu.vector_load %arg6[%get3A_227, %get3A_228] {strides = array<i32>} : memref<64x304xf32, #tpu.memory_space<vmem>>, vector<1x16xf32>,
        %get3A_230 = vector.shape_cast %get3A_229 : vector<1x16xf32> to vector<16xf32>
        %add3A_231 = arith.constant 224 : i32
        %add3A_232 = arith.addi %mul3A_88, %add3A_231 : i32
        %swap3A_233 = arith.index_cast %add3A_232 : i32 to index
        %swap3A_234 = tpu.vector_load %arg8[%swap3A_233] {strides = array<i32>} : memref<19200xf32, #tpu.memory_space<vmem>>, vector<16xf32>,
        %swap3A_235 = vector.shape_cast %swap3A_234 : vector<16xf32> to vector<16xf32>
        %swap3A_236 = vector.shape_cast %get3A_230 : vector<16xf32> to vector<16xf32>
        tpu.vector_store %arg8[%swap3A_233], %swap3A_236 {strides = array<i32>} : memref<19200xf32, #tpu.memory_space<vmem>>, vector<16xf32>,
        %get3A_237 = arith.index_cast %scan3A_86 : i32 to index
        %get3A_238 = arith.constant 240 : index
        %get3A_239 = tpu.vector_load %arg6[%get3A_237, %get3A_238] {strides = array<i32>} : memref<64x304xf32, #tpu.memory_space<vmem>>, vector<1x16xf32>,
        %get3A_240 = vector.shape_cast %get3A_239 : vector<1x16xf32> to vector<16xf32>
        %add3A_241 = arith.constant 240 : i32
        %add3A_242 = arith.addi %mul3A_88, %add3A_241 : i32
        %swap3A_243 = arith.index_cast %add3A_242 : i32 to index
        %swap3A_244 = tpu.vector_load %arg8[%swap3A_243] {strides = array<i32>} : memref<19200xf32, #tpu.memory_space<vmem>>, vector<16xf32>,
        %swap3A_245 = vector.shape_cast %swap3A_244 : vector<16xf32> to vector<16xf32>
        %swap3A_246 = vector.shape_cast %get3A_240 : vector<16xf32> to vector<16xf32>
        tpu.vector_store %arg8[%swap3A_243], %swap3A_246 {strides = array<i32>} : memref<19200xf32, #tpu.memory_space<vmem>>, vector<16xf32>,
        %get3A_247 = arith.index_cast %scan3A_86 : i32 to index
        %get3A_248 = arith.constant 256 : index
        %get3A_249 = tpu.vector_load %arg6[%get3A_247, %get3A_248] {strides = array<i32>} : memref<64x304xf32, #tpu.memory_space<vmem>>, vector<1x16xf32>,
        %get3A_250 = vector.shape_cast %get3A_249 : vector<1x16xf32> to vector<16xf32>
        %add3A_251 = arith.constant 256 : i32
        %add3A_252 = arith.addi %mul3A_88, %add3A_251 : i32
        %swap3A_253 = arith.index_cast %add3A_252 : i32 to index
        %swap3A_254 = tpu.vector_load %arg8[%swap3A_253] {strides = array<i32>} : memref<19200xf32, #tpu.memory_space<vmem>>, vector<16xf32>,
        %swap3A_255 = vector.shape_cast %swap3A_254 : vector<16xf32> to vector<16xf32>
        %swap3A_256 = vector.shape_cast %get3A_250 : vector<16xf32> to vector<16xf32>
        tpu.vector_store %arg8[%swap3A_253], %swap3A_256 {strides = array<i32>} : memref<19200xf32, #tpu.memory_space<vmem>>, vector<16xf32>,
        %get3A_257 = arith.index_cast %scan3A_86 : i32 to index
        %get3A_258 = arith.constant 272 : index
        %get3A_259 = tpu.vector_load %arg6[%get3A_257, %get3A_258] {strides = array<i32>} : memref<64x304xf32, #tpu.memory_space<vmem>>, vector<1x16xf32>,
        %get3A_260 = vector.shape_cast %get3A_259 : vector<1x16xf32> to vector<16xf32>
        %add3A_261 = arith.constant 272 : i32
        %add3A_262 = arith.addi %mul3A_88, %add3A_261 : i32
        %swap3A_263 = arith.index_cast %add3A_262 : i32 to index
        %swap3A_264 = tpu.vector_load %arg8[%swap3A_263] {strides = array<i32>} : memref<19200xf32, #tpu.memory_space<vmem>>, vector<16xf32>,
        %swap3A_265 = vector.shape_cast %swap3A_264 : vector<16xf32> to vector<16xf32>
        %swap3A_266 = vector.shape_cast %get3A_260 : vector<16xf32> to vector<16xf32>
        tpu.vector_store %arg8[%swap3A_263], %swap3A_266 {strides = array<i32>} : memref<19200xf32, #tpu.memory_space<vmem>>, vector<16xf32>,
        %get3A_267 = arith.index_cast %scan3A_86 : i32 to index
        %get3A_268 = arith.constant 284 : index
        %get3A_269 = tpu.vector_load %arg6[%get3A_267, %get3A_268] {strides = array<i32>} : memref<64x304xf32, #tpu.memory_space<vmem>>, vector<1x16xf32>,
        %get3A_270 = vector.shape_cast %get3A_269 : vector<1x16xf32> to vector<16xf32>
        %add3A_271 = arith.constant 300 : i32
        %add3A_272 = arith.addi %mul3A_88, %add3A_271 : i32
        %sub3A = arith.constant 16 : i32
        %sub3A_273 = arith.subi %add3A_272, %sub3A : i32
        %swap3A_274 = arith.index_cast %sub3A_273 : i32 to index
        %swap3A_275 = tpu.vector_load %arg8[%swap3A_274] {strides = array<i32>} : memref<19200xf32, #tpu.memory_space<vmem>>, vector<16xf32>,
        %swap3A_276 = vector.shape_cast %swap3A_275 : vector<16xf32> to vector<16xf32>
        %swap3A_277 = vector.shape_cast %get3A_270 : vector<16xf32> to vector<16xf32>
        tpu.vector_store %arg8[%swap3A_274], %swap3A_277 {strides = array<i32>} : memref<19200xf32, #tpu.memory_space<vmem>>, vector<16xf32>,
        %scan3A_278 = arith.constant 1 : i32
        %scan3A_279 = arith.addi %scan3A_86, %scan3A_278 : i32
        %mul3A_280 = arith.constant 300 : i32
        %mul3A_281 = arith.muli %scan3A_279, %mul3A_280 : i32
        %get3A_282 = arith.index_cast %scan3A_279 : i32 to index
        %get3A_283 = arith.constant 0 : index
        %get3A_284 = tpu.vector_load %arg6[%get3A_282, %get3A_283] {strides = array<i32>} : memref<64x304xf32, #tpu.memory_space<vmem>>, vector<1x16xf32>,
        %get3A_285 = vector.shape_cast %get3A_284 : vector<1x16xf32> to vector<16xf32>
        %add3A_286 = arith.constant 0 : i32
        %add3A_287 = arith.addi %mul3A_281, %add3A_286 : i32
        %swap3A_288 = arith.index_cast %add3A_287 : i32 to index
        %swap3A_289 = tpu.vector_load %arg8[%swap3A_288] {strides = array<i32>} : memref<19200xf32, #tpu.memory_space<vmem>>, vector<16xf32>,
        %swap3A_290 = vector.shape_cast %swap3A_289 : vector<16xf32> to vector<16xf32>
        %swap3A_291 = vector.shape_cast %get3A_285 : vector<16xf32> to vector<16xf32>
        tpu.vector_store %arg8[%swap3A_288], %swap3A_291 {strides = array<i32>} : memref<19200xf32, #tpu.memory_space<vmem>>, vector<16xf32>,
        %get3A_292 = arith.index_cast %scan3A_279 : i32 to index
        %get3A_293 = arith.constant 16 : index
        %get3A_294 = tpu.vector_load %arg6[%get3A_292, %get3A_293] {strides = array<i32>} : memref<64x304xf32, #tpu.memory_space<vmem>>, vector<1x16xf32>,
        %get3A_295 = vector.shape_cast %get3A_294 : vector<1x16xf32> to vector<16xf32>
        %add3A_296 = arith.constant 16 : i32
        %add3A_297 = arith.addi %mul3A_281, %add3A_296 : i32
        %swap3A_298 = arith.index_cast %add3A_297 : i32 to index
        %swap3A_299 = tpu.vector_load %arg8[%swap3A_298] {strides = array<i32>} : memref<19200xf32, #tpu.memory_space<vmem>>, vector<16xf32>,
        %swap3A_300 = vector.shape_cast %swap3A_299 : vector<16xf32> to vector<16xf32>
        %swap3A_301 = vector.shape_cast %get3A_295 : vector<16xf32> to vector<16xf32>
        tpu.vector_store %arg8[%swap3A_298], %swap3A_301 {strides = array<i32>} : memref<19200xf32, #tpu.memory_space<vmem>>, vector<16xf32>,
        %get3A_302 = arith.index_cast %scan3A_279 : i32 to index
        %get3A_303 = arith.constant 32 : index
        %get3A_304 = tpu.vector_load %arg6[%get3A_302, %get3A_303] {strides = array<i32>} : memref<64x304xf32, #tpu.memory_space<vmem>>, vector<1x16xf32>,
        %get3A_305 = vector.shape_cast %get3A_304 : vector<1x16xf32> to vector<16xf32>
        %add3A_306 = arith.constant 32 : i32
        %add3A_307 = arith.addi %mul3A_281, %add3A_306 : i32
        %swap3A_308 = arith.index_cast %add3A_307 : i32 to index
        %swap3A_309 = tpu.vector_load %arg8[%swap3A_308] {strides = array<i32>} : memref<19200xf32, #tpu.memory_space<vmem>>, vector<16xf32>,
        %swap3A_310 = vector.shape_cast %swap3A_309 : vector<16xf32> to vector<16xf32>
        %swap3A_311 = vector.shape_cast %get3A_305 : vector<16xf32> to vector<16xf32>
        tpu.vector_store %arg8[%swap3A_308], %swap3A_311 {strides = array<i32>} : memref<19200xf32, #tpu.memory_space<vmem>>, vector<16xf32>,
        %get3A_312 = arith.index_cast %scan3A_279 : i32 to index
        %get3A_313 = arith.constant 48 : index
        %get3A_314 = tpu.vector_load %arg6[%get3A_312, %get3A_313] {strides = array<i32>} : memref<64x304xf32, #tpu.memory_space<vmem>>, vector<1x16xf32>,
        %get3A_315 = vector.shape_cast %get3A_314 : vector<1x16xf32> to vector<16xf32>
        %add3A_316 = arith.constant 48 : i32
        %add3A_317 = arith.addi %mul3A_281, %add3A_316 : i32
        %swap3A_318 = arith.index_cast %add3A_317 : i32 to index
        %swap3A_319 = tpu.vector_load %arg8[%swap3A_318] {strides = array<i32>} : memref<19200xf32, #tpu.memory_space<vmem>>, vector<16xf32>,
        %swap3A_320 = vector.shape_cast %swap3A_319 : vector<16xf32> to vector<16xf32>
        %swap3A_321 = vector.shape_cast %get3A_315 : vector<16xf32> to vector<16xf32>
        tpu.vector_store %arg8[%swap3A_318], %swap3A_321 {strides = array<i32>} : memref<19200xf32, #tpu.memory_space<vmem>>, vector<16xf32>,
        %get3A_322 = arith.index_cast %scan3A_279 : i32 to index
        %get3A_323 = arith.constant 64 : index
        %get3A_324 = tpu.vector_load %arg6[%get3A_322, %get3A_323] {strides = array<i32>} : memref<64x304xf32, #tpu.memory_space<vmem>>, vector<1x16xf32>,
        %get3A_325 = vector.shape_cast %get3A_324 : vector<1x16xf32> to vector<16xf32>
        %add3A_326 = arith.constant 64 : i32
        %add3A_327 = arith.addi %mul3A_281, %add3A_326 : i32
        %swap3A_328 = arith.index_cast %add3A_327 : i32 to index
        %swap3A_329 = tpu.vector_load %arg8[%swap3A_328] {strides = array<i32>} : memref<19200xf32, #tpu.memory_space<vmem>>, vector<16xf32>,
        %swap3A_330 = vector.shape_cast %swap3A_329 : vector<16xf32> to vector<16xf32>
        %swap3A_331 = vector.shape_cast %get3A_325 : vector<16xf32> to vector<16xf32>
        tpu.vector_store %arg8[%swap3A_328], %swap3A_331 {strides = array<i32>} : memref<19200xf32, #tpu.memory_space<vmem>>, vector<16xf32>,
        %get3A_332 = arith.index_cast %scan3A_279 : i32 to index
        %get3A_333 = arith.constant 80 : index
        %get3A_334 = tpu.vector_load %arg6[%get3A_332, %get3A_333] {strides = array<i32>} : memref<64x304xf32, #tpu.memory_space<vmem>>, vector<1x16xf32>,
        %get3A_335 = vector.shape_cast %get3A_334 : vector<1x16xf32> to vector<16xf32>
        %add3A_336 = arith.constant 80 : i32
        %add3A_337 = arith.addi %mul3A_281, %add3A_336 : i32
        %swap3A_338 = arith.index_cast %add3A_337 : i32 to index
        %swap3A_339 = tpu.vector_load %arg8[%swap3A_338] {strides = array<i32>} : memref<19200xf32, #tpu.memory_space<vmem>>, vector<16xf32>,
        %swap3A_340 = vector.shape_cast %swap3A_339 : vector<16xf32> to vector<16xf32>
        %swap3A_341 = vector.shape_cast %get3A_335 : vector<16xf32> to vector<16xf32>
        tpu.vector_store %arg8[%swap3A_338], %swap3A_341 {strides = array<i32>} : memref<19200xf32, #tpu.memory_space<vmem>>, vector<16xf32>,
        %get3A_342 = arith.index_cast %scan3A_279 : i32 to index
        %get3A_343 = arith.constant 96 : index
        %get3A_344 = tpu.vector_load %arg6[%get3A_342, %get3A_343] {strides = array<i32>} : memref<64x304xf32, #tpu.memory_space<vmem>>, vector<1x16xf32>,
        %get3A_345 = vector.shape_cast %get3A_344 : vector<1x16xf32> to vector<16xf32>
        %add3A_346 = arith.constant 96 : i32
        %add3A_347 = arith.addi %mul3A_281, %add3A_346 : i32
        %swap3A_348 = arith.index_cast %add3A_347 : i32 to index
        %swap3A_349 = tpu.vector_load %arg8[%swap3A_348] {strides = array<i32>} : memref<19200xf32, #tpu.memory_space<vmem>>, vector<16xf32>,
        %swap3A_350 = vector.shape_cast %swap3A_349 : vector<16xf32> to vector<16xf32>
        %swap3A_351 = vector.shape_cast %get3A_345 : vector<16xf32> to vector<16xf32>
        tpu.vector_store %arg8[%swap3A_348], %swap3A_351 {strides = array<i32>} : memref<19200xf32, #tpu.memory_space<vmem>>, vector<16xf32>,
        %get3A_352 = arith.index_cast %scan3A_279 : i32 to index
        %get3A_353 = arith.constant 112 : index
        %get3A_354 = tpu.vector_load %arg6[%get3A_352, %get3A_353] {strides = array<i32>} : memref<64x304xf32, #tpu.memory_space<vmem>>, vector<1x16xf32>,
        %get3A_355 = vector.shape_cast %get3A_354 : vector<1x16xf32> to vector<16xf32>
        %add3A_356 = arith.constant 112 : i32
        %add3A_357 = arith.addi %mul3A_281, %add3A_356 : i32
        %swap3A_358 = arith.index_cast %add3A_357 : i32 to index
        %swap3A_359 = tpu.vector_load %arg8[%swap3A_358] {strides = array<i32>} : memref<19200xf32, #tpu.memory_space<vmem>>, vector<16xf32>,
        %swap3A_360 = vector.shape_cast %swap3A_359 : vector<16xf32> to vector<16xf32>
        %swap3A_361 = vector.shape_cast %get3A_355 : vector<16xf32> to vector<16xf32>
        tpu.vector_store %arg8[%swap3A_358], %swap3A_361 {strides = array<i32>} : memref<19200xf32, #tpu.memory_space<vmem>>, vector<16xf32>,
        %get3A_362 = arith.index_cast %scan3A_279 : i32 to index
        %get3A_363 = arith.constant 128 : index
        %get3A_364 = tpu.vector_load %arg6[%get3A_362, %get3A_363] {strides = array<i32>} : memref<64x304xf32, #tpu.memory_space<vmem>>, vector<1x16xf32>,
        %get3A_365 = vector.shape_cast %get3A_364 : vector<1x16xf32> to vector<16xf32>
        %add3A_366 = arith.constant 128 : i32
        %add3A_367 = arith.addi %mul3A_281, %add3A_366 : i32
        %swap3A_368 = arith.index_cast %add3A_367 : i32 to index
        %swap3A_369 = tpu.vector_load %arg8[%swap3A_368] {strides = array<i32>} : memref<19200xf32, #tpu.memory_space<vmem>>, vector<16xf32>,
        %swap3A_370 = vector.shape_cast %swap3A_369 : vector<16xf32> to vector<16xf32>
        %swap3A_371 = vector.shape_cast %get3A_365 : vector<16xf32> to vector<16xf32>
        tpu.vector_store %arg8[%swap3A_368], %swap3A_371 {strides = array<i32>} : memref<19200xf32, #tpu.memory_space<vmem>>, vector<16xf32>,
        %get3A_372 = arith.index_cast %scan3A_279 : i32 to index
        %get3A_373 = arith.constant 144 : index
        %get3A_374 = tpu.vector_load %arg6[%get3A_372, %get3A_373] {strides = array<i32>} : memref<64x304xf32, #tpu.memory_space<vmem>>, vector<1x16xf32>,
        %get3A_375 = vector.shape_cast %get3A_374 : vector<1x16xf32> to vector<16xf32>
        %add3A_376 = arith.constant 144 : i32
        %add3A_377 = arith.addi %mul3A_281, %add3A_376 : i32
        %swap3A_378 = arith.index_cast %add3A_377 : i32 to index
        %swap3A_379 = tpu.vector_load %arg8[%swap3A_378] {strides = array<i32>} : memref<19200xf32, #tpu.memory_space<vmem>>, vector<16xf32>,
        %swap3A_380 = vector.shape_cast %swap3A_379 : vector<16xf32> to vector<16xf32>
        %swap3A_381 = vector.shape_cast %get3A_375 : vector<16xf32> to vector<16xf32>
        tpu.vector_store %arg8[%swap3A_378], %swap3A_381 {strides = array<i32>} : memref<19200xf32, #tpu.memory_space<vmem>>, vector<16xf32>,
        %get3A_382 = arith.index_cast %scan3A_279 : i32 to index
        %get3A_383 = arith.constant 160 : index
        %get3A_384 = tpu.vector_load %arg6[%get3A_382, %get3A_383] {strides = array<i32>} : memref<64x304xf32, #tpu.memory_space<vmem>>, vector<1x16xf32>,
        %get3A_385 = vector.shape_cast %get3A_384 : vector<1x16xf32> to vector<16xf32>
        %add3A_386 = arith.constant 160 : i32
        %add3A_387 = arith.addi %mul3A_281, %add3A_386 : i32
        %swap3A_388 = arith.index_cast %add3A_387 : i32 to index
        %swap3A_389 = tpu.vector_load %arg8[%swap3A_388] {strides = array<i32>} : memref<19200xf32, #tpu.memory_space<vmem>>, vector<16xf32>,
        %swap3A_390 = vector.shape_cast %swap3A_389 : vector<16xf32> to vector<16xf32>
        %swap3A_391 = vector.shape_cast %get3A_385 : vector<16xf32> to vector<16xf32>
        tpu.vector_store %arg8[%swap3A_388], %swap3A_391 {strides = array<i32>} : memref<19200xf32, #tpu.memory_space<vmem>>, vector<16xf32>,
        %get3A_392 = arith.index_cast %scan3A_279 : i32 to index
        %get3A_393 = arith.constant 176 : index
        %get3A_394 = tpu.vector_load %arg6[%get3A_392, %get3A_393] {strides = array<i32>} : memref<64x304xf32, #tpu.memory_space<vmem>>, vector<1x16xf32>,
        %get3A_395 = vector.shape_cast %get3A_394 : vector<1x16xf32> to vector<16xf32>
        %add3A_396 = arith.constant 176 : i32
        %add3A_397 = arith.addi %mul3A_281, %add3A_396 : i32
        %swap3A_398 = arith.index_cast %add3A_397 : i32 to index
        %swap3A_399 = tpu.vector_load %arg8[%swap3A_398] {strides = array<i32>} : memref<19200xf32, #tpu.memory_space<vmem>>, vector<16xf32>,
        %swap3A_400 = vector.shape_cast %swap3A_399 : vector<16xf32> to vector<16xf32>
        %swap3A_401 = vector.shape_cast %get3A_395 : vector<16xf32> to vector<16xf32>
        tpu.vector_store %arg8[%swap3A_398], %swap3A_401 {strides = array<i32>} : memref<19200xf32, #tpu.memory_space<vmem>>, vector<16xf32>,
        %get3A_402 = arith.index_cast %scan3A_279 : i32 to index
        %get3A_403 = arith.constant 192 : index
        %get3A_404 = tpu.vector_load %arg6[%get3A_402, %get3A_403] {strides = array<i32>} : memref<64x304xf32, #tpu.memory_space<vmem>>, vector<1x16xf32>,
        %get3A_405 = vector.shape_cast %get3A_404 : vector<1x16xf32> to vector<16xf32>
        %add3A_406 = arith.constant 192 : i32
        %add3A_407 = arith.addi %mul3A_281, %add3A_406 : i32
        %swap3A_408 = arith.index_cast %add3A_407 : i32 to index
        %swap3A_409 = tpu.vector_load %arg8[%swap3A_408] {strides = array<i32>} : memref<19200xf32, #tpu.memory_space<vmem>>, vector<16xf32>,
        %swap3A_410 = vector.shape_cast %swap3A_409 : vector<16xf32> to vector<16xf32>
        %swap3A_411 = vector.shape_cast %get3A_405 : vector<16xf32> to vector<16xf32>
        tpu.vector_store %arg8[%swap3A_408], %swap3A_411 {strides = array<i32>} : memref<19200xf32, #tpu.memory_space<vmem>>, vector<16xf32>,
        %get3A_412 = arith.index_cast %scan3A_279 : i32 to index
        %get3A_413 = arith.constant 208 : index
        %get3A_414 = tpu.vector_load %arg6[%get3A_412, %get3A_413] {strides = array<i32>} : memref<64x304xf32, #tpu.memory_space<vmem>>, vector<1x16xf32>,
        %get3A_415 = vector.shape_cast %get3A_414 : vector<1x16xf32> to vector<16xf32>
        %add3A_416 = arith.constant 208 : i32
        %add3A_417 = arith.addi %mul3A_281, %add3A_416 : i32
        %swap3A_418 = arith.index_cast %add3A_417 : i32 to index
        %swap3A_419 = tpu.vector_load %arg8[%swap3A_418] {strides = array<i32>} : memref<19200xf32, #tpu.memory_space<vmem>>, vector<16xf32>,
        %swap3A_420 = vector.shape_cast %swap3A_419 : vector<16xf32> to vector<16xf32>
        %swap3A_421 = vector.shape_cast %get3A_415 : vector<16xf32> to vector<16xf32>
        tpu.vector_store %arg8[%swap3A_418], %swap3A_421 {strides = array<i32>} : memref<19200xf32, #tpu.memory_space<vmem>>, vector<16xf32>,
        %get3A_422 = arith.index_cast %scan3A_279 : i32 to index
        %get3A_423 = arith.constant 224 : index
        %get3A_424 = tpu.vector_load %arg6[%get3A_422, %get3A_423] {strides = array<i32>} : memref<64x304xf32, #tpu.memory_space<vmem>>, vector<1x16xf32>,
        %get3A_425 = vector.shape_cast %get3A_424 : vector<1x16xf32> to vector<16xf32>
        %add3A_426 = arith.constant 224 : i32
        %add3A_427 = arith.addi %mul3A_281, %add3A_426 : i32
        %swap3A_428 = arith.index_cast %add3A_427 : i32 to index
        %swap3A_429 = tpu.vector_load %arg8[%swap3A_428] {strides = array<i32>} : memref<19200xf32, #tpu.memory_space<vmem>>, vector<16xf32>,
        %swap3A_430 = vector.shape_cast %swap3A_429 : vector<16xf32> to vector<16xf32>
        %swap3A_431 = vector.shape_cast %get3A_425 : vector<16xf32> to vector<16xf32>
        tpu.vector_store %arg8[%swap3A_428], %swap3A_431 {strides = array<i32>} : memref<19200xf32, #tpu.memory_space<vmem>>, vector<16xf32>,
        %get3A_432 = arith.index_cast %scan3A_279 : i32 to index
        %get3A_433 = arith.constant 240 : index
        %get3A_434 = tpu.vector_load %arg6[%get3A_432, %get3A_433] {strides = array<i32>} : memref<64x304xf32, #tpu.memory_space<vmem>>, vector<1x16xf32>,
        %get3A_435 = vector.shape_cast %get3A_434 : vector<1x16xf32> to vector<16xf32>
        %add3A_436 = arith.constant 240 : i32
        %add3A_437 = arith.addi %mul3A_281, %add3A_436 : i32
        %swap3A_438 = arith.index_cast %add3A_437 : i32 to index
        %swap3A_439 = tpu.vector_load %arg8[%swap3A_438] {strides = array<i32>} : memref<19200xf32, #tpu.memory_space<vmem>>, vector<16xf32>,
        %swap3A_440 = vector.shape_cast %swap3A_439 : vector<16xf32> to vector<16xf32>
        %swap3A_441 = vector.shape_cast %get3A_435 : vector<16xf32> to vector<16xf32>
        tpu.vector_store %arg8[%swap3A_438], %swap3A_441 {strides = array<i32>} : memref<19200xf32, #tpu.memory_space<vmem>>, vector<16xf32>,
        %get3A_442 = arith.index_cast %scan3A_279 : i32 to index
        %get3A_443 = arith.constant 256 : index
        %get3A_444 = tpu.vector_load %arg6[%get3A_442, %get3A_443] {strides = array<i32>} : memref<64x304xf32, #tpu.memory_space<vmem>>, vector<1x16xf32>,
        %get3A_445 = vector.shape_cast %get3A_444 : vector<1x16xf32> to vector<16xf32>
        %add3A_446 = arith.constant 256 : i32
        %add3A_447 = arith.addi %mul3A_281, %add3A_446 : i32
        %swap3A_448 = arith.index_cast %add3A_447 : i32 to index
        %swap3A_449 = tpu.vector_load %arg8[%swap3A_448] {strides = array<i32>} : memref<19200xf32, #tpu.memory_space<vmem>>, vector<16xf32>,
        %swap3A_450 = vector.shape_cast %swap3A_449 : vector<16xf32> to vector<16xf32>
        %swap3A_451 = vector.shape_cast %get3A_445 : vector<16xf32> to vector<16xf32>
        tpu.vector_store %arg8[%swap3A_448], %swap3A_451 {strides = array<i32>} : memref<19200xf32, #tpu.memory_space<vmem>>, vector<16xf32>,
        %get3A_452 = arith.index_cast %scan3A_279 : i32 to index
        %get3A_453 = arith.constant 272 : index
        %get3A_454 = tpu.vector_load %arg6[%get3A_452, %get3A_453] {strides = array<i32>} : memref<64x304xf32, #tpu.memory_space<vmem>>, vector<1x16xf32>,
        %get3A_455 = vector.shape_cast %get3A_454 : vector<1x16xf32> to vector<16xf32>
        %add3A_456 = arith.constant 272 : i32
        %add3A_457 = arith.addi %mul3A_281, %add3A_456 : i32
        %swap3A_458 = arith.index_cast %add3A_457 : i32 to index
        %swap3A_459 = tpu.vector_load %arg8[%swap3A_458] {strides = array<i32>} : memref<19200xf32, #tpu.memory_space<vmem>>, vector<16xf32>,
        %swap3A_460 = vector.shape_cast %swap3A_459 : vector<16xf32> to vector<16xf32>
        %swap3A_461 = vector.shape_cast %get3A_455 : vector<16xf32> to vector<16xf32>
        tpu.vector_store %arg8[%swap3A_458], %swap3A_461 {strides = array<i32>} : memref<19200xf32, #tpu.memory_space<vmem>>, vector<16xf32>,
        %get3A_462 = arith.index_cast %scan3A_279 : i32 to index
        %get3A_463 = arith.constant 284 : index
        %get3A_464 = tpu.vector_load %arg6[%get3A_462, %get3A_463] {strides = array<i32>} : memref<64x304xf32, #tpu.memory_space<vmem>>, vector<1x16xf32>,
        %get3A_465 = vector.shape_cast %get3A_464 : vector<1x16xf32> to vector<16xf32>
        %add3A_466 = arith.constant 300 : i32
        %add3A_467 = arith.addi %mul3A_281, %add3A_466 : i32
        %sub3A_468 = arith.constant 16 : i32
        %sub3A_469 = arith.subi %add3A_467, %sub3A_468 : i32
        %swap3A_470 = arith.index_cast %sub3A_469 : i32 to index
        %swap3A_471 = tpu.vector_load %arg8[%swap3A_470] {strides = array<i32>} : memref<19200xf32, #tpu.memory_space<vmem>>, vector<16xf32>,
        %swap3A_472 = vector.shape_cast %swap3A_471 : vector<16xf32> to vector<16xf32>
        %swap3A_473 = vector.shape_cast %get3A_465 : vector<16xf32> to vector<16xf32>
        tpu.vector_store %arg8[%swap3A_470], %swap3A_473 {strides = array<i32>} : memref<19200xf32, #tpu.memory_space<vmem>>, vector<16xf32>,
        %scan3A_474 = arith.constant 2 : i32
        %scan3A_475 = arith.addi %scan3A_86, %scan3A_474 : i32
        %mul3A_476 = arith.constant 300 : i32
        %mul3A_477 = arith.muli %scan3A_475, %mul3A_476 : i32
        %get3A_478 = arith.index_cast %scan3A_475 : i32 to index
        %get3A_479 = arith.constant 0 : index
        %get3A_480 = tpu.vector_load %arg6[%get3A_478, %get3A_479] {strides = array<i32>} : memref<64x304xf32, #tpu.memory_space<vmem>>, vector<1x16xf32>,
        %get3A_481 = vector.shape_cast %get3A_480 : vector<1x16xf32> to vector<16xf32>
        %add3A_482 = arith.constant 0 : i32
        %add3A_483 = arith.addi %mul3A_477, %add3A_482 : i32
        %swap3A_484 = arith.index_cast %add3A_483 : i32 to index
        %swap3A_485 = tpu.vector_load %arg8[%swap3A_484] {strides = array<i32>} : memref<19200xf32, #tpu.memory_space<vmem>>, vector<16xf32>,
        %swap3A_486 = vector.shape_cast %swap3A_485 : vector<16xf32> to vector<16xf32>
        %swap3A_487 = vector.shape_cast %get3A_481 : vector<16xf32> to vector<16xf32>
        tpu.vector_store %arg8[%swap3A_484], %swap3A_487 {strides = array<i32>} : memref<19200xf32, #tpu.memory_space<vmem>>, vector<16xf32>,
        %get3A_488 = arith.index_cast %scan3A_475 : i32 to index
        %get3A_489 = arith.constant 16 : index
        %get3A_490 = tpu.vector_load %arg6[%get3A_488, %get3A_489] {strides = array<i32>} : memref<64x304xf32, #tpu.memory_space<vmem>>, vector<1x16xf32>,
        %get3A_491 = vector.shape_cast %get3A_490 : vector<1x16xf32> to vector<16xf32>
        %add3A_492 = arith.constant 16 : i32
        %add3A_493 = arith.addi %mul3A_477, %add3A_492 : i32
        %swap3A_494 = arith.index_cast %add3A_493 : i32 to index
        %swap3A_495 = tpu.vector_load %arg8[%swap3A_494] {strides = array<i32>} : memref<19200xf32, #tpu.memory_space<vmem>>, vector<16xf32>,
        %swap3A_496 = vector.shape_cast %swap3A_495 : vector<16xf32> to vector<16xf32>
        %swap3A_497 = vector.shape_cast %get3A_491 : vector<16xf32> to vector<16xf32>
        tpu.vector_store %arg8[%swap3A_494], %swap3A_497 {strides = array<i32>} : memref<19200xf32, #tpu.memory_space<vmem>>, vector<16xf32>,
        %get3A_498 = arith.index_cast %scan3A_475 : i32 to index
        %get3A_499 = arith.constant 32 : index
        %get3A_500 = tpu.vector_load %arg6[%get3A_498, %get3A_499] {strides = array<i32>} : memref<64x304xf32, #tpu.memory_space<vmem>>, vector<1x16xf32>,
        %get3A_501 = vector.shape_cast %get3A_500 : vector<1x16xf32> to vector<16xf32>
        %add3A_502 = arith.constant 32 : i32
        %add3A_503 = arith.addi %mul3A_477, %add3A_502 : i32
        %swap3A_504 = arith.index_cast %add3A_503 : i32 to index
        %swap3A_505 = tpu.vector_load %arg8[%swap3A_504] {strides = array<i32>} : memref<19200xf32, #tpu.memory_space<vmem>>, vector<16xf32>,
        %swap3A_506 = vector.shape_cast %swap3A_505 : vector<16xf32> to vector<16xf32>
        %swap3A_507 = vector.shape_cast %get3A_501 : vector<16xf32> to vector<16xf32>
        tpu.vector_store %arg8[%swap3A_504], %swap3A_507 {strides = array<i32>} : memref<19200xf32, #tpu.memory_space<vmem>>, vector<16xf32>,
        %get3A_508 = arith.index_cast %scan3A_475 : i32 to index
        %get3A_509 = arith.constant 48 : index
        %get3A_510 = tpu.vector_load %arg6[%get3A_508, %get3A_509] {strides = array<i32>} : memref<64x304xf32, #tpu.memory_space<vmem>>, vector<1x16xf32>,
        %get3A_511 = vector.shape_cast %get3A_510 : vector<1x16xf32> to vector<16xf32>
        %add3A_512 = arith.constant 48 : i32
        %add3A_513 = arith.addi %mul3A_477, %add3A_512 : i32
        %swap3A_514 = arith.index_cast %add3A_513 : i32 to index
        %swap3A_515 = tpu.vector_load %arg8[%swap3A_514] {strides = array<i32>} : memref<19200xf32, #tpu.memory_space<vmem>>, vector<16xf32>,
        %swap3A_516 = vector.shape_cast %swap3A_515 : vector<16xf32> to vector<16xf32>
        %swap3A_517 = vector.shape_cast %get3A_511 : vector<16xf32> to vector<16xf32>
        tpu.vector_store %arg8[%swap3A_514], %swap3A_517 {strides = array<i32>} : memref<19200xf32, #tpu.memory_space<vmem>>, vector<16xf32>,
        %get3A_518 = arith.index_cast %scan3A_475 : i32 to index
        %get3A_519 = arith.constant 64 : index
        %get3A_520 = tpu.vector_load %arg6[%get3A_518, %get3A_519] {strides = array<i32>} : memref<64x304xf32, #tpu.memory_space<vmem>>, vector<1x16xf32>,
        %get3A_521 = vector.shape_cast %get3A_520 : vector<1x16xf32> to vector<16xf32>
        %add3A_522 = arith.constant 64 : i32
        %add3A_523 = arith.addi %mul3A_477, %add3A_522 : i32
        %swap3A_524 = arith.index_cast %add3A_523 : i32 to index
        %swap3A_525 = tpu.vector_load %arg8[%swap3A_524] {strides = array<i32>} : memref<19200xf32, #tpu.memory_space<vmem>>, vector<16xf32>,
        %swap3A_526 = vector.shape_cast %swap3A_525 : vector<16xf32> to vector<16xf32>
        %swap3A_527 = vector.shape_cast %get3A_521 : vector<16xf32> to vector<16xf32>
        tpu.vector_store %arg8[%swap3A_524], %swap3A_527 {strides = array<i32>} : memref<19200xf32, #tpu.memory_space<vmem>>, vector<16xf32>,
        %get3A_528 = arith.index_cast %scan3A_475 : i32 to index
        %get3A_529 = arith.constant 80 : index
        %get3A_530 = tpu.vector_load %arg6[%get3A_528, %get3A_529] {strides = array<i32>} : memref<64x304xf32, #tpu.memory_space<vmem>>, vector<1x16xf32>,
        %get3A_531 = vector.shape_cast %get3A_530 : vector<1x16xf32> to vector<16xf32>
        %add3A_532 = arith.constant 80 : i32
        %add3A_533 = arith.addi %mul3A_477, %add3A_532 : i32
        %swap3A_534 = arith.index_cast %add3A_533 : i32 to index
        %swap3A_535 = tpu.vector_load %arg8[%swap3A_534] {strides = array<i32>} : memref<19200xf32, #tpu.memory_space<vmem>>, vector<16xf32>,
        %swap3A_536 = vector.shape_cast %swap3A_535 : vector<16xf32> to vector<16xf32>
        %swap3A_537 = vector.shape_cast %get3A_531 : vector<16xf32> to vector<16xf32>
        tpu.vector_store %arg8[%swap3A_534], %swap3A_537 {strides = array<i32>} : memref<19200xf32, #tpu.memory_space<vmem>>, vector<16xf32>,
        %get3A_538 = arith.index_cast %scan3A_475 : i32 to index
        %get3A_539 = arith.constant 96 : index
        %get3A_540 = tpu.vector_load %arg6[%get3A_538, %get3A_539] {strides = array<i32>} : memref<64x304xf32, #tpu.memory_space<vmem>>, vector<1x16xf32>,
        %get3A_541 = vector.shape_cast %get3A_540 : vector<1x16xf32> to vector<16xf32>
        %add3A_542 = arith.constant 96 : i32
        %add3A_543 = arith.addi %mul3A_477, %add3A_542 : i32
        %swap3A_544 = arith.index_cast %add3A_543 : i32 to index
        %swap3A_545 = tpu.vector_load %arg8[%swap3A_544] {strides = array<i32>} : memref<19200xf32, #tpu.memory_space<vmem>>, vector<16xf32>,
        %swap3A_546 = vector.shape_cast %swap3A_545 : vector<16xf32> to vector<16xf32>
        %swap3A_547 = vector.shape_cast %get3A_541 : vector<16xf32> to vector<16xf32>
        tpu.vector_store %arg8[%swap3A_544], %swap3A_547 {strides = array<i32>} : memref<19200xf32, #tpu.memory_space<vmem>>, vector<16xf32>,
        %get3A_548 = arith.index_cast %scan3A_475 : i32 to index
        %get3A_549 = arith.constant 112 : index
        %get3A_550 = tpu.vector_load %arg6[%get3A_548, %get3A_549] {strides = array<i32>} : memref<64x304xf32, #tpu.memory_space<vmem>>, vector<1x16xf32>,
        %get3A_551 = vector.shape_cast %get3A_550 : vector<1x16xf32> to vector<16xf32>
        %add3A_552 = arith.constant 112 : i32
        %add3A_553 = arith.addi %mul3A_477, %add3A_552 : i32
        %swap3A_554 = arith.index_cast %add3A_553 : i32 to index
        %swap3A_555 = tpu.vector_load %arg8[%swap3A_554] {strides = array<i32>} : memref<19200xf32, #tpu.memory_space<vmem>>, vector<16xf32>,
        %swap3A_556 = vector.shape_cast %swap3A_555 : vector<16xf32> to vector<16xf32>
        %swap3A_557 = vector.shape_cast %get3A_551 : vector<16xf32> to vector<16xf32>
        tpu.vector_store %arg8[%swap3A_554], %swap3A_557 {strides = array<i32>} : memref<19200xf32, #tpu.memory_space<vmem>>, vector<16xf32>,
        %get3A_558 = arith.index_cast %scan3A_475 : i32 to index
        %get3A_559 = arith.constant 128 : index
        %get3A_560 = tpu.vector_load %arg6[%get3A_558, %get3A_559] {strides = array<i32>} : memref<64x304xf32, #tpu.memory_space<vmem>>, vector<1x16xf32>,
        %get3A_561 = vector.shape_cast %get3A_560 : vector<1x16xf32> to vector<16xf32>
        %add3A_562 = arith.constant 128 : i32
        %add3A_563 = arith.addi %mul3A_477, %add3A_562 : i32
        %swap3A_564 = arith.index_cast %add3A_563 : i32 to index
        %swap3A_565 = tpu.vector_load %arg8[%swap3A_564] {strides = array<i32>} : memref<19200xf32, #tpu.memory_space<vmem>>, vector<16xf32>,
        %swap3A_566 = vector.shape_cast %swap3A_565 : vector<16xf32> to vector<16xf32>
        %swap3A_567 = vector.shape_cast %get3A_561 : vector<16xf32> to vector<16xf32>
        tpu.vector_store %arg8[%swap3A_564], %swap3A_567 {strides = array<i32>} : memref<19200xf32, #tpu.memory_space<vmem>>, vector<16xf32>,
        %get3A_568 = arith.index_cast %scan3A_475 : i32 to index
        %get3A_569 = arith.constant 144 : index
        %get3A_570 = tpu.vector_load %arg6[%get3A_568, %get3A_569] {strides = array<i32>} : memref<64x304xf32, #tpu.memory_space<vmem>>, vector<1x16xf32>,
        %get3A_571 = vector.shape_cast %get3A_570 : vector<1x16xf32> to vector<16xf32>
        %add3A_572 = arith.constant 144 : i32
        %add3A_573 = arith.addi %mul3A_477, %add3A_572 : i32
        %swap3A_574 = arith.index_cast %add3A_573 : i32 to index
        %swap3A_575 = tpu.vector_load %arg8[%swap3A_574] {strides = array<i32>} : memref<19200xf32, #tpu.memory_space<vmem>>, vector<16xf32>,
        %swap3A_576 = vector.shape_cast %swap3A_575 : vector<16xf32> to vector<16xf32>
        %swap3A_577 = vector.shape_cast %get3A_571 : vector<16xf32> to vector<16xf32>
        tpu.vector_store %arg8[%swap3A_574], %swap3A_577 {strides = array<i32>} : memref<19200xf32, #tpu.memory_space<vmem>>, vector<16xf32>,
        %get3A_578 = arith.index_cast %scan3A_475 : i32 to index
        %get3A_579 = arith.constant 160 : index
        %get3A_580 = tpu.vector_load %arg6[%get3A_578, %get3A_579] {strides = array<i32>} : memref<64x304xf32, #tpu.memory_space<vmem>>, vector<1x16xf32>,
        %get3A_581 = vector.shape_cast %get3A_580 : vector<1x16xf32> to vector<16xf32>
        %add3A_582 = arith.constant 160 : i32
        %add3A_583 = arith.addi %mul3A_477, %add3A_582 : i32
        %swap3A_584 = arith.index_cast %add3A_583 : i32 to index
        %swap3A_585 = tpu.vector_load %arg8[%swap3A_584] {strides = array<i32>} : memref<19200xf32, #tpu.memory_space<vmem>>, vector<16xf32>,
        %swap3A_586 = vector.shape_cast %swap3A_585 : vector<16xf32> to vector<16xf32>
        %swap3A_587 = vector.shape_cast %get3A_581 : vector<16xf32> to vector<16xf32>
        tpu.vector_store %arg8[%swap3A_584], %swap3A_587 {strides = array<i32>} : memref<19200xf32, #tpu.memory_space<vmem>>, vector<16xf32>,
        %get3A_588 = arith.index_cast %scan3A_475 : i32 to index
        %get3A_589 = arith.constant 176 : index
        %get3A_590 = tpu.vector_load %arg6[%get3A_588, %get3A_589] {strides = array<i32>} : memref<64x304xf32, #tpu.memory_space<vmem>>, vector<1x16xf32>,
        %get3A_591 = vector.shape_cast %get3A_590 : vector<1x16xf32> to vector<16xf32>
        %add3A_592 = arith.constant 176 : i32
        %add3A_593 = arith.addi %mul3A_477, %add3A_592 : i32
        %swap3A_594 = arith.index_cast %add3A_593 : i32 to index
        %swap3A_595 = tpu.vector_load %arg8[%swap3A_594] {strides = array<i32>} : memref<19200xf32, #tpu.memory_space<vmem>>, vector<16xf32>,
        %swap3A_596 = vector.shape_cast %swap3A_595 : vector<16xf32> to vector<16xf32>
        %swap3A_597 = vector.shape_cast %get3A_591 : vector<16xf32> to vector<16xf32>
        tpu.vector_store %arg8[%swap3A_594], %swap3A_597 {strides = array<i32>} : memref<19200xf32, #tpu.memory_space<vmem>>, vector<16xf32>,
        %get3A_598 = arith.index_cast %scan3A_475 : i32 to index
        %get3A_599 = arith.constant 192 : index
        %get3A_600 = tpu.vector_load %arg6[%get3A_598, %get3A_599] {strides = array<i32>} : memref<64x304xf32, #tpu.memory_space<vmem>>, vector<1x16xf32>,
        %get3A_601 = vector.shape_cast %get3A_600 : vector<1x16xf32> to vector<16xf32>
        %add3A_602 = arith.constant 192 : i32
        %add3A_603 = arith.addi %mul3A_477, %add3A_602 : i32
        %swap3A_604 = arith.index_cast %add3A_603 : i32 to index
        %swap3A_605 = tpu.vector_load %arg8[%swap3A_604] {strides = array<i32>} : memref<19200xf32, #tpu.memory_space<vmem>>, vector<16xf32>,
        %swap3A_606 = vector.shape_cast %swap3A_605 : vector<16xf32> to vector<16xf32>
        %swap3A_607 = vector.shape_cast %get3A_601 : vector<16xf32> to vector<16xf32>
        tpu.vector_store %arg8[%swap3A_604], %swap3A_607 {strides = array<i32>} : memref<19200xf32, #tpu.memory_space<vmem>>, vector<16xf32>,
        %get3A_608 = arith.index_cast %scan3A_475 : i32 to index
        %get3A_609 = arith.constant 208 : index
        %get3A_610 = tpu.vector_load %arg6[%get3A_608, %get3A_609] {strides = array<i32>} : memref<64x304xf32, #tpu.memory_space<vmem>>, vector<1x16xf32>,
        %get3A_611 = vector.shape_cast %get3A_610 : vector<1x16xf32> to vector<16xf32>
        %add3A_612 = arith.constant 208 : i32
        %add3A_613 = arith.addi %mul3A_477, %add3A_612 : i32
        %swap3A_614 = arith.index_cast %add3A_613 : i32 to index
        %swap3A_615 = tpu.vector_load %arg8[%swap3A_614] {strides = array<i32>} : memref<19200xf32, #tpu.memory_space<vmem>>, vector<16xf32>,
        %swap3A_616 = vector.shape_cast %swap3A_615 : vector<16xf32> to vector<16xf32>
        %swap3A_617 = vector.shape_cast %get3A_611 : vector<16xf32> to vector<16xf32>
        tpu.vector_store %arg8[%swap3A_614], %swap3A_617 {strides = array<i32>} : memref<19200xf32, #tpu.memory_space<vmem>>, vector<16xf32>,
        %get3A_618 = arith.index_cast %scan3A_475 : i32 to index
        %get3A_619 = arith.constant 224 : index
        %get3A_620 = tpu.vector_load %arg6[%get3A_618, %get3A_619] {strides = array<i32>} : memref<64x304xf32, #tpu.memory_space<vmem>>, vector<1x16xf32>,
        %get3A_621 = vector.shape_cast %get3A_620 : vector<1x16xf32> to vector<16xf32>
        %add3A_622 = arith.constant 224 : i32
        %add3A_623 = arith.addi %mul3A_477, %add3A_622 : i32
        %swap3A_624 = arith.index_cast %add3A_623 : i32 to index
        %swap3A_625 = tpu.vector_load %arg8[%swap3A_624] {strides = array<i32>} : memref<19200xf32, #tpu.memory_space<vmem>>, vector<16xf32>,
        %swap3A_626 = vector.shape_cast %swap3A_625 : vector<16xf32> to vector<16xf32>
        %swap3A_627 = vector.shape_cast %get3A_621 : vector<16xf32> to vector<16xf32>
        tpu.vector_store %arg8[%swap3A_624], %swap3A_627 {strides = array<i32>} : memref<19200xf32, #tpu.memory_space<vmem>>, vector<16xf32>,
        %get3A_628 = arith.index_cast %scan3A_475 : i32 to index
        %get3A_629 = arith.constant 240 : index
        %get3A_630 = tpu.vector_load %arg6[%get3A_628, %get3A_629] {strides = array<i32>} : memref<64x304xf32, #tpu.memory_space<vmem>>, vector<1x16xf32>,
        %get3A_631 = vector.shape_cast %get3A_630 : vector<1x16xf32> to vector<16xf32>
        %add3A_632 = arith.constant 240 : i32
        %add3A_633 = arith.addi %mul3A_477, %add3A_632 : i32
        %swap3A_634 = arith.index_cast %add3A_633 : i32 to index
        %swap3A_635 = tpu.vector_load %arg8[%swap3A_634] {strides = array<i32>} : memref<19200xf32, #tpu.memory_space<vmem>>, vector<16xf32>,
        %swap3A_636 = vector.shape_cast %swap3A_635 : vector<16xf32> to vector<16xf32>
        %swap3A_637 = vector.shape_cast %get3A_631 : vector<16xf32> to vector<16xf32>
        tpu.vector_store %arg8[%swap3A_634], %swap3A_637 {strides = array<i32>} : memref<19200xf32, #tpu.memory_space<vmem>>, vector<16xf32>,
        %get3A_638 = arith.index_cast %scan3A_475 : i32 to index
        %get3A_639 = arith.constant 256 : index
        %get3A_640 = tpu.vector_load %arg6[%get3A_638, %get3A_639] {strides = array<i32>} : memref<64x304xf32, #tpu.memory_space<vmem>>, vector<1x16xf32>,
        %get3A_641 = vector.shape_cast %get3A_640 : vector<1x16xf32> to vector<16xf32>
        %add3A_642 = arith.constant 256 : i32
        %add3A_643 = arith.addi %mul3A_477, %add3A_642 : i32
        %swap3A_644 = arith.index_cast %add3A_643 : i32 to index
        %swap3A_645 = tpu.vector_load %arg8[%swap3A_644] {strides = array<i32>} : memref<19200xf32, #tpu.memory_space<vmem>>, vector<16xf32>,
        %swap3A_646 = vector.shape_cast %swap3A_645 : vector<16xf32> to vector<16xf32>
        %swap3A_647 = vector.shape_cast %get3A_641 : vector<16xf32> to vector<16xf32>
        tpu.vector_store %arg8[%swap3A_644], %swap3A_647 {strides = array<i32>} : memref<19200xf32, #tpu.memory_space<vmem>>, vector<16xf32>,
        %get3A_648 = arith.index_cast %scan3A_475 : i32 to index
        %get3A_649 = arith.constant 272 : index
        %get3A_650 = tpu.vector_load %arg6[%get3A_648, %get3A_649] {strides = array<i32>} : memref<64x304xf32, #tpu.memory_space<vmem>>, vector<1x16xf32>,
        %get3A_651 = vector.shape_cast %get3A_650 : vector<1x16xf32> to vector<16xf32>
        %add3A_652 = arith.constant 272 : i32
        %add3A_653 = arith.addi %mul3A_477, %add3A_652 : i32
        %swap3A_654 = arith.index_cast %add3A_653 : i32 to index
        %swap3A_655 = tpu.vector_load %arg8[%swap3A_654] {strides = array<i32>} : memref<19200xf32, #tpu.memory_space<vmem>>, vector<16xf32>,
        %swap3A_656 = vector.shape_cast %swap3A_655 : vector<16xf32> to vector<16xf32>
        %swap3A_657 = vector.shape_cast %get3A_651 : vector<16xf32> to vector<16xf32>
        tpu.vector_store %arg8[%swap3A_654], %swap3A_657 {strides = array<i32>} : memref<19200xf32, #tpu.memory_space<vmem>>, vector<16xf32>,
        %get3A_658 = arith.index_cast %scan3A_475 : i32 to index
        %get3A_659 = arith.constant 284 : index
        %get3A_660 = tpu.vector_load %arg6[%get3A_658, %get3A_659] {strides = array<i32>} : memref<64x304xf32, #tpu.memory_space<vmem>>, vector<1x16xf32>,
        %get3A_661 = vector.shape_cast %get3A_660 : vector<1x16xf32> to vector<16xf32>
        %add3A_662 = arith.constant 300 : i32
        %add3A_663 = arith.addi %mul3A_477, %add3A_662 : i32
        %sub3A_664 = arith.constant 16 : i32
        %sub3A_665 = arith.subi %add3A_663, %sub3A_664 : i32
        %swap3A_666 = arith.index_cast %sub3A_665 : i32 to index
        %swap3A_667 = tpu.vector_load %arg8[%swap3A_666] {strides = array<i32>} : memref<19200xf32, #tpu.memory_space<vmem>>, vector<16xf32>,
        %swap3A_668 = vector.shape_cast %swap3A_667 : vector<16xf32> to vector<16xf32>
        %swap3A_669 = vector.shape_cast %get3A_661 : vector<16xf32> to vector<16xf32>
        tpu.vector_store %arg8[%swap3A_666], %swap3A_669 {strides = array<i32>} : memref<19200xf32, #tpu.memory_space<vmem>>, vector<16xf32>,
        %scan3A_670 = arith.constant 3 : i32
        %scan3A_671 = arith.addi %scan3A_86, %scan3A_670 : i32
        %mul3A_672 = arith.constant 300 : i32
        %mul3A_673 = arith.muli %scan3A_671, %mul3A_672 : i32
        %get3A_674 = arith.index_cast %scan3A_671 : i32 to index
        %get3A_675 = arith.constant 0 : index
        %get3A_676 = tpu.vector_load %arg6[%get3A_674, %get3A_675] {strides = array<i32>} : memref<64x304xf32, #tpu.memory_space<vmem>>, vector<1x16xf32>,
        %get3A_677 = vector.shape_cast %get3A_676 : vector<1x16xf32> to vector<16xf32>
        %add3A_678 = arith.constant 0 : i32
        %add3A_679 = arith.addi %mul3A_673, %add3A_678 : i32
        %swap3A_680 = arith.index_cast %add3A_679 : i32 to index
        %swap3A_681 = tpu.vector_load %arg8[%swap3A_680] {strides = array<i32>} : memref<19200xf32, #tpu.memory_space<vmem>>, vector<16xf32>,
        %swap3A_682 = vector.shape_cast %swap3A_681 : vector<16xf32> to vector<16xf32>
        %swap3A_683 = vector.shape_cast %get3A_677 : vector<16xf32> to vector<16xf32>
        tpu.vector_store %arg8[%swap3A_680], %swap3A_683 {strides = array<i32>} : memref<19200xf32, #tpu.memory_space<vmem>>, vector<16xf32>,
        %get3A_684 = arith.index_cast %scan3A_671 : i32 to index
        %get3A_685 = arith.constant 16 : index
        %get3A_686 = tpu.vector_load %arg6[%get3A_684, %get3A_685] {strides = array<i32>} : memref<64x304xf32, #tpu.memory_space<vmem>>, vector<1x16xf32>,
        %get3A_687 = vector.shape_cast %get3A_686 : vector<1x16xf32> to vector<16xf32>
        %add3A_688 = arith.constant 16 : i32
        %add3A_689 = arith.addi %mul3A_673, %add3A_688 : i32
        %swap3A_690 = arith.index_cast %add3A_689 : i32 to index
        %swap3A_691 = tpu.vector_load %arg8[%swap3A_690] {strides = array<i32>} : memref<19200xf32, #tpu.memory_space<vmem>>, vector<16xf32>,
        %swap3A_692 = vector.shape_cast %swap3A_691 : vector<16xf32> to vector<16xf32>
        %swap3A_693 = vector.shape_cast %get3A_687 : vector<16xf32> to vector<16xf32>
        tpu.vector_store %arg8[%swap3A_690], %swap3A_693 {strides = array<i32>} : memref<19200xf32, #tpu.memory_space<vmem>>, vector<16xf32>,
        %get3A_694 = arith.index_cast %scan3A_671 : i32 to index
        %get3A_695 = arith.constant 32 : index
        %get3A_696 = tpu.vector_load %arg6[%get3A_694, %get3A_695] {strides = array<i32>} : memref<64x304xf32, #tpu.memory_space<vmem>>, vector<1x16xf32>,
        %get3A_697 = vector.shape_cast %get3A_696 : vector<1x16xf32> to vector<16xf32>
        %add3A_698 = arith.constant 32 : i32
        %add3A_699 = arith.addi %mul3A_673, %add3A_698 : i32
        %swap3A_700 = arith.index_cast %add3A_699 : i32 to index
        %swap3A_701 = tpu.vector_load %arg8[%swap3A_700] {strides = array<i32>} : memref<19200xf32, #tpu.memory_space<vmem>>, vector<16xf32>,
        %swap3A_702 = vector.shape_cast %swap3A_701 : vector<16xf32> to vector<16xf32>
        %swap3A_703 = vector.shape_cast %get3A_697 : vector<16xf32> to vector<16xf32>
        tpu.vector_store %arg8[%swap3A_700], %swap3A_703 {strides = array<i32>} : memref<19200xf32, #tpu.memory_space<vmem>>, vector<16xf32>,
        %get3A_704 = arith.index_cast %scan3A_671 : i32 to index
        %get3A_705 = arith.constant 48 : index
        %get3A_706 = tpu.vector_load %arg6[%get3A_704, %get3A_705] {strides = array<i32>} : memref<64x304xf32, #tpu.memory_space<vmem>>, vector<1x16xf32>,
        %get3A_707 = vector.shape_cast %get3A_706 : vector<1x16xf32> to vector<16xf32>
        %add3A_708 = arith.constant 48 : i32
        %add3A_709 = arith.addi %mul3A_673, %add3A_708 : i32
        %swap3A_710 = arith.index_cast %add3A_709 : i32 to index
        %swap3A_711 = tpu.vector_load %arg8[%swap3A_710] {strides = array<i32>} : memref<19200xf32, #tpu.memory_space<vmem>>, vector<16xf32>,
        %swap3A_712 = vector.shape_cast %swap3A_711 : vector<16xf32> to vector<16xf32>
        %swap3A_713 = vector.shape_cast %get3A_707 : vector<16xf32> to vector<16xf32>
        tpu.vector_store %arg8[%swap3A_710], %swap3A_713 {strides = array<i32>} : memref<19200xf32, #tpu.memory_space<vmem>>, vector<16xf32>,
        %get3A_714 = arith.index_cast %scan3A_671 : i32 to index
        %get3A_715 = arith.constant 64 : index
        %get3A_716 = tpu.vector_load %arg6[%get3A_714, %get3A_715] {strides = array<i32>} : memref<64x304xf32, #tpu.memory_space<vmem>>, vector<1x16xf32>,
        %get3A_717 = vector.shape_cast %get3A_716 : vector<1x16xf32> to vector<16xf32>
        %add3A_718 = arith.constant 64 : i32
        %add3A_719 = arith.addi %mul3A_673, %add3A_718 : i32
        %swap3A_720 = arith.index_cast %add3A_719 : i32 to index
        %swap3A_721 = tpu.vector_load %arg8[%swap3A_720] {strides = array<i32>} : memref<19200xf32, #tpu.memory_space<vmem>>, vector<16xf32>,
        %swap3A_722 = vector.shape_cast %swap3A_721 : vector<16xf32> to vector<16xf32>
        %swap3A_723 = vector.shape_cast %get3A_717 : vector<16xf32> to vector<16xf32>
        tpu.vector_store %arg8[%swap3A_720], %swap3A_723 {strides = array<i32>} : memref<19200xf32, #tpu.memory_space<vmem>>, vector<16xf32>,
        %get3A_724 = arith.index_cast %scan3A_671 : i32 to index
        %get3A_725 = arith.constant 80 : index
        %get3A_726 = tpu.vector_load %arg6[%get3A_724, %get3A_725] {strides = array<i32>} : memref<64x304xf32, #tpu.memory_space<vmem>>, vector<1x16xf32>,
        %get3A_727 = vector.shape_cast %get3A_726 : vector<1x16xf32> to vector<16xf32>
        %add3A_728 = arith.constant 80 : i32
        %add3A_729 = arith.addi %mul3A_673, %add3A_728 : i32
        %swap3A_730 = arith.index_cast %add3A_729 : i32 to index
        %swap3A_731 = tpu.vector_load %arg8[%swap3A_730] {strides = array<i32>} : memref<19200xf32, #tpu.memory_space<vmem>>, vector<16xf32>,
        %swap3A_732 = vector.shape_cast %swap3A_731 : vector<16xf32> to vector<16xf32>
        %swap3A_733 = vector.shape_cast %get3A_727 : vector<16xf32> to vector<16xf32>
        tpu.vector_store %arg8[%swap3A_730], %swap3A_733 {strides = array<i32>} : memref<19200xf32, #tpu.memory_space<vmem>>, vector<16xf32>,
        %get3A_734 = arith.index_cast %scan3A_671 : i32 to index
        %get3A_735 = arith.constant 96 : index
        %get3A_736 = tpu.vector_load %arg6[%get3A_734, %get3A_735] {strides = array<i32>} : memref<64x304xf32, #tpu.memory_space<vmem>>, vector<1x16xf32>,
        %get3A_737 = vector.shape_cast %get3A_736 : vector<1x16xf32> to vector<16xf32>
        %add3A_738 = arith.constant 96 : i32
        %add3A_739 = arith.addi %mul3A_673, %add3A_738 : i32
        %swap3A_740 = arith.index_cast %add3A_739 : i32 to index
        %swap3A_741 = tpu.vector_load %arg8[%swap3A_740] {strides = array<i32>} : memref<19200xf32, #tpu.memory_space<vmem>>, vector<16xf32>,
        %swap3A_742 = vector.shape_cast %swap3A_741 : vector<16xf32> to vector<16xf32>
        %swap3A_743 = vector.shape_cast %get3A_737 : vector<16xf32> to vector<16xf32>
        tpu.vector_store %arg8[%swap3A_740], %swap3A_743 {strides = array<i32>} : memref<19200xf32, #tpu.memory_space<vmem>>, vector<16xf32>,
        %get3A_744 = arith.index_cast %scan3A_671 : i32 to index
        %get3A_745 = arith.constant 112 : index
        %get3A_746 = tpu.vector_load %arg6[%get3A_744, %get3A_745] {strides = array<i32>} : memref<64x304xf32, #tpu.memory_space<vmem>>, vector<1x16xf32>,
        %get3A_747 = vector.shape_cast %get3A_746 : vector<1x16xf32> to vector<16xf32>
        %add3A_748 = arith.constant 112 : i32
        %add3A_749 = arith.addi %mul3A_673, %add3A_748 : i32
        %swap3A_750 = arith.index_cast %add3A_749 : i32 to index
        %swap3A_751 = tpu.vector_load %arg8[%swap3A_750] {strides = array<i32>} : memref<19200xf32, #tpu.memory_space<vmem>>, vector<16xf32>,
        %swap3A_752 = vector.shape_cast %swap3A_751 : vector<16xf32> to vector<16xf32>
        %swap3A_753 = vector.shape_cast %get3A_747 : vector<16xf32> to vector<16xf32>
        tpu.vector_store %arg8[%swap3A_750], %swap3A_753 {strides = array<i32>} : memref<19200xf32, #tpu.memory_space<vmem>>, vector<16xf32>,
        %get3A_754 = arith.index_cast %scan3A_671 : i32 to index
        %get3A_755 = arith.constant 128 : index
        %get3A_756 = tpu.vector_load %arg6[%get3A_754, %get3A_755] {strides = array<i32>} : memref<64x304xf32, #tpu.memory_space<vmem>>, vector<1x16xf32>,
        %get3A_757 = vector.shape_cast %get3A_756 : vector<1x16xf32> to vector<16xf32>
        %add3A_758 = arith.constant 128 : i32
        %add3A_759 = arith.addi %mul3A_673, %add3A_758 : i32
        %swap3A_760 = arith.index_cast %add3A_759 : i32 to index
        %swap3A_761 = tpu.vector_load %arg8[%swap3A_760] {strides = array<i32>} : memref<19200xf32, #tpu.memory_space<vmem>>, vector<16xf32>,
        %swap3A_762 = vector.shape_cast %swap3A_761 : vector<16xf32> to vector<16xf32>
        %swap3A_763 = vector.shape_cast %get3A_757 : vector<16xf32> to vector<16xf32>
        tpu.vector_store %arg8[%swap3A_760], %swap3A_763 {strides = array<i32>} : memref<19200xf32, #tpu.memory_space<vmem>>, vector<16xf32>,
        %get3A_764 = arith.index_cast %scan3A_671 : i32 to index
        %get3A_765 = arith.constant 144 : index
        %get3A_766 = tpu.vector_load %arg6[%get3A_764, %get3A_765] {strides = array<i32>} : memref<64x304xf32, #tpu.memory_space<vmem>>, vector<1x16xf32>,
        %get3A_767 = vector.shape_cast %get3A_766 : vector<1x16xf32> to vector<16xf32>
        %add3A_768 = arith.constant 144 : i32
        %add3A_769 = arith.addi %mul3A_673, %add3A_768 : i32
        %swap3A_770 = arith.index_cast %add3A_769 : i32 to index
        %swap3A_771 = tpu.vector_load %arg8[%swap3A_770] {strides = array<i32>} : memref<19200xf32, #tpu.memory_space<vmem>>, vector<16xf32>,
        %swap3A_772 = vector.shape_cast %swap3A_771 : vector<16xf32> to vector<16xf32>
        %swap3A_773 = vector.shape_cast %get3A_767 : vector<16xf32> to vector<16xf32>
        tpu.vector_store %arg8[%swap3A_770], %swap3A_773 {strides = array<i32>} : memref<19200xf32, #tpu.memory_space<vmem>>, vector<16xf32>,
        %get3A_774 = arith.index_cast %scan3A_671 : i32 to index
        %get3A_775 = arith.constant 160 : index
        %get3A_776 = tpu.vector_load %arg6[%get3A_774, %get3A_775] {strides = array<i32>} : memref<64x304xf32, #tpu.memory_space<vmem>>, vector<1x16xf32>,
        %get3A_777 = vector.shape_cast %get3A_776 : vector<1x16xf32> to vector<16xf32>
        %add3A_778 = arith.constant 160 : i32
        %add3A_779 = arith.addi %mul3A_673, %add3A_778 : i32
        %swap3A_780 = arith.index_cast %add3A_779 : i32 to index
        %swap3A_781 = tpu.vector_load %arg8[%swap3A_780] {strides = array<i32>} : memref<19200xf32, #tpu.memory_space<vmem>>, vector<16xf32>,
        %swap3A_782 = vector.shape_cast %swap3A_781 : vector<16xf32> to vector<16xf32>
        %swap3A_783 = vector.shape_cast %get3A_777 : vector<16xf32> to vector<16xf32>
        tpu.vector_store %arg8[%swap3A_780], %swap3A_783 {strides = array<i32>} : memref<19200xf32, #tpu.memory_space<vmem>>, vector<16xf32>,
        %get3A_784 = arith.index_cast %scan3A_671 : i32 to index
        %get3A_785 = arith.constant 176 : index
        %get3A_786 = tpu.vector_load %arg6[%get3A_784, %get3A_785] {strides = array<i32>} : memref<64x304xf32, #tpu.memory_space<vmem>>, vector<1x16xf32>,
        %get3A_787 = vector.shape_cast %get3A_786 : vector<1x16xf32> to vector<16xf32>
        %add3A_788 = arith.constant 176 : i32
        %add3A_789 = arith.addi %mul3A_673, %add3A_788 : i32
        %swap3A_790 = arith.index_cast %add3A_789 : i32 to index
        %swap3A_791 = tpu.vector_load %arg8[%swap3A_790] {strides = array<i32>} : memref<19200xf32, #tpu.memory_space<vmem>>, vector<16xf32>,
        %swap3A_792 = vector.shape_cast %swap3A_791 : vector<16xf32> to vector<16xf32>
        %swap3A_793 = vector.shape_cast %get3A_787 : vector<16xf32> to vector<16xf32>
        tpu.vector_store %arg8[%swap3A_790], %swap3A_793 {strides = array<i32>} : memref<19200xf32, #tpu.memory_space<vmem>>, vector<16xf32>,
        %get3A_794 = arith.index_cast %scan3A_671 : i32 to index
        %get3A_795 = arith.constant 192 : index
        %get3A_796 = tpu.vector_load %arg6[%get3A_794, %get3A_795] {strides = array<i32>} : memref<64x304xf32, #tpu.memory_space<vmem>>, vector<1x16xf32>,
        %get3A_797 = vector.shape_cast %get3A_796 : vector<1x16xf32> to vector<16xf32>
        %add3A_798 = arith.constant 192 : i32
        %add3A_799 = arith.addi %mul3A_673, %add3A_798 : i32
        %swap3A_800 = arith.index_cast %add3A_799 : i32 to index
        %swap3A_801 = tpu.vector_load %arg8[%swap3A_800] {strides = array<i32>} : memref<19200xf32, #tpu.memory_space<vmem>>, vector<16xf32>,
        %swap3A_802 = vector.shape_cast %swap3A_801 : vector<16xf32> to vector<16xf32>
        %swap3A_803 = vector.shape_cast %get3A_797 : vector<16xf32> to vector<16xf32>
        tpu.vector_store %arg8[%swap3A_800], %swap3A_803 {strides = array<i32>} : memref<19200xf32, #tpu.memory_space<vmem>>, vector<16xf32>,
        %get3A_804 = arith.index_cast %scan3A_671 : i32 to index
        %get3A_805 = arith.constant 208 : index
        %get3A_806 = tpu.vector_load %arg6[%get3A_804, %get3A_805] {strides = array<i32>} : memref<64x304xf32, #tpu.memory_space<vmem>>, vector<1x16xf32>,
        %get3A_807 = vector.shape_cast %get3A_806 : vector<1x16xf32> to vector<16xf32>
        %add3A_808 = arith.constant 208 : i32
        %add3A_809 = arith.addi %mul3A_673, %add3A_808 : i32
        %swap3A_810 = arith.index_cast %add3A_809 : i32 to index
        %swap3A_811 = tpu.vector_load %arg8[%swap3A_810] {strides = array<i32>} : memref<19200xf32, #tpu.memory_space<vmem>>, vector<16xf32>,
        %swap3A_812 = vector.shape_cast %swap3A_811 : vector<16xf32> to vector<16xf32>
        %swap3A_813 = vector.shape_cast %get3A_807 : vector<16xf32> to vector<16xf32>
        tpu.vector_store %arg8[%swap3A_810], %swap3A_813 {strides = array<i32>} : memref<19200xf32, #tpu.memory_space<vmem>>, vector<16xf32>,
        %get3A_814 = arith.index_cast %scan3A_671 : i32 to index
        %get3A_815 = arith.constant 224 : index
        %get3A_816 = tpu.vector_load %arg6[%get3A_814, %get3A_815] {strides = array<i32>} : memref<64x304xf32, #tpu.memory_space<vmem>>, vector<1x16xf32>,
        %get3A_817 = vector.shape_cast %get3A_816 : vector<1x16xf32> to vector<16xf32>
        %add3A_818 = arith.constant 224 : i32
        %add3A_819 = arith.addi %mul3A_673, %add3A_818 : i32
        %swap3A_820 = arith.index_cast %add3A_819 : i32 to index
        %swap3A_821 = tpu.vector_load %arg8[%swap3A_820] {strides = array<i32>} : memref<19200xf32, #tpu.memory_space<vmem>>, vector<16xf32>,
        %swap3A_822 = vector.shape_cast %swap3A_821 : vector<16xf32> to vector<16xf32>
        %swap3A_823 = vector.shape_cast %get3A_817 : vector<16xf32> to vector<16xf32>
        tpu.vector_store %arg8[%swap3A_820], %swap3A_823 {strides = array<i32>} : memref<19200xf32, #tpu.memory_space<vmem>>, vector<16xf32>,
        %get3A_824 = arith.index_cast %scan3A_671 : i32 to index
        %get3A_825 = arith.constant 240 : index
        %get3A_826 = tpu.vector_load %arg6[%get3A_824, %get3A_825] {strides = array<i32>} : memref<64x304xf32, #tpu.memory_space<vmem>>, vector<1x16xf32>,
        %get3A_827 = vector.shape_cast %get3A_826 : vector<1x16xf32> to vector<16xf32>
        %add3A_828 = arith.constant 240 : i32
        %add3A_829 = arith.addi %mul3A_673, %add3A_828 : i32
        %swap3A_830 = arith.index_cast %add3A_829 : i32 to index
        %swap3A_831 = tpu.vector_load %arg8[%swap3A_830] {strides = array<i32>} : memref<19200xf32, #tpu.memory_space<vmem>>, vector<16xf32>,
        %swap3A_832 = vector.shape_cast %swap3A_831 : vector<16xf32> to vector<16xf32>
        %swap3A_833 = vector.shape_cast %get3A_827 : vector<16xf32> to vector<16xf32>
        tpu.vector_store %arg8[%swap3A_830], %swap3A_833 {strides = array<i32>} : memref<19200xf32, #tpu.memory_space<vmem>>, vector<16xf32>,
        %get3A_834 = arith.index_cast %scan3A_671 : i32 to index
        %get3A_835 = arith.constant 256 : index
        %get3A_836 = tpu.vector_load %arg6[%get3A_834, %get3A_835] {strides = array<i32>} : memref<64x304xf32, #tpu.memory_space<vmem>>, vector<1x16xf32>,
        %get3A_837 = vector.shape_cast %get3A_836 : vector<1x16xf32> to vector<16xf32>
        %add3A_838 = arith.constant 256 : i32
        %add3A_839 = arith.addi %mul3A_673, %add3A_838 : i32
        %swap3A_840 = arith.index_cast %add3A_839 : i32 to index
        %swap3A_841 = tpu.vector_load %arg8[%swap3A_840] {strides = array<i32>} : memref<19200xf32, #tpu.memory_space<vmem>>, vector<16xf32>,
        %swap3A_842 = vector.shape_cast %swap3A_841 : vector<16xf32> to vector<16xf32>
        %swap3A_843 = vector.shape_cast %get3A_837 : vector<16xf32> to vector<16xf32>
        tpu.vector_store %arg8[%swap3A_840], %swap3A_843 {strides = array<i32>} : memref<19200xf32, #tpu.memory_space<vmem>>, vector<16xf32>,
        %get3A_844 = arith.index_cast %scan3A_671 : i32 to index
        %get3A_845 = arith.constant 272 : index
        %get3A_846 = tpu.vector_load %arg6[%get3A_844, %get3A_845] {strides = array<i32>} : memref<64x304xf32, #tpu.memory_space<vmem>>, vector<1x16xf32>,
        %get3A_847 = vector.shape_cast %get3A_846 : vector<1x16xf32> to vector<16xf32>
        %add3A_848 = arith.constant 272 : i32
        %add3A_849 = arith.addi %mul3A_673, %add3A_848 : i32
        %swap3A_850 = arith.index_cast %add3A_849 : i32 to index
        %swap3A_851 = tpu.vector_load %arg8[%swap3A_850] {strides = array<i32>} : memref<19200xf32, #tpu.memory_space<vmem>>, vector<16xf32>,
        %swap3A_852 = vector.shape_cast %swap3A_851 : vector<16xf32> to vector<16xf32>
        %swap3A_853 = vector.shape_cast %get3A_847 : vector<16xf32> to vector<16xf32>
        tpu.vector_store %arg8[%swap3A_850], %swap3A_853 {strides = array<i32>} : memref<19200xf32, #tpu.memory_space<vmem>>, vector<16xf32>,
        %get3A_854 = arith.index_cast %scan3A_671 : i32 to index
        %get3A_855 = arith.constant 284 : index
        %get3A_856 = tpu.vector_load %arg6[%get3A_854, %get3A_855] {strides = array<i32>} : memref<64x304xf32, #tpu.memory_space<vmem>>, vector<1x16xf32>,
        %get3A_857 = vector.shape_cast %get3A_856 : vector<1x16xf32> to vector<16xf32>
        %add3A_858 = arith.constant 300 : i32
        %add3A_859 = arith.addi %mul3A_673, %add3A_858 : i32
        %sub3A_860 = arith.constant 16 : i32
        %sub3A_861 = arith.subi %add3A_859, %sub3A_860 : i32
        %swap3A_862 = arith.index_cast %sub3A_861 : i32 to index
        %swap3A_863 = tpu.vector_load %arg8[%swap3A_862] {strides = array<i32>} : memref<19200xf32, #tpu.memory_space<vmem>>, vector<16xf32>,
        %swap3A_864 = vector.shape_cast %swap3A_863 : vector<16xf32> to vector<16xf32>
        %swap3A_865 = vector.shape_cast %get3A_857 : vector<16xf32> to vector<16xf32>
        tpu.vector_store %arg8[%swap3A_862], %swap3A_865 {strides = array<i32>} : memref<19200xf32, #tpu.memory_space<vmem>>, vector<16xf32>,
        %scan3A_866 = arith.constant 4 : i32
        %scan3A_867 = arith.addi %scan3A_86, %scan3A_866 : i32
        %mul3A_868 = arith.constant 300 : i32
        %mul3A_869 = arith.muli %scan3A_867, %mul3A_868 : i32
        %get3A_870 = arith.index_cast %scan3A_867 : i32 to index
        %get3A_871 = arith.constant 0 : index
        %get3A_872 = tpu.vector_load %arg6[%get3A_870, %get3A_871] {strides = array<i32>} : memref<64x304xf32, #tpu.memory_space<vmem>>, vector<1x16xf32>,
        %get3A_873 = vector.shape_cast %get3A_872 : vector<1x16xf32> to vector<16xf32>
        %add3A_874 = arith.constant 0 : i32
        %add3A_875 = arith.addi %mul3A_869, %add3A_874 : i32
        %swap3A_876 = arith.index_cast %add3A_875 : i32 to index
        %swap3A_877 = tpu.vector_load %arg8[%swap3A_876] {strides = array<i32>} : memref<19200xf32, #tpu.memory_space<vmem>>, vector<16xf32>,
        %swap3A_878 = vector.shape_cast %swap3A_877 : vector<16xf32> to vector<16xf32>
        %swap3A_879 = vector.shape_cast %get3A_873 : vector<16xf32> to vector<16xf32>
        tpu.vector_store %arg8[%swap3A_876], %swap3A_879 {strides = array<i32>} : memref<19200xf32, #tpu.memory_space<vmem>>, vector<16xf32>,
        %get3A_880 = arith.index_cast %scan3A_867 : i32 to index
        %get3A_881 = arith.constant 16 : index
        %get3A_882 = tpu.vector_load %arg6[%get3A_880, %get3A_881] {strides = array<i32>} : memref<64x304xf32, #tpu.memory_space<vmem>>, vector<1x16xf32>,
        %get3A_883 = vector.shape_cast %get3A_882 : vector<1x16xf32> to vector<16xf32>
        %add3A_884 = arith.constant 16 : i32
        %add3A_885 = arith.addi %mul3A_869, %add3A_884 : i32
        %swap3A_886 = arith.index_cast %add3A_885 : i32 to index
        %swap3A_887 = tpu.vector_load %arg8[%swap3A_886] {strides = array<i32>} : memref<19200xf32, #tpu.memory_space<vmem>>, vector<16xf32>,
        %swap3A_888 = vector.shape_cast %swap3A_887 : vector<16xf32> to vector<16xf32>
        %swap3A_889 = vector.shape_cast %get3A_883 : vector<16xf32> to vector<16xf32>
        tpu.vector_store %arg8[%swap3A_886], %swap3A_889 {strides = array<i32>} : memref<19200xf32, #tpu.memory_space<vmem>>, vector<16xf32>,
        %get3A_890 = arith.index_cast %scan3A_867 : i32 to index
        %get3A_891 = arith.constant 32 : index
        %get3A_892 = tpu.vector_load %arg6[%get3A_890, %get3A_891] {strides = array<i32>} : memref<64x304xf32, #tpu.memory_space<vmem>>, vector<1x16xf32>,
        %get3A_893 = vector.shape_cast %get3A_892 : vector<1x16xf32> to vector<16xf32>
        %add3A_894 = arith.constant 32 : i32
        %add3A_895 = arith.addi %mul3A_869, %add3A_894 : i32
        %swap3A_896 = arith.index_cast %add3A_895 : i32 to index
        %swap3A_897 = tpu.vector_load %arg8[%swap3A_896] {strides = array<i32>} : memref<19200xf32, #tpu.memory_space<vmem>>, vector<16xf32>,
        %swap3A_898 = vector.shape_cast %swap3A_897 : vector<16xf32> to vector<16xf32>
        %swap3A_899 = vector.shape_cast %get3A_893 : vector<16xf32> to vector<16xf32>
        tpu.vector_store %arg8[%swap3A_896], %swap3A_899 {strides = array<i32>} : memref<19200xf32, #tpu.memory_space<vmem>>, vector<16xf32>,
        %get3A_900 = arith.index_cast %scan3A_867 : i32 to index
        %get3A_901 = arith.constant 48 : index
        %get3A_902 = tpu.vector_load %arg6[%get3A_900, %get3A_901] {strides = array<i32>} : memref<64x304xf32, #tpu.memory_space<vmem>>, vector<1x16xf32>,
        %get3A_903 = vector.shape_cast %get3A_902 : vector<1x16xf32> to vector<16xf32>
        %add3A_904 = arith.constant 48 : i32
        %add3A_905 = arith.addi %mul3A_869, %add3A_904 : i32
        %swap3A_906 = arith.index_cast %add3A_905 : i32 to index
        %swap3A_907 = tpu.vector_load %arg8[%swap3A_906] {strides = array<i32>} : memref<19200xf32, #tpu.memory_space<vmem>>, vector<16xf32>,
        %swap3A_908 = vector.shape_cast %swap3A_907 : vector<16xf32> to vector<16xf32>
        %swap3A_909 = vector.shape_cast %get3A_903 : vector<16xf32> to vector<16xf32>
        tpu.vector_store %arg8[%swap3A_906], %swap3A_909 {strides = array<i32>} : memref<19200xf32, #tpu.memory_space<vmem>>, vector<16xf32>,
        %get3A_910 = arith.index_cast %scan3A_867 : i32 to index
        %get3A_911 = arith.constant 64 : index
        %get3A_912 = tpu.vector_load %arg6[%get3A_910, %get3A_911] {strides = array<i32>} : memref<64x304xf32, #tpu.memory_space<vmem>>, vector<1x16xf32>,
        %get3A_913 = vector.shape_cast %get3A_912 : vector<1x16xf32> to vector<16xf32>
        %add3A_914 = arith.constant 64 : i32
        %add3A_915 = arith.addi %mul3A_869, %add3A_914 : i32
        %swap3A_916 = arith.index_cast %add3A_915 : i32 to index
        %swap3A_917 = tpu.vector_load %arg8[%swap3A_916] {strides = array<i32>} : memref<19200xf32, #tpu.memory_space<vmem>>, vector<16xf32>,
        %swap3A_918 = vector.shape_cast %swap3A_917 : vector<16xf32> to vector<16xf32>
        %swap3A_919 = vector.shape_cast %get3A_913 : vector<16xf32> to vector<16xf32>
        tpu.vector_store %arg8[%swap3A_916], %swap3A_919 {strides = array<i32>} : memref<19200xf32, #tpu.memory_space<vmem>>, vector<16xf32>,
        %get3A_920 = arith.index_cast %scan3A_867 : i32 to index
        %get3A_921 = arith.constant 80 : index
        %get3A_922 = tpu.vector_load %arg6[%get3A_920, %get3A_921] {strides = array<i32>} : memref<64x304xf32, #tpu.memory_space<vmem>>, vector<1x16xf32>,
        %get3A_923 = vector.shape_cast %get3A_922 : vector<1x16xf32> to vector<16xf32>
        %add3A_924 = arith.constant 80 : i32
        %add3A_925 = arith.addi %mul3A_869, %add3A_924 : i32
        %swap3A_926 = arith.index_cast %add3A_925 : i32 to index
        %swap3A_927 = tpu.vector_load %arg8[%swap3A_926] {strides = array<i32>} : memref<19200xf32, #tpu.memory_space<vmem>>, vector<16xf32>,
        %swap3A_928 = vector.shape_cast %swap3A_927 : vector<16xf32> to vector<16xf32>
        %swap3A_929 = vector.shape_cast %get3A_923 : vector<16xf32> to vector<16xf32>
        tpu.vector_store %arg8[%swap3A_926], %swap3A_929 {strides = array<i32>} : memref<19200xf32, #tpu.memory_space<vmem>>, vector<16xf32>,
        %get3A_930 = arith.index_cast %scan3A_867 : i32 to index
        %get3A_931 = arith.constant 96 : index
        %get3A_932 = tpu.vector_load %arg6[%get3A_930, %get3A_931] {strides = array<i32>} : memref<64x304xf32, #tpu.memory_space<vmem>>, vector<1x16xf32>,
        %get3A_933 = vector.shape_cast %get3A_932 : vector<1x16xf32> to vector<16xf32>
        %add3A_934 = arith.constant 96 : i32
        %add3A_935 = arith.addi %mul3A_869, %add3A_934 : i32
        %swap3A_936 = arith.index_cast %add3A_935 : i32 to index
        %swap3A_937 = tpu.vector_load %arg8[%swap3A_936] {strides = array<i32>} : memref<19200xf32, #tpu.memory_space<vmem>>, vector<16xf32>,
        %swap3A_938 = vector.shape_cast %swap3A_937 : vector<16xf32> to vector<16xf32>
        %swap3A_939 = vector.shape_cast %get3A_933 : vector<16xf32> to vector<16xf32>
        tpu.vector_store %arg8[%swap3A_936], %swap3A_939 {strides = array<i32>} : memref<19200xf32, #tpu.memory_space<vmem>>, vector<16xf32>,
        %get3A_940 = arith.index_cast %scan3A_867 : i32 to index
        %get3A_941 = arith.constant 112 : index
        %get3A_942 = tpu.vector_load %arg6[%get3A_940, %get3A_941] {strides = array<i32>} : memref<64x304xf32, #tpu.memory_space<vmem>>, vector<1x16xf32>,
        %get3A_943 = vector.shape_cast %get3A_942 : vector<1x16xf32> to vector<16xf32>
        %add3A_944 = arith.constant 112 : i32
        %add3A_945 = arith.addi %mul3A_869, %add3A_944 : i32
        %swap3A_946 = arith.index_cast %add3A_945 : i32 to index
        %swap3A_947 = tpu.vector_load %arg8[%swap3A_946] {strides = array<i32>} : memref<19200xf32, #tpu.memory_space<vmem>>, vector<16xf32>,
        %swap3A_948 = vector.shape_cast %swap3A_947 : vector<16xf32> to vector<16xf32>
        %swap3A_949 = vector.shape_cast %get3A_943 : vector<16xf32> to vector<16xf32>
        tpu.vector_store %arg8[%swap3A_946], %swap3A_949 {strides = array<i32>} : memref<19200xf32, #tpu.memory_space<vmem>>, vector<16xf32>,
        %get3A_950 = arith.index_cast %scan3A_867 : i32 to index
        %get3A_951 = arith.constant 128 : index
        %get3A_952 = tpu.vector_load %arg6[%get3A_950, %get3A_951] {strides = array<i32>} : memref<64x304xf32, #tpu.memory_space<vmem>>, vector<1x16xf32>,
        %get3A_953 = vector.shape_cast %get3A_952 : vector<1x16xf32> to vector<16xf32>
        %add3A_954 = arith.constant 128 : i32
        %add3A_955 = arith.addi %mul3A_869, %add3A_954 : i32
        %swap3A_956 = arith.index_cast %add3A_955 : i32 to index
        %swap3A_957 = tpu.vector_load %arg8[%swap3A_956] {strides = array<i32>} : memref<19200xf32, #tpu.memory_space<vmem>>, vector<16xf32>,
        %swap3A_958 = vector.shape_cast %swap3A_957 : vector<16xf32> to vector<16xf32>
        %swap3A_959 = vector.shape_cast %get3A_953 : vector<16xf32> to vector<16xf32>
        tpu.vector_store %arg8[%swap3A_956], %swap3A_959 {strides = array<i32>} : memref<19200xf32, #tpu.memory_space<vmem>>, vector<16xf32>,
        %get3A_960 = arith.index_cast %scan3A_867 : i32 to index
        %get3A_961 = arith.constant 144 : index
        %get3A_962 = tpu.vector_load %arg6[%get3A_960, %get3A_961] {strides = array<i32>} : memref<64x304xf32, #tpu.memory_space<vmem>>, vector<1x16xf32>,
        %get3A_963 = vector.shape_cast %get3A_962 : vector<1x16xf32> to vector<16xf32>
        %add3A_964 = arith.constant 144 : i32
        %add3A_965 = arith.addi %mul3A_869, %add3A_964 : i32
        %swap3A_966 = arith.index_cast %add3A_965 : i32 to index
        %swap3A_967 = tpu.vector_load %arg8[%swap3A_966] {strides = array<i32>} : memref<19200xf32, #tpu.memory_space<vmem>>, vector<16xf32>,
        %swap3A_968 = vector.shape_cast %swap3A_967 : vector<16xf32> to vector<16xf32>
        %swap3A_969 = vector.shape_cast %get3A_963 : vector<16xf32> to vector<16xf32>
        tpu.vector_store %arg8[%swap3A_966], %swap3A_969 {strides = array<i32>} : memref<19200xf32, #tpu.memory_space<vmem>>, vector<16xf32>,
        %get3A_970 = arith.index_cast %scan3A_867 : i32 to index
        %get3A_971 = arith.constant 160 : index
        %get3A_972 = tpu.vector_load %arg6[%get3A_970, %get3A_971] {strides = array<i32>} : memref<64x304xf32, #tpu.memory_space<vmem>>, vector<1x16xf32>,
        %get3A_973 = vector.shape_cast %get3A_972 : vector<1x16xf32> to vector<16xf32>
        %add3A_974 = arith.constant 160 : i32
        %add3A_975 = arith.addi %mul3A_869, %add3A_974 : i32
        %swap3A_976 = arith.index_cast %add3A_975 : i32 to index
        %swap3A_977 = tpu.vector_load %arg8[%swap3A_976] {strides = array<i32>} : memref<19200xf32, #tpu.memory_space<vmem>>, vector<16xf32>,
        %swap3A_978 = vector.shape_cast %swap3A_977 : vector<16xf32> to vector<16xf32>
        %swap3A_979 = vector.shape_cast %get3A_973 : vector<16xf32> to vector<16xf32>
        tpu.vector_store %arg8[%swap3A_976], %swap3A_979 {strides = array<i32>} : memref<19200xf32, #tpu.memory_space<vmem>>, vector<16xf32>,
        %get3A_980 = arith.index_cast %scan3A_867 : i32 to index
        %get3A_981 = arith.constant 176 : index
        %get3A_982 = tpu.vector_load %arg6[%get3A_980, %get3A_981] {strides = array<i32>} : memref<64x304xf32, #tpu.memory_space<vmem>>, vector<1x16xf32>,
        %get3A_983 = vector.shape_cast %get3A_982 : vector<1x16xf32> to vector<16xf32>
        %add3A_984 = arith.constant 176 : i32
        %add3A_985 = arith.addi %mul3A_869, %add3A_984 : i32
        %swap3A_986 = arith.index_cast %add3A_985 : i32 to index
        %swap3A_987 = tpu.vector_load %arg8[%swap3A_986] {strides = array<i32>} : memref<19200xf32, #tpu.memory_space<vmem>>, vector<16xf32>,
        %swap3A_988 = vector.shape_cast %swap3A_987 : vector<16xf32> to vector<16xf32>
        %swap3A_989 = vector.shape_cast %get3A_983 : vector<16xf32> to vector<16xf32>
        tpu.vector_store %arg8[%swap3A_986], %swap3A_989 {strides = array<i32>} : memref<19200xf32, #tpu.memory_space<vmem>>, vector<16xf32>,
        %get3A_990 = arith.index_cast %scan3A_867 : i32 to index
        %get3A_991 = arith.constant 192 : index
        %get3A_992 = tpu.vector_load %arg6[%get3A_990, %get3A_991] {strides = array<i32>} : memref<64x304xf32, #tpu.memory_space<vmem>>, vector<1x16xf32>,
        %get3A_993 = vector.shape_cast %get3A_992 : vector<1x16xf32> to vector<16xf32>
        %add3A_994 = arith.constant 192 : i32
        %add3A_995 = arith.addi %mul3A_869, %add3A_994 : i32
        %swap3A_996 = arith.index_cast %add3A_995 : i32 to index
        %swap3A_997 = tpu.vector_load %arg8[%swap3A_996] {strides = array<i32>} : memref<19200xf32, #tpu.memory_space<vmem>>, vector<16xf32>,
        %swap3A_998 = vector.shape_cast %swap3A_997 : vector<16xf32> to vector<16xf32>
        %swap3A_999 = vector.shape_cast %get3A_993 : vector<16xf32> to vector<16xf32>
        tpu.vector_store %arg8[%swap3A_996], %swap3A_999 {strides = array<i32>} : memref<19200xf32, #tpu.memory_space<vmem>>, vector<16xf32>,
        %get3A_1000 = arith.index_cast %scan3A_867 : i32 to index
        %get3A_1001 = arith.constant 208 : index
        %get3A_1002 = tpu.vector_load %arg6[%get3A_1000, %get3A_1001] {strides = array<i32>} : memref<64x304xf32, #tpu.memory_space<vmem>>, vector<1x16xf32>,
        %get3A_1003 = vector.shape_cast %get3A_1002 : vector<1x16xf32> to vector<16xf32>
        %add3A_1004 = arith.constant 208 : i32
        %add3A_1005 = arith.addi %mul3A_869, %add3A_1004 : i32
        %swap3A_1006 = arith.index_cast %add3A_1005 : i32 to index
        %swap3A_1007 = tpu.vector_load %arg8[%swap3A_1006] {strides = array<i32>} : memref<19200xf32, #tpu.memory_space<vmem>>, vector<16xf32>,
        %swap3A_1008 = vector.shape_cast %swap3A_1007 : vector<16xf32> to vector<16xf32>
        %swap3A_1009 = vector.shape_cast %get3A_1003 : vector<16xf32> to vector<16xf32>
        tpu.vector_store %arg8[%swap3A_1006], %swap3A_1009 {strides = array<i32>} : memref<19200xf32, #tpu.memory_space<vmem>>, vector<16xf32>,
        %get3A_1010 = arith.index_cast %scan3A_867 : i32 to index
        %get3A_1011 = arith.constant 224 : index
        %get3A_1012 = tpu.vector_load %arg6[%get3A_1010, %get3A_1011] {strides = array<i32>} : memref<64x304xf32, #tpu.memory_space<vmem>>, vector<1x16xf32>,
        %get3A_1013 = vector.shape_cast %get3A_1012 : vector<1x16xf32> to vector<16xf32>
        %add3A_1014 = arith.constant 224 : i32
        %add3A_1015 = arith.addi %mul3A_869, %add3A_1014 : i32
        %swap3A_1016 = arith.index_cast %add3A_1015 : i32 to index
        %swap3A_1017 = tpu.vector_load %arg8[%swap3A_1016] {strides = array<i32>} : memref<19200xf32, #tpu.memory_space<vmem>>, vector<16xf32>,
        %swap3A_1018 = vector.shape_cast %swap3A_1017 : vector<16xf32> to vector<16xf32>
        %swap3A_1019 = vector.shape_cast %get3A_1013 : vector<16xf32> to vector<16xf32>
        tpu.vector_store %arg8[%swap3A_1016], %swap3A_1019 {strides = array<i32>} : memref<19200xf32, #tpu.memory_space<vmem>>, vector<16xf32>,
        %get3A_1020 = arith.index_cast %scan3A_867 : i32 to index
        %get3A_1021 = arith.constant 240 : index
        %get3A_1022 = tpu.vector_load %arg6[%get3A_1020, %get3A_1021] {strides = array<i32>} : memref<64x304xf32, #tpu.memory_space<vmem>>, vector<1x16xf32>,
        %get3A_1023 = vector.shape_cast %get3A_1022 : vector<1x16xf32> to vector<16xf32>
        %add3A_1024 = arith.constant 240 : i32
        %add3A_1025 = arith.addi %mul3A_869, %add3A_1024 : i32
        %swap3A_1026 = arith.index_cast %add3A_1025 : i32 to index
        %swap3A_1027 = tpu.vector_load %arg8[%swap3A_1026] {strides = array<i32>} : memref<19200xf32, #tpu.memory_space<vmem>>, vector<16xf32>,
        %swap3A_1028 = vector.shape_cast %swap3A_1027 : vector<16xf32> to vector<16xf32>
        %swap3A_1029 = vector.shape_cast %get3A_1023 : vector<16xf32> to vector<16xf32>
        tpu.vector_store %arg8[%swap3A_1026], %swap3A_1029 {strides = array<i32>} : memref<19200xf32, #tpu.memory_space<vmem>>, vector<16xf32>,
        %get3A_1030 = arith.index_cast %scan3A_867 : i32 to index
        %get3A_1031 = arith.constant 256 : index
        %get3A_1032 = tpu.vector_load %arg6[%get3A_1030, %get3A_1031] {strides = array<i32>} : memref<64x304xf32, #tpu.memory_space<vmem>>, vector<1x16xf32>,
        %get3A_1033 = vector.shape_cast %get3A_1032 : vector<1x16xf32> to vector<16xf32>
        %add3A_1034 = arith.constant 256 : i32
        %add3A_1035 = arith.addi %mul3A_869, %add3A_1034 : i32
        %swap3A_1036 = arith.index_cast %add3A_1035 : i32 to index
        %swap3A_1037 = tpu.vector_load %arg8[%swap3A_1036] {strides = array<i32>} : memref<19200xf32, #tpu.memory_space<vmem>>, vector<16xf32>,
        %swap3A_1038 = vector.shape_cast %swap3A_1037 : vector<16xf32> to vector<16xf32>
        %swap3A_1039 = vector.shape_cast %get3A_1033 : vector<16xf32> to vector<16xf32>
        tpu.vector_store %arg8[%swap3A_1036], %swap3A_1039 {strides = array<i32>} : memref<19200xf32, #tpu.memory_space<vmem>>, vector<16xf32>,
        %get3A_1040 = arith.index_cast %scan3A_867 : i32 to index
        %get3A_1041 = arith.constant 272 : index
        %get3A_1042 = tpu.vector_load %arg6[%get3A_1040, %get3A_1041] {strides = array<i32>} : memref<64x304xf32, #tpu.memory_space<vmem>>, vector<1x16xf32>,
        %get3A_1043 = vector.shape_cast %get3A_1042 : vector<1x16xf32> to vector<16xf32>
        %add3A_1044 = arith.constant 272 : i32
        %add3A_1045 = arith.addi %mul3A_869, %add3A_1044 : i32
        %swap3A_1046 = arith.index_cast %add3A_1045 : i32 to index
        %swap3A_1047 = tpu.vector_load %arg8[%swap3A_1046] {strides = array<i32>} : memref<19200xf32, #tpu.memory_space<vmem>>, vector<16xf32>,
        %swap3A_1048 = vector.shape_cast %swap3A_1047 : vector<16xf32> to vector<16xf32>
        %swap3A_1049 = vector.shape_cast %get3A_1043 : vector<16xf32> to vector<16xf32>
        tpu.vector_store %arg8[%swap3A_1046], %swap3A_1049 {strides = array<i32>} : memref<19200xf32, #tpu.memory_space<vmem>>, vector<16xf32>,
        %get3A_1050 = arith.index_cast %scan3A_867 : i32 to index
        %get3A_1051 = arith.constant 284 : index
        %get3A_1052 = tpu.vector_load %arg6[%get3A_1050, %get3A_1051] {strides = array<i32>} : memref<64x304xf32, #tpu.memory_space<vmem>>, vector<1x16xf32>,
        %get3A_1053 = vector.shape_cast %get3A_1052 : vector<1x16xf32> to vector<16xf32>
        %add3A_1054 = arith.constant 300 : i32
        %add3A_1055 = arith.addi %mul3A_869, %add3A_1054 : i32
        %sub3A_1056 = arith.constant 16 : i32
        %sub3A_1057 = arith.subi %add3A_1055, %sub3A_1056 : i32
        %swap3A_1058 = arith.index_cast %sub3A_1057 : i32 to index
        %swap3A_1059 = tpu.vector_load %arg8[%swap3A_1058] {strides = array<i32>} : memref<19200xf32, #tpu.memory_space<vmem>>, vector<16xf32>,
        %swap3A_1060 = vector.shape_cast %swap3A_1059 : vector<16xf32> to vector<16xf32>
        %swap3A_1061 = vector.shape_cast %get3A_1053 : vector<16xf32> to vector<16xf32>
        tpu.vector_store %arg8[%swap3A_1058], %swap3A_1061 {strides = array<i32>} : memref<19200xf32, #tpu.memory_space<vmem>>, vector<16xf32>,
        %scan3A_1062 = arith.constant 5 : i32
        %scan3A_1063 = arith.addi %scan3A_86, %scan3A_1062 : i32
        %mul3A_1064 = arith.constant 300 : i32
        %mul3A_1065 = arith.muli %scan3A_1063, %mul3A_1064 : i32
        %get3A_1066 = arith.index_cast %scan3A_1063 : i32 to index
        %get3A_1067 = arith.constant 0 : index
        %get3A_1068 = tpu.vector_load %arg6[%get3A_1066, %get3A_1067] {strides = array<i32>} : memref<64x304xf32, #tpu.memory_space<vmem>>, vector<1x16xf32>,
        %get3A_1069 = vector.shape_cast %get3A_1068 : vector<1x16xf32> to vector<16xf32>
        %add3A_1070 = arith.constant 0 : i32
        %add3A_1071 = arith.addi %mul3A_1065, %add3A_1070 : i32
        %swap3A_1072 = arith.index_cast %add3A_1071 : i32 to index
        %swap3A_1073 = tpu.vector_load %arg8[%swap3A_1072] {strides = array<i32>} : memref<19200xf32, #tpu.memory_space<vmem>>, vector<16xf32>,
        %swap3A_1074 = vector.shape_cast %swap3A_1073 : vector<16xf32> to vector<16xf32>
        %swap3A_1075 = vector.shape_cast %get3A_1069 : vector<16xf32> to vector<16xf32>
        tpu.vector_store %arg8[%swap3A_1072], %swap3A_1075 {strides = array<i32>} : memref<19200xf32, #tpu.memory_space<vmem>>, vector<16xf32>,
        %get3A_1076 = arith.index_cast %scan3A_1063 : i32 to index
        %get3A_1077 = arith.constant 16 : index
        %get3A_1078 = tpu.vector_load %arg6[%get3A_1076, %get3A_1077] {strides = array<i32>} : memref<64x304xf32, #tpu.memory_space<vmem>>, vector<1x16xf32>,
        %get3A_1079 = vector.shape_cast %get3A_1078 : vector<1x16xf32> to vector<16xf32>
        %add3A_1080 = arith.constant 16 : i32
        %add3A_1081 = arith.addi %mul3A_1065, %add3A_1080 : i32
        %swap3A_1082 = arith.index_cast %add3A_1081 : i32 to index
        %swap3A_1083 = tpu.vector_load %arg8[%swap3A_1082] {strides = array<i32>} : memref<19200xf32, #tpu.memory_space<vmem>>, vector<16xf32>,
        %swap3A_1084 = vector.shape_cast %swap3A_1083 : vector<16xf32> to vector<16xf32>
        %swap3A_1085 = vector.shape_cast %get3A_1079 : vector<16xf32> to vector<16xf32>
        tpu.vector_store %arg8[%swap3A_1082], %swap3A_1085 {strides = array<i32>} : memref<19200xf32, #tpu.memory_space<vmem>>, vector<16xf32>,
        %get3A_1086 = arith.index_cast %scan3A_1063 : i32 to index
        %get3A_1087 = arith.constant 32 : index
        %get3A_1088 = tpu.vector_load %arg6[%get3A_1086, %get3A_1087] {strides = array<i32>} : memref<64x304xf32, #tpu.memory_space<vmem>>, vector<1x16xf32>,
        %get3A_1089 = vector.shape_cast %get3A_1088 : vector<1x16xf32> to vector<16xf32>
        %add3A_1090 = arith.constant 32 : i32
        %add3A_1091 = arith.addi %mul3A_1065, %add3A_1090 : i32
        %swap3A_1092 = arith.index_cast %add3A_1091 : i32 to index
        %swap3A_1093 = tpu.vector_load %arg8[%swap3A_1092] {strides = array<i32>} : memref<19200xf32, #tpu.memory_space<vmem>>, vector<16xf32>,
        %swap3A_1094 = vector.shape_cast %swap3A_1093 : vector<16xf32> to vector<16xf32>
        %swap3A_1095 = vector.shape_cast %get3A_1089 : vector<16xf32> to vector<16xf32>
        tpu.vector_store %arg8[%swap3A_1092], %swap3A_1095 {strides = array<i32>} : memref<19200xf32, #tpu.memory_space<vmem>>, vector<16xf32>,
        %get3A_1096 = arith.index_cast %scan3A_1063 : i32 to index
        %get3A_1097 = arith.constant 48 : index
        %get3A_1098 = tpu.vector_load %arg6[%get3A_1096, %get3A_1097] {strides = array<i32>} : memref<64x304xf32, #tpu.memory_space<vmem>>, vector<1x16xf32>,
        %get3A_1099 = vector.shape_cast %get3A_1098 : vector<1x16xf32> to vector<16xf32>
        %add3A_1100 = arith.constant 48 : i32
        %add3A_1101 = arith.addi %mul3A_1065, %add3A_1100 : i32
        %swap3A_1102 = arith.index_cast %add3A_1101 : i32 to index
        %swap3A_1103 = tpu.vector_load %arg8[%swap3A_1102] {strides = array<i32>} : memref<19200xf32, #tpu.memory_space<vmem>>, vector<16xf32>,
        %swap3A_1104 = vector.shape_cast %swap3A_1103 : vector<16xf32> to vector<16xf32>
        %swap3A_1105 = vector.shape_cast %get3A_1099 : vector<16xf32> to vector<16xf32>
        tpu.vector_store %arg8[%swap3A_1102], %swap3A_1105 {strides = array<i32>} : memref<19200xf32, #tpu.memory_space<vmem>>, vector<16xf32>,
        %get3A_1106 = arith.index_cast %scan3A_1063 : i32 to index
        %get3A_1107 = arith.constant 64 : index
        %get3A_1108 = tpu.vector_load %arg6[%get3A_1106, %get3A_1107] {strides = array<i32>} : memref<64x304xf32, #tpu.memory_space<vmem>>, vector<1x16xf32>,
        %get3A_1109 = vector.shape_cast %get3A_1108 : vector<1x16xf32> to vector<16xf32>
        %add3A_1110 = arith.constant 64 : i32
        %add3A_1111 = arith.addi %mul3A_1065, %add3A_1110 : i32
        %swap3A_1112 = arith.index_cast %add3A_1111 : i32 to index
        %swap3A_1113 = tpu.vector_load %arg8[%swap3A_1112] {strides = array<i32>} : memref<19200xf32, #tpu.memory_space<vmem>>, vector<16xf32>,
        %swap3A_1114 = vector.shape_cast %swap3A_1113 : vector<16xf32> to vector<16xf32>
        %swap3A_1115 = vector.shape_cast %get3A_1109 : vector<16xf32> to vector<16xf32>
        tpu.vector_store %arg8[%swap3A_1112], %swap3A_1115 {strides = array<i32>} : memref<19200xf32, #tpu.memory_space<vmem>>, vector<16xf32>,
        %get3A_1116 = arith.index_cast %scan3A_1063 : i32 to index
        %get3A_1117 = arith.constant 80 : index
        %get3A_1118 = tpu.vector_load %arg6[%get3A_1116, %get3A_1117] {strides = array<i32>} : memref<64x304xf32, #tpu.memory_space<vmem>>, vector<1x16xf32>,
        %get3A_1119 = vector.shape_cast %get3A_1118 : vector<1x16xf32> to vector<16xf32>
        %add3A_1120 = arith.constant 80 : i32
        %add3A_1121 = arith.addi %mul3A_1065, %add3A_1120 : i32
        %swap3A_1122 = arith.index_cast %add3A_1121 : i32 to index
        %swap3A_1123 = tpu.vector_load %arg8[%swap3A_1122] {strides = array<i32>} : memref<19200xf32, #tpu.memory_space<vmem>>, vector<16xf32>,
        %swap3A_1124 = vector.shape_cast %swap3A_1123 : vector<16xf32> to vector<16xf32>
        %swap3A_1125 = vector.shape_cast %get3A_1119 : vector<16xf32> to vector<16xf32>
        tpu.vector_store %arg8[%swap3A_1122], %swap3A_1125 {strides = array<i32>} : memref<19200xf32, #tpu.memory_space<vmem>>, vector<16xf32>,
        %get3A_1126 = arith.index_cast %scan3A_1063 : i32 to index
        %get3A_1127 = arith.constant 96 : index
        %get3A_1128 = tpu.vector_load %arg6[%get3A_1126, %get3A_1127] {strides = array<i32>} : memref<64x304xf32, #tpu.memory_space<vmem>>, vector<1x16xf32>,
        %get3A_1129 = vector.shape_cast %get3A_1128 : vector<1x16xf32> to vector<16xf32>
        %add3A_1130 = arith.constant 96 : i32
        %add3A_1131 = arith.addi %mul3A_1065, %add3A_1130 : i32
        %swap3A_1132 = arith.index_cast %add3A_1131 : i32 to index
        %swap3A_1133 = tpu.vector_load %arg8[%swap3A_1132] {strides = array<i32>} : memref<19200xf32, #tpu.memory_space<vmem>>, vector<16xf32>,
        %swap3A_1134 = vector.shape_cast %swap3A_1133 : vector<16xf32> to vector<16xf32>
        %swap3A_1135 = vector.shape_cast %get3A_1129 : vector<16xf32> to vector<16xf32>
        tpu.vector_store %arg8[%swap3A_1132], %swap3A_1135 {strides = array<i32>} : memref<19200xf32, #tpu.memory_space<vmem>>, vector<16xf32>,
        %get3A_1136 = arith.index_cast %scan3A_1063 : i32 to index
        %get3A_1137 = arith.constant 112 : index
        %get3A_1138 = tpu.vector_load %arg6[%get3A_1136, %get3A_1137] {strides = array<i32>} : memref<64x304xf32, #tpu.memory_space<vmem>>, vector<1x16xf32>,
        %get3A_1139 = vector.shape_cast %get3A_1138 : vector<1x16xf32> to vector<16xf32>
        %add3A_1140 = arith.constant 112 : i32
        %add3A_1141 = arith.addi %mul3A_1065, %add3A_1140 : i32
        %swap3A_1142 = arith.index_cast %add3A_1141 : i32 to index
        %swap3A_1143 = tpu.vector_load %arg8[%swap3A_1142] {strides = array<i32>} : memref<19200xf32, #tpu.memory_space<vmem>>, vector<16xf32>,
        %swap3A_1144 = vector.shape_cast %swap3A_1143 : vector<16xf32> to vector<16xf32>
        %swap3A_1145 = vector.shape_cast %get3A_1139 : vector<16xf32> to vector<16xf32>
        tpu.vector_store %arg8[%swap3A_1142], %swap3A_1145 {strides = array<i32>} : memref<19200xf32, #tpu.memory_space<vmem>>, vector<16xf32>,
        %get3A_1146 = arith.index_cast %scan3A_1063 : i32 to index
        %get3A_1147 = arith.constant 128 : index
        %get3A_1148 = tpu.vector_load %arg6[%get3A_1146, %get3A_1147] {strides = array<i32>} : memref<64x304xf32, #tpu.memory_space<vmem>>, vector<1x16xf32>,
        %get3A_1149 = vector.shape_cast %get3A_1148 : vector<1x16xf32> to vector<16xf32>
        %add3A_1150 = arith.constant 128 : i32
        %add3A_1151 = arith.addi %mul3A_1065, %add3A_1150 : i32
        %swap3A_1152 = arith.index_cast %add3A_1151 : i32 to index
        %swap3A_1153 = tpu.vector_load %arg8[%swap3A_1152] {strides = array<i32>} : memref<19200xf32, #tpu.memory_space<vmem>>, vector<16xf32>,
        %swap3A_1154 = vector.shape_cast %swap3A_1153 : vector<16xf32> to vector<16xf32>
        %swap3A_1155 = vector.shape_cast %get3A_1149 : vector<16xf32> to vector<16xf32>
        tpu.vector_store %arg8[%swap3A_1152], %swap3A_1155 {strides = array<i32>} : memref<19200xf32, #tpu.memory_space<vmem>>, vector<16xf32>,
        %get3A_1156 = arith.index_cast %scan3A_1063 : i32 to index
        %get3A_1157 = arith.constant 144 : index
        %get3A_1158 = tpu.vector_load %arg6[%get3A_1156, %get3A_1157] {strides = array<i32>} : memref<64x304xf32, #tpu.memory_space<vmem>>, vector<1x16xf32>,
        %get3A_1159 = vector.shape_cast %get3A_1158 : vector<1x16xf32> to vector<16xf32>
        %add3A_1160 = arith.constant 144 : i32
        %add3A_1161 = arith.addi %mul3A_1065, %add3A_1160 : i32
        %swap3A_1162 = arith.index_cast %add3A_1161 : i32 to index
        %swap3A_1163 = tpu.vector_load %arg8[%swap3A_1162] {strides = array<i32>} : memref<19200xf32, #tpu.memory_space<vmem>>, vector<16xf32>,
        %swap3A_1164 = vector.shape_cast %swap3A_1163 : vector<16xf32> to vector<16xf32>
        %swap3A_1165 = vector.shape_cast %get3A_1159 : vector<16xf32> to vector<16xf32>
        tpu.vector_store %arg8[%swap3A_1162], %swap3A_1165 {strides = array<i32>} : memref<19200xf32, #tpu.memory_space<vmem>>, vector<16xf32>,
        %get3A_1166 = arith.index_cast %scan3A_1063 : i32 to index
        %get3A_1167 = arith.constant 160 : index
        %get3A_1168 = tpu.vector_load %arg6[%get3A_1166, %get3A_1167] {strides = array<i32>} : memref<64x304xf32, #tpu.memory_space<vmem>>, vector<1x16xf32>,
        %get3A_1169 = vector.shape_cast %get3A_1168 : vector<1x16xf32> to vector<16xf32>
        %add3A_1170 = arith.constant 160 : i32
        %add3A_1171 = arith.addi %mul3A_1065, %add3A_1170 : i32
        %swap3A_1172 = arith.index_cast %add3A_1171 : i32 to index
        %swap3A_1173 = tpu.vector_load %arg8[%swap3A_1172] {strides = array<i32>} : memref<19200xf32, #tpu.memory_space<vmem>>, vector<16xf32>,
        %swap3A_1174 = vector.shape_cast %swap3A_1173 : vector<16xf32> to vector<16xf32>
        %swap3A_1175 = vector.shape_cast %get3A_1169 : vector<16xf32> to vector<16xf32>
        tpu.vector_store %arg8[%swap3A_1172], %swap3A_1175 {strides = array<i32>} : memref<19200xf32, #tpu.memory_space<vmem>>, vector<16xf32>,
        %get3A_1176 = arith.index_cast %scan3A_1063 : i32 to index
        %get3A_1177 = arith.constant 176 : index
        %get3A_1178 = tpu.vector_load %arg6[%get3A_1176, %get3A_1177] {strides = array<i32>} : memref<64x304xf32, #tpu.memory_space<vmem>>, vector<1x16xf32>,
        %get3A_1179 = vector.shape_cast %get3A_1178 : vector<1x16xf32> to vector<16xf32>
        %add3A_1180 = arith.constant 176 : i32
        %add3A_1181 = arith.addi %mul3A_1065, %add3A_1180 : i32
        %swap3A_1182 = arith.index_cast %add3A_1181 : i32 to index
        %swap3A_1183 = tpu.vector_load %arg8[%swap3A_1182] {strides = array<i32>} : memref<19200xf32, #tpu.memory_space<vmem>>, vector<16xf32>,
        %swap3A_1184 = vector.shape_cast %swap3A_1183 : vector<16xf32> to vector<16xf32>
        %swap3A_1185 = vector.shape_cast %get3A_1179 : vector<16xf32> to vector<16xf32>
        tpu.vector_store %arg8[%swap3A_1182], %swap3A_1185 {strides = array<i32>} : memref<19200xf32, #tpu.memory_space<vmem>>, vector<16xf32>,
        %get3A_1186 = arith.index_cast %scan3A_1063 : i32 to index
        %get3A_1187 = arith.constant 192 : index
        %get3A_1188 = tpu.vector_load %arg6[%get3A_1186, %get3A_1187] {strides = array<i32>} : memref<64x304xf32, #tpu.memory_space<vmem>>, vector<1x16xf32>,
        %get3A_1189 = vector.shape_cast %get3A_1188 : vector<1x16xf32> to vector<16xf32>
        %add3A_1190 = arith.constant 192 : i32
        %add3A_1191 = arith.addi %mul3A_1065, %add3A_1190 : i32
        %swap3A_1192 = arith.index_cast %add3A_1191 : i32 to index
        %swap3A_1193 = tpu.vector_load %arg8[%swap3A_1192] {strides = array<i32>} : memref<19200xf32, #tpu.memory_space<vmem>>, vector<16xf32>,
        %swap3A_1194 = vector.shape_cast %swap3A_1193 : vector<16xf32> to vector<16xf32>
        %swap3A_1195 = vector.shape_cast %get3A_1189 : vector<16xf32> to vector<16xf32>
        tpu.vector_store %arg8[%swap3A_1192], %swap3A_1195 {strides = array<i32>} : memref<19200xf32, #tpu.memory_space<vmem>>, vector<16xf32>,
        %get3A_1196 = arith.index_cast %scan3A_1063 : i32 to index
        %get3A_1197 = arith.constant 208 : index
        %get3A_1198 = tpu.vector_load %arg6[%get3A_1196, %get3A_1197] {strides = array<i32>} : memref<64x304xf32, #tpu.memory_space<vmem>>, vector<1x16xf32>,
        %get3A_1199 = vector.shape_cast %get3A_1198 : vector<1x16xf32> to vector<16xf32>
        %add3A_1200 = arith.constant 208 : i32
        %add3A_1201 = arith.addi %mul3A_1065, %add3A_1200 : i32
        %swap3A_1202 = arith.index_cast %add3A_1201 : i32 to index
        %swap3A_1203 = tpu.vector_load %arg8[%swap3A_1202] {strides = array<i32>} : memref<19200xf32, #tpu.memory_space<vmem>>, vector<16xf32>,
        %swap3A_1204 = vector.shape_cast %swap3A_1203 : vector<16xf32> to vector<16xf32>
        %swap3A_1205 = vector.shape_cast %get3A_1199 : vector<16xf32> to vector<16xf32>
        tpu.vector_store %arg8[%swap3A_1202], %swap3A_1205 {strides = array<i32>} : memref<19200xf32, #tpu.memory_space<vmem>>, vector<16xf32>,
        %get3A_1206 = arith.index_cast %scan3A_1063 : i32 to index
        %get3A_1207 = arith.constant 224 : index
        %get3A_1208 = tpu.vector_load %arg6[%get3A_1206, %get3A_1207] {strides = array<i32>} : memref<64x304xf32, #tpu.memory_space<vmem>>, vector<1x16xf32>,
        %get3A_1209 = vector.shape_cast %get3A_1208 : vector<1x16xf32> to vector<16xf32>
        %add3A_1210 = arith.constant 224 : i32
        %add3A_1211 = arith.addi %mul3A_1065, %add3A_1210 : i32
        %swap3A_1212 = arith.index_cast %add3A_1211 : i32 to index
        %swap3A_1213 = tpu.vector_load %arg8[%swap3A_1212] {strides = array<i32>} : memref<19200xf32, #tpu.memory_space<vmem>>, vector<16xf32>,
        %swap3A_1214 = vector.shape_cast %swap3A_1213 : vector<16xf32> to vector<16xf32>
        %swap3A_1215 = vector.shape_cast %get3A_1209 : vector<16xf32> to vector<16xf32>
        tpu.vector_store %arg8[%swap3A_1212], %swap3A_1215 {strides = array<i32>} : memref<19200xf32, #tpu.memory_space<vmem>>, vector<16xf32>,
        %get3A_1216 = arith.index_cast %scan3A_1063 : i32 to index
        %get3A_1217 = arith.constant 240 : index
        %get3A_1218 = tpu.vector_load %arg6[%get3A_1216, %get3A_1217] {strides = array<i32>} : memref<64x304xf32, #tpu.memory_space<vmem>>, vector<1x16xf32>,
        %get3A_1219 = vector.shape_cast %get3A_1218 : vector<1x16xf32> to vector<16xf32>
        %add3A_1220 = arith.constant 240 : i32
        %add3A_1221 = arith.addi %mul3A_1065, %add3A_1220 : i32
        %swap3A_1222 = arith.index_cast %add3A_1221 : i32 to index
        %swap3A_1223 = tpu.vector_load %arg8[%swap3A_1222] {strides = array<i32>} : memref<19200xf32, #tpu.memory_space<vmem>>, vector<16xf32>,
        %swap3A_1224 = vector.shape_cast %swap3A_1223 : vector<16xf32> to vector<16xf32>
        %swap3A_1225 = vector.shape_cast %get3A_1219 : vector<16xf32> to vector<16xf32>
        tpu.vector_store %arg8[%swap3A_1222], %swap3A_1225 {strides = array<i32>} : memref<19200xf32, #tpu.memory_space<vmem>>, vector<16xf32>,
        %get3A_1226 = arith.index_cast %scan3A_1063 : i32 to index
        %get3A_1227 = arith.constant 256 : index
        %get3A_1228 = tpu.vector_load %arg6[%get3A_1226, %get3A_1227] {strides = array<i32>} : memref<64x304xf32, #tpu.memory_space<vmem>>, vector<1x16xf32>,
        %get3A_1229 = vector.shape_cast %get3A_1228 : vector<1x16xf32> to vector<16xf32>
        %add3A_1230 = arith.constant 256 : i32
        %add3A_1231 = arith.addi %mul3A_1065, %add3A_1230 : i32
        %swap3A_1232 = arith.index_cast %add3A_1231 : i32 to index
        %swap3A_1233 = tpu.vector_load %arg8[%swap3A_1232] {strides = array<i32>} : memref<19200xf32, #tpu.memory_space<vmem>>, vector<16xf32>,
        %swap3A_1234 = vector.shape_cast %swap3A_1233 : vector<16xf32> to vector<16xf32>
        %swap3A_1235 = vector.shape_cast %get3A_1229 : vector<16xf32> to vector<16xf32>
        tpu.vector_store %arg8[%swap3A_1232], %swap3A_1235 {strides = array<i32>} : memref<19200xf32, #tpu.memory_space<vmem>>, vector<16xf32>,
        %get3A_1236 = arith.index_cast %scan3A_1063 : i32 to index
        %get3A_1237 = arith.constant 272 : index
        %get3A_1238 = tpu.vector_load %arg6[%get3A_1236, %get3A_1237] {strides = array<i32>} : memref<64x304xf32, #tpu.memory_space<vmem>>, vector<1x16xf32>,
        %get3A_1239 = vector.shape_cast %get3A_1238 : vector<1x16xf32> to vector<16xf32>
        %add3A_1240 = arith.constant 272 : i32
        %add3A_1241 = arith.addi %mul3A_1065, %add3A_1240 : i32
        %swap3A_1242 = arith.index_cast %add3A_1241 : i32 to index
        %swap3A_1243 = tpu.vector_load %arg8[%swap3A_1242] {strides = array<i32>} : memref<19200xf32, #tpu.memory_space<vmem>>, vector<16xf32>,
        %swap3A_1244 = vector.shape_cast %swap3A_1243 : vector<16xf32> to vector<16xf32>
        %swap3A_1245 = vector.shape_cast %get3A_1239 : vector<16xf32> to vector<16xf32>
        tpu.vector_store %arg8[%swap3A_1242], %swap3A_1245 {strides = array<i32>} : memref<19200xf32, #tpu.memory_space<vmem>>, vector<16xf32>,
        %get3A_1246 = arith.index_cast %scan3A_1063 : i32 to index
        %get3A_1247 = arith.constant 284 : index
        %get3A_1248 = tpu.vector_load %arg6[%get3A_1246, %get3A_1247] {strides = array<i32>} : memref<64x304xf32, #tpu.memory_space<vmem>>, vector<1x16xf32>,
        %get3A_1249 = vector.shape_cast %get3A_1248 : vector<1x16xf32> to vector<16xf32>
        %add3A_1250 = arith.constant 300 : i32
        %add3A_1251 = arith.addi %mul3A_1065, %add3A_1250 : i32
        %sub3A_1252 = arith.constant 16 : i32
        %sub3A_1253 = arith.subi %add3A_1251, %sub3A_1252 : i32
        %swap3A_1254 = arith.index_cast %sub3A_1253 : i32 to index
        %swap3A_1255 = tpu.vector_load %arg8[%swap3A_1254] {strides = array<i32>} : memref<19200xf32, #tpu.memory_space<vmem>>, vector<16xf32>,
        %swap3A_1256 = vector.shape_cast %swap3A_1255 : vector<16xf32> to vector<16xf32>
        %swap3A_1257 = vector.shape_cast %get3A_1249 : vector<16xf32> to vector<16xf32>
        tpu.vector_store %arg8[%swap3A_1254], %swap3A_1257 {strides = array<i32>} : memref<19200xf32, #tpu.memory_space<vmem>>, vector<16xf32>,
        %scan3A_1258 = arith.constant 6 : i32
        %scan3A_1259 = arith.addi %scan3A_86, %scan3A_1258 : i32
        %mul3A_1260 = arith.constant 300 : i32
        %mul3A_1261 = arith.muli %scan3A_1259, %mul3A_1260 : i32
        %get3A_1262 = arith.index_cast %scan3A_1259 : i32 to index
        %get3A_1263 = arith.constant 0 : index
        %get3A_1264 = tpu.vector_load %arg6[%get3A_1262, %get3A_1263] {strides = array<i32>} : memref<64x304xf32, #tpu.memory_space<vmem>>, vector<1x16xf32>,
        %get3A_1265 = vector.shape_cast %get3A_1264 : vector<1x16xf32> to vector<16xf32>
        %add3A_1266 = arith.constant 0 : i32
        %add3A_1267 = arith.addi %mul3A_1261, %add3A_1266 : i32
        %swap3A_1268 = arith.index_cast %add3A_1267 : i32 to index
        %swap3A_1269 = tpu.vector_load %arg8[%swap3A_1268] {strides = array<i32>} : memref<19200xf32, #tpu.memory_space<vmem>>, vector<16xf32>,
        %swap3A_1270 = vector.shape_cast %swap3A_1269 : vector<16xf32> to vector<16xf32>
        %swap3A_1271 = vector.shape_cast %get3A_1265 : vector<16xf32> to vector<16xf32>
        tpu.vector_store %arg8[%swap3A_1268], %swap3A_1271 {strides = array<i32>} : memref<19200xf32, #tpu.memory_space<vmem>>, vector<16xf32>,
        %get3A_1272 = arith.index_cast %scan3A_1259 : i32 to index
        %get3A_1273 = arith.constant 16 : index
        %get3A_1274 = tpu.vector_load %arg6[%get3A_1272, %get3A_1273] {strides = array<i32>} : memref<64x304xf32, #tpu.memory_space<vmem>>, vector<1x16xf32>,
        %get3A_1275 = vector.shape_cast %get3A_1274 : vector<1x16xf32> to vector<16xf32>
        %add3A_1276 = arith.constant 16 : i32
        %add3A_1277 = arith.addi %mul3A_1261, %add3A_1276 : i32
        %swap3A_1278 = arith.index_cast %add3A_1277 : i32 to index
        %swap3A_1279 = tpu.vector_load %arg8[%swap3A_1278] {strides = array<i32>} : memref<19200xf32, #tpu.memory_space<vmem>>, vector<16xf32>,
        %swap3A_1280 = vector.shape_cast %swap3A_1279 : vector<16xf32> to vector<16xf32>
        %swap3A_1281 = vector.shape_cast %get3A_1275 : vector<16xf32> to vector<16xf32>
        tpu.vector_store %arg8[%swap3A_1278], %swap3A_1281 {strides = array<i32>} : memref<19200xf32, #tpu.memory_space<vmem>>, vector<16xf32>,
        %get3A_1282 = arith.index_cast %scan3A_1259 : i32 to index
        %get3A_1283 = arith.constant 32 : index
        %get3A_1284 = tpu.vector_load %arg6[%get3A_1282, %get3A_1283] {strides = array<i32>} : memref<64x304xf32, #tpu.memory_space<vmem>>, vector<1x16xf32>,
        %get3A_1285 = vector.shape_cast %get3A_1284 : vector<1x16xf32> to vector<16xf32>
        %add3A_1286 = arith.constant 32 : i32
        %add3A_1287 = arith.addi %mul3A_1261, %add3A_1286 : i32
        %swap3A_1288 = arith.index_cast %add3A_1287 : i32 to index
        %swap3A_1289 = tpu.vector_load %arg8[%swap3A_1288] {strides = array<i32>} : memref<19200xf32, #tpu.memory_space<vmem>>, vector<16xf32>,
        %swap3A_1290 = vector.shape_cast %swap3A_1289 : vector<16xf32> to vector<16xf32>
        %swap3A_1291 = vector.shape_cast %get3A_1285 : vector<16xf32> to vector<16xf32>
        tpu.vector_store %arg8[%swap3A_1288], %swap3A_1291 {strides = array<i32>} : memref<19200xf32, #tpu.memory_space<vmem>>, vector<16xf32>,
        %get3A_1292 = arith.index_cast %scan3A_1259 : i32 to index
        %get3A_1293 = arith.constant 48 : index
        %get3A_1294 = tpu.vector_load %arg6[%get3A_1292, %get3A_1293] {strides = array<i32>} : memref<64x304xf32, #tpu.memory_space<vmem>>, vector<1x16xf32>,
        %get3A_1295 = vector.shape_cast %get3A_1294 : vector<1x16xf32> to vector<16xf32>
        %add3A_1296 = arith.constant 48 : i32
        %add3A_1297 = arith.addi %mul3A_1261, %add3A_1296 : i32
        %swap3A_1298 = arith.index_cast %add3A_1297 : i32 to index
        %swap3A_1299 = tpu.vector_load %arg8[%swap3A_1298] {strides = array<i32>} : memref<19200xf32, #tpu.memory_space<vmem>>, vector<16xf32>,
        %swap3A_1300 = vector.shape_cast %swap3A_1299 : vector<16xf32> to vector<16xf32>
        %swap3A_1301 = vector.shape_cast %get3A_1295 : vector<16xf32> to vector<16xf32>
        tpu.vector_store %arg8[%swap3A_1298], %swap3A_1301 {strides = array<i32>} : memref<19200xf32, #tpu.memory_space<vmem>>, vector<16xf32>,
        %get3A_1302 = arith.index_cast %scan3A_1259 : i32 to index
        %get3A_1303 = arith.constant 64 : index
        %get3A_1304 = tpu.vector_load %arg6[%get3A_1302, %get3A_1303] {strides = array<i32>} : memref<64x304xf32, #tpu.memory_space<vmem>>, vector<1x16xf32>,
        %get3A_1305 = vector.shape_cast %get3A_1304 : vector<1x16xf32> to vector<16xf32>
        %add3A_1306 = arith.constant 64 : i32
        %add3A_1307 = arith.addi %mul3A_1261, %add3A_1306 : i32
        %swap3A_1308 = arith.index_cast %add3A_1307 : i32 to index
        %swap3A_1309 = tpu.vector_load %arg8[%swap3A_1308] {strides = array<i32>} : memref<19200xf32, #tpu.memory_space<vmem>>, vector<16xf32>,
        %swap3A_1310 = vector.shape_cast %swap3A_1309 : vector<16xf32> to vector<16xf32>
        %swap3A_1311 = vector.shape_cast %get3A_1305 : vector<16xf32> to vector<16xf32>
        tpu.vector_store %arg8[%swap3A_1308], %swap3A_1311 {strides = array<i32>} : memref<19200xf32, #tpu.memory_space<vmem>>, vector<16xf32>,
        %get3A_1312 = arith.index_cast %scan3A_1259 : i32 to index
        %get3A_1313 = arith.constant 80 : index
        %get3A_1314 = tpu.vector_load %arg6[%get3A_1312, %get3A_1313] {strides = array<i32>} : memref<64x304xf32, #tpu.memory_space<vmem>>, vector<1x16xf32>,
        %get3A_1315 = vector.shape_cast %get3A_1314 : vector<1x16xf32> to vector<16xf32>
        %add3A_1316 = arith.constant 80 : i32
        %add3A_1317 = arith.addi %mul3A_1261, %add3A_1316 : i32
        %swap3A_1318 = arith.index_cast %add3A_1317 : i32 to index
        %swap3A_1319 = tpu.vector_load %arg8[%swap3A_1318] {strides = array<i32>} : memref<19200xf32, #tpu.memory_space<vmem>>, vector<16xf32>,
        %swap3A_1320 = vector.shape_cast %swap3A_1319 : vector<16xf32> to vector<16xf32>
        %swap3A_1321 = vector.shape_cast %get3A_1315 : vector<16xf32> to vector<16xf32>
        tpu.vector_store %arg8[%swap3A_1318], %swap3A_1321 {strides = array<i32>} : memref<19200xf32, #tpu.memory_space<vmem>>, vector<16xf32>,
        %get3A_1322 = arith.index_cast %scan3A_1259 : i32 to index
        %get3A_1323 = arith.constant 96 : index
        %get3A_1324 = tpu.vector_load %arg6[%get3A_1322, %get3A_1323] {strides = array<i32>} : memref<64x304xf32, #tpu.memory_space<vmem>>, vector<1x16xf32>,
        %get3A_1325 = vector.shape_cast %get3A_1324 : vector<1x16xf32> to vector<16xf32>
        %add3A_1326 = arith.constant 96 : i32
        %add3A_1327 = arith.addi %mul3A_1261, %add3A_1326 : i32
        %swap3A_1328 = arith.index_cast %add3A_1327 : i32 to index
        %swap3A_1329 = tpu.vector_load %arg8[%swap3A_1328] {strides = array<i32>} : memref<19200xf32, #tpu.memory_space<vmem>>, vector<16xf32>,
        %swap3A_1330 = vector.shape_cast %swap3A_1329 : vector<16xf32> to vector<16xf32>
        %swap3A_1331 = vector.shape_cast %get3A_1325 : vector<16xf32> to vector<16xf32>
        tpu.vector_store %arg8[%swap3A_1328], %swap3A_1331 {strides = array<i32>} : memref<19200xf32, #tpu.memory_space<vmem>>, vector<16xf32>,
        %get3A_1332 = arith.index_cast %scan3A_1259 : i32 to index
        %get3A_1333 = arith.constant 112 : index
        %get3A_1334 = tpu.vector_load %arg6[%get3A_1332, %get3A_1333] {strides = array<i32>} : memref<64x304xf32, #tpu.memory_space<vmem>>, vector<1x16xf32>,
        %get3A_1335 = vector.shape_cast %get3A_1334 : vector<1x16xf32> to vector<16xf32>
        %add3A_1336 = arith.constant 112 : i32
        %add3A_1337 = arith.addi %mul3A_1261, %add3A_1336 : i32
        %swap3A_1338 = arith.index_cast %add3A_1337 : i32 to index
        %swap3A_1339 = tpu.vector_load %arg8[%swap3A_1338] {strides = array<i32>} : memref<19200xf32, #tpu.memory_space<vmem>>, vector<16xf32>,
        %swap3A_1340 = vector.shape_cast %swap3A_1339 : vector<16xf32> to vector<16xf32>
        %swap3A_1341 = vector.shape_cast %get3A_1335 : vector<16xf32> to vector<16xf32>
        tpu.vector_store %arg8[%swap3A_1338], %swap3A_1341 {strides = array<i32>} : memref<19200xf32, #tpu.memory_space<vmem>>, vector<16xf32>,
        %get3A_1342 = arith.index_cast %scan3A_1259 : i32 to index
        %get3A_1343 = arith.constant 128 : index
        %get3A_1344 = tpu.vector_load %arg6[%get3A_1342, %get3A_1343] {strides = array<i32>} : memref<64x304xf32, #tpu.memory_space<vmem>>, vector<1x16xf32>,
        %get3A_1345 = vector.shape_cast %get3A_1344 : vector<1x16xf32> to vector<16xf32>
        %add3A_1346 = arith.constant 128 : i32
        %add3A_1347 = arith.addi %mul3A_1261, %add3A_1346 : i32
        %swap3A_1348 = arith.index_cast %add3A_1347 : i32 to index
        %swap3A_1349 = tpu.vector_load %arg8[%swap3A_1348] {strides = array<i32>} : memref<19200xf32, #tpu.memory_space<vmem>>, vector<16xf32>,
        %swap3A_1350 = vector.shape_cast %swap3A_1349 : vector<16xf32> to vector<16xf32>
        %swap3A_1351 = vector.shape_cast %get3A_1345 : vector<16xf32> to vector<16xf32>
        tpu.vector_store %arg8[%swap3A_1348], %swap3A_1351 {strides = array<i32>} : memref<19200xf32, #tpu.memory_space<vmem>>, vector<16xf32>,
        %get3A_1352 = arith.index_cast %scan3A_1259 : i32 to index
        %get3A_1353 = arith.constant 144 : index
        %get3A_1354 = tpu.vector_load %arg6[%get3A_1352, %get3A_1353] {strides = array<i32>} : memref<64x304xf32, #tpu.memory_space<vmem>>, vector<1x16xf32>,
        %get3A_1355 = vector.shape_cast %get3A_1354 : vector<1x16xf32> to vector<16xf32>
        %add3A_1356 = arith.constant 144 : i32
        %add3A_1357 = arith.addi %mul3A_1261, %add3A_1356 : i32
        %swap3A_1358 = arith.index_cast %add3A_1357 : i32 to index
        %swap3A_1359 = tpu.vector_load %arg8[%swap3A_1358] {strides = array<i32>} : memref<19200xf32, #tpu.memory_space<vmem>>, vector<16xf32>,
        %swap3A_1360 = vector.shape_cast %swap3A_1359 : vector<16xf32> to vector<16xf32>
        %swap3A_1361 = vector.shape_cast %get3A_1355 : vector<16xf32> to vector<16xf32>
        tpu.vector_store %arg8[%swap3A_1358], %swap3A_1361 {strides = array<i32>} : memref<19200xf32, #tpu.memory_space<vmem>>, vector<16xf32>,
        %get3A_1362 = arith.index_cast %scan3A_1259 : i32 to index
        %get3A_1363 = arith.constant 160 : index
        %get3A_1364 = tpu.vector_load %arg6[%get3A_1362, %get3A_1363] {strides = array<i32>} : memref<64x304xf32, #tpu.memory_space<vmem>>, vector<1x16xf32>,
        %get3A_1365 = vector.shape_cast %get3A_1364 : vector<1x16xf32> to vector<16xf32>
        %add3A_1366 = arith.constant 160 : i32
        %add3A_1367 = arith.addi %mul3A_1261, %add3A_1366 : i32
        %swap3A_1368 = arith.index_cast %add3A_1367 : i32 to index
        %swap3A_1369 = tpu.vector_load %arg8[%swap3A_1368] {strides = array<i32>} : memref<19200xf32, #tpu.memory_space<vmem>>, vector<16xf32>,
        %swap3A_1370 = vector.shape_cast %swap3A_1369 : vector<16xf32> to vector<16xf32>
        %swap3A_1371 = vector.shape_cast %get3A_1365 : vector<16xf32> to vector<16xf32>
        tpu.vector_store %arg8[%swap3A_1368], %swap3A_1371 {strides = array<i32>} : memref<19200xf32, #tpu.memory_space<vmem>>, vector<16xf32>,
        %get3A_1372 = arith.index_cast %scan3A_1259 : i32 to index
        %get3A_1373 = arith.constant 176 : index
        %get3A_1374 = tpu.vector_load %arg6[%get3A_1372, %get3A_1373] {strides = array<i32>} : memref<64x304xf32, #tpu.memory_space<vmem>>, vector<1x16xf32>,
        %get3A_1375 = vector.shape_cast %get3A_1374 : vector<1x16xf32> to vector<16xf32>
        %add3A_1376 = arith.constant 176 : i32
        %add3A_1377 = arith.addi %mul3A_1261, %add3A_1376 : i32
        %swap3A_1378 = arith.index_cast %add3A_1377 : i32 to index
        %swap3A_1379 = tpu.vector_load %arg8[%swap3A_1378] {strides = array<i32>} : memref<19200xf32, #tpu.memory_space<vmem>>, vector<16xf32>,
        %swap3A_1380 = vector.shape_cast %swap3A_1379 : vector<16xf32> to vector<16xf32>
        %swap3A_1381 = vector.shape_cast %get3A_1375 : vector<16xf32> to vector<16xf32>
        tpu.vector_store %arg8[%swap3A_1378], %swap3A_1381 {strides = array<i32>} : memref<19200xf32, #tpu.memory_space<vmem>>, vector<16xf32>,
        %get3A_1382 = arith.index_cast %scan3A_1259 : i32 to index
        %get3A_1383 = arith.constant 192 : index
        %get3A_1384 = tpu.vector_load %arg6[%get3A_1382, %get3A_1383] {strides = array<i32>} : memref<64x304xf32, #tpu.memory_space<vmem>>, vector<1x16xf32>,
        %get3A_1385 = vector.shape_cast %get3A_1384 : vector<1x16xf32> to vector<16xf32>
        %add3A_1386 = arith.constant 192 : i32
        %add3A_1387 = arith.addi %mul3A_1261, %add3A_1386 : i32
        %swap3A_1388 = arith.index_cast %add3A_1387 : i32 to index
        %swap3A_1389 = tpu.vector_load %arg8[%swap3A_1388] {strides = array<i32>} : memref<19200xf32, #tpu.memory_space<vmem>>, vector<16xf32>,
        %swap3A_1390 = vector.shape_cast %swap3A_1389 : vector<16xf32> to vector<16xf32>
        %swap3A_1391 = vector.shape_cast %get3A_1385 : vector<16xf32> to vector<16xf32>
        tpu.vector_store %arg8[%swap3A_1388], %swap3A_1391 {strides = array<i32>} : memref<19200xf32, #tpu.memory_space<vmem>>, vector<16xf32>,
        %get3A_1392 = arith.index_cast %scan3A_1259 : i32 to index
        %get3A_1393 = arith.constant 208 : index
        %get3A_1394 = tpu.vector_load %arg6[%get3A_1392, %get3A_1393] {strides = array<i32>} : memref<64x304xf32, #tpu.memory_space<vmem>>, vector<1x16xf32>,
        %get3A_1395 = vector.shape_cast %get3A_1394 : vector<1x16xf32> to vector<16xf32>
        %add3A_1396 = arith.constant 208 : i32
        %add3A_1397 = arith.addi %mul3A_1261, %add3A_1396 : i32
        %swap3A_1398 = arith.index_cast %add3A_1397 : i32 to index
        %swap3A_1399 = tpu.vector_load %arg8[%swap3A_1398] {strides = array<i32>} : memref<19200xf32, #tpu.memory_space<vmem>>, vector<16xf32>,
        %swap3A_1400 = vector.shape_cast %swap3A_1399 : vector<16xf32> to vector<16xf32>
        %swap3A_1401 = vector.shape_cast %get3A_1395 : vector<16xf32> to vector<16xf32>
        tpu.vector_store %arg8[%swap3A_1398], %swap3A_1401 {strides = array<i32>} : memref<19200xf32, #tpu.memory_space<vmem>>, vector<16xf32>,
        %get3A_1402 = arith.index_cast %scan3A_1259 : i32 to index
        %get3A_1403 = arith.constant 224 : index
        %get3A_1404 = tpu.vector_load %arg6[%get3A_1402, %get3A_1403] {strides = array<i32>} : memref<64x304xf32, #tpu.memory_space<vmem>>, vector<1x16xf32>,
        %get3A_1405 = vector.shape_cast %get3A_1404 : vector<1x16xf32> to vector<16xf32>
        %add3A_1406 = arith.constant 224 : i32
        %add3A_1407 = arith.addi %mul3A_1261, %add3A_1406 : i32
        %swap3A_1408 = arith.index_cast %add3A_1407 : i32 to index
        %swap3A_1409 = tpu.vector_load %arg8[%swap3A_1408] {strides = array<i32>} : memref<19200xf32, #tpu.memory_space<vmem>>, vector<16xf32>,
        %swap3A_1410 = vector.shape_cast %swap3A_1409 : vector<16xf32> to vector<16xf32>
        %swap3A_1411 = vector.shape_cast %get3A_1405 : vector<16xf32> to vector<16xf32>
        tpu.vector_store %arg8[%swap3A_1408], %swap3A_1411 {strides = array<i32>} : memref<19200xf32, #tpu.memory_space<vmem>>, vector<16xf32>,
        %get3A_1412 = arith.index_cast %scan3A_1259 : i32 to index
        %get3A_1413 = arith.constant 240 : index
        %get3A_1414 = tpu.vector_load %arg6[%get3A_1412, %get3A_1413] {strides = array<i32>} : memref<64x304xf32, #tpu.memory_space<vmem>>, vector<1x16xf32>,
        %get3A_1415 = vector.shape_cast %get3A_1414 : vector<1x16xf32> to vector<16xf32>
        %add3A_1416 = arith.constant 240 : i32
        %add3A_1417 = arith.addi %mul3A_1261, %add3A_1416 : i32
        %swap3A_1418 = arith.index_cast %add3A_1417 : i32 to index
        %swap3A_1419 = tpu.vector_load %arg8[%swap3A_1418] {strides = array<i32>} : memref<19200xf32, #tpu.memory_space<vmem>>, vector<16xf32>,
        %swap3A_1420 = vector.shape_cast %swap3A_1419 : vector<16xf32> to vector<16xf32>
        %swap3A_1421 = vector.shape_cast %get3A_1415 : vector<16xf32> to vector<16xf32>
        tpu.vector_store %arg8[%swap3A_1418], %swap3A_1421 {strides = array<i32>} : memref<19200xf32, #tpu.memory_space<vmem>>, vector<16xf32>,
        %get3A_1422 = arith.index_cast %scan3A_1259 : i32 to index
        %get3A_1423 = arith.constant 256 : index
        %get3A_1424 = tpu.vector_load %arg6[%get3A_1422, %get3A_1423] {strides = array<i32>} : memref<64x304xf32, #tpu.memory_space<vmem>>, vector<1x16xf32>,
        %get3A_1425 = vector.shape_cast %get3A_1424 : vector<1x16xf32> to vector<16xf32>
        %add3A_1426 = arith.constant 256 : i32
        %add3A_1427 = arith.addi %mul3A_1261, %add3A_1426 : i32
        %swap3A_1428 = arith.index_cast %add3A_1427 : i32 to index
        %swap3A_1429 = tpu.vector_load %arg8[%swap3A_1428] {strides = array<i32>} : memref<19200xf32, #tpu.memory_space<vmem>>, vector<16xf32>,
        %swap3A_1430 = vector.shape_cast %swap3A_1429 : vector<16xf32> to vector<16xf32>
        %swap3A_1431 = vector.shape_cast %get3A_1425 : vector<16xf32> to vector<16xf32>
        tpu.vector_store %arg8[%swap3A_1428], %swap3A_1431 {strides = array<i32>} : memref<19200xf32, #tpu.memory_space<vmem>>, vector<16xf32>,
        %get3A_1432 = arith.index_cast %scan3A_1259 : i32 to index
        %get3A_1433 = arith.constant 272 : index
        %get3A_1434 = tpu.vector_load %arg6[%get3A_1432, %get3A_1433] {strides = array<i32>} : memref<64x304xf32, #tpu.memory_space<vmem>>, vector<1x16xf32>,
        %get3A_1435 = vector.shape_cast %get3A_1434 : vector<1x16xf32> to vector<16xf32>
        %add3A_1436 = arith.constant 272 : i32
        %add3A_1437 = arith.addi %mul3A_1261, %add3A_1436 : i32
        %swap3A_1438 = arith.index_cast %add3A_1437 : i32 to index
        %swap3A_1439 = tpu.vector_load %arg8[%swap3A_1438] {strides = array<i32>} : memref<19200xf32, #tpu.memory_space<vmem>>, vector<16xf32>,
        %swap3A_1440 = vector.shape_cast %swap3A_1439 : vector<16xf32> to vector<16xf32>
        %swap3A_1441 = vector.shape_cast %get3A_1435 : vector<16xf32> to vector<16xf32>
        tpu.vector_store %arg8[%swap3A_1438], %swap3A_1441 {strides = array<i32>} : memref<19200xf32, #tpu.memory_space<vmem>>, vector<16xf32>,
        %get3A_1442 = arith.index_cast %scan3A_1259 : i32 to index
        %get3A_1443 = arith.constant 284 : index
        %get3A_1444 = tpu.vector_load %arg6[%get3A_1442, %get3A_1443] {strides = array<i32>} : memref<64x304xf32, #tpu.memory_space<vmem>>, vector<1x16xf32>,
        %get3A_1445 = vector.shape_cast %get3A_1444 : vector<1x16xf32> to vector<16xf32>
        %add3A_1446 = arith.constant 300 : i32
        %add3A_1447 = arith.addi %mul3A_1261, %add3A_1446 : i32
        %sub3A_1448 = arith.constant 16 : i32
        %sub3A_1449 = arith.subi %add3A_1447, %sub3A_1448 : i32
        %swap3A_1450 = arith.index_cast %sub3A_1449 : i32 to index
        %swap3A_1451 = tpu.vector_load %arg8[%swap3A_1450] {strides = array<i32>} : memref<19200xf32, #tpu.memory_space<vmem>>, vector<16xf32>,
        %swap3A_1452 = vector.shape_cast %swap3A_1451 : vector<16xf32> to vector<16xf32>
        %swap3A_1453 = vector.shape_cast %get3A_1445 : vector<16xf32> to vector<16xf32>
        tpu.vector_store %arg8[%swap3A_1450], %swap3A_1453 {strides = array<i32>} : memref<19200xf32, #tpu.memory_space<vmem>>, vector<16xf32>,
        %scan3A_1454 = arith.constant 7 : i32
        %scan3A_1455 = arith.addi %scan3A_86, %scan3A_1454 : i32
        %mul3A_1456 = arith.constant 300 : i32
        %mul3A_1457 = arith.muli %scan3A_1455, %mul3A_1456 : i32
        %get3A_1458 = arith.index_cast %scan3A_1455 : i32 to index
        %get3A_1459 = arith.constant 0 : index
        %get3A_1460 = tpu.vector_load %arg6[%get3A_1458, %get3A_1459] {strides = array<i32>} : memref<64x304xf32, #tpu.memory_space<vmem>>, vector<1x16xf32>,
        %get3A_1461 = vector.shape_cast %get3A_1460 : vector<1x16xf32> to vector<16xf32>
        %add3A_1462 = arith.constant 0 : i32
        %add3A_1463 = arith.addi %mul3A_1457, %add3A_1462 : i32
        %swap3A_1464 = arith.index_cast %add3A_1463 : i32 to index
        %swap3A_1465 = tpu.vector_load %arg8[%swap3A_1464] {strides = array<i32>} : memref<19200xf32, #tpu.memory_space<vmem>>, vector<16xf32>,
        %swap3A_1466 = vector.shape_cast %swap3A_1465 : vector<16xf32> to vector<16xf32>
        %swap3A_1467 = vector.shape_cast %get3A_1461 : vector<16xf32> to vector<16xf32>
        tpu.vector_store %arg8[%swap3A_1464], %swap3A_1467 {strides = array<i32>} : memref<19200xf32, #tpu.memory_space<vmem>>, vector<16xf32>,
        %get3A_1468 = arith.index_cast %scan3A_1455 : i32 to index
        %get3A_1469 = arith.constant 16 : index
        %get3A_1470 = tpu.vector_load %arg6[%get3A_1468, %get3A_1469] {strides = array<i32>} : memref<64x304xf32, #tpu.memory_space<vmem>>, vector<1x16xf32>,
        %get3A_1471 = vector.shape_cast %get3A_1470 : vector<1x16xf32> to vector<16xf32>
        %add3A_1472 = arith.constant 16 : i32
        %add3A_1473 = arith.addi %mul3A_1457, %add3A_1472 : i32
        %swap3A_1474 = arith.index_cast %add3A_1473 : i32 to index
        %swap3A_1475 = tpu.vector_load %arg8[%swap3A_1474] {strides = array<i32>} : memref<19200xf32, #tpu.memory_space<vmem>>, vector<16xf32>,
        %swap3A_1476 = vector.shape_cast %swap3A_1475 : vector<16xf32> to vector<16xf32>
        %swap3A_1477 = vector.shape_cast %get3A_1471 : vector<16xf32> to vector<16xf32>
        tpu.vector_store %arg8[%swap3A_1474], %swap3A_1477 {strides = array<i32>} : memref<19200xf32, #tpu.memory_space<vmem>>, vector<16xf32>,
        %get3A_1478 = arith.index_cast %scan3A_1455 : i32 to index
        %get3A_1479 = arith.constant 32 : index
        %get3A_1480 = tpu.vector_load %arg6[%get3A_1478, %get3A_1479] {strides = array<i32>} : memref<64x304xf32, #tpu.memory_space<vmem>>, vector<1x16xf32>,
        %get3A_1481 = vector.shape_cast %get3A_1480 : vector<1x16xf32> to vector<16xf32>
        %add3A_1482 = arith.constant 32 : i32
        %add3A_1483 = arith.addi %mul3A_1457, %add3A_1482 : i32
        %swap3A_1484 = arith.index_cast %add3A_1483 : i32 to index
        %swap3A_1485 = tpu.vector_load %arg8[%swap3A_1484] {strides = array<i32>} : memref<19200xf32, #tpu.memory_space<vmem>>, vector<16xf32>,
        %swap3A_1486 = vector.shape_cast %swap3A_1485 : vector<16xf32> to vector<16xf32>
        %swap3A_1487 = vector.shape_cast %get3A_1481 : vector<16xf32> to vector<16xf32>
        tpu.vector_store %arg8[%swap3A_1484], %swap3A_1487 {strides = array<i32>} : memref<19200xf32, #tpu.memory_space<vmem>>, vector<16xf32>,
        %get3A_1488 = arith.index_cast %scan3A_1455 : i32 to index
        %get3A_1489 = arith.constant 48 : index
        %get3A_1490 = tpu.vector_load %arg6[%get3A_1488, %get3A_1489] {strides = array<i32>} : memref<64x304xf32, #tpu.memory_space<vmem>>, vector<1x16xf32>,
        %get3A_1491 = vector.shape_cast %get3A_1490 : vector<1x16xf32> to vector<16xf32>
        %add3A_1492 = arith.constant 48 : i32
        %add3A_1493 = arith.addi %mul3A_1457, %add3A_1492 : i32
        %swap3A_1494 = arith.index_cast %add3A_1493 : i32 to index
        %swap3A_1495 = tpu.vector_load %arg8[%swap3A_1494] {strides = array<i32>} : memref<19200xf32, #tpu.memory_space<vmem>>, vector<16xf32>,
        %swap3A_1496 = vector.shape_cast %swap3A_1495 : vector<16xf32> to vector<16xf32>
        %swap3A_1497 = vector.shape_cast %get3A_1491 : vector<16xf32> to vector<16xf32>
        tpu.vector_store %arg8[%swap3A_1494], %swap3A_1497 {strides = array<i32>} : memref<19200xf32, #tpu.memory_space<vmem>>, vector<16xf32>,
        %get3A_1498 = arith.index_cast %scan3A_1455 : i32 to index
        %get3A_1499 = arith.constant 64 : index
        %get3A_1500 = tpu.vector_load %arg6[%get3A_1498, %get3A_1499] {strides = array<i32>} : memref<64x304xf32, #tpu.memory_space<vmem>>, vector<1x16xf32>,
        %get3A_1501 = vector.shape_cast %get3A_1500 : vector<1x16xf32> to vector<16xf32>
        %add3A_1502 = arith.constant 64 : i32
        %add3A_1503 = arith.addi %mul3A_1457, %add3A_1502 : i32
        %swap3A_1504 = arith.index_cast %add3A_1503 : i32 to index
        %swap3A_1505 = tpu.vector_load %arg8[%swap3A_1504] {strides = array<i32>} : memref<19200xf32, #tpu.memory_space<vmem>>, vector<16xf32>,
        %swap3A_1506 = vector.shape_cast %swap3A_1505 : vector<16xf32> to vector<16xf32>
        %swap3A_1507 = vector.shape_cast %get3A_1501 : vector<16xf32> to vector<16xf32>
        tpu.vector_store %arg8[%swap3A_1504], %swap3A_1507 {strides = array<i32>} : memref<19200xf32, #tpu.memory_space<vmem>>, vector<16xf32>,
        %get3A_1508 = arith.index_cast %scan3A_1455 : i32 to index
        %get3A_1509 = arith.constant 80 : index
        %get3A_1510 = tpu.vector_load %arg6[%get3A_1508, %get3A_1509] {strides = array<i32>} : memref<64x304xf32, #tpu.memory_space<vmem>>, vector<1x16xf32>,
        %get3A_1511 = vector.shape_cast %get3A_1510 : vector<1x16xf32> to vector<16xf32>
        %add3A_1512 = arith.constant 80 : i32
        %add3A_1513 = arith.addi %mul3A_1457, %add3A_1512 : i32
        %swap3A_1514 = arith.index_cast %add3A_1513 : i32 to index
        %swap3A_1515 = tpu.vector_load %arg8[%swap3A_1514] {strides = array<i32>} : memref<19200xf32, #tpu.memory_space<vmem>>, vector<16xf32>,
        %swap3A_1516 = vector.shape_cast %swap3A_1515 : vector<16xf32> to vector<16xf32>
        %swap3A_1517 = vector.shape_cast %get3A_1511 : vector<16xf32> to vector<16xf32>
        tpu.vector_store %arg8[%swap3A_1514], %swap3A_1517 {strides = array<i32>} : memref<19200xf32, #tpu.memory_space<vmem>>, vector<16xf32>,
        %get3A_1518 = arith.index_cast %scan3A_1455 : i32 to index
        %get3A_1519 = arith.constant 96 : index
        %get3A_1520 = tpu.vector_load %arg6[%get3A_1518, %get3A_1519] {strides = array<i32>} : memref<64x304xf32, #tpu.memory_space<vmem>>, vector<1x16xf32>,
        %get3A_1521 = vector.shape_cast %get3A_1520 : vector<1x16xf32> to vector<16xf32>
        %add3A_1522 = arith.constant 96 : i32
        %add3A_1523 = arith.addi %mul3A_1457, %add3A_1522 : i32
        %swap3A_1524 = arith.index_cast %add3A_1523 : i32 to index
        %swap3A_1525 = tpu.vector_load %arg8[%swap3A_1524] {strides = array<i32>} : memref<19200xf32, #tpu.memory_space<vmem>>, vector<16xf32>,
        %swap3A_1526 = vector.shape_cast %swap3A_1525 : vector<16xf32> to vector<16xf32>
        %swap3A_1527 = vector.shape_cast %get3A_1521 : vector<16xf32> to vector<16xf32>
        tpu.vector_store %arg8[%swap3A_1524], %swap3A_1527 {strides = array<i32>} : memref<19200xf32, #tpu.memory_space<vmem>>, vector<16xf32>,
        %get3A_1528 = arith.index_cast %scan3A_1455 : i32 to index
        %get3A_1529 = arith.constant 112 : index
        %get3A_1530 = tpu.vector_load %arg6[%get3A_1528, %get3A_1529] {strides = array<i32>} : memref<64x304xf32, #tpu.memory_space<vmem>>, vector<1x16xf32>,
        %get3A_1531 = vector.shape_cast %get3A_1530 : vector<1x16xf32> to vector<16xf32>
        %add3A_1532 = arith.constant 112 : i32
        %add3A_1533 = arith.addi %mul3A_1457, %add3A_1532 : i32
        %swap3A_1534 = arith.index_cast %add3A_1533 : i32 to index
        %swap3A_1535 = tpu.vector_load %arg8[%swap3A_1534] {strides = array<i32>} : memref<19200xf32, #tpu.memory_space<vmem>>, vector<16xf32>,
        %swap3A_1536 = vector.shape_cast %swap3A_1535 : vector<16xf32> to vector<16xf32>
        %swap3A_1537 = vector.shape_cast %get3A_1531 : vector<16xf32> to vector<16xf32>
        tpu.vector_store %arg8[%swap3A_1534], %swap3A_1537 {strides = array<i32>} : memref<19200xf32, #tpu.memory_space<vmem>>, vector<16xf32>,
        %get3A_1538 = arith.index_cast %scan3A_1455 : i32 to index
        %get3A_1539 = arith.constant 128 : index
        %get3A_1540 = tpu.vector_load %arg6[%get3A_1538, %get3A_1539] {strides = array<i32>} : memref<64x304xf32, #tpu.memory_space<vmem>>, vector<1x16xf32>,
        %get3A_1541 = vector.shape_cast %get3A_1540 : vector<1x16xf32> to vector<16xf32>
        %add3A_1542 = arith.constant 128 : i32
        %add3A_1543 = arith.addi %mul3A_1457, %add3A_1542 : i32
        %swap3A_1544 = arith.index_cast %add3A_1543 : i32 to index
        %swap3A_1545 = tpu.vector_load %arg8[%swap3A_1544] {strides = array<i32>} : memref<19200xf32, #tpu.memory_space<vmem>>, vector<16xf32>,
        %swap3A_1546 = vector.shape_cast %swap3A_1545 : vector<16xf32> to vector<16xf32>
        %swap3A_1547 = vector.shape_cast %get3A_1541 : vector<16xf32> to vector<16xf32>
        tpu.vector_store %arg8[%swap3A_1544], %swap3A_1547 {strides = array<i32>} : memref<19200xf32, #tpu.memory_space<vmem>>, vector<16xf32>,
        %get3A_1548 = arith.index_cast %scan3A_1455 : i32 to index
        %get3A_1549 = arith.constant 144 : index
        %get3A_1550 = tpu.vector_load %arg6[%get3A_1548, %get3A_1549] {strides = array<i32>} : memref<64x304xf32, #tpu.memory_space<vmem>>, vector<1x16xf32>,
        %get3A_1551 = vector.shape_cast %get3A_1550 : vector<1x16xf32> to vector<16xf32>
        %add3A_1552 = arith.constant 144 : i32
        %add3A_1553 = arith.addi %mul3A_1457, %add3A_1552 : i32
        %swap3A_1554 = arith.index_cast %add3A_1553 : i32 to index
        %swap3A_1555 = tpu.vector_load %arg8[%swap3A_1554] {strides = array<i32>} : memref<19200xf32, #tpu.memory_space<vmem>>, vector<16xf32>,
        %swap3A_1556 = vector.shape_cast %swap3A_1555 : vector<16xf32> to vector<16xf32>
        %swap3A_1557 = vector.shape_cast %get3A_1551 : vector<16xf32> to vector<16xf32>
        tpu.vector_store %arg8[%swap3A_1554], %swap3A_1557 {strides = array<i32>} : memref<19200xf32, #tpu.memory_space<vmem>>, vector<16xf32>,
        %get3A_1558 = arith.index_cast %scan3A_1455 : i32 to index
        %get3A_1559 = arith.constant 160 : index
        %get3A_1560 = tpu.vector_load %arg6[%get3A_1558, %get3A_1559] {strides = array<i32>} : memref<64x304xf32, #tpu.memory_space<vmem>>, vector<1x16xf32>,
        %get3A_1561 = vector.shape_cast %get3A_1560 : vector<1x16xf32> to vector<16xf32>
        %add3A_1562 = arith.constant 160 : i32
        %add3A_1563 = arith.addi %mul3A_1457, %add3A_1562 : i32
        %swap3A_1564 = arith.index_cast %add3A_1563 : i32 to index
        %swap3A_1565 = tpu.vector_load %arg8[%swap3A_1564] {strides = array<i32>} : memref<19200xf32, #tpu.memory_space<vmem>>, vector<16xf32>,
        %swap3A_1566 = vector.shape_cast %swap3A_1565 : vector<16xf32> to vector<16xf32>
        %swap3A_1567 = vector.shape_cast %get3A_1561 : vector<16xf32> to vector<16xf32>
        tpu.vector_store %arg8[%swap3A_1564], %swap3A_1567 {strides = array<i32>} : memref<19200xf32, #tpu.memory_space<vmem>>, vector<16xf32>,
        %get3A_1568 = arith.index_cast %scan3A_1455 : i32 to index
        %get3A_1569 = arith.constant 176 : index
        %get3A_1570 = tpu.vector_load %arg6[%get3A_1568, %get3A_1569] {strides = array<i32>} : memref<64x304xf32, #tpu.memory_space<vmem>>, vector<1x16xf32>,
        %get3A_1571 = vector.shape_cast %get3A_1570 : vector<1x16xf32> to vector<16xf32>
        %add3A_1572 = arith.constant 176 : i32
        %add3A_1573 = arith.addi %mul3A_1457, %add3A_1572 : i32
        %swap3A_1574 = arith.index_cast %add3A_1573 : i32 to index
        %swap3A_1575 = tpu.vector_load %arg8[%swap3A_1574] {strides = array<i32>} : memref<19200xf32, #tpu.memory_space<vmem>>, vector<16xf32>,
        %swap3A_1576 = vector.shape_cast %swap3A_1575 : vector<16xf32> to vector<16xf32>
        %swap3A_1577 = vector.shape_cast %get3A_1571 : vector<16xf32> to vector<16xf32>
        tpu.vector_store %arg8[%swap3A_1574], %swap3A_1577 {strides = array<i32>} : memref<19200xf32, #tpu.memory_space<vmem>>, vector<16xf32>,
        %get3A_1578 = arith.index_cast %scan3A_1455 : i32 to index
        %get3A_1579 = arith.constant 192 : index
        %get3A_1580 = tpu.vector_load %arg6[%get3A_1578, %get3A_1579] {strides = array<i32>} : memref<64x304xf32, #tpu.memory_space<vmem>>, vector<1x16xf32>,
        %get3A_1581 = vector.shape_cast %get3A_1580 : vector<1x16xf32> to vector<16xf32>
        %add3A_1582 = arith.constant 192 : i32
        %add3A_1583 = arith.addi %mul3A_1457, %add3A_1582 : i32
        %swap3A_1584 = arith.index_cast %add3A_1583 : i32 to index
        %swap3A_1585 = tpu.vector_load %arg8[%swap3A_1584] {strides = array<i32>} : memref<19200xf32, #tpu.memory_space<vmem>>, vector<16xf32>,
        %swap3A_1586 = vector.shape_cast %swap3A_1585 : vector<16xf32> to vector<16xf32>
        %swap3A_1587 = vector.shape_cast %get3A_1581 : vector<16xf32> to vector<16xf32>
        tpu.vector_store %arg8[%swap3A_1584], %swap3A_1587 {strides = array<i32>} : memref<19200xf32, #tpu.memory_space<vmem>>, vector<16xf32>,
        %get3A_1588 = arith.index_cast %scan3A_1455 : i32 to index
        %get3A_1589 = arith.constant 208 : index
        %get3A_1590 = tpu.vector_load %arg6[%get3A_1588, %get3A_1589] {strides = array<i32>} : memref<64x304xf32, #tpu.memory_space<vmem>>, vector<1x16xf32>,
        %get3A_1591 = vector.shape_cast %get3A_1590 : vector<1x16xf32> to vector<16xf32>
        %add3A_1592 = arith.constant 208 : i32
        %add3A_1593 = arith.addi %mul3A_1457, %add3A_1592 : i32
        %swap3A_1594 = arith.index_cast %add3A_1593 : i32 to index
        %swap3A_1595 = tpu.vector_load %arg8[%swap3A_1594] {strides = array<i32>} : memref<19200xf32, #tpu.memory_space<vmem>>, vector<16xf32>,
        %swap3A_1596 = vector.shape_cast %swap3A_1595 : vector<16xf32> to vector<16xf32>
        %swap3A_1597 = vector.shape_cast %get3A_1591 : vector<16xf32> to vector<16xf32>
        tpu.vector_store %arg8[%swap3A_1594], %swap3A_1597 {strides = array<i32>} : memref<19200xf32, #tpu.memory_space<vmem>>, vector<16xf32>,
        %get3A_1598 = arith.index_cast %scan3A_1455 : i32 to index
        %get3A_1599 = arith.constant 224 : index
        %get3A_1600 = tpu.vector_load %arg6[%get3A_1598, %get3A_1599] {strides = array<i32>} : memref<64x304xf32, #tpu.memory_space<vmem>>, vector<1x16xf32>,
        %get3A_1601 = vector.shape_cast %get3A_1600 : vector<1x16xf32> to vector<16xf32>
        %add3A_1602 = arith.constant 224 : i32
        %add3A_1603 = arith.addi %mul3A_1457, %add3A_1602 : i32
        %swap3A_1604 = arith.index_cast %add3A_1603 : i32 to index
        %swap3A_1605 = tpu.vector_load %arg8[%swap3A_1604] {strides = array<i32>} : memref<19200xf32, #tpu.memory_space<vmem>>, vector<16xf32>,
        %swap3A_1606 = vector.shape_cast %swap3A_1605 : vector<16xf32> to vector<16xf32>
        %swap3A_1607 = vector.shape_cast %get3A_1601 : vector<16xf32> to vector<16xf32>
        tpu.vector_store %arg8[%swap3A_1604], %swap3A_1607 {strides = array<i32>} : memref<19200xf32, #tpu.memory_space<vmem>>, vector<16xf32>,
        %get3A_1608 = arith.index_cast %scan3A_1455 : i32 to index
        %get3A_1609 = arith.constant 240 : index
        %get3A_1610 = tpu.vector_load %arg6[%get3A_1608, %get3A_1609] {strides = array<i32>} : memref<64x304xf32, #tpu.memory_space<vmem>>, vector<1x16xf32>,
        %get3A_1611 = vector.shape_cast %get3A_1610 : vector<1x16xf32> to vector<16xf32>
        %add3A_1612 = arith.constant 240 : i32
        %add3A_1613 = arith.addi %mul3A_1457, %add3A_1612 : i32
        %swap3A_1614 = arith.index_cast %add3A_1613 : i32 to index
        %swap3A_1615 = tpu.vector_load %arg8[%swap3A_1614] {strides = array<i32>} : memref<19200xf32, #tpu.memory_space<vmem>>, vector<16xf32>,
        %swap3A_1616 = vector.shape_cast %swap3A_1615 : vector<16xf32> to vector<16xf32>
        %swap3A_1617 = vector.shape_cast %get3A_1611 : vector<16xf32> to vector<16xf32>
        tpu.vector_store %arg8[%swap3A_1614], %swap3A_1617 {strides = array<i32>} : memref<19200xf32, #tpu.memory_space<vmem>>, vector<16xf32>,
        %get3A_1618 = arith.index_cast %scan3A_1455 : i32 to index
        %get3A_1619 = arith.constant 256 : index
        %get3A_1620 = tpu.vector_load %arg6[%get3A_1618, %get3A_1619] {strides = array<i32>} : memref<64x304xf32, #tpu.memory_space<vmem>>, vector<1x16xf32>,
        %get3A_1621 = vector.shape_cast %get3A_1620 : vector<1x16xf32> to vector<16xf32>
        %add3A_1622 = arith.constant 256 : i32
        %add3A_1623 = arith.addi %mul3A_1457, %add3A_1622 : i32
        %swap3A_1624 = arith.index_cast %add3A_1623 : i32 to index
        %swap3A_1625 = tpu.vector_load %arg8[%swap3A_1624] {strides = array<i32>} : memref<19200xf32, #tpu.memory_space<vmem>>, vector<16xf32>,
        %swap3A_1626 = vector.shape_cast %swap3A_1625 : vector<16xf32> to vector<16xf32>
        %swap3A_1627 = vector.shape_cast %get3A_1621 : vector<16xf32> to vector<16xf32>
        tpu.vector_store %arg8[%swap3A_1624], %swap3A_1627 {strides = array<i32>} : memref<19200xf32, #tpu.memory_space<vmem>>, vector<16xf32>,
        %get3A_1628 = arith.index_cast %scan3A_1455 : i32 to index
        %get3A_1629 = arith.constant 272 : index
        %get3A_1630 = tpu.vector_load %arg6[%get3A_1628, %get3A_1629] {strides = array<i32>} : memref<64x304xf32, #tpu.memory_space<vmem>>, vector<1x16xf32>,
        %get3A_1631 = vector.shape_cast %get3A_1630 : vector<1x16xf32> to vector<16xf32>
        %add3A_1632 = arith.constant 272 : i32
        %add3A_1633 = arith.addi %mul3A_1457, %add3A_1632 : i32
        %swap3A_1634 = arith.index_cast %add3A_1633 : i32 to index
        %swap3A_1635 = tpu.vector_load %arg8[%swap3A_1634] {strides = array<i32>} : memref<19200xf32, #tpu.memory_space<vmem>>, vector<16xf32>,
        %swap3A_1636 = vector.shape_cast %swap3A_1635 : vector<16xf32> to vector<16xf32>
        %swap3A_1637 = vector.shape_cast %get3A_1631 : vector<16xf32> to vector<16xf32>
        tpu.vector_store %arg8[%swap3A_1634], %swap3A_1637 {strides = array<i32>} : memref<19200xf32, #tpu.memory_space<vmem>>, vector<16xf32>,
        %get3A_1638 = arith.index_cast %scan3A_1455 : i32 to index
        %get3A_1639 = arith.constant 284 : index
        %get3A_1640 = tpu.vector_load %arg6[%get3A_1638, %get3A_1639] {strides = array<i32>} : memref<64x304xf32, #tpu.memory_space<vmem>>, vector<1x16xf32>,
        %get3A_1641 = vector.shape_cast %get3A_1640 : vector<1x16xf32> to vector<16xf32>
        %add3A_1642 = arith.constant 300 : i32
        %add3A_1643 = arith.addi %mul3A_1457, %add3A_1642 : i32
        %sub3A_1644 = arith.constant 16 : i32
        %sub3A_1645 = arith.subi %add3A_1643, %sub3A_1644 : i32
        %swap3A_1646 = arith.index_cast %sub3A_1645 : i32 to index
        %swap3A_1647 = tpu.vector_load %arg8[%swap3A_1646] {strides = array<i32>} : memref<19200xf32, #tpu.memory_space<vmem>>, vector<16xf32>,
        %swap3A_1648 = vector.shape_cast %swap3A_1647 : vector<16xf32> to vector<16xf32>
        %swap3A_1649 = vector.shape_cast %get3A_1641 : vector<16xf32> to vector<16xf32>
        tpu.vector_store %arg8[%swap3A_1646], %swap3A_1649 {strides = array<i32>} : memref<19200xf32, #tpu.memory_space<vmem>>, vector<16xf32>,
      }
      %scan3A_47 = arith.constant 64 : i32
      %mul3A_48 = arith.constant 19200 : i32
      %mul3A_49 = arith.muli %add3A_27, %mul3A_48 : i32
      %add3A_50 = arith.addi %mul3A_4, %mul3A_49 : i32
      %dma_start3A_51 = tpu.memref_slice %arg4[%add3A_50] : memref<245760000xf32, #tpu.memory_space<hbm>> -> memref<19200xf32, #tpu.memory_space<hbm>>
      %dma_start3A_52 = tpu.memref_slice %arg4[%add3A_50] : memref<245760000xf32, #tpu.memory_space<hbm>> -> memref<19200xf32, #tpu.memory_space<hbm>>
      tpu.enqueue_dma source(%arg8 : memref<19200xf32, #tpu.memory_space<vmem>>) target(%dma_start3A_52 : memref<19200xf32, #tpu.memory_space<hbm>>) target_semaphore(%arg12 : memref<!tpu.dma_semaphore, #tpu.memory_space<semaphore_mem>>)
      %mul3A_53 = arith.constant 2 : i32
      %mul3A_54 = arith.muli %scan3A_23, %mul3A_53 : i32
      %add3A_55 = arith.constant 1 : i32
      %add3A_56 = arith.addi %mul3A_54, %add3A_55 : i32
      %add3A_57 = arith.constant 1 : i32
      %add3A_58 = arith.addi %add3A_56, %add3A_57 : i32
      %lt3A_59 = arith.constant 400 : i32
      %lt3A_60 = arith.cmpi slt, %add3A_58, %lt3A_59 : i32
      %convert_element_type3A_61 = arith.extui %lt3A_60 : i1 to i32
      %cond3A_62 = arith.constant 0 : i32
      %cond3A_63 = arith.cmpi ne, %convert_element_type3A_61, %cond3A_62 : i32
      scf.if %cond3A_63 {
        %add3A_86 = arith.constant 1 : i32
        %add3A_87 = arith.addi %add3A_56, %add3A_86 : i32
        %dma_start3A_88 = arith.constant 0 : i32
        %dma_start3A_89 = tpu.memref_slice %arg5[%add3A_87, %dma_start3A_88] : memref<400x64xi32, #tpu.memory_space<vmem>> -> memref<1x64xi32, #tpu.memory_space<vmem>>
        %dma_start3A_90 = tpu.memref_squeeze %dma_start3A_89 : memref<1x64xi32, #tpu.memory_space<vmem>> -> memref<64xi32, #tpu.memory_space<vmem>>
        %dma_start3A_91 = arith.constant 0 : i32
        %dma_start3A_92 = arith.constant 0 : i32
        %dma_start3A_93 = tpu.memref_slice %arg3[%dma_start3A_91, %dma_start3A_92] : memref<100000x304xf32, #tpu.memory_space<hbm>> -> memref<100000x304xf32, #tpu.memory_space<hbm>>
        tpu.enqueue_indirect_dma source(%dma_start3A_93 : memref<100000x304xf32, #tpu.memory_space<hbm>>) target(%arg6 : memref<64x304xf32, #tpu.memory_space<vmem>>) offsets(%dma_start3A_90 : memref<64xi32, #tpu.memory_space<vmem>>) semaphore(%arg10 : memref<!tpu.dma_semaphore, #tpu.memory_space<semaphore_mem>>)
      } else {
      }
      %dma_wait3A_64 = arith.constant 0 : i32
      %dma_wait3A_65 = tpu.memref_slice %arg5[%add3A_56, %dma_wait3A_64] : memref<400x64xi32, #tpu.memory_space<vmem>> -> memref<1x64xi32, #tpu.memory_space<vmem>>
      %dma_wait3A_66 = tpu.memref_squeeze %dma_wait3A_65 : memref<1x64xi32, #tpu.memory_space<vmem>> -> memref<64xi32, #tpu.memory_space<vmem>>
      %dma_wait3A_67 = arith.constant 0 : i32
      %dma_wait3A_68 = arith.constant 0 : i32
      %dma_wait3A_69 = tpu.memref_slice %arg3[%dma_wait3A_67, %dma_wait3A_68] : memref<100000x304xf32, #tpu.memory_space<hbm>> -> memref<100000x304xf32, #tpu.memory_space<hbm>>
      tpu.wait_indirect_dma semaphore(%arg11 : memref<!tpu.dma_semaphore, #tpu.memory_space<semaphore_mem>>) src(%dma_wait3A_69 : memref<100000x304xf32, #tpu.memory_space<hbm>>) dst(%arg7 : memref<64x304xf32, #tpu.memory_space<vmem>>)
      %ge3A_70 = arith.constant 2 : i32
      %ge3A_71 = arith.cmpi sge, %add3A_56, %ge3A_70 : i32
      %convert_element_type3A_72 = arith.extui %ge3A_71 : i1 to i32
      %cond3A_73 = arith.constant 0 : i32
      %cond3A_74 = arith.cmpi ne, %convert_element_type3A_72, %cond3A_73 : i32
      scf.if %cond3A_74 {
        %dma_wait3A_86 = arith.constant 0 : i32
        %dma_wait3A_87 = tpu.memref_slice %arg4[%dma_wait3A_86] : memref<245760000xf32, #tpu.memory_space<hbm>> -> memref<19200xf32, #tpu.memory_space<hbm>>
        %dma_wait3A_88 = arith.constant 0 : i32
        %dma_wait3A_89 = tpu.memref_slice %arg4[%dma_wait3A_88] : memref<245760000xf32, #tpu.memory_space<hbm>> -> memref<19200xf32, #tpu.memory_space<hbm>>
        tpu.wait_dma2 semaphore(%arg13 : memref<!tpu.dma_semaphore, #tpu.memory_space<semaphore_mem>>) src(%arg9 : memref<19200xf32, #tpu.memory_space<vmem>>) dst(%dma_wait3A_89 : memref<19200xf32, #tpu.memory_space<hbm>>)
      } else {
      }
      %scan3A_75 = arith.constant 0 : i32
      %scan3A_76 = arith.constant 0 : i32
      %scan3A_77 = arith.constant 64 : i32
      %scan3A_78 = arith.addi %scan3A_76, %scan3A_77 : i32
      %scan3A_79 = arith.constant 8 : i32
      scf.for %scan3A_86 = %scan3A_76 to %scan3A_78 step %scan3A_79  : i32 {
        %mul3A_87 = arith.constant 300 : i32
        %mul3A_88 = arith.muli %scan3A_86, %mul3A_87 : i32
        %get3A = arith.index_cast %scan3A_86 : i32 to index
        %get3A_89 = arith.constant 0 : index
        %get3A_90 = tpu.vector_load %arg7[%get3A, %get3A_89] {strides = array<i32>} : memref<64x304xf32, #tpu.memory_space<vmem>>, vector<1x16xf32>,
        %get3A_91 = vector.shape_cast %get3A_90 : vector<1x16xf32> to vector<16xf32>
        %add3A_92 = arith.constant 0 : i32
        %add3A_93 = arith.addi %mul3A_88, %add3A_92 : i32
        %swap3A = arith.index_cast %add3A_93 : i32 to index
        %swap3A_94 = tpu.vector_load %arg9[%swap3A] {strides = array<i32>} : memref<19200xf32, #tpu.memory_space<vmem>>, vector<16xf32>,
        %swap3A_95 = vector.shape_cast %swap3A_94 : vector<16xf32> to vector<16xf32>
        %swap3A_96 = vector.shape_cast %get3A_91 : vector<16xf32> to vector<16xf32>
        tpu.vector_store %arg9[%swap3A], %swap3A_96 {strides = array<i32>} : memref<19200xf32, #tpu.memory_space<vmem>>, vector<16xf32>,
        %get3A_97 = arith.index_cast %scan3A_86 : i32 to index
        %get3A_98 = arith.constant 16 : index
        %get3A_99 = tpu.vector_load %arg7[%get3A_97, %get3A_98] {strides = array<i32>} : memref<64x304xf32, #tpu.memory_space<vmem>>, vector<1x16xf32>,
        %get3A_100 = vector.shape_cast %get3A_99 : vector<1x16xf32> to vector<16xf32>
        %add3A_101 = arith.constant 16 : i32
        %add3A_102 = arith.addi %mul3A_88, %add3A_101 : i32
        %swap3A_103 = arith.index_cast %add3A_102 : i32 to index
        %swap3A_104 = tpu.vector_load %arg9[%swap3A_103] {strides = array<i32>} : memref<19200xf32, #tpu.memory_space<vmem>>, vector<16xf32>,
        %swap3A_105 = vector.shape_cast %swap3A_104 : vector<16xf32> to vector<16xf32>
        %swap3A_106 = vector.shape_cast %get3A_100 : vector<16xf32> to vector<16xf32>
        tpu.vector_store %arg9[%swap3A_103], %swap3A_106 {strides = array<i32>} : memref<19200xf32, #tpu.memory_space<vmem>>, vector<16xf32>,
        %get3A_107 = arith.index_cast %scan3A_86 : i32 to index
        %get3A_108 = arith.constant 32 : index
        %get3A_109 = tpu.vector_load %arg7[%get3A_107, %get3A_108] {strides = array<i32>} : memref<64x304xf32, #tpu.memory_space<vmem>>, vector<1x16xf32>,
        %get3A_110 = vector.shape_cast %get3A_109 : vector<1x16xf32> to vector<16xf32>
        %add3A_111 = arith.constant 32 : i32
        %add3A_112 = arith.addi %mul3A_88, %add3A_111 : i32
        %swap3A_113 = arith.index_cast %add3A_112 : i32 to index
        %swap3A_114 = tpu.vector_load %arg9[%swap3A_113] {strides = array<i32>} : memref<19200xf32, #tpu.memory_space<vmem>>, vector<16xf32>,
        %swap3A_115 = vector.shape_cast %swap3A_114 : vector<16xf32> to vector<16xf32>
        %swap3A_116 = vector.shape_cast %get3A_110 : vector<16xf32> to vector<16xf32>
        tpu.vector_store %arg9[%swap3A_113], %swap3A_116 {strides = array<i32>} : memref<19200xf32, #tpu.memory_space<vmem>>, vector<16xf32>,
        %get3A_117 = arith.index_cast %scan3A_86 : i32 to index
        %get3A_118 = arith.constant 48 : index
        %get3A_119 = tpu.vector_load %arg7[%get3A_117, %get3A_118] {strides = array<i32>} : memref<64x304xf32, #tpu.memory_space<vmem>>, vector<1x16xf32>,
        %get3A_120 = vector.shape_cast %get3A_119 : vector<1x16xf32> to vector<16xf32>
        %add3A_121 = arith.constant 48 : i32
        %add3A_122 = arith.addi %mul3A_88, %add3A_121 : i32
        %swap3A_123 = arith.index_cast %add3A_122 : i32 to index
        %swap3A_124 = tpu.vector_load %arg9[%swap3A_123] {strides = array<i32>} : memref<19200xf32, #tpu.memory_space<vmem>>, vector<16xf32>,
        %swap3A_125 = vector.shape_cast %swap3A_124 : vector<16xf32> to vector<16xf32>
        %swap3A_126 = vector.shape_cast %get3A_120 : vector<16xf32> to vector<16xf32>
        tpu.vector_store %arg9[%swap3A_123], %swap3A_126 {strides = array<i32>} : memref<19200xf32, #tpu.memory_space<vmem>>, vector<16xf32>,
        %get3A_127 = arith.index_cast %scan3A_86 : i32 to index
        %get3A_128 = arith.constant 64 : index
        %get3A_129 = tpu.vector_load %arg7[%get3A_127, %get3A_128] {strides = array<i32>} : memref<64x304xf32, #tpu.memory_space<vmem>>, vector<1x16xf32>,
        %get3A_130 = vector.shape_cast %get3A_129 : vector<1x16xf32> to vector<16xf32>
        %add3A_131 = arith.constant 64 : i32
        %add3A_132 = arith.addi %mul3A_88, %add3A_131 : i32
        %swap3A_133 = arith.index_cast %add3A_132 : i32 to index
        %swap3A_134 = tpu.vector_load %arg9[%swap3A_133] {strides = array<i32>} : memref<19200xf32, #tpu.memory_space<vmem>>, vector<16xf32>,
        %swap3A_135 = vector.shape_cast %swap3A_134 : vector<16xf32> to vector<16xf32>
        %swap3A_136 = vector.shape_cast %get3A_130 : vector<16xf32> to vector<16xf32>
        tpu.vector_store %arg9[%swap3A_133], %swap3A_136 {strides = array<i32>} : memref<19200xf32, #tpu.memory_space<vmem>>, vector<16xf32>,
        %get3A_137 = arith.index_cast %scan3A_86 : i32 to index
        %get3A_138 = arith.constant 80 : index
        %get3A_139 = tpu.vector_load %arg7[%get3A_137, %get3A_138] {strides = array<i32>} : memref<64x304xf32, #tpu.memory_space<vmem>>, vector<1x16xf32>,
        %get3A_140 = vector.shape_cast %get3A_139 : vector<1x16xf32> to vector<16xf32>
        %add3A_141 = arith.constant 80 : i32
        %add3A_142 = arith.addi %mul3A_88, %add3A_141 : i32
        %swap3A_143 = arith.index_cast %add3A_142 : i32 to index
        %swap3A_144 = tpu.vector_load %arg9[%swap3A_143] {strides = array<i32>} : memref<19200xf32, #tpu.memory_space<vmem>>, vector<16xf32>,
        %swap3A_145 = vector.shape_cast %swap3A_144 : vector<16xf32> to vector<16xf32>
        %swap3A_146 = vector.shape_cast %get3A_140 : vector<16xf32> to vector<16xf32>
        tpu.vector_store %arg9[%swap3A_143], %swap3A_146 {strides = array<i32>} : memref<19200xf32, #tpu.memory_space<vmem>>, vector<16xf32>,
        %get3A_147 = arith.index_cast %scan3A_86 : i32 to index
        %get3A_148 = arith.constant 96 : index
        %get3A_149 = tpu.vector_load %arg7[%get3A_147, %get3A_148] {strides = array<i32>} : memref<64x304xf32, #tpu.memory_space<vmem>>, vector<1x16xf32>,
        %get3A_150 = vector.shape_cast %get3A_149 : vector<1x16xf32> to vector<16xf32>
        %add3A_151 = arith.constant 96 : i32
        %add3A_152 = arith.addi %mul3A_88, %add3A_151 : i32
        %swap3A_153 = arith.index_cast %add3A_152 : i32 to index
        %swap3A_154 = tpu.vector_load %arg9[%swap3A_153] {strides = array<i32>} : memref<19200xf32, #tpu.memory_space<vmem>>, vector<16xf32>,
        %swap3A_155 = vector.shape_cast %swap3A_154 : vector<16xf32> to vector<16xf32>
        %swap3A_156 = vector.shape_cast %get3A_150 : vector<16xf32> to vector<16xf32>
        tpu.vector_store %arg9[%swap3A_153], %swap3A_156 {strides = array<i32>} : memref<19200xf32, #tpu.memory_space<vmem>>, vector<16xf32>,
        %get3A_157 = arith.index_cast %scan3A_86 : i32 to index
        %get3A_158 = arith.constant 112 : index
        %get3A_159 = tpu.vector_load %arg7[%get3A_157, %get3A_158] {strides = array<i32>} : memref<64x304xf32, #tpu.memory_space<vmem>>, vector<1x16xf32>,
        %get3A_160 = vector.shape_cast %get3A_159 : vector<1x16xf32> to vector<16xf32>
        %add3A_161 = arith.constant 112 : i32
        %add3A_162 = arith.addi %mul3A_88, %add3A_161 : i32
        %swap3A_163 = arith.index_cast %add3A_162 : i32 to index
        %swap3A_164 = tpu.vector_load %arg9[%swap3A_163] {strides = array<i32>} : memref<19200xf32, #tpu.memory_space<vmem>>, vector<16xf32>,
        %swap3A_165 = vector.shape_cast %swap3A_164 : vector<16xf32> to vector<16xf32>
        %swap3A_166 = vector.shape_cast %get3A_160 : vector<16xf32> to vector<16xf32>
        tpu.vector_store %arg9[%swap3A_163], %swap3A_166 {strides = array<i32>} : memref<19200xf32, #tpu.memory_space<vmem>>, vector<16xf32>,
        %get3A_167 = arith.index_cast %scan3A_86 : i32 to index
        %get3A_168 = arith.constant 128 : index
        %get3A_169 = tpu.vector_load %arg7[%get3A_167, %get3A_168] {strides = array<i32>} : memref<64x304xf32, #tpu.memory_space<vmem>>, vector<1x16xf32>,
        %get3A_170 = vector.shape_cast %get3A_169 : vector<1x16xf32> to vector<16xf32>
        %add3A_171 = arith.constant 128 : i32
        %add3A_172 = arith.addi %mul3A_88, %add3A_171 : i32
        %swap3A_173 = arith.index_cast %add3A_172 : i32 to index
        %swap3A_174 = tpu.vector_load %arg9[%swap3A_173] {strides = array<i32>} : memref<19200xf32, #tpu.memory_space<vmem>>, vector<16xf32>,
        %swap3A_175 = vector.shape_cast %swap3A_174 : vector<16xf32> to vector<16xf32>
        %swap3A_176 = vector.shape_cast %get3A_170 : vector<16xf32> to vector<16xf32>
        tpu.vector_store %arg9[%swap3A_173], %swap3A_176 {strides = array<i32>} : memref<19200xf32, #tpu.memory_space<vmem>>, vector<16xf32>,
        %get3A_177 = arith.index_cast %scan3A_86 : i32 to index
        %get3A_178 = arith.constant 144 : index
        %get3A_179 = tpu.vector_load %arg7[%get3A_177, %get3A_178] {strides = array<i32>} : memref<64x304xf32, #tpu.memory_space<vmem>>, vector<1x16xf32>,
        %get3A_180 = vector.shape_cast %get3A_179 : vector<1x16xf32> to vector<16xf32>
        %add3A_181 = arith.constant 144 : i32
        %add3A_182 = arith.addi %mul3A_88, %add3A_181 : i32
        %swap3A_183 = arith.index_cast %add3A_182 : i32 to index
        %swap3A_184 = tpu.vector_load %arg9[%swap3A_183] {strides = array<i32>} : memref<19200xf32, #tpu.memory_space<vmem>>, vector<16xf32>,
        %swap3A_185 = vector.shape_cast %swap3A_184 : vector<16xf32> to vector<16xf32>
        %swap3A_186 = vector.shape_cast %get3A_180 : vector<16xf32> to vector<16xf32>
        tpu.vector_store %arg9[%swap3A_183], %swap3A_186 {strides = array<i32>} : memref<19200xf32, #tpu.memory_space<vmem>>, vector<16xf32>,
        %get3A_187 = arith.index_cast %scan3A_86 : i32 to index
        %get3A_188 = arith.constant 160 : index
        %get3A_189 = tpu.vector_load %arg7[%get3A_187, %get3A_188] {strides = array<i32>} : memref<64x304xf32, #tpu.memory_space<vmem>>, vector<1x16xf32>,
        %get3A_190 = vector.shape_cast %get3A_189 : vector<1x16xf32> to vector<16xf32>
        %add3A_191 = arith.constant 160 : i32
        %add3A_192 = arith.addi %mul3A_88, %add3A_191 : i32
        %swap3A_193 = arith.index_cast %add3A_192 : i32 to index
        %swap3A_194 = tpu.vector_load %arg9[%swap3A_193] {strides = array<i32>} : memref<19200xf32, #tpu.memory_space<vmem>>, vector<16xf32>,
        %swap3A_195 = vector.shape_cast %swap3A_194 : vector<16xf32> to vector<16xf32>
        %swap3A_196 = vector.shape_cast %get3A_190 : vector<16xf32> to vector<16xf32>
        tpu.vector_store %arg9[%swap3A_193], %swap3A_196 {strides = array<i32>} : memref<19200xf32, #tpu.memory_space<vmem>>, vector<16xf32>,
        %get3A_197 = arith.index_cast %scan3A_86 : i32 to index
        %get3A_198 = arith.constant 176 : index
        %get3A_199 = tpu.vector_load %arg7[%get3A_197, %get3A_198] {strides = array<i32>} : memref<64x304xf32, #tpu.memory_space<vmem>>, vector<1x16xf32>,
        %get3A_200 = vector.shape_cast %get3A_199 : vector<1x16xf32> to vector<16xf32>
        %add3A_201 = arith.constant 176 : i32
        %add3A_202 = arith.addi %mul3A_88, %add3A_201 : i32
        %swap3A_203 = arith.index_cast %add3A_202 : i32 to index
        %swap3A_204 = tpu.vector_load %arg9[%swap3A_203] {strides = array<i32>} : memref<19200xf32, #tpu.memory_space<vmem>>, vector<16xf32>,
        %swap3A_205 = vector.shape_cast %swap3A_204 : vector<16xf32> to vector<16xf32>
        %swap3A_206 = vector.shape_cast %get3A_200 : vector<16xf32> to vector<16xf32>
        tpu.vector_store %arg9[%swap3A_203], %swap3A_206 {strides = array<i32>} : memref<19200xf32, #tpu.memory_space<vmem>>, vector<16xf32>,
        %get3A_207 = arith.index_cast %scan3A_86 : i32 to index
        %get3A_208 = arith.constant 192 : index
        %get3A_209 = tpu.vector_load %arg7[%get3A_207, %get3A_208] {strides = array<i32>} : memref<64x304xf32, #tpu.memory_space<vmem>>, vector<1x16xf32>,
        %get3A_210 = vector.shape_cast %get3A_209 : vector<1x16xf32> to vector<16xf32>
        %add3A_211 = arith.constant 192 : i32
        %add3A_212 = arith.addi %mul3A_88, %add3A_211 : i32
        %swap3A_213 = arith.index_cast %add3A_212 : i32 to index
        %swap3A_214 = tpu.vector_load %arg9[%swap3A_213] {strides = array<i32>} : memref<19200xf32, #tpu.memory_space<vmem>>, vector<16xf32>,
        %swap3A_215 = vector.shape_cast %swap3A_214 : vector<16xf32> to vector<16xf32>
        %swap3A_216 = vector.shape_cast %get3A_210 : vector<16xf32> to vector<16xf32>
        tpu.vector_store %arg9[%swap3A_213], %swap3A_216 {strides = array<i32>} : memref<19200xf32, #tpu.memory_space<vmem>>, vector<16xf32>,
        %get3A_217 = arith.index_cast %scan3A_86 : i32 to index
        %get3A_218 = arith.constant 208 : index
        %get3A_219 = tpu.vector_load %arg7[%get3A_217, %get3A_218] {strides = array<i32>} : memref<64x304xf32, #tpu.memory_space<vmem>>, vector<1x16xf32>,
        %get3A_220 = vector.shape_cast %get3A_219 : vector<1x16xf32> to vector<16xf32>
        %add3A_221 = arith.constant 208 : i32
        %add3A_222 = arith.addi %mul3A_88, %add3A_221 : i32
        %swap3A_223 = arith.index_cast %add3A_222 : i32 to index
        %swap3A_224 = tpu.vector_load %arg9[%swap3A_223] {strides = array<i32>} : memref<19200xf32, #tpu.memory_space<vmem>>, vector<16xf32>,
        %swap3A_225 = vector.shape_cast %swap3A_224 : vector<16xf32> to vector<16xf32>
        %swap3A_226 = vector.shape_cast %get3A_220 : vector<16xf32> to vector<16xf32>
        tpu.vector_store %arg9[%swap3A_223], %swap3A_226 {strides = array<i32>} : memref<19200xf32, #tpu.memory_space<vmem>>, vector<16xf32>,
        %get3A_227 = arith.index_cast %scan3A_86 : i32 to index
        %get3A_228 = arith.constant 224 : index
        %get3A_229 = tpu.vector_load %arg7[%get3A_227, %get3A_228] {strides = array<i32>} : memref<64x304xf32, #tpu.memory_space<vmem>>, vector<1x16xf32>,
        %get3A_230 = vector.shape_cast %get3A_229 : vector<1x16xf32> to vector<16xf32>
        %add3A_231 = arith.constant 224 : i32
        %add3A_232 = arith.addi %mul3A_88, %add3A_231 : i32
        %swap3A_233 = arith.index_cast %add3A_232 : i32 to index
        %swap3A_234 = tpu.vector_load %arg9[%swap3A_233] {strides = array<i32>} : memref<19200xf32, #tpu.memory_space<vmem>>, vector<16xf32>,
        %swap3A_235 = vector.shape_cast %swap3A_234 : vector<16xf32> to vector<16xf32>
        %swap3A_236 = vector.shape_cast %get3A_230 : vector<16xf32> to vector<16xf32>
        tpu.vector_store %arg9[%swap3A_233], %swap3A_236 {strides = array<i32>} : memref<19200xf32, #tpu.memory_space<vmem>>, vector<16xf32>,
        %get3A_237 = arith.index_cast %scan3A_86 : i32 to index
        %get3A_238 = arith.constant 240 : index
        %get3A_239 = tpu.vector_load %arg7[%get3A_237, %get3A_238] {strides = array<i32>} : memref<64x304xf32, #tpu.memory_space<vmem>>, vector<1x16xf32>,
        %get3A_240 = vector.shape_cast %get3A_239 : vector<1x16xf32> to vector<16xf32>
        %add3A_241 = arith.constant 240 : i32
        %add3A_242 = arith.addi %mul3A_88, %add3A_241 : i32
        %swap3A_243 = arith.index_cast %add3A_242 : i32 to index
        %swap3A_244 = tpu.vector_load %arg9[%swap3A_243] {strides = array<i32>} : memref<19200xf32, #tpu.memory_space<vmem>>, vector<16xf32>,
        %swap3A_245 = vector.shape_cast %swap3A_244 : vector<16xf32> to vector<16xf32>
        %swap3A_246 = vector.shape_cast %get3A_240 : vector<16xf32> to vector<16xf32>
        tpu.vector_store %arg9[%swap3A_243], %swap3A_246 {strides = array<i32>} : memref<19200xf32, #tpu.memory_space<vmem>>, vector<16xf32>,
        %get3A_247 = arith.index_cast %scan3A_86 : i32 to index
        %get3A_248 = arith.constant 256 : index
        %get3A_249 = tpu.vector_load %arg7[%get3A_247, %get3A_248] {strides = array<i32>} : memref<64x304xf32, #tpu.memory_space<vmem>>, vector<1x16xf32>,
        %get3A_250 = vector.shape_cast %get3A_249 : vector<1x16xf32> to vector<16xf32>
        %add3A_251 = arith.constant 256 : i32
        %add3A_252 = arith.addi %mul3A_88, %add3A_251 : i32
        %swap3A_253 = arith.index_cast %add3A_252 : i32 to index
        %swap3A_254 = tpu.vector_load %arg9[%swap3A_253] {strides = array<i32>} : memref<19200xf32, #tpu.memory_space<vmem>>, vector<16xf32>,
        %swap3A_255 = vector.shape_cast %swap3A_254 : vector<16xf32> to vector<16xf32>
        %swap3A_256 = vector.shape_cast %get3A_250 : vector<16xf32> to vector<16xf32>
        tpu.vector_store %arg9[%swap3A_253], %swap3A_256 {strides = array<i32>} : memref<19200xf32, #tpu.memory_space<vmem>>, vector<16xf32>,
        %get3A_257 = arith.index_cast %scan3A_86 : i32 to index
        %get3A_258 = arith.constant 272 : index
        %get3A_259 = tpu.vector_load %arg7[%get3A_257, %get3A_258] {strides = array<i32>} : memref<64x304xf32, #tpu.memory_space<vmem>>, vector<1x16xf32>,
        %get3A_260 = vector.shape_cast %get3A_259 : vector<1x16xf32> to vector<16xf32>
        %add3A_261 = arith.constant 272 : i32
        %add3A_262 = arith.addi %mul3A_88, %add3A_261 : i32
        %swap3A_263 = arith.index_cast %add3A_262 : i32 to index
        %swap3A_264 = tpu.vector_load %arg9[%swap3A_263] {strides = array<i32>} : memref<19200xf32, #tpu.memory_space<vmem>>, vector<16xf32>,
        %swap3A_265 = vector.shape_cast %swap3A_264 : vector<16xf32> to vector<16xf32>
        %swap3A_266 = vector.shape_cast %get3A_260 : vector<16xf32> to vector<16xf32>
        tpu.vector_store %arg9[%swap3A_263], %swap3A_266 {strides = array<i32>} : memref<19200xf32, #tpu.memory_space<vmem>>, vector<16xf32>,
        %get3A_267 = arith.index_cast %scan3A_86 : i32 to index
        %get3A_268 = arith.constant 284 : index
        %get3A_269 = tpu.vector_load %arg7[%get3A_267, %get3A_268] {strides = array<i32>} : memref<64x304xf32, #tpu.memory_space<vmem>>, vector<1x16xf32>,
        %get3A_270 = vector.shape_cast %get3A_269 : vector<1x16xf32> to vector<16xf32>
        %add3A_271 = arith.constant 300 : i32
        %add3A_272 = arith.addi %mul3A_88, %add3A_271 : i32
        %sub3A = arith.constant 16 : i32
        %sub3A_273 = arith.subi %add3A_272, %sub3A : i32
        %swap3A_274 = arith.index_cast %sub3A_273 : i32 to index
        %swap3A_275 = tpu.vector_load %arg9[%swap3A_274] {strides = array<i32>} : memref<19200xf32, #tpu.memory_space<vmem>>, vector<16xf32>,
        %swap3A_276 = vector.shape_cast %swap3A_275 : vector<16xf32> to vector<16xf32>
        %swap3A_277 = vector.shape_cast %get3A_270 : vector<16xf32> to vector<16xf32>
        tpu.vector_store %arg9[%swap3A_274], %swap3A_277 {strides = array<i32>} : memref<19200xf32, #tpu.memory_space<vmem>>, vector<16xf32>,
        %scan3A_278 = arith.constant 1 : i32
        %scan3A_279 = arith.addi %scan3A_86, %scan3A_278 : i32
        %mul3A_280 = arith.constant 300 : i32
        %mul3A_281 = arith.muli %scan3A_279, %mul3A_280 : i32
        %get3A_282 = arith.index_cast %scan3A_279 : i32 to index
        %get3A_283 = arith.constant 0 : index
        %get3A_284 = tpu.vector_load %arg7[%get3A_282, %get3A_283] {strides = array<i32>} : memref<64x304xf32, #tpu.memory_space<vmem>>, vector<1x16xf32>,
        %get3A_285 = vector.shape_cast %get3A_284 : vector<1x16xf32> to vector<16xf32>
        %add3A_286 = arith.constant 0 : i32
        %add3A_287 = arith.addi %mul3A_281, %add3A_286 : i32
        %swap3A_288 = arith.index_cast %add3A_287 : i32 to index
        %swap3A_289 = tpu.vector_load %arg9[%swap3A_288] {strides = array<i32>} : memref<19200xf32, #tpu.memory_space<vmem>>, vector<16xf32>,
        %swap3A_290 = vector.shape_cast %swap3A_289 : vector<16xf32> to vector<16xf32>
        %swap3A_291 = vector.shape_cast %get3A_285 : vector<16xf32> to vector<16xf32>
        tpu.vector_store %arg9[%swap3A_288], %swap3A_291 {strides = array<i32>} : memref<19200xf32, #tpu.memory_space<vmem>>, vector<16xf32>,
        %get3A_292 = arith.index_cast %scan3A_279 : i32 to index
        %get3A_293 = arith.constant 16 : index
        %get3A_294 = tpu.vector_load %arg7[%get3A_292, %get3A_293] {strides = array<i32>} : memref<64x304xf32, #tpu.memory_space<vmem>>, vector<1x16xf32>,
        %get3A_295 = vector.shape_cast %get3A_294 : vector<1x16xf32> to vector<16xf32>
        %add3A_296 = arith.constant 16 : i32
        %add3A_297 = arith.addi %mul3A_281, %add3A_296 : i32
        %swap3A_298 = arith.index_cast %add3A_297 : i32 to index
        %swap3A_299 = tpu.vector_load %arg9[%swap3A_298] {strides = array<i32>} : memref<19200xf32, #tpu.memory_space<vmem>>, vector<16xf32>,
        %swap3A_300 = vector.shape_cast %swap3A_299 : vector<16xf32> to vector<16xf32>
        %swap3A_301 = vector.shape_cast %get3A_295 : vector<16xf32> to vector<16xf32>
        tpu.vector_store %arg9[%swap3A_298], %swap3A_301 {strides = array<i32>} : memref<19200xf32, #tpu.memory_space<vmem>>, vector<16xf32>,
        %get3A_302 = arith.index_cast %scan3A_279 : i32 to index
        %get3A_303 = arith.constant 32 : index
        %get3A_304 = tpu.vector_load %arg7[%get3A_302, %get3A_303] {strides = array<i32>} : memref<64x304xf32, #tpu.memory_space<vmem>>, vector<1x16xf32>,
        %get3A_305 = vector.shape_cast %get3A_304 : vector<1x16xf32> to vector<16xf32>
        %add3A_306 = arith.constant 32 : i32
        %add3A_307 = arith.addi %mul3A_281, %add3A_306 : i32
        %swap3A_308 = arith.index_cast %add3A_307 : i32 to index
        %swap3A_309 = tpu.vector_load %arg9[%swap3A_308] {strides = array<i32>} : memref<19200xf32, #tpu.memory_space<vmem>>, vector<16xf32>,
        %swap3A_310 = vector.shape_cast %swap3A_309 : vector<16xf32> to vector<16xf32>
        %swap3A_311 = vector.shape_cast %get3A_305 : vector<16xf32> to vector<16xf32>
        tpu.vector_store %arg9[%swap3A_308], %swap3A_311 {strides = array<i32>} : memref<19200xf32, #tpu.memory_space<vmem>>, vector<16xf32>,
        %get3A_312 = arith.index_cast %scan3A_279 : i32 to index
        %get3A_313 = arith.constant 48 : index
        %get3A_314 = tpu.vector_load %arg7[%get3A_312, %get3A_313] {strides = array<i32>} : memref<64x304xf32, #tpu.memory_space<vmem>>, vector<1x16xf32>,
        %get3A_315 = vector.shape_cast %get3A_314 : vector<1x16xf32> to vector<16xf32>
        %add3A_316 = arith.constant 48 : i32
        %add3A_317 = arith.addi %mul3A_281, %add3A_316 : i32
        %swap3A_318 = arith.index_cast %add3A_317 : i32 to index
        %swap3A_319 = tpu.vector_load %arg9[%swap3A_318] {strides = array<i32>} : memref<19200xf32, #tpu.memory_space<vmem>>, vector<16xf32>,
        %swap3A_320 = vector.shape_cast %swap3A_319 : vector<16xf32> to vector<16xf32>
        %swap3A_321 = vector.shape_cast %get3A_315 : vector<16xf32> to vector<16xf32>
        tpu.vector_store %arg9[%swap3A_318], %swap3A_321 {strides = array<i32>} : memref<19200xf32, #tpu.memory_space<vmem>>, vector<16xf32>,
        %get3A_322 = arith.index_cast %scan3A_279 : i32 to index
        %get3A_323 = arith.constant 64 : index
        %get3A_324 = tpu.vector_load %arg7[%get3A_322, %get3A_323] {strides = array<i32>} : memref<64x304xf32, #tpu.memory_space<vmem>>, vector<1x16xf32>,
        %get3A_325 = vector.shape_cast %get3A_324 : vector<1x16xf32> to vector<16xf32>
        %add3A_326 = arith.constant 64 : i32
        %add3A_327 = arith.addi %mul3A_281, %add3A_326 : i32
        %swap3A_328 = arith.index_cast %add3A_327 : i32 to index
        %swap3A_329 = tpu.vector_load %arg9[%swap3A_328] {strides = array<i32>} : memref<19200xf32, #tpu.memory_space<vmem>>, vector<16xf32>,
        %swap3A_330 = vector.shape_cast %swap3A_329 : vector<16xf32> to vector<16xf32>
        %swap3A_331 = vector.shape_cast %get3A_325 : vector<16xf32> to vector<16xf32>
        tpu.vector_store %arg9[%swap3A_328], %swap3A_331 {strides = array<i32>} : memref<19200xf32, #tpu.memory_space<vmem>>, vector<16xf32>,
        %get3A_332 = arith.index_cast %scan3A_279 : i32 to index
        %get3A_333 = arith.constant 80 : index
        %get3A_334 = tpu.vector_load %arg7[%get3A_332, %get3A_333] {strides = array<i32>} : memref<64x304xf32, #tpu.memory_space<vmem>>, vector<1x16xf32>,
        %get3A_335 = vector.shape_cast %get3A_334 : vector<1x16xf32> to vector<16xf32>
        %add3A_336 = arith.constant 80 : i32
        %add3A_337 = arith.addi %mul3A_281, %add3A_336 : i32
        %swap3A_338 = arith.index_cast %add3A_337 : i32 to index
        %swap3A_339 = tpu.vector_load %arg9[%swap3A_338] {strides = array<i32>} : memref<19200xf32, #tpu.memory_space<vmem>>, vector<16xf32>,
        %swap3A_340 = vector.shape_cast %swap3A_339 : vector<16xf32> to vector<16xf32>
        %swap3A_341 = vector.shape_cast %get3A_335 : vector<16xf32> to vector<16xf32>
        tpu.vector_store %arg9[%swap3A_338], %swap3A_341 {strides = array<i32>} : memref<19200xf32, #tpu.memory_space<vmem>>, vector<16xf32>,
        %get3A_342 = arith.index_cast %scan3A_279 : i32 to index
        %get3A_343 = arith.constant 96 : index
        %get3A_344 = tpu.vector_load %arg7[%get3A_342, %get3A_343] {strides = array<i32>} : memref<64x304xf32, #tpu.memory_space<vmem>>, vector<1x16xf32>,
        %get3A_345 = vector.shape_cast %get3A_344 : vector<1x16xf32> to vector<16xf32>
        %add3A_346 = arith.constant 96 : i32
        %add3A_347 = arith.addi %mul3A_281, %add3A_346 : i32
        %swap3A_348 = arith.index_cast %add3A_347 : i32 to index
        %swap3A_349 = tpu.vector_load %arg9[%swap3A_348] {strides = array<i32>} : memref<19200xf32, #tpu.memory_space<vmem>>, vector<16xf32>,
        %swap3A_350 = vector.shape_cast %swap3A_349 : vector<16xf32> to vector<16xf32>
        %swap3A_351 = vector.shape_cast %get3A_345 : vector<16xf32> to vector<16xf32>
        tpu.vector_store %arg9[%swap3A_348], %swap3A_351 {strides = array<i32>} : memref<19200xf32, #tpu.memory_space<vmem>>, vector<16xf32>,
        %get3A_352 = arith.index_cast %scan3A_279 : i32 to index
        %get3A_353 = arith.constant 112 : index
        %get3A_354 = tpu.vector_load %arg7[%get3A_352, %get3A_353] {strides = array<i32>} : memref<64x304xf32, #tpu.memory_space<vmem>>, vector<1x16xf32>,
        %get3A_355 = vector.shape_cast %get3A_354 : vector<1x16xf32> to vector<16xf32>
        %add3A_356 = arith.constant 112 : i32
        %add3A_357 = arith.addi %mul3A_281, %add3A_356 : i32
        %swap3A_358 = arith.index_cast %add3A_357 : i32 to index
        %swap3A_359 = tpu.vector_load %arg9[%swap3A_358] {strides = array<i32>} : memref<19200xf32, #tpu.memory_space<vmem>>, vector<16xf32>,
        %swap3A_360 = vector.shape_cast %swap3A_359 : vector<16xf32> to vector<16xf32>
        %swap3A_361 = vector.shape_cast %get3A_355 : vector<16xf32> to vector<16xf32>
        tpu.vector_store %arg9[%swap3A_358], %swap3A_361 {strides = array<i32>} : memref<19200xf32, #tpu.memory_space<vmem>>, vector<16xf32>,
        %get3A_362 = arith.index_cast %scan3A_279 : i32 to index
        %get3A_363 = arith.constant 128 : index
        %get3A_364 = tpu.vector_load %arg7[%get3A_362, %get3A_363] {strides = array<i32>} : memref<64x304xf32, #tpu.memory_space<vmem>>, vector<1x16xf32>,
        %get3A_365 = vector.shape_cast %get3A_364 : vector<1x16xf32> to vector<16xf32>
        %add3A_366 = arith.constant 128 : i32
        %add3A_367 = arith.addi %mul3A_281, %add3A_366 : i32
        %swap3A_368 = arith.index_cast %add3A_367 : i32 to index
        %swap3A_369 = tpu.vector_load %arg9[%swap3A_368] {strides = array<i32>} : memref<19200xf32, #tpu.memory_space<vmem>>, vector<16xf32>,
        %swap3A_370 = vector.shape_cast %swap3A_369 : vector<16xf32> to vector<16xf32>
        %swap3A_371 = vector.shape_cast %get3A_365 : vector<16xf32> to vector<16xf32>
        tpu.vector_store %arg9[%swap3A_368], %swap3A_371 {strides = array<i32>} : memref<19200xf32, #tpu.memory_space<vmem>>, vector<16xf32>,
        %get3A_372 = arith.index_cast %scan3A_279 : i32 to index
        %get3A_373 = arith.constant 144 : index
        %get3A_374 = tpu.vector_load %arg7[%get3A_372, %get3A_373] {strides = array<i32>} : memref<64x304xf32, #tpu.memory_space<vmem>>, vector<1x16xf32>,
        %get3A_375 = vector.shape_cast %get3A_374 : vector<1x16xf32> to vector<16xf32>
        %add3A_376 = arith.constant 144 : i32
        %add3A_377 = arith.addi %mul3A_281, %add3A_376 : i32
        %swap3A_378 = arith.index_cast %add3A_377 : i32 to index
        %swap3A_379 = tpu.vector_load %arg9[%swap3A_378] {strides = array<i32>} : memref<19200xf32, #tpu.memory_space<vmem>>, vector<16xf32>,
        %swap3A_380 = vector.shape_cast %swap3A_379 : vector<16xf32> to vector<16xf32>
        %swap3A_381 = vector.shape_cast %get3A_375 : vector<16xf32> to vector<16xf32>
        tpu.vector_store %arg9[%swap3A_378], %swap3A_381 {strides = array<i32>} : memref<19200xf32, #tpu.memory_space<vmem>>, vector<16xf32>,
        %get3A_382 = arith.index_cast %scan3A_279 : i32 to index
        %get3A_383 = arith.constant 160 : index
        %get3A_384 = tpu.vector_load %arg7[%get3A_382, %get3A_383] {strides = array<i32>} : memref<64x304xf32, #tpu.memory_space<vmem>>, vector<1x16xf32>,
        %get3A_385 = vector.shape_cast %get3A_384 : vector<1x16xf32> to vector<16xf32>
        %add3A_386 = arith.constant 160 : i32
        %add3A_387 = arith.addi %mul3A_281, %add3A_386 : i32
        %swap3A_388 = arith.index_cast %add3A_387 : i32 to index
        %swap3A_389 = tpu.vector_load %arg9[%swap3A_388] {strides = array<i32>} : memref<19200xf32, #tpu.memory_space<vmem>>, vector<16xf32>,
        %swap3A_390 = vector.shape_cast %swap3A_389 : vector<16xf32> to vector<16xf32>
        %swap3A_391 = vector.shape_cast %get3A_385 : vector<16xf32> to vector<16xf32>
        tpu.vector_store %arg9[%swap3A_388], %swap3A_391 {strides = array<i32>} : memref<19200xf32, #tpu.memory_space<vmem>>, vector<16xf32>,
        %get3A_392 = arith.index_cast %scan3A_279 : i32 to index
        %get3A_393 = arith.constant 176 : index
        %get3A_394 = tpu.vector_load %arg7[%get3A_392, %get3A_393] {strides = array<i32>} : memref<64x304xf32, #tpu.memory_space<vmem>>, vector<1x16xf32>,
        %get3A_395 = vector.shape_cast %get3A_394 : vector<1x16xf32> to vector<16xf32>
        %add3A_396 = arith.constant 176 : i32
        %add3A_397 = arith.addi %mul3A_281, %add3A_396 : i32
        %swap3A_398 = arith.index_cast %add3A_397 : i32 to index
        %swap3A_399 = tpu.vector_load %arg9[%swap3A_398] {strides = array<i32>} : memref<19200xf32, #tpu.memory_space<vmem>>, vector<16xf32>,
        %swap3A_400 = vector.shape_cast %swap3A_399 : vector<16xf32> to vector<16xf32>
        %swap3A_401 = vector.shape_cast %get3A_395 : vector<16xf32> to vector<16xf32>
        tpu.vector_store %arg9[%swap3A_398], %swap3A_401 {strides = array<i32>} : memref<19200xf32, #tpu.memory_space<vmem>>, vector<16xf32>,
        %get3A_402 = arith.index_cast %scan3A_279 : i32 to index
        %get3A_403 = arith.constant 192 : index
        %get3A_404 = tpu.vector_load %arg7[%get3A_402, %get3A_403] {strides = array<i32>} : memref<64x304xf32, #tpu.memory_space<vmem>>, vector<1x16xf32>,
        %get3A_405 = vector.shape_cast %get3A_404 : vector<1x16xf32> to vector<16xf32>
        %add3A_406 = arith.constant 192 : i32
        %add3A_407 = arith.addi %mul3A_281, %add3A_406 : i32
        %swap3A_408 = arith.index_cast %add3A_407 : i32 to index
        %swap3A_409 = tpu.vector_load %arg9[%swap3A_408] {strides = array<i32>} : memref<19200xf32, #tpu.memory_space<vmem>>, vector<16xf32>,
        %swap3A_410 = vector.shape_cast %swap3A_409 : vector<16xf32> to vector<16xf32>
        %swap3A_411 = vector.shape_cast %get3A_405 : vector<16xf32> to vector<16xf32>
        tpu.vector_store %arg9[%swap3A_408], %swap3A_411 {strides = array<i32>} : memref<19200xf32, #tpu.memory_space<vmem>>, vector<16xf32>,
        %get3A_412 = arith.index_cast %scan3A_279 : i32 to index
        %get3A_413 = arith.constant 208 : index
        %get3A_414 = tpu.vector_load %arg7[%get3A_412, %get3A_413] {strides = array<i32>} : memref<64x304xf32, #tpu.memory_space<vmem>>, vector<1x16xf32>,
        %get3A_415 = vector.shape_cast %get3A_414 : vector<1x16xf32> to vector<16xf32>
        %add3A_416 = arith.constant 208 : i32
        %add3A_417 = arith.addi %mul3A_281, %add3A_416 : i32
        %swap3A_418 = arith.index_cast %add3A_417 : i32 to index
        %swap3A_419 = tpu.vector_load %arg9[%swap3A_418] {strides = array<i32>} : memref<19200xf32, #tpu.memory_space<vmem>>, vector<16xf32>,
        %swap3A_420 = vector.shape_cast %swap3A_419 : vector<16xf32> to vector<16xf32>
        %swap3A_421 = vector.shape_cast %get3A_415 : vector<16xf32> to vector<16xf32>
        tpu.vector_store %arg9[%swap3A_418], %swap3A_421 {strides = array<i32>} : memref<19200xf32, #tpu.memory_space<vmem>>, vector<16xf32>,
        %get3A_422 = arith.index_cast %scan3A_279 : i32 to index
        %get3A_423 = arith.constant 224 : index
        %get3A_424 = tpu.vector_load %arg7[%get3A_422, %get3A_423] {strides = array<i32>} : memref<64x304xf32, #tpu.memory_space<vmem>>, vector<1x16xf32>,
        %get3A_425 = vector.shape_cast %get3A_424 : vector<1x16xf32> to vector<16xf32>
        %add3A_426 = arith.constant 224 : i32
        %add3A_427 = arith.addi %mul3A_281, %add3A_426 : i32
        %swap3A_428 = arith.index_cast %add3A_427 : i32 to index
        %swap3A_429 = tpu.vector_load %arg9[%swap3A_428] {strides = array<i32>} : memref<19200xf32, #tpu.memory_space<vmem>>, vector<16xf32>,
        %swap3A_430 = vector.shape_cast %swap3A_429 : vector<16xf32> to vector<16xf32>
        %swap3A_431 = vector.shape_cast %get3A_425 : vector<16xf32> to vector<16xf32>
        tpu.vector_store %arg9[%swap3A_428], %swap3A_431 {strides = array<i32>} : memref<19200xf32, #tpu.memory_space<vmem>>, vector<16xf32>,
        %get3A_432 = arith.index_cast %scan3A_279 : i32 to index
        %get3A_433 = arith.constant 240 : index
        %get3A_434 = tpu.vector_load %arg7[%get3A_432, %get3A_433] {strides = array<i32>} : memref<64x304xf32, #tpu.memory_space<vmem>>, vector<1x16xf32>,
        %get3A_435 = vector.shape_cast %get3A_434 : vector<1x16xf32> to vector<16xf32>
        %add3A_436 = arith.constant 240 : i32
        %add3A_437 = arith.addi %mul3A_281, %add3A_436 : i32
        %swap3A_438 = arith.index_cast %add3A_437 : i32 to index
        %swap3A_439 = tpu.vector_load %arg9[%swap3A_438] {strides = array<i32>} : memref<19200xf32, #tpu.memory_space<vmem>>, vector<16xf32>,
        %swap3A_440 = vector.shape_cast %swap3A_439 : vector<16xf32> to vector<16xf32>
        %swap3A_441 = vector.shape_cast %get3A_435 : vector<16xf32> to vector<16xf32>
        tpu.vector_store %arg9[%swap3A_438], %swap3A_441 {strides = array<i32>} : memref<19200xf32, #tpu.memory_space<vmem>>, vector<16xf32>,
        %get3A_442 = arith.index_cast %scan3A_279 : i32 to index
        %get3A_443 = arith.constant 256 : index
        %get3A_444 = tpu.vector_load %arg7[%get3A_442, %get3A_443] {strides = array<i32>} : memref<64x304xf32, #tpu.memory_space<vmem>>, vector<1x16xf32>,
        %get3A_445 = vector.shape_cast %get3A_444 : vector<1x16xf32> to vector<16xf32>
        %add3A_446 = arith.constant 256 : i32
        %add3A_447 = arith.addi %mul3A_281, %add3A_446 : i32
        %swap3A_448 = arith.index_cast %add3A_447 : i32 to index
        %swap3A_449 = tpu.vector_load %arg9[%swap3A_448] {strides = array<i32>} : memref<19200xf32, #tpu.memory_space<vmem>>, vector<16xf32>,
        %swap3A_450 = vector.shape_cast %swap3A_449 : vector<16xf32> to vector<16xf32>
        %swap3A_451 = vector.shape_cast %get3A_445 : vector<16xf32> to vector<16xf32>
        tpu.vector_store %arg9[%swap3A_448], %swap3A_451 {strides = array<i32>} : memref<19200xf32, #tpu.memory_space<vmem>>, vector<16xf32>,
        %get3A_452 = arith.index_cast %scan3A_279 : i32 to index
        %get3A_453 = arith.constant 272 : index
        %get3A_454 = tpu.vector_load %arg7[%get3A_452, %get3A_453] {strides = array<i32>} : memref<64x304xf32, #tpu.memory_space<vmem>>, vector<1x16xf32>,
        %get3A_455 = vector.shape_cast %get3A_454 : vector<1x16xf32> to vector<16xf32>
        %add3A_456 = arith.constant 272 : i32
        %add3A_457 = arith.addi %mul3A_281, %add3A_456 : i32
        %swap3A_458 = arith.index_cast %add3A_457 : i32 to index
        %swap3A_459 = tpu.vector_load %arg9[%swap3A_458] {strides = array<i32>} : memref<19200xf32, #tpu.memory_space<vmem>>, vector<16xf32>,
        %swap3A_460 = vector.shape_cast %swap3A_459 : vector<16xf32> to vector<16xf32>
        %swap3A_461 = vector.shape_cast %get3A_455 : vector<16xf32> to vector<16xf32>
        tpu.vector_store %arg9[%swap3A_458], %swap3A_461 {strides = array<i32>} : memref<19200xf32, #tpu.memory_space<vmem>>, vector<16xf32>,
        %get3A_462 = arith.index_cast %scan3A_279 : i32 to index
        %get3A_463 = arith.constant 284 : index
        %get3A_464 = tpu.vector_load %arg7[%get3A_462, %get3A_463] {strides = array<i32>} : memref<64x304xf32, #tpu.memory_space<vmem>>, vector<1x16xf32>,
        %get3A_465 = vector.shape_cast %get3A_464 : vector<1x16xf32> to vector<16xf32>
        %add3A_466 = arith.constant 300 : i32
        %add3A_467 = arith.addi %mul3A_281, %add3A_466 : i32
        %sub3A_468 = arith.constant 16 : i32
        %sub3A_469 = arith.subi %add3A_467, %sub3A_468 : i32
        %swap3A_470 = arith.index_cast %sub3A_469 : i32 to index
        %swap3A_471 = tpu.vector_load %arg9[%swap3A_470] {strides = array<i32>} : memref<19200xf32, #tpu.memory_space<vmem>>, vector<16xf32>,
        %swap3A_472 = vector.shape_cast %swap3A_471 : vector<16xf32> to vector<16xf32>
        %swap3A_473 = vector.shape_cast %get3A_465 : vector<16xf32> to vector<16xf32>
        tpu.vector_store %arg9[%swap3A_470], %swap3A_473 {strides = array<i32>} : memref<19200xf32, #tpu.memory_space<vmem>>, vector<16xf32>,
        %scan3A_474 = arith.constant 2 : i32
        %scan3A_475 = arith.addi %scan3A_86, %scan3A_474 : i32
        %mul3A_476 = arith.constant 300 : i32
        %mul3A_477 = arith.muli %scan3A_475, %mul3A_476 : i32
        %get3A_478 = arith.index_cast %scan3A_475 : i32 to index
        %get3A_479 = arith.constant 0 : index
        %get3A_480 = tpu.vector_load %arg7[%get3A_478, %get3A_479] {strides = array<i32>} : memref<64x304xf32, #tpu.memory_space<vmem>>, vector<1x16xf32>,
        %get3A_481 = vector.shape_cast %get3A_480 : vector<1x16xf32> to vector<16xf32>
        %add3A_482 = arith.constant 0 : i32
        %add3A_483 = arith.addi %mul3A_477, %add3A_482 : i32
        %swap3A_484 = arith.index_cast %add3A_483 : i32 to index
        %swap3A_485 = tpu.vector_load %arg9[%swap3A_484] {strides = array<i32>} : memref<19200xf32, #tpu.memory_space<vmem>>, vector<16xf32>,
        %swap3A_486 = vector.shape_cast %swap3A_485 : vector<16xf32> to vector<16xf32>
        %swap3A_487 = vector.shape_cast %get3A_481 : vector<16xf32> to vector<16xf32>
        tpu.vector_store %arg9[%swap3A_484], %swap3A_487 {strides = array<i32>} : memref<19200xf32, #tpu.memory_space<vmem>>, vector<16xf32>,
        %get3A_488 = arith.index_cast %scan3A_475 : i32 to index
        %get3A_489 = arith.constant 16 : index
        %get3A_490 = tpu.vector_load %arg7[%get3A_488, %get3A_489] {strides = array<i32>} : memref<64x304xf32, #tpu.memory_space<vmem>>, vector<1x16xf32>,
        %get3A_491 = vector.shape_cast %get3A_490 : vector<1x16xf32> to vector<16xf32>
        %add3A_492 = arith.constant 16 : i32
        %add3A_493 = arith.addi %mul3A_477, %add3A_492 : i32
        %swap3A_494 = arith.index_cast %add3A_493 : i32 to index
        %swap3A_495 = tpu.vector_load %arg9[%swap3A_494] {strides = array<i32>} : memref<19200xf32, #tpu.memory_space<vmem>>, vector<16xf32>,
        %swap3A_496 = vector.shape_cast %swap3A_495 : vector<16xf32> to vector<16xf32>
        %swap3A_497 = vector.shape_cast %get3A_491 : vector<16xf32> to vector<16xf32>
        tpu.vector_store %arg9[%swap3A_494], %swap3A_497 {strides = array<i32>} : memref<19200xf32, #tpu.memory_space<vmem>>, vector<16xf32>,
        %get3A_498 = arith.index_cast %scan3A_475 : i32 to index
        %get3A_499 = arith.constant 32 : index
        %get3A_500 = tpu.vector_load %arg7[%get3A_498, %get3A_499] {strides = array<i32>} : memref<64x304xf32, #tpu.memory_space<vmem>>, vector<1x16xf32>,
        %get3A_501 = vector.shape_cast %get3A_500 : vector<1x16xf32> to vector<16xf32>
        %add3A_502 = arith.constant 32 : i32
        %add3A_503 = arith.addi %mul3A_477, %add3A_502 : i32
        %swap3A_504 = arith.index_cast %add3A_503 : i32 to index
        %swap3A_505 = tpu.vector_load %arg9[%swap3A_504] {strides = array<i32>} : memref<19200xf32, #tpu.memory_space<vmem>>, vector<16xf32>,
        %swap3A_506 = vector.shape_cast %swap3A_505 : vector<16xf32> to vector<16xf32>
        %swap3A_507 = vector.shape_cast %get3A_501 : vector<16xf32> to vector<16xf32>
        tpu.vector_store %arg9[%swap3A_504], %swap3A_507 {strides = array<i32>} : memref<19200xf32, #tpu.memory_space<vmem>>, vector<16xf32>,
        %get3A_508 = arith.index_cast %scan3A_475 : i32 to index
        %get3A_509 = arith.constant 48 : index
        %get3A_510 = tpu.vector_load %arg7[%get3A_508, %get3A_509] {strides = array<i32>} : memref<64x304xf32, #tpu.memory_space<vmem>>, vector<1x16xf32>,
        %get3A_511 = vector.shape_cast %get3A_510 : vector<1x16xf32> to vector<16xf32>
        %add3A_512 = arith.constant 48 : i32
        %add3A_513 = arith.addi %mul3A_477, %add3A_512 : i32
        %swap3A_514 = arith.index_cast %add3A_513 : i32 to index
        %swap3A_515 = tpu.vector_load %arg9[%swap3A_514] {strides = array<i32>} : memref<19200xf32, #tpu.memory_space<vmem>>, vector<16xf32>,
        %swap3A_516 = vector.shape_cast %swap3A_515 : vector<16xf32> to vector<16xf32>
        %swap3A_517 = vector.shape_cast %get3A_511 : vector<16xf32> to vector<16xf32>
        tpu.vector_store %arg9[%swap3A_514], %swap3A_517 {strides = array<i32>} : memref<19200xf32, #tpu.memory_space<vmem>>, vector<16xf32>,
        %get3A_518 = arith.index_cast %scan3A_475 : i32 to index
        %get3A_519 = arith.constant 64 : index
        %get3A_520 = tpu.vector_load %arg7[%get3A_518, %get3A_519] {strides = array<i32>} : memref<64x304xf32, #tpu.memory_space<vmem>>, vector<1x16xf32>,
        %get3A_521 = vector.shape_cast %get3A_520 : vector<1x16xf32> to vector<16xf32>
        %add3A_522 = arith.constant 64 : i32
        %add3A_523 = arith.addi %mul3A_477, %add3A_522 : i32
        %swap3A_524 = arith.index_cast %add3A_523 : i32 to index
        %swap3A_525 = tpu.vector_load %arg9[%swap3A_524] {strides = array<i32>} : memref<19200xf32, #tpu.memory_space<vmem>>, vector<16xf32>,
        %swap3A_526 = vector.shape_cast %swap3A_525 : vector<16xf32> to vector<16xf32>
        %swap3A_527 = vector.shape_cast %get3A_521 : vector<16xf32> to vector<16xf32>
        tpu.vector_store %arg9[%swap3A_524], %swap3A_527 {strides = array<i32>} : memref<19200xf32, #tpu.memory_space<vmem>>, vector<16xf32>,
        %get3A_528 = arith.index_cast %scan3A_475 : i32 to index
        %get3A_529 = arith.constant 80 : index
        %get3A_530 = tpu.vector_load %arg7[%get3A_528, %get3A_529] {strides = array<i32>} : memref<64x304xf32, #tpu.memory_space<vmem>>, vector<1x16xf32>,
        %get3A_531 = vector.shape_cast %get3A_530 : vector<1x16xf32> to vector<16xf32>
        %add3A_532 = arith.constant 80 : i32
        %add3A_533 = arith.addi %mul3A_477, %add3A_532 : i32
        %swap3A_534 = arith.index_cast %add3A_533 : i32 to index
        %swap3A_535 = tpu.vector_load %arg9[%swap3A_534] {strides = array<i32>} : memref<19200xf32, #tpu.memory_space<vmem>>, vector<16xf32>,
        %swap3A_536 = vector.shape_cast %swap3A_535 : vector<16xf32> to vector<16xf32>
        %swap3A_537 = vector.shape_cast %get3A_531 : vector<16xf32> to vector<16xf32>
        tpu.vector_store %arg9[%swap3A_534], %swap3A_537 {strides = array<i32>} : memref<19200xf32, #tpu.memory_space<vmem>>, vector<16xf32>,
        %get3A_538 = arith.index_cast %scan3A_475 : i32 to index
        %get3A_539 = arith.constant 96 : index
        %get3A_540 = tpu.vector_load %arg7[%get3A_538, %get3A_539] {strides = array<i32>} : memref<64x304xf32, #tpu.memory_space<vmem>>, vector<1x16xf32>,
        %get3A_541 = vector.shape_cast %get3A_540 : vector<1x16xf32> to vector<16xf32>
        %add3A_542 = arith.constant 96 : i32
        %add3A_543 = arith.addi %mul3A_477, %add3A_542 : i32
        %swap3A_544 = arith.index_cast %add3A_543 : i32 to index
        %swap3A_545 = tpu.vector_load %arg9[%swap3A_544] {strides = array<i32>} : memref<19200xf32, #tpu.memory_space<vmem>>, vector<16xf32>,
        %swap3A_546 = vector.shape_cast %swap3A_545 : vector<16xf32> to vector<16xf32>
        %swap3A_547 = vector.shape_cast %get3A_541 : vector<16xf32> to vector<16xf32>
        tpu.vector_store %arg9[%swap3A_544], %swap3A_547 {strides = array<i32>} : memref<19200xf32, #tpu.memory_space<vmem>>, vector<16xf32>,
        %get3A_548 = arith.index_cast %scan3A_475 : i32 to index
        %get3A_549 = arith.constant 112 : index
        %get3A_550 = tpu.vector_load %arg7[%get3A_548, %get3A_549] {strides = array<i32>} : memref<64x304xf32, #tpu.memory_space<vmem>>, vector<1x16xf32>,
        %get3A_551 = vector.shape_cast %get3A_550 : vector<1x16xf32> to vector<16xf32>
        %add3A_552 = arith.constant 112 : i32
        %add3A_553 = arith.addi %mul3A_477, %add3A_552 : i32
        %swap3A_554 = arith.index_cast %add3A_553 : i32 to index
        %swap3A_555 = tpu.vector_load %arg9[%swap3A_554] {strides = array<i32>} : memref<19200xf32, #tpu.memory_space<vmem>>, vector<16xf32>,
        %swap3A_556 = vector.shape_cast %swap3A_555 : vector<16xf32> to vector<16xf32>
        %swap3A_557 = vector.shape_cast %get3A_551 : vector<16xf32> to vector<16xf32>
        tpu.vector_store %arg9[%swap3A_554], %swap3A_557 {strides = array<i32>} : memref<19200xf32, #tpu.memory_space<vmem>>, vector<16xf32>,
        %get3A_558 = arith.index_cast %scan3A_475 : i32 to index
        %get3A_559 = arith.constant 128 : index
        %get3A_560 = tpu.vector_load %arg7[%get3A_558, %get3A_559] {strides = array<i32>} : memref<64x304xf32, #tpu.memory_space<vmem>>, vector<1x16xf32>,
        %get3A_561 = vector.shape_cast %get3A_560 : vector<1x16xf32> to vector<16xf32>
        %add3A_562 = arith.constant 128 : i32
        %add3A_563 = arith.addi %mul3A_477, %add3A_562 : i32
        %swap3A_564 = arith.index_cast %add3A_563 : i32 to index
        %swap3A_565 = tpu.vector_load %arg9[%swap3A_564] {strides = array<i32>} : memref<19200xf32, #tpu.memory_space<vmem>>, vector<16xf32>,
        %swap3A_566 = vector.shape_cast %swap3A_565 : vector<16xf32> to vector<16xf32>
        %swap3A_567 = vector.shape_cast %get3A_561 : vector<16xf32> to vector<16xf32>
        tpu.vector_store %arg9[%swap3A_564], %swap3A_567 {strides = array<i32>} : memref<19200xf32, #tpu.memory_space<vmem>>, vector<16xf32>,
        %get3A_568 = arith.index_cast %scan3A_475 : i32 to index
        %get3A_569 = arith.constant 144 : index
        %get3A_570 = tpu.vector_load %arg7[%get3A_568, %get3A_569] {strides = array<i32>} : memref<64x304xf32, #tpu.memory_space<vmem>>, vector<1x16xf32>,
        %get3A_571 = vector.shape_cast %get3A_570 : vector<1x16xf32> to vector<16xf32>
        %add3A_572 = arith.constant 144 : i32
        %add3A_573 = arith.addi %mul3A_477, %add3A_572 : i32
        %swap3A_574 = arith.index_cast %add3A_573 : i32 to index
        %swap3A_575 = tpu.vector_load %arg9[%swap3A_574] {strides = array<i32>} : memref<19200xf32, #tpu.memory_space<vmem>>, vector<16xf32>,
        %swap3A_576 = vector.shape_cast %swap3A_575 : vector<16xf32> to vector<16xf32>
        %swap3A_577 = vector.shape_cast %get3A_571 : vector<16xf32> to vector<16xf32>
        tpu.vector_store %arg9[%swap3A_574], %swap3A_577 {strides = array<i32>} : memref<19200xf32, #tpu.memory_space<vmem>>, vector<16xf32>,
        %get3A_578 = arith.index_cast %scan3A_475 : i32 to index
        %get3A_579 = arith.constant 160 : index
        %get3A_580 = tpu.vector_load %arg7[%get3A_578, %get3A_579] {strides = array<i32>} : memref<64x304xf32, #tpu.memory_space<vmem>>, vector<1x16xf32>,
        %get3A_581 = vector.shape_cast %get3A_580 : vector<1x16xf32> to vector<16xf32>
        %add3A_582 = arith.constant 160 : i32
        %add3A_583 = arith.addi %mul3A_477, %add3A_582 : i32
        %swap3A_584 = arith.index_cast %add3A_583 : i32 to index
        %swap3A_585 = tpu.vector_load %arg9[%swap3A_584] {strides = array<i32>} : memref<19200xf32, #tpu.memory_space<vmem>>, vector<16xf32>,
        %swap3A_586 = vector.shape_cast %swap3A_585 : vector<16xf32> to vector<16xf32>
        %swap3A_587 = vector.shape_cast %get3A_581 : vector<16xf32> to vector<16xf32>
        tpu.vector_store %arg9[%swap3A_584], %swap3A_587 {strides = array<i32>} : memref<19200xf32, #tpu.memory_space<vmem>>, vector<16xf32>,
        %get3A_588 = arith.index_cast %scan3A_475 : i32 to index
        %get3A_589 = arith.constant 176 : index
        %get3A_590 = tpu.vector_load %arg7[%get3A_588, %get3A_589] {strides = array<i32>} : memref<64x304xf32, #tpu.memory_space<vmem>>, vector<1x16xf32>,
        %get3A_591 = vector.shape_cast %get3A_590 : vector<1x16xf32> to vector<16xf32>
        %add3A_592 = arith.constant 176 : i32
        %add3A_593 = arith.addi %mul3A_477, %add3A_592 : i32
        %swap3A_594 = arith.index_cast %add3A_593 : i32 to index
        %swap3A_595 = tpu.vector_load %arg9[%swap3A_594] {strides = array<i32>} : memref<19200xf32, #tpu.memory_space<vmem>>, vector<16xf32>,
        %swap3A_596 = vector.shape_cast %swap3A_595 : vector<16xf32> to vector<16xf32>
        %swap3A_597 = vector.shape_cast %get3A_591 : vector<16xf32> to vector<16xf32>
        tpu.vector_store %arg9[%swap3A_594], %swap3A_597 {strides = array<i32>} : memref<19200xf32, #tpu.memory_space<vmem>>, vector<16xf32>,
        %get3A_598 = arith.index_cast %scan3A_475 : i32 to index
        %get3A_599 = arith.constant 192 : index
        %get3A_600 = tpu.vector_load %arg7[%get3A_598, %get3A_599] {strides = array<i32>} : memref<64x304xf32, #tpu.memory_space<vmem>>, vector<1x16xf32>,
        %get3A_601 = vector.shape_cast %get3A_600 : vector<1x16xf32> to vector<16xf32>
        %add3A_602 = arith.constant 192 : i32
        %add3A_603 = arith.addi %mul3A_477, %add3A_602 : i32
        %swap3A_604 = arith.index_cast %add3A_603 : i32 to index
        %swap3A_605 = tpu.vector_load %arg9[%swap3A_604] {strides = array<i32>} : memref<19200xf32, #tpu.memory_space<vmem>>, vector<16xf32>,
        %swap3A_606 = vector.shape_cast %swap3A_605 : vector<16xf32> to vector<16xf32>
        %swap3A_607 = vector.shape_cast %get3A_601 : vector<16xf32> to vector<16xf32>
        tpu.vector_store %arg9[%swap3A_604], %swap3A_607 {strides = array<i32>} : memref<19200xf32, #tpu.memory_space<vmem>>, vector<16xf32>,
        %get3A_608 = arith.index_cast %scan3A_475 : i32 to index
        %get3A_609 = arith.constant 208 : index
        %get3A_610 = tpu.vector_load %arg7[%get3A_608, %get3A_609] {strides = array<i32>} : memref<64x304xf32, #tpu.memory_space<vmem>>, vector<1x16xf32>,
        %get3A_611 = vector.shape_cast %get3A_610 : vector<1x16xf32> to vector<16xf32>
        %add3A_612 = arith.constant 208 : i32
        %add3A_613 = arith.addi %mul3A_477, %add3A_612 : i32
        %swap3A_614 = arith.index_cast %add3A_613 : i32 to index
        %swap3A_615 = tpu.vector_load %arg9[%swap3A_614] {strides = array<i32>} : memref<19200xf32, #tpu.memory_space<vmem>>, vector<16xf32>,
        %swap3A_616 = vector.shape_cast %swap3A_615 : vector<16xf32> to vector<16xf32>
        %swap3A_617 = vector.shape_cast %get3A_611 : vector<16xf32> to vector<16xf32>
        tpu.vector_store %arg9[%swap3A_614], %swap3A_617 {strides = array<i32>} : memref<19200xf32, #tpu.memory_space<vmem>>, vector<16xf32>,
        %get3A_618 = arith.index_cast %scan3A_475 : i32 to index
        %get3A_619 = arith.constant 224 : index
        %get3A_620 = tpu.vector_load %arg7[%get3A_618, %get3A_619] {strides = array<i32>} : memref<64x304xf32, #tpu.memory_space<vmem>>, vector<1x16xf32>,
        %get3A_621 = vector.shape_cast %get3A_620 : vector<1x16xf32> to vector<16xf32>
        %add3A_622 = arith.constant 224 : i32
        %add3A_623 = arith.addi %mul3A_477, %add3A_622 : i32
        %swap3A_624 = arith.index_cast %add3A_623 : i32 to index
        %swap3A_625 = tpu.vector_load %arg9[%swap3A_624] {strides = array<i32>} : memref<19200xf32, #tpu.memory_space<vmem>>, vector<16xf32>,
        %swap3A_626 = vector.shape_cast %swap3A_625 : vector<16xf32> to vector<16xf32>
        %swap3A_627 = vector.shape_cast %get3A_621 : vector<16xf32> to vector<16xf32>
        tpu.vector_store %arg9[%swap3A_624], %swap3A_627 {strides = array<i32>} : memref<19200xf32, #tpu.memory_space<vmem>>, vector<16xf32>,
        %get3A_628 = arith.index_cast %scan3A_475 : i32 to index
        %get3A_629 = arith.constant 240 : index
        %get3A_630 = tpu.vector_load %arg7[%get3A_628, %get3A_629] {strides = array<i32>} : memref<64x304xf32, #tpu.memory_space<vmem>>, vector<1x16xf32>,
        %get3A_631 = vector.shape_cast %get3A_630 : vector<1x16xf32> to vector<16xf32>
        %add3A_632 = arith.constant 240 : i32
        %add3A_633 = arith.addi %mul3A_477, %add3A_632 : i32
        %swap3A_634 = arith.index_cast %add3A_633 : i32 to index
        %swap3A_635 = tpu.vector_load %arg9[%swap3A_634] {strides = array<i32>} : memref<19200xf32, #tpu.memory_space<vmem>>, vector<16xf32>,
        %swap3A_636 = vector.shape_cast %swap3A_635 : vector<16xf32> to vector<16xf32>
        %swap3A_637 = vector.shape_cast %get3A_631 : vector<16xf32> to vector<16xf32>
        tpu.vector_store %arg9[%swap3A_634], %swap3A_637 {strides = array<i32>} : memref<19200xf32, #tpu.memory_space<vmem>>, vector<16xf32>,
        %get3A_638 = arith.index_cast %scan3A_475 : i32 to index
        %get3A_639 = arith.constant 256 : index
        %get3A_640 = tpu.vector_load %arg7[%get3A_638, %get3A_639] {strides = array<i32>} : memref<64x304xf32, #tpu.memory_space<vmem>>, vector<1x16xf32>,
        %get3A_641 = vector.shape_cast %get3A_640 : vector<1x16xf32> to vector<16xf32>
        %add3A_642 = arith.constant 256 : i32
        %add3A_643 = arith.addi %mul3A_477, %add3A_642 : i32
        %swap3A_644 = arith.index_cast %add3A_643 : i32 to index
        %swap3A_645 = tpu.vector_load %arg9[%swap3A_644] {strides = array<i32>} : memref<19200xf32, #tpu.memory_space<vmem>>, vector<16xf32>,
        %swap3A_646 = vector.shape_cast %swap3A_645 : vector<16xf32> to vector<16xf32>
        %swap3A_647 = vector.shape_cast %get3A_641 : vector<16xf32> to vector<16xf32>
        tpu.vector_store %arg9[%swap3A_644], %swap3A_647 {strides = array<i32>} : memref<19200xf32, #tpu.memory_space<vmem>>, vector<16xf32>,
        %get3A_648 = arith.index_cast %scan3A_475 : i32 to index
        %get3A_649 = arith.constant 272 : index
        %get3A_650 = tpu.vector_load %arg7[%get3A_648, %get3A_649] {strides = array<i32>} : memref<64x304xf32, #tpu.memory_space<vmem>>, vector<1x16xf32>,
        %get3A_651 = vector.shape_cast %get3A_650 : vector<1x16xf32> to vector<16xf32>
        %add3A_652 = arith.constant 272 : i32
        %add3A_653 = arith.addi %mul3A_477, %add3A_652 : i32
        %swap3A_654 = arith.index_cast %add3A_653 : i32 to index
        %swap3A_655 = tpu.vector_load %arg9[%swap3A_654] {strides = array<i32>} : memref<19200xf32, #tpu.memory_space<vmem>>, vector<16xf32>,
        %swap3A_656 = vector.shape_cast %swap3A_655 : vector<16xf32> to vector<16xf32>
        %swap3A_657 = vector.shape_cast %get3A_651 : vector<16xf32> to vector<16xf32>
        tpu.vector_store %arg9[%swap3A_654], %swap3A_657 {strides = array<i32>} : memref<19200xf32, #tpu.memory_space<vmem>>, vector<16xf32>,
        %get3A_658 = arith.index_cast %scan3A_475 : i32 to index
        %get3A_659 = arith.constant 284 : index
        %get3A_660 = tpu.vector_load %arg7[%get3A_658, %get3A_659] {strides = array<i32>} : memref<64x304xf32, #tpu.memory_space<vmem>>, vector<1x16xf32>,
        %get3A_661 = vector.shape_cast %get3A_660 : vector<1x16xf32> to vector<16xf32>
        %add3A_662 = arith.constant 300 : i32
        %add3A_663 = arith.addi %mul3A_477, %add3A_662 : i32
        %sub3A_664 = arith.constant 16 : i32
        %sub3A_665 = arith.subi %add3A_663, %sub3A_664 : i32
        %swap3A_666 = arith.index_cast %sub3A_665 : i32 to index
        %swap3A_667 = tpu.vector_load %arg9[%swap3A_666] {strides = array<i32>} : memref<19200xf32, #tpu.memory_space<vmem>>, vector<16xf32>,
        %swap3A_668 = vector.shape_cast %swap3A_667 : vector<16xf32> to vector<16xf32>
        %swap3A_669 = vector.shape_cast %get3A_661 : vector<16xf32> to vector<16xf32>
        tpu.vector_store %arg9[%swap3A_666], %swap3A_669 {strides = array<i32>} : memref<19200xf32, #tpu.memory_space<vmem>>, vector<16xf32>,
        %scan3A_670 = arith.constant 3 : i32
        %scan3A_671 = arith.addi %scan3A_86, %scan3A_670 : i32
        %mul3A_672 = arith.constant 300 : i32
        %mul3A_673 = arith.muli %scan3A_671, %mul3A_672 : i32
        %get3A_674 = arith.index_cast %scan3A_671 : i32 to index
        %get3A_675 = arith.constant 0 : index
        %get3A_676 = tpu.vector_load %arg7[%get3A_674, %get3A_675] {strides = array<i32>} : memref<64x304xf32, #tpu.memory_space<vmem>>, vector<1x16xf32>,
        %get3A_677 = vector.shape_cast %get3A_676 : vector<1x16xf32> to vector<16xf32>
        %add3A_678 = arith.constant 0 : i32
        %add3A_679 = arith.addi %mul3A_673, %add3A_678 : i32
        %swap3A_680 = arith.index_cast %add3A_679 : i32 to index
        %swap3A_681 = tpu.vector_load %arg9[%swap3A_680] {strides = array<i32>} : memref<19200xf32, #tpu.memory_space<vmem>>, vector<16xf32>,
        %swap3A_682 = vector.shape_cast %swap3A_681 : vector<16xf32> to vector<16xf32>
        %swap3A_683 = vector.shape_cast %get3A_677 : vector<16xf32> to vector<16xf32>
        tpu.vector_store %arg9[%swap3A_680], %swap3A_683 {strides = array<i32>} : memref<19200xf32, #tpu.memory_space<vmem>>, vector<16xf32>,
        %get3A_684 = arith.index_cast %scan3A_671 : i32 to index
        %get3A_685 = arith.constant 16 : index
        %get3A_686 = tpu.vector_load %arg7[%get3A_684, %get3A_685] {strides = array<i32>} : memref<64x304xf32, #tpu.memory_space<vmem>>, vector<1x16xf32>,
        %get3A_687 = vector.shape_cast %get3A_686 : vector<1x16xf32> to vector<16xf32>
        %add3A_688 = arith.constant 16 : i32
        %add3A_689 = arith.addi %mul3A_673, %add3A_688 : i32
        %swap3A_690 = arith.index_cast %add3A_689 : i32 to index
        %swap3A_691 = tpu.vector_load %arg9[%swap3A_690] {strides = array<i32>} : memref<19200xf32, #tpu.memory_space<vmem>>, vector<16xf32>,
        %swap3A_692 = vector.shape_cast %swap3A_691 : vector<16xf32> to vector<16xf32>
        %swap3A_693 = vector.shape_cast %get3A_687 : vector<16xf32> to vector<16xf32>
        tpu.vector_store %arg9[%swap3A_690], %swap3A_693 {strides = array<i32>} : memref<19200xf32, #tpu.memory_space<vmem>>, vector<16xf32>,
        %get3A_694 = arith.index_cast %scan3A_671 : i32 to index
        %get3A_695 = arith.constant 32 : index
        %get3A_696 = tpu.vector_load %arg7[%get3A_694, %get3A_695] {strides = array<i32>} : memref<64x304xf32, #tpu.memory_space<vmem>>, vector<1x16xf32>,
        %get3A_697 = vector.shape_cast %get3A_696 : vector<1x16xf32> to vector<16xf32>
        %add3A_698 = arith.constant 32 : i32
        %add3A_699 = arith.addi %mul3A_673, %add3A_698 : i32
        %swap3A_700 = arith.index_cast %add3A_699 : i32 to index
        %swap3A_701 = tpu.vector_load %arg9[%swap3A_700] {strides = array<i32>} : memref<19200xf32, #tpu.memory_space<vmem>>, vector<16xf32>,
        %swap3A_702 = vector.shape_cast %swap3A_701 : vector<16xf32> to vector<16xf32>
        %swap3A_703 = vector.shape_cast %get3A_697 : vector<16xf32> to vector<16xf32>
        tpu.vector_store %arg9[%swap3A_700], %swap3A_703 {strides = array<i32>} : memref<19200xf32, #tpu.memory_space<vmem>>, vector<16xf32>,
        %get3A_704 = arith.index_cast %scan3A_671 : i32 to index
        %get3A_705 = arith.constant 48 : index
        %get3A_706 = tpu.vector_load %arg7[%get3A_704, %get3A_705] {strides = array<i32>} : memref<64x304xf32, #tpu.memory_space<vmem>>, vector<1x16xf32>,
        %get3A_707 = vector.shape_cast %get3A_706 : vector<1x16xf32> to vector<16xf32>
        %add3A_708 = arith.constant 48 : i32
        %add3A_709 = arith.addi %mul3A_673, %add3A_708 : i32
        %swap3A_710 = arith.index_cast %add3A_709 : i32 to index
        %swap3A_711 = tpu.vector_load %arg9[%swap3A_710] {strides = array<i32>} : memref<19200xf32, #tpu.memory_space<vmem>>, vector<16xf32>,
        %swap3A_712 = vector.shape_cast %swap3A_711 : vector<16xf32> to vector<16xf32>
        %swap3A_713 = vector.shape_cast %get3A_707 : vector<16xf32> to vector<16xf32>
        tpu.vector_store %arg9[%swap3A_710], %swap3A_713 {strides = array<i32>} : memref<19200xf32, #tpu.memory_space<vmem>>, vector<16xf32>,
        %get3A_714 = arith.index_cast %scan3A_671 : i32 to index
        %get3A_715 = arith.constant 64 : index
        %get3A_716 = tpu.vector_load %arg7[%get3A_714, %get3A_715] {strides = array<i32>} : memref<64x304xf32, #tpu.memory_space<vmem>>, vector<1x16xf32>,
        %get3A_717 = vector.shape_cast %get3A_716 : vector<1x16xf32> to vector<16xf32>
        %add3A_718 = arith.constant 64 : i32
        %add3A_719 = arith.addi %mul3A_673, %add3A_718 : i32
        %swap3A_720 = arith.index_cast %add3A_719 : i32 to index
        %swap3A_721 = tpu.vector_load %arg9[%swap3A_720] {strides = array<i32>} : memref<19200xf32, #tpu.memory_space<vmem>>, vector<16xf32>,
        %swap3A_722 = vector.shape_cast %swap3A_721 : vector<16xf32> to vector<16xf32>
        %swap3A_723 = vector.shape_cast %get3A_717 : vector<16xf32> to vector<16xf32>
        tpu.vector_store %arg9[%swap3A_720], %swap3A_723 {strides = array<i32>} : memref<19200xf32, #tpu.memory_space<vmem>>, vector<16xf32>,
        %get3A_724 = arith.index_cast %scan3A_671 : i32 to index
        %get3A_725 = arith.constant 80 : index
        %get3A_726 = tpu.vector_load %arg7[%get3A_724, %get3A_725] {strides = array<i32>} : memref<64x304xf32, #tpu.memory_space<vmem>>, vector<1x16xf32>,
        %get3A_727 = vector.shape_cast %get3A_726 : vector<1x16xf32> to vector<16xf32>
        %add3A_728 = arith.constant 80 : i32
        %add3A_729 = arith.addi %mul3A_673, %add3A_728 : i32
        %swap3A_730 = arith.index_cast %add3A_729 : i32 to index
        %swap3A_731 = tpu.vector_load %arg9[%swap3A_730] {strides = array<i32>} : memref<19200xf32, #tpu.memory_space<vmem>>, vector<16xf32>,
        %swap3A_732 = vector.shape_cast %swap3A_731 : vector<16xf32> to vector<16xf32>
        %swap3A_733 = vector.shape_cast %get3A_727 : vector<16xf32> to vector<16xf32>
        tpu.vector_store %arg9[%swap3A_730], %swap3A_733 {strides = array<i32>} : memref<19200xf32, #tpu.memory_space<vmem>>, vector<16xf32>,
        %get3A_734 = arith.index_cast %scan3A_671 : i32 to index
        %get3A_735 = arith.constant 96 : index
        %get3A_736 = tpu.vector_load %arg7[%get3A_734, %get3A_735] {strides = array<i32>} : memref<64x304xf32, #tpu.memory_space<vmem>>, vector<1x16xf32>,
        %get3A_737 = vector.shape_cast %get3A_736 : vector<1x16xf32> to vector<16xf32>
        %add3A_738 = arith.constant 96 : i32
        %add3A_739 = arith.addi %mul3A_673, %add3A_738 : i32
        %swap3A_740 = arith.index_cast %add3A_739 : i32 to index
        %swap3A_741 = tpu.vector_load %arg9[%swap3A_740] {strides = array<i32>} : memref<19200xf32, #tpu.memory_space<vmem>>, vector<16xf32>,
        %swap3A_742 = vector.shape_cast %swap3A_741 : vector<16xf32> to vector<16xf32>
        %swap3A_743 = vector.shape_cast %get3A_737 : vector<16xf32> to vector<16xf32>
        tpu.vector_store %arg9[%swap3A_740], %swap3A_743 {strides = array<i32>} : memref<19200xf32, #tpu.memory_space<vmem>>, vector<16xf32>,
        %get3A_744 = arith.index_cast %scan3A_671 : i32 to index
        %get3A_745 = arith.constant 112 : index
        %get3A_746 = tpu.vector_load %arg7[%get3A_744, %get3A_745] {strides = array<i32>} : memref<64x304xf32, #tpu.memory_space<vmem>>, vector<1x16xf32>,
        %get3A_747 = vector.shape_cast %get3A_746 : vector<1x16xf32> to vector<16xf32>
        %add3A_748 = arith.constant 112 : i32
        %add3A_749 = arith.addi %mul3A_673, %add3A_748 : i32
        %swap3A_750 = arith.index_cast %add3A_749 : i32 to index
        %swap3A_751 = tpu.vector_load %arg9[%swap3A_750] {strides = array<i32>} : memref<19200xf32, #tpu.memory_space<vmem>>, vector<16xf32>,
        %swap3A_752 = vector.shape_cast %swap3A_751 : vector<16xf32> to vector<16xf32>
        %swap3A_753 = vector.shape_cast %get3A_747 : vector<16xf32> to vector<16xf32>
        tpu.vector_store %arg9[%swap3A_750], %swap3A_753 {strides = array<i32>} : memref<19200xf32, #tpu.memory_space<vmem>>, vector<16xf32>,
        %get3A_754 = arith.index_cast %scan3A_671 : i32 to index
        %get3A_755 = arith.constant 128 : index
        %get3A_756 = tpu.vector_load %arg7[%get3A_754, %get3A_755] {strides = array<i32>} : memref<64x304xf32, #tpu.memory_space<vmem>>, vector<1x16xf32>,
        %get3A_757 = vector.shape_cast %get3A_756 : vector<1x16xf32> to vector<16xf32>
        %add3A_758 = arith.constant 128 : i32
        %add3A_759 = arith.addi %mul3A_673, %add3A_758 : i32
        %swap3A_760 = arith.index_cast %add3A_759 : i32 to index
        %swap3A_761 = tpu.vector_load %arg9[%swap3A_760] {strides = array<i32>} : memref<19200xf32, #tpu.memory_space<vmem>>, vector<16xf32>,
        %swap3A_762 = vector.shape_cast %swap3A_761 : vector<16xf32> to vector<16xf32>
        %swap3A_763 = vector.shape_cast %get3A_757 : vector<16xf32> to vector<16xf32>
        tpu.vector_store %arg9[%swap3A_760], %swap3A_763 {strides = array<i32>} : memref<19200xf32, #tpu.memory_space<vmem>>, vector<16xf32>,
        %get3A_764 = arith.index_cast %scan3A_671 : i32 to index
        %get3A_765 = arith.constant 144 : index
        %get3A_766 = tpu.vector_load %arg7[%get3A_764, %get3A_765] {strides = array<i32>} : memref<64x304xf32, #tpu.memory_space<vmem>>, vector<1x16xf32>,
        %get3A_767 = vector.shape_cast %get3A_766 : vector<1x16xf32> to vector<16xf32>
        %add3A_768 = arith.constant 144 : i32
        %add3A_769 = arith.addi %mul3A_673, %add3A_768 : i32
        %swap3A_770 = arith.index_cast %add3A_769 : i32 to index
        %swap3A_771 = tpu.vector_load %arg9[%swap3A_770] {strides = array<i32>} : memref<19200xf32, #tpu.memory_space<vmem>>, vector<16xf32>,
        %swap3A_772 = vector.shape_cast %swap3A_771 : vector<16xf32> to vector<16xf32>
        %swap3A_773 = vector.shape_cast %get3A_767 : vector<16xf32> to vector<16xf32>
        tpu.vector_store %arg9[%swap3A_770], %swap3A_773 {strides = array<i32>} : memref<19200xf32, #tpu.memory_space<vmem>>, vector<16xf32>,
        %get3A_774 = arith.index_cast %scan3A_671 : i32 to index
        %get3A_775 = arith.constant 160 : index
        %get3A_776 = tpu.vector_load %arg7[%get3A_774, %get3A_775] {strides = array<i32>} : memref<64x304xf32, #tpu.memory_space<vmem>>, vector<1x16xf32>,
        %get3A_777 = vector.shape_cast %get3A_776 : vector<1x16xf32> to vector<16xf32>
        %add3A_778 = arith.constant 160 : i32
        %add3A_779 = arith.addi %mul3A_673, %add3A_778 : i32
        %swap3A_780 = arith.index_cast %add3A_779 : i32 to index
        %swap3A_781 = tpu.vector_load %arg9[%swap3A_780] {strides = array<i32>} : memref<19200xf32, #tpu.memory_space<vmem>>, vector<16xf32>,
        %swap3A_782 = vector.shape_cast %swap3A_781 : vector<16xf32> to vector<16xf32>
        %swap3A_783 = vector.shape_cast %get3A_777 : vector<16xf32> to vector<16xf32>
        tpu.vector_store %arg9[%swap3A_780], %swap3A_783 {strides = array<i32>} : memref<19200xf32, #tpu.memory_space<vmem>>, vector<16xf32>,
        %get3A_784 = arith.index_cast %scan3A_671 : i32 to index
        %get3A_785 = arith.constant 176 : index
        %get3A_786 = tpu.vector_load %arg7[%get3A_784, %get3A_785] {strides = array<i32>} : memref<64x304xf32, #tpu.memory_space<vmem>>, vector<1x16xf32>,
        %get3A_787 = vector.shape_cast %get3A_786 : vector<1x16xf32> to vector<16xf32>
        %add3A_788 = arith.constant 176 : i32
        %add3A_789 = arith.addi %mul3A_673, %add3A_788 : i32
        %swap3A_790 = arith.index_cast %add3A_789 : i32 to index
        %swap3A_791 = tpu.vector_load %arg9[%swap3A_790] {strides = array<i32>} : memref<19200xf32, #tpu.memory_space<vmem>>, vector<16xf32>,
        %swap3A_792 = vector.shape_cast %swap3A_791 : vector<16xf32> to vector<16xf32>
        %swap3A_793 = vector.shape_cast %get3A_787 : vector<16xf32> to vector<16xf32>
        tpu.vector_store %arg9[%swap3A_790], %swap3A_793 {strides = array<i32>} : memref<19200xf32, #tpu.memory_space<vmem>>, vector<16xf32>,
        %get3A_794 = arith.index_cast %scan3A_671 : i32 to index
        %get3A_795 = arith.constant 192 : index
        %get3A_796 = tpu.vector_load %arg7[%get3A_794, %get3A_795] {strides = array<i32>} : memref<64x304xf32, #tpu.memory_space<vmem>>, vector<1x16xf32>,
        %get3A_797 = vector.shape_cast %get3A_796 : vector<1x16xf32> to vector<16xf32>
        %add3A_798 = arith.constant 192 : i32
        %add3A_799 = arith.addi %mul3A_673, %add3A_798 : i32
        %swap3A_800 = arith.index_cast %add3A_799 : i32 to index
        %swap3A_801 = tpu.vector_load %arg9[%swap3A_800] {strides = array<i32>} : memref<19200xf32, #tpu.memory_space<vmem>>, vector<16xf32>,
        %swap3A_802 = vector.shape_cast %swap3A_801 : vector<16xf32> to vector<16xf32>
        %swap3A_803 = vector.shape_cast %get3A_797 : vector<16xf32> to vector<16xf32>
        tpu.vector_store %arg9[%swap3A_800], %swap3A_803 {strides = array<i32>} : memref<19200xf32, #tpu.memory_space<vmem>>, vector<16xf32>,
        %get3A_804 = arith.index_cast %scan3A_671 : i32 to index
        %get3A_805 = arith.constant 208 : index
        %get3A_806 = tpu.vector_load %arg7[%get3A_804, %get3A_805] {strides = array<i32>} : memref<64x304xf32, #tpu.memory_space<vmem>>, vector<1x16xf32>,
        %get3A_807 = vector.shape_cast %get3A_806 : vector<1x16xf32> to vector<16xf32>
        %add3A_808 = arith.constant 208 : i32
        %add3A_809 = arith.addi %mul3A_673, %add3A_808 : i32
        %swap3A_810 = arith.index_cast %add3A_809 : i32 to index
        %swap3A_811 = tpu.vector_load %arg9[%swap3A_810] {strides = array<i32>} : memref<19200xf32, #tpu.memory_space<vmem>>, vector<16xf32>,
        %swap3A_812 = vector.shape_cast %swap3A_811 : vector<16xf32> to vector<16xf32>
        %swap3A_813 = vector.shape_cast %get3A_807 : vector<16xf32> to vector<16xf32>
        tpu.vector_store %arg9[%swap3A_810], %swap3A_813 {strides = array<i32>} : memref<19200xf32, #tpu.memory_space<vmem>>, vector<16xf32>,
        %get3A_814 = arith.index_cast %scan3A_671 : i32 to index
        %get3A_815 = arith.constant 224 : index
        %get3A_816 = tpu.vector_load %arg7[%get3A_814, %get3A_815] {strides = array<i32>} : memref<64x304xf32, #tpu.memory_space<vmem>>, vector<1x16xf32>,
        %get3A_817 = vector.shape_cast %get3A_816 : vector<1x16xf32> to vector<16xf32>
        %add3A_818 = arith.constant 224 : i32
        %add3A_819 = arith.addi %mul3A_673, %add3A_818 : i32
        %swap3A_820 = arith.index_cast %add3A_819 : i32 to index
        %swap3A_821 = tpu.vector_load %arg9[%swap3A_820] {strides = array<i32>} : memref<19200xf32, #tpu.memory_space<vmem>>, vector<16xf32>,
        %swap3A_822 = vector.shape_cast %swap3A_821 : vector<16xf32> to vector<16xf32>
        %swap3A_823 = vector.shape_cast %get3A_817 : vector<16xf32> to vector<16xf32>
        tpu.vector_store %arg9[%swap3A_820], %swap3A_823 {strides = array<i32>} : memref<19200xf32, #tpu.memory_space<vmem>>, vector<16xf32>,
        %get3A_824 = arith.index_cast %scan3A_671 : i32 to index
        %get3A_825 = arith.constant 240 : index
        %get3A_826 = tpu.vector_load %arg7[%get3A_824, %get3A_825] {strides = array<i32>} : memref<64x304xf32, #tpu.memory_space<vmem>>, vector<1x16xf32>,
        %get3A_827 = vector.shape_cast %get3A_826 : vector<1x16xf32> to vector<16xf32>
        %add3A_828 = arith.constant 240 : i32
        %add3A_829 = arith.addi %mul3A_673, %add3A_828 : i32
        %swap3A_830 = arith.index_cast %add3A_829 : i32 to index
        %swap3A_831 = tpu.vector_load %arg9[%swap3A_830] {strides = array<i32>} : memref<19200xf32, #tpu.memory_space<vmem>>, vector<16xf32>,
        %swap3A_832 = vector.shape_cast %swap3A_831 : vector<16xf32> to vector<16xf32>
        %swap3A_833 = vector.shape_cast %get3A_827 : vector<16xf32> to vector<16xf32>
        tpu.vector_store %arg9[%swap3A_830], %swap3A_833 {strides = array<i32>} : memref<19200xf32, #tpu.memory_space<vmem>>, vector<16xf32>,
        %get3A_834 = arith.index_cast %scan3A_671 : i32 to index
        %get3A_835 = arith.constant 256 : index
        %get3A_836 = tpu.vector_load %arg7[%get3A_834, %get3A_835] {strides = array<i32>} : memref<64x304xf32, #tpu.memory_space<vmem>>, vector<1x16xf32>,
        %get3A_837 = vector.shape_cast %get3A_836 : vector<1x16xf32> to vector<16xf32>
        %add3A_838 = arith.constant 256 : i32
        %add3A_839 = arith.addi %mul3A_673, %add3A_838 : i32
        %swap3A_840 = arith.index_cast %add3A_839 : i32 to index
        %swap3A_841 = tpu.vector_load %arg9[%swap3A_840] {strides = array<i32>} : memref<19200xf32, #tpu.memory_space<vmem>>, vector<16xf32>,
        %swap3A_842 = vector.shape_cast %swap3A_841 : vector<16xf32> to vector<16xf32>
        %swap3A_843 = vector.shape_cast %get3A_837 : vector<16xf32> to vector<16xf32>
        tpu.vector_store %arg9[%swap3A_840], %swap3A_843 {strides = array<i32>} : memref<19200xf32, #tpu.memory_space<vmem>>, vector<16xf32>,
        %get3A_844 = arith.index_cast %scan3A_671 : i32 to index
        %get3A_845 = arith.constant 272 : index
        %get3A_846 = tpu.vector_load %arg7[%get3A_844, %get3A_845] {strides = array<i32>} : memref<64x304xf32, #tpu.memory_space<vmem>>, vector<1x16xf32>,
        %get3A_847 = vector.shape_cast %get3A_846 : vector<1x16xf32> to vector<16xf32>
        %add3A_848 = arith.constant 272 : i32
        %add3A_849 = arith.addi %mul3A_673, %add3A_848 : i32
        %swap3A_850 = arith.index_cast %add3A_849 : i32 to index
        %swap3A_851 = tpu.vector_load %arg9[%swap3A_850] {strides = array<i32>} : memref<19200xf32, #tpu.memory_space<vmem>>, vector<16xf32>,
        %swap3A_852 = vector.shape_cast %swap3A_851 : vector<16xf32> to vector<16xf32>
        %swap3A_853 = vector.shape_cast %get3A_847 : vector<16xf32> to vector<16xf32>
        tpu.vector_store %arg9[%swap3A_850], %swap3A_853 {strides = array<i32>} : memref<19200xf32, #tpu.memory_space<vmem>>, vector<16xf32>,
        %get3A_854 = arith.index_cast %scan3A_671 : i32 to index
        %get3A_855 = arith.constant 284 : index
        %get3A_856 = tpu.vector_load %arg7[%get3A_854, %get3A_855] {strides = array<i32>} : memref<64x304xf32, #tpu.memory_space<vmem>>, vector<1x16xf32>,
        %get3A_857 = vector.shape_cast %get3A_856 : vector<1x16xf32> to vector<16xf32>
        %add3A_858 = arith.constant 300 : i32
        %add3A_859 = arith.addi %mul3A_673, %add3A_858 : i32
        %sub3A_860 = arith.constant 16 : i32
        %sub3A_861 = arith.subi %add3A_859, %sub3A_860 : i32
        %swap3A_862 = arith.index_cast %sub3A_861 : i32 to index
        %swap3A_863 = tpu.vector_load %arg9[%swap3A_862] {strides = array<i32>} : memref<19200xf32, #tpu.memory_space<vmem>>, vector<16xf32>,
        %swap3A_864 = vector.shape_cast %swap3A_863 : vector<16xf32> to vector<16xf32>
        %swap3A_865 = vector.shape_cast %get3A_857 : vector<16xf32> to vector<16xf32>
        tpu.vector_store %arg9[%swap3A_862], %swap3A_865 {strides = array<i32>} : memref<19200xf32, #tpu.memory_space<vmem>>, vector<16xf32>,
        %scan3A_866 = arith.constant 4 : i32
        %scan3A_867 = arith.addi %scan3A_86, %scan3A_866 : i32
        %mul3A_868 = arith.constant 300 : i32
        %mul3A_869 = arith.muli %scan3A_867, %mul3A_868 : i32
        %get3A_870 = arith.index_cast %scan3A_867 : i32 to index
        %get3A_871 = arith.constant 0 : index
        %get3A_872 = tpu.vector_load %arg7[%get3A_870, %get3A_871] {strides = array<i32>} : memref<64x304xf32, #tpu.memory_space<vmem>>, vector<1x16xf32>,
        %get3A_873 = vector.shape_cast %get3A_872 : vector<1x16xf32> to vector<16xf32>
        %add3A_874 = arith.constant 0 : i32
        %add3A_875 = arith.addi %mul3A_869, %add3A_874 : i32
        %swap3A_876 = arith.index_cast %add3A_875 : i32 to index
        %swap3A_877 = tpu.vector_load %arg9[%swap3A_876] {strides = array<i32>} : memref<19200xf32, #tpu.memory_space<vmem>>, vector<16xf32>,
        %swap3A_878 = vector.shape_cast %swap3A_877 : vector<16xf32> to vector<16xf32>
        %swap3A_879 = vector.shape_cast %get3A_873 : vector<16xf32> to vector<16xf32>
        tpu.vector_store %arg9[%swap3A_876], %swap3A_879 {strides = array<i32>} : memref<19200xf32, #tpu.memory_space<vmem>>, vector<16xf32>,
        %get3A_880 = arith.index_cast %scan3A_867 : i32 to index
        %get3A_881 = arith.constant 16 : index
        %get3A_882 = tpu.vector_load %arg7[%get3A_880, %get3A_881] {strides = array<i32>} : memref<64x304xf32, #tpu.memory_space<vmem>>, vector<1x16xf32>,
        %get3A_883 = vector.shape_cast %get3A_882 : vector<1x16xf32> to vector<16xf32>
        %add3A_884 = arith.constant 16 : i32
        %add3A_885 = arith.addi %mul3A_869, %add3A_884 : i32
        %swap3A_886 = arith.index_cast %add3A_885 : i32 to index
        %swap3A_887 = tpu.vector_load %arg9[%swap3A_886] {strides = array<i32>} : memref<19200xf32, #tpu.memory_space<vmem>>, vector<16xf32>,
        %swap3A_888 = vector.shape_cast %swap3A_887 : vector<16xf32> to vector<16xf32>
        %swap3A_889 = vector.shape_cast %get3A_883 : vector<16xf32> to vector<16xf32>
        tpu.vector_store %arg9[%swap3A_886], %swap3A_889 {strides = array<i32>} : memref<19200xf32, #tpu.memory_space<vmem>>, vector<16xf32>,
        %get3A_890 = arith.index_cast %scan3A_867 : i32 to index
        %get3A_891 = arith.constant 32 : index
        %get3A_892 = tpu.vector_load %arg7[%get3A_890, %get3A_891] {strides = array<i32>} : memref<64x304xf32, #tpu.memory_space<vmem>>, vector<1x16xf32>,
        %get3A_893 = vector.shape_cast %get3A_892 : vector<1x16xf32> to vector<16xf32>
        %add3A_894 = arith.constant 32 : i32
        %add3A_895 = arith.addi %mul3A_869, %add3A_894 : i32
        %swap3A_896 = arith.index_cast %add3A_895 : i32 to index
        %swap3A_897 = tpu.vector_load %arg9[%swap3A_896] {strides = array<i32>} : memref<19200xf32, #tpu.memory_space<vmem>>, vector<16xf32>,
        %swap3A_898 = vector.shape_cast %swap3A_897 : vector<16xf32> to vector<16xf32>
        %swap3A_899 = vector.shape_cast %get3A_893 : vector<16xf32> to vector<16xf32>
        tpu.vector_store %arg9[%swap3A_896], %swap3A_899 {strides = array<i32>} : memref<19200xf32, #tpu.memory_space<vmem>>, vector<16xf32>,
        %get3A_900 = arith.index_cast %scan3A_867 : i32 to index
        %get3A_901 = arith.constant 48 : index
        %get3A_902 = tpu.vector_load %arg7[%get3A_900, %get3A_901] {strides = array<i32>} : memref<64x304xf32, #tpu.memory_space<vmem>>, vector<1x16xf32>,
        %get3A_903 = vector.shape_cast %get3A_902 : vector<1x16xf32> to vector<16xf32>
        %add3A_904 = arith.constant 48 : i32
        %add3A_905 = arith.addi %mul3A_869, %add3A_904 : i32
        %swap3A_906 = arith.index_cast %add3A_905 : i32 to index
        %swap3A_907 = tpu.vector_load %arg9[%swap3A_906] {strides = array<i32>} : memref<19200xf32, #tpu.memory_space<vmem>>, vector<16xf32>,
        %swap3A_908 = vector.shape_cast %swap3A_907 : vector<16xf32> to vector<16xf32>
        %swap3A_909 = vector.shape_cast %get3A_903 : vector<16xf32> to vector<16xf32>
        tpu.vector_store %arg9[%swap3A_906], %swap3A_909 {strides = array<i32>} : memref<19200xf32, #tpu.memory_space<vmem>>, vector<16xf32>,
        %get3A_910 = arith.index_cast %scan3A_867 : i32 to index
        %get3A_911 = arith.constant 64 : index
        %get3A_912 = tpu.vector_load %arg7[%get3A_910, %get3A_911] {strides = array<i32>} : memref<64x304xf32, #tpu.memory_space<vmem>>, vector<1x16xf32>,
        %get3A_913 = vector.shape_cast %get3A_912 : vector<1x16xf32> to vector<16xf32>
        %add3A_914 = arith.constant 64 : i32
        %add3A_915 = arith.addi %mul3A_869, %add3A_914 : i32
        %swap3A_916 = arith.index_cast %add3A_915 : i32 to index
        %swap3A_917 = tpu.vector_load %arg9[%swap3A_916] {strides = array<i32>} : memref<19200xf32, #tpu.memory_space<vmem>>, vector<16xf32>,
        %swap3A_918 = vector.shape_cast %swap3A_917 : vector<16xf32> to vector<16xf32>
        %swap3A_919 = vector.shape_cast %get3A_913 : vector<16xf32> to vector<16xf32>
        tpu.vector_store %arg9[%swap3A_916], %swap3A_919 {strides = array<i32>} : memref<19200xf32, #tpu.memory_space<vmem>>, vector<16xf32>,
        %get3A_920 = arith.index_cast %scan3A_867 : i32 to index
        %get3A_921 = arith.constant 80 : index
        %get3A_922 = tpu.vector_load %arg7[%get3A_920, %get3A_921] {strides = array<i32>} : memref<64x304xf32, #tpu.memory_space<vmem>>, vector<1x16xf32>,
        %get3A_923 = vector.shape_cast %get3A_922 : vector<1x16xf32> to vector<16xf32>
        %add3A_924 = arith.constant 80 : i32
        %add3A_925 = arith.addi %mul3A_869, %add3A_924 : i32
        %swap3A_926 = arith.index_cast %add3A_925 : i32 to index
        %swap3A_927 = tpu.vector_load %arg9[%swap3A_926] {strides = array<i32>} : memref<19200xf32, #tpu.memory_space<vmem>>, vector<16xf32>,
        %swap3A_928 = vector.shape_cast %swap3A_927 : vector<16xf32> to vector<16xf32>
        %swap3A_929 = vector.shape_cast %get3A_923 : vector<16xf32> to vector<16xf32>
        tpu.vector_store %arg9[%swap3A_926], %swap3A_929 {strides = array<i32>} : memref<19200xf32, #tpu.memory_space<vmem>>, vector<16xf32>,
        %get3A_930 = arith.index_cast %scan3A_867 : i32 to index
        %get3A_931 = arith.constant 96 : index
        %get3A_932 = tpu.vector_load %arg7[%get3A_930, %get3A_931] {strides = array<i32>} : memref<64x304xf32, #tpu.memory_space<vmem>>, vector<1x16xf32>,
        %get3A_933 = vector.shape_cast %get3A_932 : vector<1x16xf32> to vector<16xf32>
        %add3A_934 = arith.constant 96 : i32
        %add3A_935 = arith.addi %mul3A_869, %add3A_934 : i32
        %swap3A_936 = arith.index_cast %add3A_935 : i32 to index
        %swap3A_937 = tpu.vector_load %arg9[%swap3A_936] {strides = array<i32>} : memref<19200xf32, #tpu.memory_space<vmem>>, vector<16xf32>,
        %swap3A_938 = vector.shape_cast %swap3A_937 : vector<16xf32> to vector<16xf32>
        %swap3A_939 = vector.shape_cast %get3A_933 : vector<16xf32> to vector<16xf32>
        tpu.vector_store %arg9[%swap3A_936], %swap3A_939 {strides = array<i32>} : memref<19200xf32, #tpu.memory_space<vmem>>, vector<16xf32>,
        %get3A_940 = arith.index_cast %scan3A_867 : i32 to index
        %get3A_941 = arith.constant 112 : index
        %get3A_942 = tpu.vector_load %arg7[%get3A_940, %get3A_941] {strides = array<i32>} : memref<64x304xf32, #tpu.memory_space<vmem>>, vector<1x16xf32>,
        %get3A_943 = vector.shape_cast %get3A_942 : vector<1x16xf32> to vector<16xf32>
        %add3A_944 = arith.constant 112 : i32
        %add3A_945 = arith.addi %mul3A_869, %add3A_944 : i32
        %swap3A_946 = arith.index_cast %add3A_945 : i32 to index
        %swap3A_947 = tpu.vector_load %arg9[%swap3A_946] {strides = array<i32>} : memref<19200xf32, #tpu.memory_space<vmem>>, vector<16xf32>,
        %swap3A_948 = vector.shape_cast %swap3A_947 : vector<16xf32> to vector<16xf32>
        %swap3A_949 = vector.shape_cast %get3A_943 : vector<16xf32> to vector<16xf32>
        tpu.vector_store %arg9[%swap3A_946], %swap3A_949 {strides = array<i32>} : memref<19200xf32, #tpu.memory_space<vmem>>, vector<16xf32>,
        %get3A_950 = arith.index_cast %scan3A_867 : i32 to index
        %get3A_951 = arith.constant 128 : index
        %get3A_952 = tpu.vector_load %arg7[%get3A_950, %get3A_951] {strides = array<i32>} : memref<64x304xf32, #tpu.memory_space<vmem>>, vector<1x16xf32>,
        %get3A_953 = vector.shape_cast %get3A_952 : vector<1x16xf32> to vector<16xf32>
        %add3A_954 = arith.constant 128 : i32
        %add3A_955 = arith.addi %mul3A_869, %add3A_954 : i32
        %swap3A_956 = arith.index_cast %add3A_955 : i32 to index
        %swap3A_957 = tpu.vector_load %arg9[%swap3A_956] {strides = array<i32>} : memref<19200xf32, #tpu.memory_space<vmem>>, vector<16xf32>,
        %swap3A_958 = vector.shape_cast %swap3A_957 : vector<16xf32> to vector<16xf32>
        %swap3A_959 = vector.shape_cast %get3A_953 : vector<16xf32> to vector<16xf32>
        tpu.vector_store %arg9[%swap3A_956], %swap3A_959 {strides = array<i32>} : memref<19200xf32, #tpu.memory_space<vmem>>, vector<16xf32>,
        %get3A_960 = arith.index_cast %scan3A_867 : i32 to index
        %get3A_961 = arith.constant 144 : index
        %get3A_962 = tpu.vector_load %arg7[%get3A_960, %get3A_961] {strides = array<i32>} : memref<64x304xf32, #tpu.memory_space<vmem>>, vector<1x16xf32>,
        %get3A_963 = vector.shape_cast %get3A_962 : vector<1x16xf32> to vector<16xf32>
        %add3A_964 = arith.constant 144 : i32
        %add3A_965 = arith.addi %mul3A_869, %add3A_964 : i32
        %swap3A_966 = arith.index_cast %add3A_965 : i32 to index
        %swap3A_967 = tpu.vector_load %arg9[%swap3A_966] {strides = array<i32>} : memref<19200xf32, #tpu.memory_space<vmem>>, vector<16xf32>,
        %swap3A_968 = vector.shape_cast %swap3A_967 : vector<16xf32> to vector<16xf32>
        %swap3A_969 = vector.shape_cast %get3A_963 : vector<16xf32> to vector<16xf32>
        tpu.vector_store %arg9[%swap3A_966], %swap3A_969 {strides = array<i32>} : memref<19200xf32, #tpu.memory_space<vmem>>, vector<16xf32>,
        %get3A_970 = arith.index_cast %scan3A_867 : i32 to index
        %get3A_971 = arith.constant 160 : index
        %get3A_972 = tpu.vector_load %arg7[%get3A_970, %get3A_971] {strides = array<i32>} : memref<64x304xf32, #tpu.memory_space<vmem>>, vector<1x16xf32>,
        %get3A_973 = vector.shape_cast %get3A_972 : vector<1x16xf32> to vector<16xf32>
        %add3A_974 = arith.constant 160 : i32
        %add3A_975 = arith.addi %mul3A_869, %add3A_974 : i32
        %swap3A_976 = arith.index_cast %add3A_975 : i32 to index
        %swap3A_977 = tpu.vector_load %arg9[%swap3A_976] {strides = array<i32>} : memref<19200xf32, #tpu.memory_space<vmem>>, vector<16xf32>,
        %swap3A_978 = vector.shape_cast %swap3A_977 : vector<16xf32> to vector<16xf32>
        %swap3A_979 = vector.shape_cast %get3A_973 : vector<16xf32> to vector<16xf32>
        tpu.vector_store %arg9[%swap3A_976], %swap3A_979 {strides = array<i32>} : memref<19200xf32, #tpu.memory_space<vmem>>, vector<16xf32>,
        %get3A_980 = arith.index_cast %scan3A_867 : i32 to index
        %get3A_981 = arith.constant 176 : index
        %get3A_982 = tpu.vector_load %arg7[%get3A_980, %get3A_981] {strides = array<i32>} : memref<64x304xf32, #tpu.memory_space<vmem>>, vector<1x16xf32>,
        %get3A_983 = vector.shape_cast %get3A_982 : vector<1x16xf32> to vector<16xf32>
        %add3A_984 = arith.constant 176 : i32
        %add3A_985 = arith.addi %mul3A_869, %add3A_984 : i32
        %swap3A_986 = arith.index_cast %add3A_985 : i32 to index
        %swap3A_987 = tpu.vector_load %arg9[%swap3A_986] {strides = array<i32>} : memref<19200xf32, #tpu.memory_space<vmem>>, vector<16xf32>,
        %swap3A_988 = vector.shape_cast %swap3A_987 : vector<16xf32> to vector<16xf32>
        %swap3A_989 = vector.shape_cast %get3A_983 : vector<16xf32> to vector<16xf32>
        tpu.vector_store %arg9[%swap3A_986], %swap3A_989 {strides = array<i32>} : memref<19200xf32, #tpu.memory_space<vmem>>, vector<16xf32>,
        %get3A_990 = arith.index_cast %scan3A_867 : i32 to index
        %get3A_991 = arith.constant 192 : index
        %get3A_992 = tpu.vector_load %arg7[%get3A_990, %get3A_991] {strides = array<i32>} : memref<64x304xf32, #tpu.memory_space<vmem>>, vector<1x16xf32>,
        %get3A_993 = vector.shape_cast %get3A_992 : vector<1x16xf32> to vector<16xf32>
        %add3A_994 = arith.constant 192 : i32
        %add3A_995 = arith.addi %mul3A_869, %add3A_994 : i32
        %swap3A_996 = arith.index_cast %add3A_995 : i32 to index
        %swap3A_997 = tpu.vector_load %arg9[%swap3A_996] {strides = array<i32>} : memref<19200xf32, #tpu.memory_space<vmem>>, vector<16xf32>,
        %swap3A_998 = vector.shape_cast %swap3A_997 : vector<16xf32> to vector<16xf32>
        %swap3A_999 = vector.shape_cast %get3A_993 : vector<16xf32> to vector<16xf32>
        tpu.vector_store %arg9[%swap3A_996], %swap3A_999 {strides = array<i32>} : memref<19200xf32, #tpu.memory_space<vmem>>, vector<16xf32>,
        %get3A_1000 = arith.index_cast %scan3A_867 : i32 to index
        %get3A_1001 = arith.constant 208 : index
        %get3A_1002 = tpu.vector_load %arg7[%get3A_1000, %get3A_1001] {strides = array<i32>} : memref<64x304xf32, #tpu.memory_space<vmem>>, vector<1x16xf32>,
        %get3A_1003 = vector.shape_cast %get3A_1002 : vector<1x16xf32> to vector<16xf32>
        %add3A_1004 = arith.constant 208 : i32
        %add3A_1005 = arith.addi %mul3A_869, %add3A_1004 : i32
        %swap3A_1006 = arith.index_cast %add3A_1005 : i32 to index
        %swap3A_1007 = tpu.vector_load %arg9[%swap3A_1006] {strides = array<i32>} : memref<19200xf32, #tpu.memory_space<vmem>>, vector<16xf32>,
        %swap3A_1008 = vector.shape_cast %swap3A_1007 : vector<16xf32> to vector<16xf32>
        %swap3A_1009 = vector.shape_cast %get3A_1003 : vector<16xf32> to vector<16xf32>
        tpu.vector_store %arg9[%swap3A_1006], %swap3A_1009 {strides = array<i32>} : memref<19200xf32, #tpu.memory_space<vmem>>, vector<16xf32>,
        %get3A_1010 = arith.index_cast %scan3A_867 : i32 to index
        %get3A_1011 = arith.constant 224 : index
        %get3A_1012 = tpu.vector_load %arg7[%get3A_1010, %get3A_1011] {strides = array<i32>} : memref<64x304xf32, #tpu.memory_space<vmem>>, vector<1x16xf32>,
        %get3A_1013 = vector.shape_cast %get3A_1012 : vector<1x16xf32> to vector<16xf32>
        %add3A_1014 = arith.constant 224 : i32
        %add3A_1015 = arith.addi %mul3A_869, %add3A_1014 : i32
        %swap3A_1016 = arith.index_cast %add3A_1015 : i32 to index
        %swap3A_1017 = tpu.vector_load %arg9[%swap3A_1016] {strides = array<i32>} : memref<19200xf32, #tpu.memory_space<vmem>>, vector<16xf32>,
        %swap3A_1018 = vector.shape_cast %swap3A_1017 : vector<16xf32> to vector<16xf32>
        %swap3A_1019 = vector.shape_cast %get3A_1013 : vector<16xf32> to vector<16xf32>
        tpu.vector_store %arg9[%swap3A_1016], %swap3A_1019 {strides = array<i32>} : memref<19200xf32, #tpu.memory_space<vmem>>, vector<16xf32>,
        %get3A_1020 = arith.index_cast %scan3A_867 : i32 to index
        %get3A_1021 = arith.constant 240 : index
        %get3A_1022 = tpu.vector_load %arg7[%get3A_1020, %get3A_1021] {strides = array<i32>} : memref<64x304xf32, #tpu.memory_space<vmem>>, vector<1x16xf32>,
        %get3A_1023 = vector.shape_cast %get3A_1022 : vector<1x16xf32> to vector<16xf32>
        %add3A_1024 = arith.constant 240 : i32
        %add3A_1025 = arith.addi %mul3A_869, %add3A_1024 : i32
        %swap3A_1026 = arith.index_cast %add3A_1025 : i32 to index
        %swap3A_1027 = tpu.vector_load %arg9[%swap3A_1026] {strides = array<i32>} : memref<19200xf32, #tpu.memory_space<vmem>>, vector<16xf32>,
        %swap3A_1028 = vector.shape_cast %swap3A_1027 : vector<16xf32> to vector<16xf32>
        %swap3A_1029 = vector.shape_cast %get3A_1023 : vector<16xf32> to vector<16xf32>
        tpu.vector_store %arg9[%swap3A_1026], %swap3A_1029 {strides = array<i32>} : memref<19200xf32, #tpu.memory_space<vmem>>, vector<16xf32>,
        %get3A_1030 = arith.index_cast %scan3A_867 : i32 to index
        %get3A_1031 = arith.constant 256 : index
        %get3A_1032 = tpu.vector_load %arg7[%get3A_1030, %get3A_1031] {strides = array<i32>} : memref<64x304xf32, #tpu.memory_space<vmem>>, vector<1x16xf32>,
        %get3A_1033 = vector.shape_cast %get3A_1032 : vector<1x16xf32> to vector<16xf32>
        %add3A_1034 = arith.constant 256 : i32
        %add3A_1035 = arith.addi %mul3A_869, %add3A_1034 : i32
        %swap3A_1036 = arith.index_cast %add3A_1035 : i32 to index
        %swap3A_1037 = tpu.vector_load %arg9[%swap3A_1036] {strides = array<i32>} : memref<19200xf32, #tpu.memory_space<vmem>>, vector<16xf32>,
        %swap3A_1038 = vector.shape_cast %swap3A_1037 : vector<16xf32> to vector<16xf32>
        %swap3A_1039 = vector.shape_cast %get3A_1033 : vector<16xf32> to vector<16xf32>
        tpu.vector_store %arg9[%swap3A_1036], %swap3A_1039 {strides = array<i32>} : memref<19200xf32, #tpu.memory_space<vmem>>, vector<16xf32>,
        %get3A_1040 = arith.index_cast %scan3A_867 : i32 to index
        %get3A_1041 = arith.constant 272 : index
        %get3A_1042 = tpu.vector_load %arg7[%get3A_1040, %get3A_1041] {strides = array<i32>} : memref<64x304xf32, #tpu.memory_space<vmem>>, vector<1x16xf32>,
        %get3A_1043 = vector.shape_cast %get3A_1042 : vector<1x16xf32> to vector<16xf32>
        %add3A_1044 = arith.constant 272 : i32
        %add3A_1045 = arith.addi %mul3A_869, %add3A_1044 : i32
        %swap3A_1046 = arith.index_cast %add3A_1045 : i32 to index
        %swap3A_1047 = tpu.vector_load %arg9[%swap3A_1046] {strides = array<i32>} : memref<19200xf32, #tpu.memory_space<vmem>>, vector<16xf32>,
        %swap3A_1048 = vector.shape_cast %swap3A_1047 : vector<16xf32> to vector<16xf32>
        %swap3A_1049 = vector.shape_cast %get3A_1043 : vector<16xf32> to vector<16xf32>
        tpu.vector_store %arg9[%swap3A_1046], %swap3A_1049 {strides = array<i32>} : memref<19200xf32, #tpu.memory_space<vmem>>, vector<16xf32>,
        %get3A_1050 = arith.index_cast %scan3A_867 : i32 to index
        %get3A_1051 = arith.constant 284 : index
        %get3A_1052 = tpu.vector_load %arg7[%get3A_1050, %get3A_1051] {strides = array<i32>} : memref<64x304xf32, #tpu.memory_space<vmem>>, vector<1x16xf32>,
        %get3A_1053 = vector.shape_cast %get3A_1052 : vector<1x16xf32> to vector<16xf32>
        %add3A_1054 = arith.constant 300 : i32
        %add3A_1055 = arith.addi %mul3A_869, %add3A_1054 : i32
        %sub3A_1056 = arith.constant 16 : i32
        %sub3A_1057 = arith.subi %add3A_1055, %sub3A_1056 : i32
        %swap3A_1058 = arith.index_cast %sub3A_1057 : i32 to index
        %swap3A_1059 = tpu.vector_load %arg9[%swap3A_1058] {strides = array<i32>} : memref<19200xf32, #tpu.memory_space<vmem>>, vector<16xf32>,
        %swap3A_1060 = vector.shape_cast %swap3A_1059 : vector<16xf32> to vector<16xf32>
        %swap3A_1061 = vector.shape_cast %get3A_1053 : vector<16xf32> to vector<16xf32>
        tpu.vector_store %arg9[%swap3A_1058], %swap3A_1061 {strides = array<i32>} : memref<19200xf32, #tpu.memory_space<vmem>>, vector<16xf32>,
        %scan3A_1062 = arith.constant 5 : i32
        %scan3A_1063 = arith.addi %scan3A_86, %scan3A_1062 : i32
        %mul3A_1064 = arith.constant 300 : i32
        %mul3A_1065 = arith.muli %scan3A_1063, %mul3A_1064 : i32
        %get3A_1066 = arith.index_cast %scan3A_1063 : i32 to index
        %get3A_1067 = arith.constant 0 : index
        %get3A_1068 = tpu.vector_load %arg7[%get3A_1066, %get3A_1067] {strides = array<i32>} : memref<64x304xf32, #tpu.memory_space<vmem>>, vector<1x16xf32>,
        %get3A_1069 = vector.shape_cast %get3A_1068 : vector<1x16xf32> to vector<16xf32>
        %add3A_1070 = arith.constant 0 : i32
        %add3A_1071 = arith.addi %mul3A_1065, %add3A_1070 : i32
        %swap3A_1072 = arith.index_cast %add3A_1071 : i32 to index
        %swap3A_1073 = tpu.vector_load %arg9[%swap3A_1072] {strides = array<i32>} : memref<19200xf32, #tpu.memory_space<vmem>>, vector<16xf32>,
        %swap3A_1074 = vector.shape_cast %swap3A_1073 : vector<16xf32> to vector<16xf32>
        %swap3A_1075 = vector.shape_cast %get3A_1069 : vector<16xf32> to vector<16xf32>
        tpu.vector_store %arg9[%swap3A_1072], %swap3A_1075 {strides = array<i32>} : memref<19200xf32, #tpu.memory_space<vmem>>, vector<16xf32>,
        %get3A_1076 = arith.index_cast %scan3A_1063 : i32 to index
        %get3A_1077 = arith.constant 16 : index
        %get3A_1078 = tpu.vector_load %arg7[%get3A_1076, %get3A_1077] {strides = array<i32>} : memref<64x304xf32, #tpu.memory_space<vmem>>, vector<1x16xf32>,
        %get3A_1079 = vector.shape_cast %get3A_1078 : vector<1x16xf32> to vector<16xf32>
        %add3A_1080 = arith.constant 16 : i32
        %add3A_1081 = arith.addi %mul3A_1065, %add3A_1080 : i32
        %swap3A_1082 = arith.index_cast %add3A_1081 : i32 to index
        %swap3A_1083 = tpu.vector_load %arg9[%swap3A_1082] {strides = array<i32>} : memref<19200xf32, #tpu.memory_space<vmem>>, vector<16xf32>,
        %swap3A_1084 = vector.shape_cast %swap3A_1083 : vector<16xf32> to vector<16xf32>
        %swap3A_1085 = vector.shape_cast %get3A_1079 : vector<16xf32> to vector<16xf32>
        tpu.vector_store %arg9[%swap3A_1082], %swap3A_1085 {strides = array<i32>} : memref<19200xf32, #tpu.memory_space<vmem>>, vector<16xf32>,
        %get3A_1086 = arith.index_cast %scan3A_1063 : i32 to index
        %get3A_1087 = arith.constant 32 : index
        %get3A_1088 = tpu.vector_load %arg7[%get3A_1086, %get3A_1087] {strides = array<i32>} : memref<64x304xf32, #tpu.memory_space<vmem>>, vector<1x16xf32>,
        %get3A_1089 = vector.shape_cast %get3A_1088 : vector<1x16xf32> to vector<16xf32>
        %add3A_1090 = arith.constant 32 : i32
        %add3A_1091 = arith.addi %mul3A_1065, %add3A_1090 : i32
        %swap3A_1092 = arith.index_cast %add3A_1091 : i32 to index
        %swap3A_1093 = tpu.vector_load %arg9[%swap3A_1092] {strides = array<i32>} : memref<19200xf32, #tpu.memory_space<vmem>>, vector<16xf32>,
        %swap3A_1094 = vector.shape_cast %swap3A_1093 : vector<16xf32> to vector<16xf32>
        %swap3A_1095 = vector.shape_cast %get3A_1089 : vector<16xf32> to vector<16xf32>
        tpu.vector_store %arg9[%swap3A_1092], %swap3A_1095 {strides = array<i32>} : memref<19200xf32, #tpu.memory_space<vmem>>, vector<16xf32>,
        %get3A_1096 = arith.index_cast %scan3A_1063 : i32 to index
        %get3A_1097 = arith.constant 48 : index
        %get3A_1098 = tpu.vector_load %arg7[%get3A_1096, %get3A_1097] {strides = array<i32>} : memref<64x304xf32, #tpu.memory_space<vmem>>, vector<1x16xf32>,
        %get3A_1099 = vector.shape_cast %get3A_1098 : vector<1x16xf32> to vector<16xf32>
        %add3A_1100 = arith.constant 48 : i32
        %add3A_1101 = arith.addi %mul3A_1065, %add3A_1100 : i32
        %swap3A_1102 = arith.index_cast %add3A_1101 : i32 to index
        %swap3A_1103 = tpu.vector_load %arg9[%swap3A_1102] {strides = array<i32>} : memref<19200xf32, #tpu.memory_space<vmem>>, vector<16xf32>,
        %swap3A_1104 = vector.shape_cast %swap3A_1103 : vector<16xf32> to vector<16xf32>
        %swap3A_1105 = vector.shape_cast %get3A_1099 : vector<16xf32> to vector<16xf32>
        tpu.vector_store %arg9[%swap3A_1102], %swap3A_1105 {strides = array<i32>} : memref<19200xf32, #tpu.memory_space<vmem>>, vector<16xf32>,
        %get3A_1106 = arith.index_cast %scan3A_1063 : i32 to index
        %get3A_1107 = arith.constant 64 : index
        %get3A_1108 = tpu.vector_load %arg7[%get3A_1106, %get3A_1107] {strides = array<i32>} : memref<64x304xf32, #tpu.memory_space<vmem>>, vector<1x16xf32>,
        %get3A_1109 = vector.shape_cast %get3A_1108 : vector<1x16xf32> to vector<16xf32>
        %add3A_1110 = arith.constant 64 : i32
        %add3A_1111 = arith.addi %mul3A_1065, %add3A_1110 : i32
        %swap3A_1112 = arith.index_cast %add3A_1111 : i32 to index
        %swap3A_1113 = tpu.vector_load %arg9[%swap3A_1112] {strides = array<i32>} : memref<19200xf32, #tpu.memory_space<vmem>>, vector<16xf32>,
        %swap3A_1114 = vector.shape_cast %swap3A_1113 : vector<16xf32> to vector<16xf32>
        %swap3A_1115 = vector.shape_cast %get3A_1109 : vector<16xf32> to vector<16xf32>
        tpu.vector_store %arg9[%swap3A_1112], %swap3A_1115 {strides = array<i32>} : memref<19200xf32, #tpu.memory_space<vmem>>, vector<16xf32>,
        %get3A_1116 = arith.index_cast %scan3A_1063 : i32 to index
        %get3A_1117 = arith.constant 80 : index
        %get3A_1118 = tpu.vector_load %arg7[%get3A_1116, %get3A_1117] {strides = array<i32>} : memref<64x304xf32, #tpu.memory_space<vmem>>, vector<1x16xf32>,
        %get3A_1119 = vector.shape_cast %get3A_1118 : vector<1x16xf32> to vector<16xf32>
        %add3A_1120 = arith.constant 80 : i32
        %add3A_1121 = arith.addi %mul3A_1065, %add3A_1120 : i32
        %swap3A_1122 = arith.index_cast %add3A_1121 : i32 to index
        %swap3A_1123 = tpu.vector_load %arg9[%swap3A_1122] {strides = array<i32>} : memref<19200xf32, #tpu.memory_space<vmem>>, vector<16xf32>,
        %swap3A_1124 = vector.shape_cast %swap3A_1123 : vector<16xf32> to vector<16xf32>
        %swap3A_1125 = vector.shape_cast %get3A_1119 : vector<16xf32> to vector<16xf32>
        tpu.vector_store %arg9[%swap3A_1122], %swap3A_1125 {strides = array<i32>} : memref<19200xf32, #tpu.memory_space<vmem>>, vector<16xf32>,
        %get3A_1126 = arith.index_cast %scan3A_1063 : i32 to index
        %get3A_1127 = arith.constant 96 : index
        %get3A_1128 = tpu.vector_load %arg7[%get3A_1126, %get3A_1127] {strides = array<i32>} : memref<64x304xf32, #tpu.memory_space<vmem>>, vector<1x16xf32>,
        %get3A_1129 = vector.shape_cast %get3A_1128 : vector<1x16xf32> to vector<16xf32>
        %add3A_1130 = arith.constant 96 : i32
        %add3A_1131 = arith.addi %mul3A_1065, %add3A_1130 : i32
        %swap3A_1132 = arith.index_cast %add3A_1131 : i32 to index
        %swap3A_1133 = tpu.vector_load %arg9[%swap3A_1132] {strides = array<i32>} : memref<19200xf32, #tpu.memory_space<vmem>>, vector<16xf32>,
        %swap3A_1134 = vector.shape_cast %swap3A_1133 : vector<16xf32> to vector<16xf32>
        %swap3A_1135 = vector.shape_cast %get3A_1129 : vector<16xf32> to vector<16xf32>
        tpu.vector_store %arg9[%swap3A_1132], %swap3A_1135 {strides = array<i32>} : memref<19200xf32, #tpu.memory_space<vmem>>, vector<16xf32>,
        %get3A_1136 = arith.index_cast %scan3A_1063 : i32 to index
        %get3A_1137 = arith.constant 112 : index
        %get3A_1138 = tpu.vector_load %arg7[%get3A_1136, %get3A_1137] {strides = array<i32>} : memref<64x304xf32, #tpu.memory_space<vmem>>, vector<1x16xf32>,
        %get3A_1139 = vector.shape_cast %get3A_1138 : vector<1x16xf32> to vector<16xf32>
        %add3A_1140 = arith.constant 112 : i32
        %add3A_1141 = arith.addi %mul3A_1065, %add3A_1140 : i32
        %swap3A_1142 = arith.index_cast %add3A_1141 : i32 to index
        %swap3A_1143 = tpu.vector_load %arg9[%swap3A_1142] {strides = array<i32>} : memref<19200xf32, #tpu.memory_space<vmem>>, vector<16xf32>,
        %swap3A_1144 = vector.shape_cast %swap3A_1143 : vector<16xf32> to vector<16xf32>
        %swap3A_1145 = vector.shape_cast %get3A_1139 : vector<16xf32> to vector<16xf32>
        tpu.vector_store %arg9[%swap3A_1142], %swap3A_1145 {strides = array<i32>} : memref<19200xf32, #tpu.memory_space<vmem>>, vector<16xf32>,
        %get3A_1146 = arith.index_cast %scan3A_1063 : i32 to index
        %get3A_1147 = arith.constant 128 : index
        %get3A_1148 = tpu.vector_load %arg7[%get3A_1146, %get3A_1147] {strides = array<i32>} : memref<64x304xf32, #tpu.memory_space<vmem>>, vector<1x16xf32>,
        %get3A_1149 = vector.shape_cast %get3A_1148 : vector<1x16xf32> to vector<16xf32>
        %add3A_1150 = arith.constant 128 : i32
        %add3A_1151 = arith.addi %mul3A_1065, %add3A_1150 : i32
        %swap3A_1152 = arith.index_cast %add3A_1151 : i32 to index
        %swap3A_1153 = tpu.vector_load %arg9[%swap3A_1152] {strides = array<i32>} : memref<19200xf32, #tpu.memory_space<vmem>>, vector<16xf32>,
        %swap3A_1154 = vector.shape_cast %swap3A_1153 : vector<16xf32> to vector<16xf32>
        %swap3A_1155 = vector.shape_cast %get3A_1149 : vector<16xf32> to vector<16xf32>
        tpu.vector_store %arg9[%swap3A_1152], %swap3A_1155 {strides = array<i32>} : memref<19200xf32, #tpu.memory_space<vmem>>, vector<16xf32>,
        %get3A_1156 = arith.index_cast %scan3A_1063 : i32 to index
        %get3A_1157 = arith.constant 144 : index
        %get3A_1158 = tpu.vector_load %arg7[%get3A_1156, %get3A_1157] {strides = array<i32>} : memref<64x304xf32, #tpu.memory_space<vmem>>, vector<1x16xf32>,
        %get3A_1159 = vector.shape_cast %get3A_1158 : vector<1x16xf32> to vector<16xf32>
        %add3A_1160 = arith.constant 144 : i32
        %add3A_1161 = arith.addi %mul3A_1065, %add3A_1160 : i32
        %swap3A_1162 = arith.index_cast %add3A_1161 : i32 to index
        %swap3A_1163 = tpu.vector_load %arg9[%swap3A_1162] {strides = array<i32>} : memref<19200xf32, #tpu.memory_space<vmem>>, vector<16xf32>,
        %swap3A_1164 = vector.shape_cast %swap3A_1163 : vector<16xf32> to vector<16xf32>
        %swap3A_1165 = vector.shape_cast %get3A_1159 : vector<16xf32> to vector<16xf32>
        tpu.vector_store %arg9[%swap3A_1162], %swap3A_1165 {strides = array<i32>} : memref<19200xf32, #tpu.memory_space<vmem>>, vector<16xf32>,
        %get3A_1166 = arith.index_cast %scan3A_1063 : i32 to index
        %get3A_1167 = arith.constant 160 : index
        %get3A_1168 = tpu.vector_load %arg7[%get3A_1166, %get3A_1167] {strides = array<i32>} : memref<64x304xf32, #tpu.memory_space<vmem>>, vector<1x16xf32>,
        %get3A_1169 = vector.shape_cast %get3A_1168 : vector<1x16xf32> to vector<16xf32>
        %add3A_1170 = arith.constant 160 : i32
        %add3A_1171 = arith.addi %mul3A_1065, %add3A_1170 : i32
        %swap3A_1172 = arith.index_cast %add3A_1171 : i32 to index
        %swap3A_1173 = tpu.vector_load %arg9[%swap3A_1172] {strides = array<i32>} : memref<19200xf32, #tpu.memory_space<vmem>>, vector<16xf32>,
        %swap3A_1174 = vector.shape_cast %swap3A_1173 : vector<16xf32> to vector<16xf32>
        %swap3A_1175 = vector.shape_cast %get3A_1169 : vector<16xf32> to vector<16xf32>
        tpu.vector_store %arg9[%swap3A_1172], %swap3A_1175 {strides = array<i32>} : memref<19200xf32, #tpu.memory_space<vmem>>, vector<16xf32>,
        %get3A_1176 = arith.index_cast %scan3A_1063 : i32 to index
        %get3A_1177 = arith.constant 176 : index
        %get3A_1178 = tpu.vector_load %arg7[%get3A_1176, %get3A_1177] {strides = array<i32>} : memref<64x304xf32, #tpu.memory_space<vmem>>, vector<1x16xf32>,
        %get3A_1179 = vector.shape_cast %get3A_1178 : vector<1x16xf32> to vector<16xf32>
        %add3A_1180 = arith.constant 176 : i32
        %add3A_1181 = arith.addi %mul3A_1065, %add3A_1180 : i32
        %swap3A_1182 = arith.index_cast %add3A_1181 : i32 to index
        %swap3A_1183 = tpu.vector_load %arg9[%swap3A_1182] {strides = array<i32>} : memref<19200xf32, #tpu.memory_space<vmem>>, vector<16xf32>,
        %swap3A_1184 = vector.shape_cast %swap3A_1183 : vector<16xf32> to vector<16xf32>
        %swap3A_1185 = vector.shape_cast %get3A_1179 : vector<16xf32> to vector<16xf32>
        tpu.vector_store %arg9[%swap3A_1182], %swap3A_1185 {strides = array<i32>} : memref<19200xf32, #tpu.memory_space<vmem>>, vector<16xf32>,
        %get3A_1186 = arith.index_cast %scan3A_1063 : i32 to index
        %get3A_1187 = arith.constant 192 : index
        %get3A_1188 = tpu.vector_load %arg7[%get3A_1186, %get3A_1187] {strides = array<i32>} : memref<64x304xf32, #tpu.memory_space<vmem>>, vector<1x16xf32>,
        %get3A_1189 = vector.shape_cast %get3A_1188 : vector<1x16xf32> to vector<16xf32>
        %add3A_1190 = arith.constant 192 : i32
        %add3A_1191 = arith.addi %mul3A_1065, %add3A_1190 : i32
        %swap3A_1192 = arith.index_cast %add3A_1191 : i32 to index
        %swap3A_1193 = tpu.vector_load %arg9[%swap3A_1192] {strides = array<i32>} : memref<19200xf32, #tpu.memory_space<vmem>>, vector<16xf32>,
        %swap3A_1194 = vector.shape_cast %swap3A_1193 : vector<16xf32> to vector<16xf32>
        %swap3A_1195 = vector.shape_cast %get3A_1189 : vector<16xf32> to vector<16xf32>
        tpu.vector_store %arg9[%swap3A_1192], %swap3A_1195 {strides = array<i32>} : memref<19200xf32, #tpu.memory_space<vmem>>, vector<16xf32>,
        %get3A_1196 = arith.index_cast %scan3A_1063 : i32 to index
        %get3A_1197 = arith.constant 208 : index
        %get3A_1198 = tpu.vector_load %arg7[%get3A_1196, %get3A_1197] {strides = array<i32>} : memref<64x304xf32, #tpu.memory_space<vmem>>, vector<1x16xf32>,
        %get3A_1199 = vector.shape_cast %get3A_1198 : vector<1x16xf32> to vector<16xf32>
        %add3A_1200 = arith.constant 208 : i32
        %add3A_1201 = arith.addi %mul3A_1065, %add3A_1200 : i32
        %swap3A_1202 = arith.index_cast %add3A_1201 : i32 to index
        %swap3A_1203 = tpu.vector_load %arg9[%swap3A_1202] {strides = array<i32>} : memref<19200xf32, #tpu.memory_space<vmem>>, vector<16xf32>,
        %swap3A_1204 = vector.shape_cast %swap3A_1203 : vector<16xf32> to vector<16xf32>
        %swap3A_1205 = vector.shape_cast %get3A_1199 : vector<16xf32> to vector<16xf32>
        tpu.vector_store %arg9[%swap3A_1202], %swap3A_1205 {strides = array<i32>} : memref<19200xf32, #tpu.memory_space<vmem>>, vector<16xf32>,
        %get3A_1206 = arith.index_cast %scan3A_1063 : i32 to index
        %get3A_1207 = arith.constant 224 : index
        %get3A_1208 = tpu.vector_load %arg7[%get3A_1206, %get3A_1207] {strides = array<i32>} : memref<64x304xf32, #tpu.memory_space<vmem>>, vector<1x16xf32>,
        %get3A_1209 = vector.shape_cast %get3A_1208 : vector<1x16xf32> to vector<16xf32>
        %add3A_1210 = arith.constant 224 : i32
        %add3A_1211 = arith.addi %mul3A_1065, %add3A_1210 : i32
        %swap3A_1212 = arith.index_cast %add3A_1211 : i32 to index
        %swap3A_1213 = tpu.vector_load %arg9[%swap3A_1212] {strides = array<i32>} : memref<19200xf32, #tpu.memory_space<vmem>>, vector<16xf32>,
        %swap3A_1214 = vector.shape_cast %swap3A_1213 : vector<16xf32> to vector<16xf32>
        %swap3A_1215 = vector.shape_cast %get3A_1209 : vector<16xf32> to vector<16xf32>
        tpu.vector_store %arg9[%swap3A_1212], %swap3A_1215 {strides = array<i32>} : memref<19200xf32, #tpu.memory_space<vmem>>, vector<16xf32>,
        %get3A_1216 = arith.index_cast %scan3A_1063 : i32 to index
        %get3A_1217 = arith.constant 240 : index
        %get3A_1218 = tpu.vector_load %arg7[%get3A_1216, %get3A_1217] {strides = array<i32>} : memref<64x304xf32, #tpu.memory_space<vmem>>, vector<1x16xf32>,
        %get3A_1219 = vector.shape_cast %get3A_1218 : vector<1x16xf32> to vector<16xf32>
        %add3A_1220 = arith.constant 240 : i32
        %add3A_1221 = arith.addi %mul3A_1065, %add3A_1220 : i32
        %swap3A_1222 = arith.index_cast %add3A_1221 : i32 to index
        %swap3A_1223 = tpu.vector_load %arg9[%swap3A_1222] {strides = array<i32>} : memref<19200xf32, #tpu.memory_space<vmem>>, vector<16xf32>,
        %swap3A_1224 = vector.shape_cast %swap3A_1223 : vector<16xf32> to vector<16xf32>
        %swap3A_1225 = vector.shape_cast %get3A_1219 : vector<16xf32> to vector<16xf32>
        tpu.vector_store %arg9[%swap3A_1222], %swap3A_1225 {strides = array<i32>} : memref<19200xf32, #tpu.memory_space<vmem>>, vector<16xf32>,
        %get3A_1226 = arith.index_cast %scan3A_1063 : i32 to index
        %get3A_1227 = arith.constant 256 : index
        %get3A_1228 = tpu.vector_load %arg7[%get3A_1226, %get3A_1227] {strides = array<i32>} : memref<64x304xf32, #tpu.memory_space<vmem>>, vector<1x16xf32>,
        %get3A_1229 = vector.shape_cast %get3A_1228 : vector<1x16xf32> to vector<16xf32>
        %add3A_1230 = arith.constant 256 : i32
        %add3A_1231 = arith.addi %mul3A_1065, %add3A_1230 : i32
        %swap3A_1232 = arith.index_cast %add3A_1231 : i32 to index
        %swap3A_1233 = tpu.vector_load %arg9[%swap3A_1232] {strides = array<i32>} : memref<19200xf32, #tpu.memory_space<vmem>>, vector<16xf32>,
        %swap3A_1234 = vector.shape_cast %swap3A_1233 : vector<16xf32> to vector<16xf32>
        %swap3A_1235 = vector.shape_cast %get3A_1229 : vector<16xf32> to vector<16xf32>
        tpu.vector_store %arg9[%swap3A_1232], %swap3A_1235 {strides = array<i32>} : memref<19200xf32, #tpu.memory_space<vmem>>, vector<16xf32>,
        %get3A_1236 = arith.index_cast %scan3A_1063 : i32 to index
        %get3A_1237 = arith.constant 272 : index
        %get3A_1238 = tpu.vector_load %arg7[%get3A_1236, %get3A_1237] {strides = array<i32>} : memref<64x304xf32, #tpu.memory_space<vmem>>, vector<1x16xf32>,
        %get3A_1239 = vector.shape_cast %get3A_1238 : vector<1x16xf32> to vector<16xf32>
        %add3A_1240 = arith.constant 272 : i32
        %add3A_1241 = arith.addi %mul3A_1065, %add3A_1240 : i32
        %swap3A_1242 = arith.index_cast %add3A_1241 : i32 to index
        %swap3A_1243 = tpu.vector_load %arg9[%swap3A_1242] {strides = array<i32>} : memref<19200xf32, #tpu.memory_space<vmem>>, vector<16xf32>,
        %swap3A_1244 = vector.shape_cast %swap3A_1243 : vector<16xf32> to vector<16xf32>
        %swap3A_1245 = vector.shape_cast %get3A_1239 : vector<16xf32> to vector<16xf32>
        tpu.vector_store %arg9[%swap3A_1242], %swap3A_1245 {strides = array<i32>} : memref<19200xf32, #tpu.memory_space<vmem>>, vector<16xf32>,
        %get3A_1246 = arith.index_cast %scan3A_1063 : i32 to index
        %get3A_1247 = arith.constant 284 : index
        %get3A_1248 = tpu.vector_load %arg7[%get3A_1246, %get3A_1247] {strides = array<i32>} : memref<64x304xf32, #tpu.memory_space<vmem>>, vector<1x16xf32>,
        %get3A_1249 = vector.shape_cast %get3A_1248 : vector<1x16xf32> to vector<16xf32>
        %add3A_1250 = arith.constant 300 : i32
        %add3A_1251 = arith.addi %mul3A_1065, %add3A_1250 : i32
        %sub3A_1252 = arith.constant 16 : i32
        %sub3A_1253 = arith.subi %add3A_1251, %sub3A_1252 : i32
        %swap3A_1254 = arith.index_cast %sub3A_1253 : i32 to index
        %swap3A_1255 = tpu.vector_load %arg9[%swap3A_1254] {strides = array<i32>} : memref<19200xf32, #tpu.memory_space<vmem>>, vector<16xf32>,
        %swap3A_1256 = vector.shape_cast %swap3A_1255 : vector<16xf32> to vector<16xf32>
        %swap3A_1257 = vector.shape_cast %get3A_1249 : vector<16xf32> to vector<16xf32>
        tpu.vector_store %arg9[%swap3A_1254], %swap3A_1257 {strides = array<i32>} : memref<19200xf32, #tpu.memory_space<vmem>>, vector<16xf32>,
        %scan3A_1258 = arith.constant 6 : i32
        %scan3A_1259 = arith.addi %scan3A_86, %scan3A_1258 : i32
        %mul3A_1260 = arith.constant 300 : i32
        %mul3A_1261 = arith.muli %scan3A_1259, %mul3A_1260 : i32
        %get3A_1262 = arith.index_cast %scan3A_1259 : i32 to index
        %get3A_1263 = arith.constant 0 : index
        %get3A_1264 = tpu.vector_load %arg7[%get3A_1262, %get3A_1263] {strides = array<i32>} : memref<64x304xf32, #tpu.memory_space<vmem>>, vector<1x16xf32>,
        %get3A_1265 = vector.shape_cast %get3A_1264 : vector<1x16xf32> to vector<16xf32>
        %add3A_1266 = arith.constant 0 : i32
        %add3A_1267 = arith.addi %mul3A_1261, %add3A_1266 : i32
        %swap3A_1268 = arith.index_cast %add3A_1267 : i32 to index
        %swap3A_1269 = tpu.vector_load %arg9[%swap3A_1268] {strides = array<i32>} : memref<19200xf32, #tpu.memory_space<vmem>>, vector<16xf32>,
        %swap3A_1270 = vector.shape_cast %swap3A_1269 : vector<16xf32> to vector<16xf32>
        %swap3A_1271 = vector.shape_cast %get3A_1265 : vector<16xf32> to vector<16xf32>
        tpu.vector_store %arg9[%swap3A_1268], %swap3A_1271 {strides = array<i32>} : memref<19200xf32, #tpu.memory_space<vmem>>, vector<16xf32>,
        %get3A_1272 = arith.index_cast %scan3A_1259 : i32 to index
        %get3A_1273 = arith.constant 16 : index
        %get3A_1274 = tpu.vector_load %arg7[%get3A_1272, %get3A_1273] {strides = array<i32>} : memref<64x304xf32, #tpu.memory_space<vmem>>, vector<1x16xf32>,
        %get3A_1275 = vector.shape_cast %get3A_1274 : vector<1x16xf32> to vector<16xf32>
        %add3A_1276 = arith.constant 16 : i32
        %add3A_1277 = arith.addi %mul3A_1261, %add3A_1276 : i32
        %swap3A_1278 = arith.index_cast %add3A_1277 : i32 to index
        %swap3A_1279 = tpu.vector_load %arg9[%swap3A_1278] {strides = array<i32>} : memref<19200xf32, #tpu.memory_space<vmem>>, vector<16xf32>,
        %swap3A_1280 = vector.shape_cast %swap3A_1279 : vector<16xf32> to vector<16xf32>
        %swap3A_1281 = vector.shape_cast %get3A_1275 : vector<16xf32> to vector<16xf32>
        tpu.vector_store %arg9[%swap3A_1278], %swap3A_1281 {strides = array<i32>} : memref<19200xf32, #tpu.memory_space<vmem>>, vector<16xf32>,
        %get3A_1282 = arith.index_cast %scan3A_1259 : i32 to index
        %get3A_1283 = arith.constant 32 : index
        %get3A_1284 = tpu.vector_load %arg7[%get3A_1282, %get3A_1283] {strides = array<i32>} : memref<64x304xf32, #tpu.memory_space<vmem>>, vector<1x16xf32>,
        %get3A_1285 = vector.shape_cast %get3A_1284 : vector<1x16xf32> to vector<16xf32>
        %add3A_1286 = arith.constant 32 : i32
        %add3A_1287 = arith.addi %mul3A_1261, %add3A_1286 : i32
        %swap3A_1288 = arith.index_cast %add3A_1287 : i32 to index
        %swap3A_1289 = tpu.vector_load %arg9[%swap3A_1288] {strides = array<i32>} : memref<19200xf32, #tpu.memory_space<vmem>>, vector<16xf32>,
        %swap3A_1290 = vector.shape_cast %swap3A_1289 : vector<16xf32> to vector<16xf32>
        %swap3A_1291 = vector.shape_cast %get3A_1285 : vector<16xf32> to vector<16xf32>
        tpu.vector_store %arg9[%swap3A_1288], %swap3A_1291 {strides = array<i32>} : memref<19200xf32, #tpu.memory_space<vmem>>, vector<16xf32>,
        %get3A_1292 = arith.index_cast %scan3A_1259 : i32 to index
        %get3A_1293 = arith.constant 48 : index
        %get3A_1294 = tpu.vector_load %arg7[%get3A_1292, %get3A_1293] {strides = array<i32>} : memref<64x304xf32, #tpu.memory_space<vmem>>, vector<1x16xf32>,
        %get3A_1295 = vector.shape_cast %get3A_1294 : vector<1x16xf32> to vector<16xf32>
        %add3A_1296 = arith.constant 48 : i32
        %add3A_1297 = arith.addi %mul3A_1261, %add3A_1296 : i32
        %swap3A_1298 = arith.index_cast %add3A_1297 : i32 to index
        %swap3A_1299 = tpu.vector_load %arg9[%swap3A_1298] {strides = array<i32>} : memref<19200xf32, #tpu.memory_space<vmem>>, vector<16xf32>,
        %swap3A_1300 = vector.shape_cast %swap3A_1299 : vector<16xf32> to vector<16xf32>
        %swap3A_1301 = vector.shape_cast %get3A_1295 : vector<16xf32> to vector<16xf32>
        tpu.vector_store %arg9[%swap3A_1298], %swap3A_1301 {strides = array<i32>} : memref<19200xf32, #tpu.memory_space<vmem>>, vector<16xf32>,
        %get3A_1302 = arith.index_cast %scan3A_1259 : i32 to index
        %get3A_1303 = arith.constant 64 : index
        %get3A_1304 = tpu.vector_load %arg7[%get3A_1302, %get3A_1303] {strides = array<i32>} : memref<64x304xf32, #tpu.memory_space<vmem>>, vector<1x16xf32>,
        %get3A_1305 = vector.shape_cast %get3A_1304 : vector<1x16xf32> to vector<16xf32>
        %add3A_1306 = arith.constant 64 : i32
        %add3A_1307 = arith.addi %mul3A_1261, %add3A_1306 : i32
        %swap3A_1308 = arith.index_cast %add3A_1307 : i32 to index
        %swap3A_1309 = tpu.vector_load %arg9[%swap3A_1308] {strides = array<i32>} : memref<19200xf32, #tpu.memory_space<vmem>>, vector<16xf32>,
        %swap3A_1310 = vector.shape_cast %swap3A_1309 : vector<16xf32> to vector<16xf32>
        %swap3A_1311 = vector.shape_cast %get3A_1305 : vector<16xf32> to vector<16xf32>
        tpu.vector_store %arg9[%swap3A_1308], %swap3A_1311 {strides = array<i32>} : memref<19200xf32, #tpu.memory_space<vmem>>, vector<16xf32>,
        %get3A_1312 = arith.index_cast %scan3A_1259 : i32 to index
        %get3A_1313 = arith.constant 80 : index
        %get3A_1314 = tpu.vector_load %arg7[%get3A_1312, %get3A_1313] {strides = array<i32>} : memref<64x304xf32, #tpu.memory_space<vmem>>, vector<1x16xf32>,
        %get3A_1315 = vector.shape_cast %get3A_1314 : vector<1x16xf32> to vector<16xf32>
        %add3A_1316 = arith.constant 80 : i32
        %add3A_1317 = arith.addi %mul3A_1261, %add3A_1316 : i32
        %swap3A_1318 = arith.index_cast %add3A_1317 : i32 to index
        %swap3A_1319 = tpu.vector_load %arg9[%swap3A_1318] {strides = array<i32>} : memref<19200xf32, #tpu.memory_space<vmem>>, vector<16xf32>,
        %swap3A_1320 = vector.shape_cast %swap3A_1319 : vector<16xf32> to vector<16xf32>
        %swap3A_1321 = vector.shape_cast %get3A_1315 : vector<16xf32> to vector<16xf32>
        tpu.vector_store %arg9[%swap3A_1318], %swap3A_1321 {strides = array<i32>} : memref<19200xf32, #tpu.memory_space<vmem>>, vector<16xf32>,
        %get3A_1322 = arith.index_cast %scan3A_1259 : i32 to index
        %get3A_1323 = arith.constant 96 : index
        %get3A_1324 = tpu.vector_load %arg7[%get3A_1322, %get3A_1323] {strides = array<i32>} : memref<64x304xf32, #tpu.memory_space<vmem>>, vector<1x16xf32>,
        %get3A_1325 = vector.shape_cast %get3A_1324 : vector<1x16xf32> to vector<16xf32>
        %add3A_1326 = arith.constant 96 : i32
        %add3A_1327 = arith.addi %mul3A_1261, %add3A_1326 : i32
        %swap3A_1328 = arith.index_cast %add3A_1327 : i32 to index
        %swap3A_1329 = tpu.vector_load %arg9[%swap3A_1328] {strides = array<i32>} : memref<19200xf32, #tpu.memory_space<vmem>>, vector<16xf32>,
        %swap3A_1330 = vector.shape_cast %swap3A_1329 : vector<16xf32> to vector<16xf32>
        %swap3A_1331 = vector.shape_cast %get3A_1325 : vector<16xf32> to vector<16xf32>
        tpu.vector_store %arg9[%swap3A_1328], %swap3A_1331 {strides = array<i32>} : memref<19200xf32, #tpu.memory_space<vmem>>, vector<16xf32>,
        %get3A_1332 = arith.index_cast %scan3A_1259 : i32 to index
        %get3A_1333 = arith.constant 112 : index
        %get3A_1334 = tpu.vector_load %arg7[%get3A_1332, %get3A_1333] {strides = array<i32>} : memref<64x304xf32, #tpu.memory_space<vmem>>, vector<1x16xf32>,
        %get3A_1335 = vector.shape_cast %get3A_1334 : vector<1x16xf32> to vector<16xf32>
        %add3A_1336 = arith.constant 112 : i32
        %add3A_1337 = arith.addi %mul3A_1261, %add3A_1336 : i32
        %swap3A_1338 = arith.index_cast %add3A_1337 : i32 to index
        %swap3A_1339 = tpu.vector_load %arg9[%swap3A_1338] {strides = array<i32>} : memref<19200xf32, #tpu.memory_space<vmem>>, vector<16xf32>,
        %swap3A_1340 = vector.shape_cast %swap3A_1339 : vector<16xf32> to vector<16xf32>
        %swap3A_1341 = vector.shape_cast %get3A_1335 : vector<16xf32> to vector<16xf32>
        tpu.vector_store %arg9[%swap3A_1338], %swap3A_1341 {strides = array<i32>} : memref<19200xf32, #tpu.memory_space<vmem>>, vector<16xf32>,
        %get3A_1342 = arith.index_cast %scan3A_1259 : i32 to index
        %get3A_1343 = arith.constant 128 : index
        %get3A_1344 = tpu.vector_load %arg7[%get3A_1342, %get3A_1343] {strides = array<i32>} : memref<64x304xf32, #tpu.memory_space<vmem>>, vector<1x16xf32>,
        %get3A_1345 = vector.shape_cast %get3A_1344 : vector<1x16xf32> to vector<16xf32>
        %add3A_1346 = arith.constant 128 : i32
        %add3A_1347 = arith.addi %mul3A_1261, %add3A_1346 : i32
        %swap3A_1348 = arith.index_cast %add3A_1347 : i32 to index
        %swap3A_1349 = tpu.vector_load %arg9[%swap3A_1348] {strides = array<i32>} : memref<19200xf32, #tpu.memory_space<vmem>>, vector<16xf32>,
        %swap3A_1350 = vector.shape_cast %swap3A_1349 : vector<16xf32> to vector<16xf32>
        %swap3A_1351 = vector.shape_cast %get3A_1345 : vector<16xf32> to vector<16xf32>
        tpu.vector_store %arg9[%swap3A_1348], %swap3A_1351 {strides = array<i32>} : memref<19200xf32, #tpu.memory_space<vmem>>, vector<16xf32>,
        %get3A_1352 = arith.index_cast %scan3A_1259 : i32 to index
        %get3A_1353 = arith.constant 144 : index
        %get3A_1354 = tpu.vector_load %arg7[%get3A_1352, %get3A_1353] {strides = array<i32>} : memref<64x304xf32, #tpu.memory_space<vmem>>, vector<1x16xf32>,
        %get3A_1355 = vector.shape_cast %get3A_1354 : vector<1x16xf32> to vector<16xf32>
        %add3A_1356 = arith.constant 144 : i32
        %add3A_1357 = arith.addi %mul3A_1261, %add3A_1356 : i32
        %swap3A_1358 = arith.index_cast %add3A_1357 : i32 to index
        %swap3A_1359 = tpu.vector_load %arg9[%swap3A_1358] {strides = array<i32>} : memref<19200xf32, #tpu.memory_space<vmem>>, vector<16xf32>,
        %swap3A_1360 = vector.shape_cast %swap3A_1359 : vector<16xf32> to vector<16xf32>
        %swap3A_1361 = vector.shape_cast %get3A_1355 : vector<16xf32> to vector<16xf32>
        tpu.vector_store %arg9[%swap3A_1358], %swap3A_1361 {strides = array<i32>} : memref<19200xf32, #tpu.memory_space<vmem>>, vector<16xf32>,
        %get3A_1362 = arith.index_cast %scan3A_1259 : i32 to index
        %get3A_1363 = arith.constant 160 : index
        %get3A_1364 = tpu.vector_load %arg7[%get3A_1362, %get3A_1363] {strides = array<i32>} : memref<64x304xf32, #tpu.memory_space<vmem>>, vector<1x16xf32>,
        %get3A_1365 = vector.shape_cast %get3A_1364 : vector<1x16xf32> to vector<16xf32>
        %add3A_1366 = arith.constant 160 : i32
        %add3A_1367 = arith.addi %mul3A_1261, %add3A_1366 : i32
        %swap3A_1368 = arith.index_cast %add3A_1367 : i32 to index
        %swap3A_1369 = tpu.vector_load %arg9[%swap3A_1368] {strides = array<i32>} : memref<19200xf32, #tpu.memory_space<vmem>>, vector<16xf32>,
        %swap3A_1370 = vector.shape_cast %swap3A_1369 : vector<16xf32> to vector<16xf32>
        %swap3A_1371 = vector.shape_cast %get3A_1365 : vector<16xf32> to vector<16xf32>
        tpu.vector_store %arg9[%swap3A_1368], %swap3A_1371 {strides = array<i32>} : memref<19200xf32, #tpu.memory_space<vmem>>, vector<16xf32>,
        %get3A_1372 = arith.index_cast %scan3A_1259 : i32 to index
        %get3A_1373 = arith.constant 176 : index
        %get3A_1374 = tpu.vector_load %arg7[%get3A_1372, %get3A_1373] {strides = array<i32>} : memref<64x304xf32, #tpu.memory_space<vmem>>, vector<1x16xf32>,
        %get3A_1375 = vector.shape_cast %get3A_1374 : vector<1x16xf32> to vector<16xf32>
        %add3A_1376 = arith.constant 176 : i32
        %add3A_1377 = arith.addi %mul3A_1261, %add3A_1376 : i32
        %swap3A_1378 = arith.index_cast %add3A_1377 : i32 to index
        %swap3A_1379 = tpu.vector_load %arg9[%swap3A_1378] {strides = array<i32>} : memref<19200xf32, #tpu.memory_space<vmem>>, vector<16xf32>,
        %swap3A_1380 = vector.shape_cast %swap3A_1379 : vector<16xf32> to vector<16xf32>
        %swap3A_1381 = vector.shape_cast %get3A_1375 : vector<16xf32> to vector<16xf32>
        tpu.vector_store %arg9[%swap3A_1378], %swap3A_1381 {strides = array<i32>} : memref<19200xf32, #tpu.memory_space<vmem>>, vector<16xf32>,
        %get3A_1382 = arith.index_cast %scan3A_1259 : i32 to index
        %get3A_1383 = arith.constant 192 : index
        %get3A_1384 = tpu.vector_load %arg7[%get3A_1382, %get3A_1383] {strides = array<i32>} : memref<64x304xf32, #tpu.memory_space<vmem>>, vector<1x16xf32>,
        %get3A_1385 = vector.shape_cast %get3A_1384 : vector<1x16xf32> to vector<16xf32>
        %add3A_1386 = arith.constant 192 : i32
        %add3A_1387 = arith.addi %mul3A_1261, %add3A_1386 : i32
        %swap3A_1388 = arith.index_cast %add3A_1387 : i32 to index
        %swap3A_1389 = tpu.vector_load %arg9[%swap3A_1388] {strides = array<i32>} : memref<19200xf32, #tpu.memory_space<vmem>>, vector<16xf32>,
        %swap3A_1390 = vector.shape_cast %swap3A_1389 : vector<16xf32> to vector<16xf32>
        %swap3A_1391 = vector.shape_cast %get3A_1385 : vector<16xf32> to vector<16xf32>
        tpu.vector_store %arg9[%swap3A_1388], %swap3A_1391 {strides = array<i32>} : memref<19200xf32, #tpu.memory_space<vmem>>, vector<16xf32>,
        %get3A_1392 = arith.index_cast %scan3A_1259 : i32 to index
        %get3A_1393 = arith.constant 208 : index
        %get3A_1394 = tpu.vector_load %arg7[%get3A_1392, %get3A_1393] {strides = array<i32>} : memref<64x304xf32, #tpu.memory_space<vmem>>, vector<1x16xf32>,
        %get3A_1395 = vector.shape_cast %get3A_1394 : vector<1x16xf32> to vector<16xf32>
        %add3A_1396 = arith.constant 208 : i32
        %add3A_1397 = arith.addi %mul3A_1261, %add3A_1396 : i32
        %swap3A_1398 = arith.index_cast %add3A_1397 : i32 to index
        %swap3A_1399 = tpu.vector_load %arg9[%swap3A_1398] {strides = array<i32>} : memref<19200xf32, #tpu.memory_space<vmem>>, vector<16xf32>,
        %swap3A_1400 = vector.shape_cast %swap3A_1399 : vector<16xf32> to vector<16xf32>
        %swap3A_1401 = vector.shape_cast %get3A_1395 : vector<16xf32> to vector<16xf32>
        tpu.vector_store %arg9[%swap3A_1398], %swap3A_1401 {strides = array<i32>} : memref<19200xf32, #tpu.memory_space<vmem>>, vector<16xf32>,
        %get3A_1402 = arith.index_cast %scan3A_1259 : i32 to index
        %get3A_1403 = arith.constant 224 : index
        %get3A_1404 = tpu.vector_load %arg7[%get3A_1402, %get3A_1403] {strides = array<i32>} : memref<64x304xf32, #tpu.memory_space<vmem>>, vector<1x16xf32>,
        %get3A_1405 = vector.shape_cast %get3A_1404 : vector<1x16xf32> to vector<16xf32>
        %add3A_1406 = arith.constant 224 : i32
        %add3A_1407 = arith.addi %mul3A_1261, %add3A_1406 : i32
        %swap3A_1408 = arith.index_cast %add3A_1407 : i32 to index
        %swap3A_1409 = tpu.vector_load %arg9[%swap3A_1408] {strides = array<i32>} : memref<19200xf32, #tpu.memory_space<vmem>>, vector<16xf32>,
        %swap3A_1410 = vector.shape_cast %swap3A_1409 : vector<16xf32> to vector<16xf32>
        %swap3A_1411 = vector.shape_cast %get3A_1405 : vector<16xf32> to vector<16xf32>
        tpu.vector_store %arg9[%swap3A_1408], %swap3A_1411 {strides = array<i32>} : memref<19200xf32, #tpu.memory_space<vmem>>, vector<16xf32>,
        %get3A_1412 = arith.index_cast %scan3A_1259 : i32 to index
        %get3A_1413 = arith.constant 240 : index
        %get3A_1414 = tpu.vector_load %arg7[%get3A_1412, %get3A_1413] {strides = array<i32>} : memref<64x304xf32, #tpu.memory_space<vmem>>, vector<1x16xf32>,
        %get3A_1415 = vector.shape_cast %get3A_1414 : vector<1x16xf32> to vector<16xf32>
        %add3A_1416 = arith.constant 240 : i32
        %add3A_1417 = arith.addi %mul3A_1261, %add3A_1416 : i32
        %swap3A_1418 = arith.index_cast %add3A_1417 : i32 to index
        %swap3A_1419 = tpu.vector_load %arg9[%swap3A_1418] {strides = array<i32>} : memref<19200xf32, #tpu.memory_space<vmem>>, vector<16xf32>,
        %swap3A_1420 = vector.shape_cast %swap3A_1419 : vector<16xf32> to vector<16xf32>
        %swap3A_1421 = vector.shape_cast %get3A_1415 : vector<16xf32> to vector<16xf32>
        tpu.vector_store %arg9[%swap3A_1418], %swap3A_1421 {strides = array<i32>} : memref<19200xf32, #tpu.memory_space<vmem>>, vector<16xf32>,
        %get3A_1422 = arith.index_cast %scan3A_1259 : i32 to index
        %get3A_1423 = arith.constant 256 : index
        %get3A_1424 = tpu.vector_load %arg7[%get3A_1422, %get3A_1423] {strides = array<i32>} : memref<64x304xf32, #tpu.memory_space<vmem>>, vector<1x16xf32>,
        %get3A_1425 = vector.shape_cast %get3A_1424 : vector<1x16xf32> to vector<16xf32>
        %add3A_1426 = arith.constant 256 : i32
        %add3A_1427 = arith.addi %mul3A_1261, %add3A_1426 : i32
        %swap3A_1428 = arith.index_cast %add3A_1427 : i32 to index
        %swap3A_1429 = tpu.vector_load %arg9[%swap3A_1428] {strides = array<i32>} : memref<19200xf32, #tpu.memory_space<vmem>>, vector<16xf32>,
        %swap3A_1430 = vector.shape_cast %swap3A_1429 : vector<16xf32> to vector<16xf32>
        %swap3A_1431 = vector.shape_cast %get3A_1425 : vector<16xf32> to vector<16xf32>
        tpu.vector_store %arg9[%swap3A_1428], %swap3A_1431 {strides = array<i32>} : memref<19200xf32, #tpu.memory_space<vmem>>, vector<16xf32>,
        %get3A_1432 = arith.index_cast %scan3A_1259 : i32 to index
        %get3A_1433 = arith.constant 272 : index
        %get3A_1434 = tpu.vector_load %arg7[%get3A_1432, %get3A_1433] {strides = array<i32>} : memref<64x304xf32, #tpu.memory_space<vmem>>, vector<1x16xf32>,
        %get3A_1435 = vector.shape_cast %get3A_1434 : vector<1x16xf32> to vector<16xf32>
        %add3A_1436 = arith.constant 272 : i32
        %add3A_1437 = arith.addi %mul3A_1261, %add3A_1436 : i32
        %swap3A_1438 = arith.index_cast %add3A_1437 : i32 to index
        %swap3A_1439 = tpu.vector_load %arg9[%swap3A_1438] {strides = array<i32>} : memref<19200xf32, #tpu.memory_space<vmem>>, vector<16xf32>,
        %swap3A_1440 = vector.shape_cast %swap3A_1439 : vector<16xf32> to vector<16xf32>
        %swap3A_1441 = vector.shape_cast %get3A_1435 : vector<16xf32> to vector<16xf32>
        tpu.vector_store %arg9[%swap3A_1438], %swap3A_1441 {strides = array<i32>} : memref<19200xf32, #tpu.memory_space<vmem>>, vector<16xf32>,
        %get3A_1442 = arith.index_cast %scan3A_1259 : i32 to index
        %get3A_1443 = arith.constant 284 : index
        %get3A_1444 = tpu.vector_load %arg7[%get3A_1442, %get3A_1443] {strides = array<i32>} : memref<64x304xf32, #tpu.memory_space<vmem>>, vector<1x16xf32>,
        %get3A_1445 = vector.shape_cast %get3A_1444 : vector<1x16xf32> to vector<16xf32>
        %add3A_1446 = arith.constant 300 : i32
        %add3A_1447 = arith.addi %mul3A_1261, %add3A_1446 : i32
        %sub3A_1448 = arith.constant 16 : i32
        %sub3A_1449 = arith.subi %add3A_1447, %sub3A_1448 : i32
        %swap3A_1450 = arith.index_cast %sub3A_1449 : i32 to index
        %swap3A_1451 = tpu.vector_load %arg9[%swap3A_1450] {strides = array<i32>} : memref<19200xf32, #tpu.memory_space<vmem>>, vector<16xf32>,
        %swap3A_1452 = vector.shape_cast %swap3A_1451 : vector<16xf32> to vector<16xf32>
        %swap3A_1453 = vector.shape_cast %get3A_1445 : vector<16xf32> to vector<16xf32>
        tpu.vector_store %arg9[%swap3A_1450], %swap3A_1453 {strides = array<i32>} : memref<19200xf32, #tpu.memory_space<vmem>>, vector<16xf32>,
        %scan3A_1454 = arith.constant 7 : i32
        %scan3A_1455 = arith.addi %scan3A_86, %scan3A_1454 : i32
        %mul3A_1456 = arith.constant 300 : i32
        %mul3A_1457 = arith.muli %scan3A_1455, %mul3A_1456 : i32
        %get3A_1458 = arith.index_cast %scan3A_1455 : i32 to index
        %get3A_1459 = arith.constant 0 : index
        %get3A_1460 = tpu.vector_load %arg7[%get3A_1458, %get3A_1459] {strides = array<i32>} : memref<64x304xf32, #tpu.memory_space<vmem>>, vector<1x16xf32>,
        %get3A_1461 = vector.shape_cast %get3A_1460 : vector<1x16xf32> to vector<16xf32>
        %add3A_1462 = arith.constant 0 : i32
        %add3A_1463 = arith.addi %mul3A_1457, %add3A_1462 : i32
        %swap3A_1464 = arith.index_cast %add3A_1463 : i32 to index
        %swap3A_1465 = tpu.vector_load %arg9[%swap3A_1464] {strides = array<i32>} : memref<19200xf32, #tpu.memory_space<vmem>>, vector<16xf32>,
        %swap3A_1466 = vector.shape_cast %swap3A_1465 : vector<16xf32> to vector<16xf32>
        %swap3A_1467 = vector.shape_cast %get3A_1461 : vector<16xf32> to vector<16xf32>
        tpu.vector_store %arg9[%swap3A_1464], %swap3A_1467 {strides = array<i32>} : memref<19200xf32, #tpu.memory_space<vmem>>, vector<16xf32>,
        %get3A_1468 = arith.index_cast %scan3A_1455 : i32 to index
        %get3A_1469 = arith.constant 16 : index
        %get3A_1470 = tpu.vector_load %arg7[%get3A_1468, %get3A_1469] {strides = array<i32>} : memref<64x304xf32, #tpu.memory_space<vmem>>, vector<1x16xf32>,
        %get3A_1471 = vector.shape_cast %get3A_1470 : vector<1x16xf32> to vector<16xf32>
        %add3A_1472 = arith.constant 16 : i32
        %add3A_1473 = arith.addi %mul3A_1457, %add3A_1472 : i32
        %swap3A_1474 = arith.index_cast %add3A_1473 : i32 to index
        %swap3A_1475 = tpu.vector_load %arg9[%swap3A_1474] {strides = array<i32>} : memref<19200xf32, #tpu.memory_space<vmem>>, vector<16xf32>,
        %swap3A_1476 = vector.shape_cast %swap3A_1475 : vector<16xf32> to vector<16xf32>
        %swap3A_1477 = vector.shape_cast %get3A_1471 : vector<16xf32> to vector<16xf32>
        tpu.vector_store %arg9[%swap3A_1474], %swap3A_1477 {strides = array<i32>} : memref<19200xf32, #tpu.memory_space<vmem>>, vector<16xf32>,
        %get3A_1478 = arith.index_cast %scan3A_1455 : i32 to index
        %get3A_1479 = arith.constant 32 : index
        %get3A_1480 = tpu.vector_load %arg7[%get3A_1478, %get3A_1479] {strides = array<i32>} : memref<64x304xf32, #tpu.memory_space<vmem>>, vector<1x16xf32>,
        %get3A_1481 = vector.shape_cast %get3A_1480 : vector<1x16xf32> to vector<16xf32>
        %add3A_1482 = arith.constant 32 : i32
        %add3A_1483 = arith.addi %mul3A_1457, %add3A_1482 : i32
        %swap3A_1484 = arith.index_cast %add3A_1483 : i32 to index
        %swap3A_1485 = tpu.vector_load %arg9[%swap3A_1484] {strides = array<i32>} : memref<19200xf32, #tpu.memory_space<vmem>>, vector<16xf32>,
        %swap3A_1486 = vector.shape_cast %swap3A_1485 : vector<16xf32> to vector<16xf32>
        %swap3A_1487 = vector.shape_cast %get3A_1481 : vector<16xf32> to vector<16xf32>
        tpu.vector_store %arg9[%swap3A_1484], %swap3A_1487 {strides = array<i32>} : memref<19200xf32, #tpu.memory_space<vmem>>, vector<16xf32>,
        %get3A_1488 = arith.index_cast %scan3A_1455 : i32 to index
        %get3A_1489 = arith.constant 48 : index
        %get3A_1490 = tpu.vector_load %arg7[%get3A_1488, %get3A_1489] {strides = array<i32>} : memref<64x304xf32, #tpu.memory_space<vmem>>, vector<1x16xf32>,
        %get3A_1491 = vector.shape_cast %get3A_1490 : vector<1x16xf32> to vector<16xf32>
        %add3A_1492 = arith.constant 48 : i32
        %add3A_1493 = arith.addi %mul3A_1457, %add3A_1492 : i32
        %swap3A_1494 = arith.index_cast %add3A_1493 : i32 to index
        %swap3A_1495 = tpu.vector_load %arg9[%swap3A_1494] {strides = array<i32>} : memref<19200xf32, #tpu.memory_space<vmem>>, vector<16xf32>,
        %swap3A_1496 = vector.shape_cast %swap3A_1495 : vector<16xf32> to vector<16xf32>
        %swap3A_1497 = vector.shape_cast %get3A_1491 : vector<16xf32> to vector<16xf32>
        tpu.vector_store %arg9[%swap3A_1494], %swap3A_1497 {strides = array<i32>} : memref<19200xf32, #tpu.memory_space<vmem>>, vector<16xf32>,
        %get3A_1498 = arith.index_cast %scan3A_1455 : i32 to index
        %get3A_1499 = arith.constant 64 : index
        %get3A_1500 = tpu.vector_load %arg7[%get3A_1498, %get3A_1499] {strides = array<i32>} : memref<64x304xf32, #tpu.memory_space<vmem>>, vector<1x16xf32>,
        %get3A_1501 = vector.shape_cast %get3A_1500 : vector<1x16xf32> to vector<16xf32>
        %add3A_1502 = arith.constant 64 : i32
        %add3A_1503 = arith.addi %mul3A_1457, %add3A_1502 : i32
        %swap3A_1504 = arith.index_cast %add3A_1503 : i32 to index
        %swap3A_1505 = tpu.vector_load %arg9[%swap3A_1504] {strides = array<i32>} : memref<19200xf32, #tpu.memory_space<vmem>>, vector<16xf32>,
        %swap3A_1506 = vector.shape_cast %swap3A_1505 : vector<16xf32> to vector<16xf32>
        %swap3A_1507 = vector.shape_cast %get3A_1501 : vector<16xf32> to vector<16xf32>
        tpu.vector_store %arg9[%swap3A_1504], %swap3A_1507 {strides = array<i32>} : memref<19200xf32, #tpu.memory_space<vmem>>, vector<16xf32>,
        %get3A_1508 = arith.index_cast %scan3A_1455 : i32 to index
        %get3A_1509 = arith.constant 80 : index
        %get3A_1510 = tpu.vector_load %arg7[%get3A_1508, %get3A_1509] {strides = array<i32>} : memref<64x304xf32, #tpu.memory_space<vmem>>, vector<1x16xf32>,
        %get3A_1511 = vector.shape_cast %get3A_1510 : vector<1x16xf32> to vector<16xf32>
        %add3A_1512 = arith.constant 80 : i32
        %add3A_1513 = arith.addi %mul3A_1457, %add3A_1512 : i32
        %swap3A_1514 = arith.index_cast %add3A_1513 : i32 to index
        %swap3A_1515 = tpu.vector_load %arg9[%swap3A_1514] {strides = array<i32>} : memref<19200xf32, #tpu.memory_space<vmem>>, vector<16xf32>,
        %swap3A_1516 = vector.shape_cast %swap3A_1515 : vector<16xf32> to vector<16xf32>
        %swap3A_1517 = vector.shape_cast %get3A_1511 : vector<16xf32> to vector<16xf32>
        tpu.vector_store %arg9[%swap3A_1514], %swap3A_1517 {strides = array<i32>} : memref<19200xf32, #tpu.memory_space<vmem>>, vector<16xf32>,
        %get3A_1518 = arith.index_cast %scan3A_1455 : i32 to index
        %get3A_1519 = arith.constant 96 : index
        %get3A_1520 = tpu.vector_load %arg7[%get3A_1518, %get3A_1519] {strides = array<i32>} : memref<64x304xf32, #tpu.memory_space<vmem>>, vector<1x16xf32>,
        %get3A_1521 = vector.shape_cast %get3A_1520 : vector<1x16xf32> to vector<16xf32>
        %add3A_1522 = arith.constant 96 : i32
        %add3A_1523 = arith.addi %mul3A_1457, %add3A_1522 : i32
        %swap3A_1524 = arith.index_cast %add3A_1523 : i32 to index
        %swap3A_1525 = tpu.vector_load %arg9[%swap3A_1524] {strides = array<i32>} : memref<19200xf32, #tpu.memory_space<vmem>>, vector<16xf32>,
        %swap3A_1526 = vector.shape_cast %swap3A_1525 : vector<16xf32> to vector<16xf32>
        %swap3A_1527 = vector.shape_cast %get3A_1521 : vector<16xf32> to vector<16xf32>
        tpu.vector_store %arg9[%swap3A_1524], %swap3A_1527 {strides = array<i32>} : memref<19200xf32, #tpu.memory_space<vmem>>, vector<16xf32>,
        %get3A_1528 = arith.index_cast %scan3A_1455 : i32 to index
        %get3A_1529 = arith.constant 112 : index
        %get3A_1530 = tpu.vector_load %arg7[%get3A_1528, %get3A_1529] {strides = array<i32>} : memref<64x304xf32, #tpu.memory_space<vmem>>, vector<1x16xf32>,
        %get3A_1531 = vector.shape_cast %get3A_1530 : vector<1x16xf32> to vector<16xf32>
        %add3A_1532 = arith.constant 112 : i32
        %add3A_1533 = arith.addi %mul3A_1457, %add3A_1532 : i32
        %swap3A_1534 = arith.index_cast %add3A_1533 : i32 to index
        %swap3A_1535 = tpu.vector_load %arg9[%swap3A_1534] {strides = array<i32>} : memref<19200xf32, #tpu.memory_space<vmem>>, vector<16xf32>,
        %swap3A_1536 = vector.shape_cast %swap3A_1535 : vector<16xf32> to vector<16xf32>
        %swap3A_1537 = vector.shape_cast %get3A_1531 : vector<16xf32> to vector<16xf32>
        tpu.vector_store %arg9[%swap3A_1534], %swap3A_1537 {strides = array<i32>} : memref<19200xf32, #tpu.memory_space<vmem>>, vector<16xf32>,
        %get3A_1538 = arith.index_cast %scan3A_1455 : i32 to index
        %get3A_1539 = arith.constant 128 : index
        %get3A_1540 = tpu.vector_load %arg7[%get3A_1538, %get3A_1539] {strides = array<i32>} : memref<64x304xf32, #tpu.memory_space<vmem>>, vector<1x16xf32>,
        %get3A_1541 = vector.shape_cast %get3A_1540 : vector<1x16xf32> to vector<16xf32>
        %add3A_1542 = arith.constant 128 : i32
        %add3A_1543 = arith.addi %mul3A_1457, %add3A_1542 : i32
        %swap3A_1544 = arith.index_cast %add3A_1543 : i32 to index
        %swap3A_1545 = tpu.vector_load %arg9[%swap3A_1544] {strides = array<i32>} : memref<19200xf32, #tpu.memory_space<vmem>>, vector<16xf32>,
        %swap3A_1546 = vector.shape_cast %swap3A_1545 : vector<16xf32> to vector<16xf32>
        %swap3A_1547 = vector.shape_cast %get3A_1541 : vector<16xf32> to vector<16xf32>
        tpu.vector_store %arg9[%swap3A_1544], %swap3A_1547 {strides = array<i32>} : memref<19200xf32, #tpu.memory_space<vmem>>, vector<16xf32>,
        %get3A_1548 = arith.index_cast %scan3A_1455 : i32 to index
        %get3A_1549 = arith.constant 144 : index
        %get3A_1550 = tpu.vector_load %arg7[%get3A_1548, %get3A_1549] {strides = array<i32>} : memref<64x304xf32, #tpu.memory_space<vmem>>, vector<1x16xf32>,
        %get3A_1551 = vector.shape_cast %get3A_1550 : vector<1x16xf32> to vector<16xf32>
        %add3A_1552 = arith.constant 144 : i32
        %add3A_1553 = arith.addi %mul3A_1457, %add3A_1552 : i32
        %swap3A_1554 = arith.index_cast %add3A_1553 : i32 to index
        %swap3A_1555 = tpu.vector_load %arg9[%swap3A_1554] {strides = array<i32>} : memref<19200xf32, #tpu.memory_space<vmem>>, vector<16xf32>,
        %swap3A_1556 = vector.shape_cast %swap3A_1555 : vector<16xf32> to vector<16xf32>
        %swap3A_1557 = vector.shape_cast %get3A_1551 : vector<16xf32> to vector<16xf32>
        tpu.vector_store %arg9[%swap3A_1554], %swap3A_1557 {strides = array<i32>} : memref<19200xf32, #tpu.memory_space<vmem>>, vector<16xf32>,
        %get3A_1558 = arith.index_cast %scan3A_1455 : i32 to index
        %get3A_1559 = arith.constant 160 : index
        %get3A_1560 = tpu.vector_load %arg7[%get3A_1558, %get3A_1559] {strides = array<i32>} : memref<64x304xf32, #tpu.memory_space<vmem>>, vector<1x16xf32>,
        %get3A_1561 = vector.shape_cast %get3A_1560 : vector<1x16xf32> to vector<16xf32>
        %add3A_1562 = arith.constant 160 : i32
        %add3A_1563 = arith.addi %mul3A_1457, %add3A_1562 : i32
        %swap3A_1564 = arith.index_cast %add3A_1563 : i32 to index
        %swap3A_1565 = tpu.vector_load %arg9[%swap3A_1564] {strides = array<i32>} : memref<19200xf32, #tpu.memory_space<vmem>>, vector<16xf32>,
        %swap3A_1566 = vector.shape_cast %swap3A_1565 : vector<16xf32> to vector<16xf32>
        %swap3A_1567 = vector.shape_cast %get3A_1561 : vector<16xf32> to vector<16xf32>
        tpu.vector_store %arg9[%swap3A_1564], %swap3A_1567 {strides = array<i32>} : memref<19200xf32, #tpu.memory_space<vmem>>, vector<16xf32>,
        %get3A_1568 = arith.index_cast %scan3A_1455 : i32 to index
        %get3A_1569 = arith.constant 176 : index
        %get3A_1570 = tpu.vector_load %arg7[%get3A_1568, %get3A_1569] {strides = array<i32>} : memref<64x304xf32, #tpu.memory_space<vmem>>, vector<1x16xf32>,
        %get3A_1571 = vector.shape_cast %get3A_1570 : vector<1x16xf32> to vector<16xf32>
        %add3A_1572 = arith.constant 176 : i32
        %add3A_1573 = arith.addi %mul3A_1457, %add3A_1572 : i32
        %swap3A_1574 = arith.index_cast %add3A_1573 : i32 to index
        %swap3A_1575 = tpu.vector_load %arg9[%swap3A_1574] {strides = array<i32>} : memref<19200xf32, #tpu.memory_space<vmem>>, vector<16xf32>,
        %swap3A_1576 = vector.shape_cast %swap3A_1575 : vector<16xf32> to vector<16xf32>
        %swap3A_1577 = vector.shape_cast %get3A_1571 : vector<16xf32> to vector<16xf32>
        tpu.vector_store %arg9[%swap3A_1574], %swap3A_1577 {strides = array<i32>} : memref<19200xf32, #tpu.memory_space<vmem>>, vector<16xf32>,
        %get3A_1578 = arith.index_cast %scan3A_1455 : i32 to index
        %get3A_1579 = arith.constant 192 : index
        %get3A_1580 = tpu.vector_load %arg7[%get3A_1578, %get3A_1579] {strides = array<i32>} : memref<64x304xf32, #tpu.memory_space<vmem>>, vector<1x16xf32>,
        %get3A_1581 = vector.shape_cast %get3A_1580 : vector<1x16xf32> to vector<16xf32>
        %add3A_1582 = arith.constant 192 : i32
        %add3A_1583 = arith.addi %mul3A_1457, %add3A_1582 : i32
        %swap3A_1584 = arith.index_cast %add3A_1583 : i32 to index
        %swap3A_1585 = tpu.vector_load %arg9[%swap3A_1584] {strides = array<i32>} : memref<19200xf32, #tpu.memory_space<vmem>>, vector<16xf32>,
        %swap3A_1586 = vector.shape_cast %swap3A_1585 : vector<16xf32> to vector<16xf32>
        %swap3A_1587 = vector.shape_cast %get3A_1581 : vector<16xf32> to vector<16xf32>
        tpu.vector_store %arg9[%swap3A_1584], %swap3A_1587 {strides = array<i32>} : memref<19200xf32, #tpu.memory_space<vmem>>, vector<16xf32>,
        %get3A_1588 = arith.index_cast %scan3A_1455 : i32 to index
        %get3A_1589 = arith.constant 208 : index
        %get3A_1590 = tpu.vector_load %arg7[%get3A_1588, %get3A_1589] {strides = array<i32>} : memref<64x304xf32, #tpu.memory_space<vmem>>, vector<1x16xf32>,
        %get3A_1591 = vector.shape_cast %get3A_1590 : vector<1x16xf32> to vector<16xf32>
        %add3A_1592 = arith.constant 208 : i32
        %add3A_1593 = arith.addi %mul3A_1457, %add3A_1592 : i32
        %swap3A_1594 = arith.index_cast %add3A_1593 : i32 to index
        %swap3A_1595 = tpu.vector_load %arg9[%swap3A_1594] {strides = array<i32>} : memref<19200xf32, #tpu.memory_space<vmem>>, vector<16xf32>,
        %swap3A_1596 = vector.shape_cast %swap3A_1595 : vector<16xf32> to vector<16xf32>
        %swap3A_1597 = vector.shape_cast %get3A_1591 : vector<16xf32> to vector<16xf32>
        tpu.vector_store %arg9[%swap3A_1594], %swap3A_1597 {strides = array<i32>} : memref<19200xf32, #tpu.memory_space<vmem>>, vector<16xf32>,
        %get3A_1598 = arith.index_cast %scan3A_1455 : i32 to index
        %get3A_1599 = arith.constant 224 : index
        %get3A_1600 = tpu.vector_load %arg7[%get3A_1598, %get3A_1599] {strides = array<i32>} : memref<64x304xf32, #tpu.memory_space<vmem>>, vector<1x16xf32>,
        %get3A_1601 = vector.shape_cast %get3A_1600 : vector<1x16xf32> to vector<16xf32>
        %add3A_1602 = arith.constant 224 : i32
        %add3A_1603 = arith.addi %mul3A_1457, %add3A_1602 : i32
        %swap3A_1604 = arith.index_cast %add3A_1603 : i32 to index
        %swap3A_1605 = tpu.vector_load %arg9[%swap3A_1604] {strides = array<i32>} : memref<19200xf32, #tpu.memory_space<vmem>>, vector<16xf32>,
        %swap3A_1606 = vector.shape_cast %swap3A_1605 : vector<16xf32> to vector<16xf32>
        %swap3A_1607 = vector.shape_cast %get3A_1601 : vector<16xf32> to vector<16xf32>
        tpu.vector_store %arg9[%swap3A_1604], %swap3A_1607 {strides = array<i32>} : memref<19200xf32, #tpu.memory_space<vmem>>, vector<16xf32>,
        %get3A_1608 = arith.index_cast %scan3A_1455 : i32 to index
        %get3A_1609 = arith.constant 240 : index
        %get3A_1610 = tpu.vector_load %arg7[%get3A_1608, %get3A_1609] {strides = array<i32>} : memref<64x304xf32, #tpu.memory_space<vmem>>, vector<1x16xf32>,
        %get3A_1611 = vector.shape_cast %get3A_1610 : vector<1x16xf32> to vector<16xf32>
        %add3A_1612 = arith.constant 240 : i32
        %add3A_1613 = arith.addi %mul3A_1457, %add3A_1612 : i32
        %swap3A_1614 = arith.index_cast %add3A_1613 : i32 to index
        %swap3A_1615 = tpu.vector_load %arg9[%swap3A_1614] {strides = array<i32>} : memref<19200xf32, #tpu.memory_space<vmem>>, vector<16xf32>,
        %swap3A_1616 = vector.shape_cast %swap3A_1615 : vector<16xf32> to vector<16xf32>
        %swap3A_1617 = vector.shape_cast %get3A_1611 : vector<16xf32> to vector<16xf32>
        tpu.vector_store %arg9[%swap3A_1614], %swap3A_1617 {strides = array<i32>} : memref<19200xf32, #tpu.memory_space<vmem>>, vector<16xf32>,
        %get3A_1618 = arith.index_cast %scan3A_1455 : i32 to index
        %get3A_1619 = arith.constant 256 : index
        %get3A_1620 = tpu.vector_load %arg7[%get3A_1618, %get3A_1619] {strides = array<i32>} : memref<64x304xf32, #tpu.memory_space<vmem>>, vector<1x16xf32>,
        %get3A_1621 = vector.shape_cast %get3A_1620 : vector<1x16xf32> to vector<16xf32>
        %add3A_1622 = arith.constant 256 : i32
        %add3A_1623 = arith.addi %mul3A_1457, %add3A_1622 : i32
        %swap3A_1624 = arith.index_cast %add3A_1623 : i32 to index
        %swap3A_1625 = tpu.vector_load %arg9[%swap3A_1624] {strides = array<i32>} : memref<19200xf32, #tpu.memory_space<vmem>>, vector<16xf32>,
        %swap3A_1626 = vector.shape_cast %swap3A_1625 : vector<16xf32> to vector<16xf32>
        %swap3A_1627 = vector.shape_cast %get3A_1621 : vector<16xf32> to vector<16xf32>
        tpu.vector_store %arg9[%swap3A_1624], %swap3A_1627 {strides = array<i32>} : memref<19200xf32, #tpu.memory_space<vmem>>, vector<16xf32>,
        %get3A_1628 = arith.index_cast %scan3A_1455 : i32 to index
        %get3A_1629 = arith.constant 272 : index
        %get3A_1630 = tpu.vector_load %arg7[%get3A_1628, %get3A_1629] {strides = array<i32>} : memref<64x304xf32, #tpu.memory_space<vmem>>, vector<1x16xf32>,
        %get3A_1631 = vector.shape_cast %get3A_1630 : vector<1x16xf32> to vector<16xf32>
        %add3A_1632 = arith.constant 272 : i32
        %add3A_1633 = arith.addi %mul3A_1457, %add3A_1632 : i32
        %swap3A_1634 = arith.index_cast %add3A_1633 : i32 to index
        %swap3A_1635 = tpu.vector_load %arg9[%swap3A_1634] {strides = array<i32>} : memref<19200xf32, #tpu.memory_space<vmem>>, vector<16xf32>,
        %swap3A_1636 = vector.shape_cast %swap3A_1635 : vector<16xf32> to vector<16xf32>
        %swap3A_1637 = vector.shape_cast %get3A_1631 : vector<16xf32> to vector<16xf32>
        tpu.vector_store %arg9[%swap3A_1634], %swap3A_1637 {strides = array<i32>} : memref<19200xf32, #tpu.memory_space<vmem>>, vector<16xf32>,
        %get3A_1638 = arith.index_cast %scan3A_1455 : i32 to index
        %get3A_1639 = arith.constant 284 : index
        %get3A_1640 = tpu.vector_load %arg7[%get3A_1638, %get3A_1639] {strides = array<i32>} : memref<64x304xf32, #tpu.memory_space<vmem>>, vector<1x16xf32>,
        %get3A_1641 = vector.shape_cast %get3A_1640 : vector<1x16xf32> to vector<16xf32>
        %add3A_1642 = arith.constant 300 : i32
        %add3A_1643 = arith.addi %mul3A_1457, %add3A_1642 : i32
        %sub3A_1644 = arith.constant 16 : i32
        %sub3A_1645 = arith.subi %add3A_1643, %sub3A_1644 : i32
        %swap3A_1646 = arith.index_cast %sub3A_1645 : i32 to index
        %swap3A_1647 = tpu.vector_load %arg9[%swap3A_1646] {strides = array<i32>} : memref<19200xf32, #tpu.memory_space<vmem>>, vector<16xf32>,
        %swap3A_1648 = vector.shape_cast %swap3A_1647 : vector<16xf32> to vector<16xf32>
        %swap3A_1649 = vector.shape_cast %get3A_1641 : vector<16xf32> to vector<16xf32>
        tpu.vector_store %arg9[%swap3A_1646], %swap3A_1649 {strides = array<i32>} : memref<19200xf32, #tpu.memory_space<vmem>>, vector<16xf32>,
      }
      %scan3A_80 = arith.constant 64 : i32
      %mul3A_81 = arith.constant 19200 : i32
      %mul3A_82 = arith.muli %add3A_56, %mul3A_81 : i32
      %add3A_83 = arith.addi %mul3A_4, %mul3A_82 : i32
      %dma_start3A_84 = tpu.memref_slice %arg4[%add3A_83] : memref<245760000xf32, #tpu.memory_space<hbm>> -> memref<19200xf32, #tpu.memory_space<hbm>>
      %dma_start3A_85 = tpu.memref_slice %arg4[%add3A_83] : memref<245760000xf32, #tpu.memory_space<hbm>> -> memref<19200xf32, #tpu.memory_space<hbm>>
      tpu.enqueue_dma source(%arg9 : memref<19200xf32, #tpu.memory_space<vmem>>) target(%dma_start3A_85 : memref<19200xf32, #tpu.memory_space<hbm>>) target_semaphore(%arg13 : memref<!tpu.dma_semaphore, #tpu.memory_space<semaphore_mem>>)
    }
    %scan3A_15 = arith.constant 200 : i32
    %dma_wait3A = arith.constant 0 : i32
    %dma_wait3A_16 = tpu.memref_slice %arg4[%dma_wait3A] : memref<245760000xf32, #tpu.memory_space<hbm>> -> memref<19200xf32, #tpu.memory_space<hbm>>
    %dma_wait3A_17 = arith.constant 0 : i32
    %dma_wait3A_18 = tpu.memref_slice %arg4[%dma_wait3A_17] : memref<245760000xf32, #tpu.memory_space<hbm>> -> memref<19200xf32, #tpu.memory_space<hbm>>
    tpu.wait_dma2 semaphore(%arg12 : memref<!tpu.dma_semaphore, #tpu.memory_space<semaphore_mem>>) src(%arg8 : memref<19200xf32, #tpu.memory_space<vmem>>) dst(%dma_wait3A_18 : memref<19200xf32, #tpu.memory_space<hbm>>)
    %dma_wait3A_19 = arith.constant 0 : i32
    %dma_wait3A_20 = tpu.memref_slice %arg4[%dma_wait3A_19] : memref<245760000xf32, #tpu.memory_space<hbm>> -> memref<19200xf32, #tpu.memory_space<hbm>>
    %dma_wait3A_21 = arith.constant 0 : i32
    %dma_wait3A_22 = tpu.memref_slice %arg4[%dma_wait3A_21] : memref<245760000xf32, #tpu.memory_space<hbm>> -> memref<19200xf32, #tpu.memory_space<hbm>>
    tpu.wait_dma2 semaphore(%arg13 : memref<!tpu.dma_semaphore, #tpu.memory_space<semaphore_mem>>) src(%arg9 : memref<19200xf32, #tpu.memory_space<vmem>>) dst(%dma_wait3A_22 : memref<19200xf32, #tpu.memory_space<hbm>>)
    return
  }
}

</mosaic_0001>

<sc_bundles>
// kernel: kernel.3.cloned.1.call-start
scs
__scs_entry_jumppad:
0x0: {  	(pc) =	sbr.rel $0x88, $3  }
0x1: {  	(tag) =	ssettag $0x0;
	lr =	simm.s32 $0x1  }
0x2: {  	[smem:$0x3F9F] =	sst lr;
	_ =	strace $0xD0000000  }
0x3: {  	_ = 	snop  }
0x4: {  	_ = 	snop  }
0x5: {  	_ = 	snop  }
0x6: {  	_ = 	snop  }
0x7: {  	_ = 	snop  }
__scs_overlays_trampoline_lowered:
0x8: {  	[smem:$0x3FAE] =	sst s0  }
0x9: {  	[smem:$0x3FAF] =	sst s1  }
0xa: {  	[smem:$0x3FB0] =	sst s2  }
0xb: {  	[smem:$0x3FB1] =	sst s3  }
0xc: {  	[smem:$0x3FB2] =	sst s4  }
0xd: {  	[smem:$0x3FB3] =	sst s5  }
0xe: {  	[smem:$0x3FB4] =	sst s6  }
0xf: {  	[smem:$0x3FB5] =	sst s7  }
0x10: {  	[smem:$0x3FB6] =	sst s8  }
0x11: {  	[smem:$0x3FB7] =	sst s9;
	s0 =	simm.s32 @!p0 $0x0  }
0x12: {  	s1 =	sld [smem:$0x3F9D];
	s0 =	simm.s32 @p0 $0x1  }
0x13: {  	[smem:$0x3FB8] =	sst s0;
	s0 =	simm.s32 @!p1 $0x0  }
0x14: {  	s2 =	sld [smem:$0x3F9C];
	s0 =	simm.s32 @p1 $0x1  }
0x15: {  	[smem:$0x3FB9] =	sst s0;
	s0 =	simm.s32 @!p2 $0x0  }
0x16: {  	s3 =	sld [smem:$0x3FDB];
	s0 =	simm.s32 @p2 $0x1  }
0x17: {  	s4 =	simm.s32 $0x1BF5;
	[smem:$0x3FBB] =	sst s0  }
0x18: {  	s0 =	sld [smem:$0x3F9E];
	_ =	swait.ge [sflag:s4], $0x0  }
0x19: {  	s7 =	sld [smem:$0x3F9F]  }
0x1a: {  	s8 =	sadd.s32 $0xFFFFE003, lr  }
0x1b: {  	s9 =	sadd.s32 $0xFFFFFEF7, lr;
	s5 =	simm.s32 $0xFFFFFFFF;
	p2 =	slt.u32 s8, $0xFFFFF086  }
0x1c: {  	p1 =	slt.u32 s9, $0xF7A;
	s5 =	simm.s32 @!p2 $0x0  }
0x1d: {  	s5 =	simm.s32 @p1 $0x1;
	p0 =	seq.s32 s7, s2  }
0x1e: {  	s7 =	smul.u32 @!p0 $0xF7A, s2;
	p2 =	seq.s32 @!p0 s5, $0x0  }
0x1f: {  	s9 =	smul.u32 $0xF7A, s1;
	s8 =	simm.s32 @!p0 $0x1BF5;
	p2 =	por !p2, p0  }
0x20: {  	[sflag:s8] =	ssyncset.s32 @!p0 $0xFFFFF086;
	s6 =	sadd.s32 @!p0 s3, s7;
	s7 =	simm.s32 @!p0 $0x108  }
0x21: {  	s3 =	sadd.s32 s3, s9;
	s6 =	sadd.s32 @!p0 $0x88, s6;
	s7 =	simm.s32 @p2 $0x1082  }
0x22: {  	[simem:s7], [sflag:s8] =	dma.local @!p0 [hbm:s6], $0xF7A  }
0x23: {  	s9 =	sor.u32 $0xD0000000, s2;
	s6 =	simm.s32 $0x108;
	_ =	swait.ge @!p0 [sflag:s8], $0x0  }
0x24: {  	s3 =	sadd.s32 $0x88, s3;
	s6 =	simm.s32 @!p1 $0x1082;
	[sflag:s4] =	ssyncset.s32 $0xFFFFF086  }
0x25: {  	[simem:s6], [sflag:s4] =	dma.local [hbm:s3], $0xF7A  }
0x26: {  	[smem:$0x3F9F] =	sst s1;
	(tag) =	ssettag s2;
	_ =	strace s9  }
0x27: {  	s1 =	sld [smem:$0x3FAF]  }
0x28: {  	s2 =	sld [smem:$0x3FB0]  }
0x29: {  	s4 =	sld [smem:$0x3FB2]  }
0x2a: {  	p0 =	seq.s32 s5, $0x0;
	s5 =	sld [smem:$0x3FB3]  }
0x2b: {  	s6 =	sld [smem:$0x3FB4]  }
0x2c: {  	s7 =	sld [smem:$0x3FB5]  }
0x2d: {  	s3 =	simm.s32 $0x108;
	s8 =	sld [smem:$0x3FB6]  }
0x2e: {  	s3 =	simm.s32 @!p0 $0x1082;
	s9 =	sld [smem:$0x3FB7]  }
0x2f: {  	lr =	sadd.s32 s0, s3;
	s0 =	sld [smem:$0x3FAE]  }
0x30: {  	s3 =	sld [smem:$0x3FB1]  }
0x31: {  	[smem:$0x3FBA] =	sst s10  }
0x32: {  	s10 =	sld [smem:$0x3FB8];
	_ =	sdelay $0x3  }
0x33: {  	p0 =	seq.s32 s10, $0x1;
	s10 =	sld [smem:$0x3FBA];
	_ =	sdelay $0x3  }
0x34: {  	[smem:$0x3FBA] =	sst s10  }
0x35: {  	s10 =	sld [smem:$0x3FB9];
	_ =	sdelay $0x3  }
0x36: {  	p1 =	seq.s32 s10, $0x1;
	s10 =	sld [smem:$0x3FBA];
	_ =	sdelay $0x3  }
0x37: {  	[smem:$0x3FBA] =	sst s10  }
0x38: {  	s10 =	sld [smem:$0x3FBB]  }
0x39: {  	_ = 	snop;
	(pc) =	sbr.ind lr, $3  }
0x3a: {  	_ = 	snop  }
0x3b: {  	_ = 	snop  }
0x3c: {  	p2 =	seq.s32 s10, $0x1;
	s10 =	sld [smem:$0x3FBA]  }
0x3d: {  	_ =	shalt  }
0x3e: {  	_ =	shalt  }
0x3f: {  	_ =	shalt  }
0x40: {  	_ =	shalt  }
0x41: {  	_ =	shalt  }
0x42: {  	_ =	shalt  }
0x43: {  	_ =	shalt  }
0x44: {  	_ =	shalt  }
0x45: {  	_ =	shalt  }
0x46: {  	_ =	shalt  }
0x47: {  	_ =	shalt  }
0x48: {  	_ =	shalt  }
0x49: {  	_ =	shalt  }
0x4a: {  	_ =	shalt  }
0x4b: {  	_ =	shalt  }
0x4c: {  	_ =	shalt  }
0x4d: {  	_ =	shalt  }
0x4e: {  	_ =	shalt  }
0x4f: {  	_ =	shalt  }
0x50: {  	_ =	shalt  }
0x51: {  	_ =	shalt  }
0x52: {  	_ =	shalt  }
0x53: {  	_ =	shalt  }
0x54: {  	_ =	shalt  }
0x55: {  	_ =	shalt  }
0x56: {  	_ =	shalt  }
0x57: {  	_ =	shalt  }
0x58: {  	_ =	shalt  }
0x59: {  	_ =	shalt  }
0x5a: {  	_ =	shalt  }
0x5b: {  	_ =	shalt  }
0x5c: {  	_ =	shalt  }
0x5d: {  	_ =	shalt  }
0x5e: {  	_ =	shalt  }
0x5f: {  	_ =	shalt  }
0x60: {  	_ =	shalt  }
0x61: {  	_ =	shalt  }
0x62: {  	_ =	shalt  }
0x63: {  	_ =	shalt  }
0x64: {  	_ =	shalt  }
0x65: {  	_ =	shalt  }
0x66: {  	_ =	shalt  }
0x67: {  	_ =	shalt  }
0x68: {  	_ =	shalt  }
0x69: {  	_ =	shalt  }
0x6a: {  	_ =	shalt  }
0x6b: {  	_ =	shalt  }
0x6c: {  	_ =	shalt  }
0x6d: {  	_ =	shalt  }
0x6e: {  	_ =	shalt  }
0x6f: {  	_ =	shalt  }
0x70: {  	_ =	shalt  }
0x71: {  	_ =	shalt  }
0x72: {  	_ =	shalt  }
0x73: {  	_ =	shalt  }
0x74: {  	_ =	shalt  }
0x75: {  	_ =	shalt  }
0x76: {  	_ =	shalt  }
0x77: {  	_ =	shalt  }
0x78: {  	_ =	shalt  }
0x79: {  	_ =	shalt  }
0x7a: {  	_ =	shalt  }
0x7b: {  	_ =	shalt  }
0x7c: {  	_ =	shalt  }
0x7d: {  	_ =	shalt  }
0x7e: {  	_ =	shalt  }
0x7f: {  	_ =	shalt  }
0x80: {  	_ =	shalt  }
0x81: {  	_ =	shalt  }
0x82: {  	_ =	shalt  }
0x83: {  	_ =	shalt  }
0x84: {  	_ =	shalt  }
0x85: {  	_ =	shalt  }
0x86: {  	_ =	shalt  }
0x87: {  	_ =	shalt  }
.Lfunc_end0:
.L_simem_size_0:
called_computation.1_lowered:
.L_overlay_start_0:
0x88: {  	s2 =	sld [smem:$0x3FD9]  }
0x89: {  	s3 =	sld [smem:$0x3FFE];
	_ =	sdelay $0x1  }
0x8a: {  	s1 =	srdreg.scid  }
0x8b: {  	s0 =	sand.u32 $0x1, s1  }
0x8c: {  	s17 =	sshll.u32 s0, $0xA;
	s2 =	sadd.s32 s3, s2  }
0x8d: {  	s2 =	sadd.s32 s2, s17  }
0x8e: {  	[smem:$0x3FC6] =	sst s2  }
0x8f: {  	_ = 	snop  }
0x90: {  	s2 =	sld [smem:$0x3FD0];
	(tm) =	ssettm $0x1  }
0x91: {  	s18 =	sld [smem:$0x3FFB];
	_ =	sdelay $0x3  }
0x92: {  	_ =	strace s18  }
0x93: {  	s3 =	sld [smem:$0x3FFC];
	_ =	sdelay $0x3  }
0x94: {  	_ =	strace s3  }
0x95: {  	s3 =	sld [smem:$0x3FFD];
	_ =	sdelay $0x3  }
0x96: {  	_ =	strace s3  }
0x97: {  	_ =	strace $0x8FFFFFFF  }
0x98: {  	s19 =	sld [smem:$0x3FDB];
	_ =	sdelay $0x1  }
0x99: {  	s4 =	simm.s32 $_scs_section_size  }
0x9a: {  	s5 =	simm.s32 $_size__tile_overlayer_lowered;
	s6 =	simm.s32 $_tile_overlayer_lowered  }
0x9b: {  	s22 =	simm.s32 $0x1BFF;
	s21 =	sshll.u32 s6, $0x1;
	s3 =	sadd.s32 s4, s19  }
0x9c: {  	s7 =	simm.s32 $0x0;
	s20 =	sshll.u32 s5, $0x1;
	s5 =	sadd.s32 s21, s3  }
0x9d: {  	[timem:s7], [sflag:s22] =	dma.local [hbm:s5], s20  }
0x9e: {  	_ =	swait.ge [sflag:s22], s20  }
0x9f: {  	s4 =	ssub.s32 $0x0, s20;
	[sflag:s22] =	ssyncset.done $0x0  }
0xa0: {  	[sflag:s22] =	ssyncadd.s32 s4;
	_ =	sdelay $0x1  }
0xa1: {  	s23 =	simm.s32 $0x1B8B  }
0xa2: {  	_ =	swait.ge [sflag:s23], $0x1  }
0xa3: {  	[sflag:s23] =	ssyncset.done $0x0  }
0xa4: {  	s25 =	simm.s32 $0x1B8E;
	s24 =	sld [smem:$0x3FFE];
	[sflag:s23] =	ssyncadd.s32 $0xFFFFFFFF  }
0xa5: {  	s26 =	simm.s32 $execute0_lowered;
	[smem:$0x3FD2] =	sst s25  }
0xa6: {  	s5 =	sshll.u32 s26, $0x1;
	_ =	strace $0x80000046;
	[dreg:$0x1] =	wrdreg $0xFFFFFFFF  }
0xa7: {  	s28 =	simm.s32 $_size_execute0_lowered;
	s3 =	sadd.s32 s3, s5;
	[dreg:$0x0] =	wrdreg $0x0  }
0xa8: {  	s5 =	sshll.u32 s28, $0x1;
	[dreg:$0x2] =	wrdreg s3  }
0xa9: {  	[dreg:$0x3] =	wrdreg s5  }
0xaa: {  	[dreg:$0x4] =	wrdreg $0xC0  }
0xab: {  	_ =	task [dreg:s7], $0x5FFFF  }
0xac: {  	[dreg:$0x1] =	wrdreg $0xFFFFFFFF  }
0xad: {  	[dreg:$0x0] =	wrdreg $0x60  }
0xae: {  	[dreg:$0x2] =	wrdreg s24  }
0xaf: {  	[dreg:$0x3] =	wrdreg s2  }
0xb0: {  	[dreg:$0x4] =	wrdreg $0x9  }
0xb1: {  	_ =	task.clear_ibuf [dreg:s7], $0x5FFFF;
	_ =	strace $0x90000046  }
0xb2: {  	s29 =	simm.s32 $0x9;
	_ =	strace $0x80000048  }
0xb3: {  	_ =	swait.ge [sflag:s29], $0x1  }
0xb4: {  	[sflag:s29] =	ssyncadd.s32 $0xFFFFFFFF  }
0xb5: {  	_ =	strace $0x90000048  }
0xb6: {  	_ =	sfence  }
0xb7: {  	s30 =	sld [smem:$0x0];
	_ =	sdelay $0x2  }
0xb8: {  	s31 =	sshll.u32 s1, $0xD;
	s1 =	sshrl.u32 s1, $0x2  }
0xb9: {  	s3 =	sand.u32 $0x4000, s31;
	s1 =	sadd.s32 s1, s30  }
0xba: {  	s0 =	sor.u32 s3, s0;
	s1 =	sshll.u32 s1, $0x11  }
0xbb: {  	s0 =	sor.u32 s1, s0  }
0xbc: {  	s0 =	sadd.s32 $0x8F2B, s0  }
0xbd: {  	[sflag:s0] =	ssyncadd.remote.s32 $0x1  }
0xbe: {  	_ =	sfence.sel $0xFFFF  }
0xbf: {  	[dreg:$0x0] =	wrdreg $0xFFFFFFFF;
	(pc) =	sbr.abs _section_cstart, $3  }
0xc0: {  	[dreg:$0x1] =	wrdreg $0xFFFFFFFF  }
0xc1: {  	_ =	task.clear_ibuf [dreg:s7], $0x2FFFF;
	_ =	strace $0x9FFFFFFF  }
0xc2: {  	(tm) =	ssettm $0x7FFFFFFF  }
0xc3: {  	_ =	shalt  }
tec
execute0_lowered:
.L_overlay_start_1:
0x0: {  	(tag) =	ssettag $0x1  }
0x1: {  	s4 =	rddreg [dreg:$0x0];
	s1 =	srdreg.scid  }
0x2: {  	s0 =	stileid.u32;
	s2 =	rddreg [dreg:$0x1]  }
0x3: {  	s3 =	simm.s32 $0x0;
	s9 =	simm.s32 $0x40;
	s10 =	simm.s32 $0x6400  }
0x4: {  	s11 =	simm.s32 $0xB000;
	s12 =	simm.s32 $0x1;
	s13 =	simm.s32 $0xFC00  }
0x5: {  	s14 =	simm.s32 $0x2;
	s15 =	simm.s32 $0x4;
	s16 =	simm.s32 $0x14700  }
0x6: {  	s17 =	simm.s32 $0x3;
	s5 =	sand.u32 $0x1, s1;
	s6 =	sshll.u32 s0, $0x1  }
0x7: {  	s18 =	simm.s32 $0x0;
	s6 =	sor.u32 s5, s6;
	s5 =	ssub.s32 $0x2, s5  }
0x8: {  	[smem:$0x7FF] =	sst s3;
	s7 =	smul.u32 $0xC80, s6;
	s8 =	sshrl.u32 s5, $0x1  }
0x9: {  	s1 =	rddreg [dreg:$0x2];
	_ =	strace $0x80000047;
	s8 =	ssub.s32 s5, s8  }
0xa: {  	s5 =	smul.u32 $0x753000, s6;
	s7 =	sadd.s32 s7, s4;
	s4 =	sadd.s32 $0x4AD600, s4  }
0xb: {  	s6 =	sadd.s32 $0x800, s7;
	s7 =	smax.u32 s8, $0x1;
	s8 =	simm.s32 $0x5  }
.LBB2_1:
0xc: {  	[tilespmem:s3], [sflag:$0x5] =	stream.linear.gather [hbm4b:s6+s3], $0x6400, $0x38;
	[tilespmem:$0x19200] =	vst v63  }
0xd: {  	_ =	swait.ge [sflag:s8], $0x6400  }
0xe: {  	[sflag:s8] =	ssyncset.done $0x0  }
0xf: {  	s19 =	simm.s32 $0x0;
	[sflag:s8] =	ssyncadd.s32 $0xFFFF9C00  }
0x10: {  	[tilespmem:s10], [sflag:$0x1] =	stream.indirect.gather [hbm4b:s4+s9], $0x130, s3, s9, $0xb8;
	[tilespmem:$0x19200] =	vst v63  }
.LBB2_2:
0x11: {  	s20 =	sshllo.u32 s19, $0x1  }
0x12: {  	s21 =	sshll.u32 s20, $0x6  }
0x13: {  	s21 =	sand.u32 $0x3FFFFFC0, s21  }
0x14: {  	[tilespmem:s11], [sflag:$0x2] =	stream.indirect.gather [hbm4b:s4+s9], $0x130, s21, s9, $0xb8;
	[tilespmem:$0x19200] =	vst v63  }
0x15: {  	_ =	swait.ge [sflag:s12], $0x4C00  }
0x16: {  	p0 =	seq.s32 s19, $0x0;
	[sflag:s12] =	ssyncset.done $0x0  }
0x17: {  	s21 =	simm.s32 @!p0 $0x3;
	[sflag:s12] =	ssyncadd.s32 $0xFFFFB400  }
0x18: {  	_ =	swait.ge @!p0 [sflag:s21], $0x4B00  }
0x19: {  	[sflag:s21] =	ssyncset.done @!p0 $0x0  }
0x1a: {  	[sflag:s21] =	ssyncadd.s32 @!p0 $0xFFFFB500;
	s21 =	simm.s32 $0x0  }
.LBB2_3:
0x1b: {  	s22 =	smul.u32 $0x4C0, s21;
	_ =	sdelay $0x1  }
0x1c: {  	s22 =	sshra.s32 s22, $0x2  }
0x1d: {  	v0 =	vld [tilespmem:s22+$0x6400];
	_ =	sdelay $0x1  }
0x1e: {  	s23 =	smul.u32 $0x4B0, s21;
	_ =	sdelay $0x1  }
0x1f: {  	s23 =	sshra.s32 s23, $0x2  }
0x20: {  	[tilespmem:s23+$0xFC00] =	vst v0  }
0x21: {  	v0 =	vld [tilespmem:s22+$0x6410];
	_ =	sdelay $0x4  }
0x22: {  	[tilespmem:s23+$0xFC10] =	vst v0  }
0x23: {  	v0 =	vld [tilespmem:s22+$0x6420];
	_ =	sdelay $0x4  }
0x24: {  	[tilespmem:s23+$0xFC20] =	vst v0  }
0x25: {  	v0 =	vld [tilespmem:s22+$0x6430];
	_ =	sdelay $0x4  }
0x26: {  	[tilespmem:s23+$0xFC30] =	vst v0  }
0x27: {  	v0 =	vld [tilespmem:s22+$0x6440];
	_ =	sdelay $0x4  }
0x28: {  	[tilespmem:s23+$0xFC40] =	vst v0  }
0x29: {  	v0 =	vld [tilespmem:s22+$0x6450];
	_ =	sdelay $0x4  }
0x2a: {  	[tilespmem:s23+$0xFC50] =	vst v0  }
0x2b: {  	v0 =	vld [tilespmem:s22+$0x6460];
	_ =	sdelay $0x4  }
0x2c: {  	[tilespmem:s23+$0xFC60] =	vst v0  }
0x2d: {  	v0 =	vld [tilespmem:s22+$0x6470];
	_ =	sdelay $0x4  }
0x2e: {  	[tilespmem:s23+$0xFC70] =	vst v0  }
0x2f: {  	v0 =	vld [tilespmem:s22+$0x6480];
	_ =	sdelay $0x4  }
0x30: {  	[tilespmem:s23+$0xFC80] =	vst v0  }
0x31: {  	v0 =	vld [tilespmem:s22+$0x6490];
	_ =	sdelay $0x4  }
0x32: {  	[tilespmem:s23+$0xFC90] =	vst v0  }
0x33: {  	v0 =	vld [tilespmem:s22+$0x64A0];
	_ =	sdelay $0x4  }
0x34: {  	[tilespmem:s23+$0xFCA0] =	vst v0  }
0x35: {  	v0 =	vld [tilespmem:s22+$0x64B0];
	_ =	sdelay $0x4  }
0x36: {  	[tilespmem:s23+$0xFCB0] =	vst v0  }
0x37: {  	v0 =	vld [tilespmem:s22+$0x64C0];
	_ =	sdelay $0x4  }
0x38: {  	[tilespmem:s23+$0xFCC0] =	vst v0  }
0x39: {  	v0 =	vld [tilespmem:s22+$0x64D0];
	_ =	sdelay $0x4  }
0x3a: {  	[tilespmem:s23+$0xFCD0] =	vst v0  }
0x3b: {  	v0 =	vld [tilespmem:s22+$0x64E0];
	_ =	sdelay $0x4  }
0x3c: {  	[tilespmem:s23+$0xFCE0] =	vst v0  }
0x3d: {  	v0 =	vld [tilespmem:s22+$0x64F0];
	_ =	sdelay $0x4  }
0x3e: {  	[tilespmem:s23+$0xFCF0] =	vst v0  }
0x3f: {  	v0 =	vld [tilespmem:s22+$0x6500];
	_ =	sdelay $0x4  }
0x40: {  	[tilespmem:s23+$0xFD00] =	vst v0  }
0x41: {  	v0 =	vld [tilespmem:s22+$0x6510];
	_ =	sdelay $0x4  }
0x42: {  	[tilespmem:s23+$0xFD10] =	vst v0  }
0x43: {  	v0 =	vld [tilespmem:s22+$0x651C];
	_ =	sdelay $0x1  }
0x44: {  	s30 =	sor.u32 $0x1, s21  }
0x45: {  	s24 =	smul.u32 $0x4C0, s30;
	_ =	sdelay $0x1  }
0x46: {  	s31 =	sshra.s32 s24, $0x2;
	[tilespmem:s23+$0xFD1C] =	vst v0  }
0x47: {  	v0 =	vld [tilespmem:s31+$0x6400];
	_ =	sdelay $0x2  }
0x48: {  	s22 =	smul.u32 $0x12C, s30;
	_ =	sdelay $0x1  }
0x49: {  	[tilespmem:s22+$0xFC00] =	vst v0  }
0x4a: {  	v0 =	vld [tilespmem:s31+$0x6410];
	_ =	sdelay $0x3  }
0x4b: {  	s25 =	sor.u32 $0x14, s22  }
0x4c: {  	[tilespmem:s25+$0xFC00] =	vst v0  }
0x4d: {  	v0 =	vld [tilespmem:s31+$0x6420];
	_ =	sdelay $0x3  }
0x4e: {  	s26 =	sand.u32 $0x7FE8, s22  }
0x4f: {  	[tilespmem:s26+$0xFC24] =	vst v0  }
0x50: {  	v0 =	vld [tilespmem:s31+$0x6430];
	_ =	sdelay $0x4  }
0x51: {  	[tilespmem:s26+$0xFC34] =	vst v0  }
0x52: {  	v0 =	vld [tilespmem:s31+$0x6440];
	_ =	sdelay $0x4  }
0x53: {  	[tilespmem:s26+$0xFC44] =	vst v0  }
0x54: {  	v0 =	vld [tilespmem:s31+$0x6450];
	_ =	sdelay $0x4  }
0x55: {  	[tilespmem:s26+$0xFC54] =	vst v0  }
0x56: {  	v0 =	vld [tilespmem:s31+$0x6460];
	_ =	sdelay $0x4  }
0x57: {  	[tilespmem:s26+$0xFC64] =	vst v0  }
0x58: {  	v0 =	vld [tilespmem:s31+$0x6470];
	_ =	sdelay $0x4  }
0x59: {  	[tilespmem:s26+$0xFC74] =	vst v0  }
0x5a: {  	v0 =	vld [tilespmem:s31+$0x6480];
	_ =	sdelay $0x4  }
0x5b: {  	[tilespmem:s26+$0xFC84] =	vst v0  }
0x5c: {  	v0 =	vld [tilespmem:s31+$0x6490];
	_ =	sdelay $0x4  }
0x5d: {  	[tilespmem:s26+$0xFC94] =	vst v0  }
0x5e: {  	v0 =	vld [tilespmem:s31+$0x64A0];
	_ =	sdelay $0x4  }
0x5f: {  	[tilespmem:s26+$0xFCA4] =	vst v0  }
0x60: {  	v0 =	vld [tilespmem:s31+$0x64B0];
	_ =	sdelay $0x4  }
0x61: {  	[tilespmem:s26+$0xFCB4] =	vst v0  }
0x62: {  	v0 =	vld [tilespmem:s31+$0x64C0];
	_ =	sdelay $0x4  }
0x63: {  	[tilespmem:s26+$0xFCC4] =	vst v0  }
0x64: {  	v0 =	vld [tilespmem:s31+$0x64D0];
	_ =	sdelay $0x4  }
0x65: {  	[tilespmem:s26+$0xFCD4] =	vst v0  }
0x66: {  	v0 =	vld [tilespmem:s31+$0x64E0];
	_ =	sdelay $0x4  }
0x67: {  	[tilespmem:s26+$0xFCE4] =	vst v0  }
0x68: {  	v0 =	vld [tilespmem:s31+$0x64F0];
	_ =	sdelay $0x4  }
0x69: {  	[tilespmem:s26+$0xFCF4] =	vst v0  }
0x6a: {  	v0 =	vld [tilespmem:s31+$0x6500];
	_ =	sdelay $0x4  }
0x6b: {  	[tilespmem:s26+$0xFD04] =	vst v0  }
0x6c: {  	v0 =	vld [tilespmem:s31+$0x6510];
	_ =	sdelay $0x4  }
0x6d: {  	[tilespmem:s26+$0xFD14] =	vst v0  }
0x6e: {  	v0 =	vld [tilespmem:s31+$0x651C];
	_ =	sdelay $0x1  }
0x6f: {  	s28 =	sor.u32 $0x2, s21  }
0x70: {  	s29 =	smul.u32 $0x4C0, s28;
	_ =	sdelay $0x1  }
0x71: {  	s30 =	sshra.s32 s29, $0x2;
	[tilespmem:s22+$0xFD1C] =	vst v0  }
0x72: {  	v0 =	vld [tilespmem:s30+$0x6400];
	_ =	sdelay $0x1  }
0x73: {  	s23 =	smul.u32 $0x4B0, s28;
	_ =	sdelay $0x1  }
0x74: {  	s23 =	sshra.s32 s23, $0x2  }
0x75: {  	[tilespmem:s23+$0xFC00] =	vst v0  }
0x76: {  	v0 =	vld [tilespmem:s30+$0x6410];
	_ =	sdelay $0x4  }
0x77: {  	[tilespmem:s23+$0xFC10] =	vst v0  }
0x78: {  	v0 =	vld [tilespmem:s30+$0x6420];
	_ =	sdelay $0x4  }
0x79: {  	[tilespmem:s23+$0xFC20] =	vst v0  }
0x7a: {  	v0 =	vld [tilespmem:s30+$0x6430];
	_ =	sdelay $0x4  }
0x7b: {  	[tilespmem:s23+$0xFC30] =	vst v0  }
0x7c: {  	v0 =	vld [tilespmem:s30+$0x6440];
	_ =	sdelay $0x4  }
0x7d: {  	[tilespmem:s23+$0xFC40] =	vst v0  }
0x7e: {  	v0 =	vld [tilespmem:s30+$0x6450];
	_ =	sdelay $0x4  }
0x7f: {  	[tilespmem:s23+$0xFC50] =	vst v0  }
0x80: {  	v0 =	vld [tilespmem:s30+$0x6460];
	_ =	sdelay $0x4  }
0x81: {  	[tilespmem:s23+$0xFC60] =	vst v0  }
0x82: {  	v0 =	vld [tilespmem:s30+$0x6470];
	_ =	sdelay $0x4  }
0x83: {  	[tilespmem:s23+$0xFC70] =	vst v0  }
0x84: {  	v0 =	vld [tilespmem:s30+$0x6480];
	_ =	sdelay $0x4  }
0x85: {  	[tilespmem:s23+$0xFC80] =	vst v0  }
0x86: {  	v0 =	vld [tilespmem:s30+$0x6490];
	_ =	sdelay $0x4  }
0x87: {  	[tilespmem:s23+$0xFC90] =	vst v0  }
0x88: {  	v0 =	vld [tilespmem:s30+$0x64A0];
	_ =	sdelay $0x4  }
0x89: {  	[tilespmem:s23+$0xFCA0] =	vst v0  }
0x8a: {  	v0 =	vld [tilespmem:s30+$0x64B0];
	_ =	sdelay $0x4  }
0x8b: {  	[tilespmem:s23+$0xFCB0] =	vst v0  }
0x8c: {  	v0 =	vld [tilespmem:s30+$0x64C0];
	_ =	sdelay $0x4  }
0x8d: {  	[tilespmem:s23+$0xFCC0] =	vst v0  }
0x8e: {  	v0 =	vld [tilespmem:s30+$0x64D0];
	_ =	sdelay $0x4  }
0x8f: {  	[tilespmem:s23+$0xFCD0] =	vst v0  }
0x90: {  	v0 =	vld [tilespmem:s30+$0x64E0];
	_ =	sdelay $0x4  }
0x91: {  	[tilespmem:s23+$0xFCE0] =	vst v0  }
0x92: {  	v0 =	vld [tilespmem:s30+$0x64F0];
	_ =	sdelay $0x4  }
0x93: {  	[tilespmem:s23+$0xFCF0] =	vst v0  }
0x94: {  	v0 =	vld [tilespmem:s30+$0x6500];
	_ =	sdelay $0x4  }
0x95: {  	[tilespmem:s23+$0xFD00] =	vst v0  }
0x96: {  	v0 =	vld [tilespmem:s30+$0x6510];
	_ =	sdelay $0x4  }
0x97: {  	[tilespmem:s23+$0xFD10] =	vst v0  }
0x98: {  	v0 =	vld [tilespmem:s30+$0x651C];
	_ =	sdelay $0x1  }
0x99: {  	s31 =	sor.u32 $0x3, s21  }
0x9a: {  	s25 =	smul.u32 $0x4C0, s31;
	_ =	sdelay $0x1  }
0x9b: {  	s26 =	sshra.s32 s25, $0x2;
	[tilespmem:s23+$0xFD1C] =	vst v0  }
0x9c: {  	v0 =	vld [tilespmem:s26+$0x6400];
	_ =	sdelay $0x2  }
0x9d: {  	s22 =	smul.u32 $0x12C, s31;
	_ =	sdelay $0x1  }
0x9e: {  	[tilespmem:s22+$0xFC00] =	vst v0  }
0x9f: {  	v0 =	vld [tilespmem:s26+$0x6410];
	_ =	sdelay $0x3  }
0xa0: {  	s28 =	sor.u32 $0x14, s22  }
0xa1: {  	[tilespmem:s28+$0xFC00] =	vst v0  }
0xa2: {  	v0 =	vld [tilespmem:s26+$0x6420];
	_ =	sdelay $0x3  }
0xa3: {  	s29 =	sand.u32 $0x7FE0, s22  }
0xa4: {  	[tilespmem:s29+$0xFC24] =	vst v0  }
0xa5: {  	v0 =	vld [tilespmem:s26+$0x6430];
	_ =	sdelay $0x4  }
0xa6: {  	[tilespmem:s29+$0xFC34] =	vst v0  }
0xa7: {  	v0 =	vld [tilespmem:s26+$0x6440];
	_ =	sdelay $0x4  }
0xa8: {  	[tilespmem:s29+$0xFC44] =	vst v0  }
0xa9: {  	v0 =	vld [tilespmem:s26+$0x6450];
	_ =	sdelay $0x4  }
0xaa: {  	[tilespmem:s29+$0xFC54] =	vst v0  }
0xab: {  	v0 =	vld [tilespmem:s26+$0x6460];
	_ =	sdelay $0x4  }
0xac: {  	[tilespmem:s29+$0xFC64] =	vst v0  }
0xad: {  	v0 =	vld [tilespmem:s26+$0x6470];
	_ =	sdelay $0x4  }
0xae: {  	[tilespmem:s29+$0xFC74] =	vst v0  }
0xaf: {  	v0 =	vld [tilespmem:s26+$0x6480];
	_ =	sdelay $0x4  }
0xb0: {  	[tilespmem:s29+$0xFC84] =	vst v0  }
0xb1: {  	v0 =	vld [tilespmem:s26+$0x6490];
	_ =	sdelay $0x4  }
0xb2: {  	[tilespmem:s29+$0xFC94] =	vst v0  }
0xb3: {  	v0 =	vld [tilespmem:s26+$0x64A0];
	_ =	sdelay $0x4  }
0xb4: {  	[tilespmem:s29+$0xFCA4] =	vst v0  }
0xb5: {  	v0 =	vld [tilespmem:s26+$0x64B0];
	_ =	sdelay $0x4  }
0xb6: {  	[tilespmem:s29+$0xFCB4] =	vst v0  }
0xb7: {  	v0 =	vld [tilespmem:s26+$0x64C0];
	_ =	sdelay $0x4  }
0xb8: {  	[tilespmem:s29+$0xFCC4] =	vst v0  }
0xb9: {  	v0 =	vld [tilespmem:s26+$0x64D0];
	_ =	sdelay $0x4  }
0xba: {  	[tilespmem:s29+$0xFCD4] =	vst v0  }
0xbb: {  	v0 =	vld [tilespmem:s26+$0x64E0];
	_ =	sdelay $0x4  }
0xbc: {  	[tilespmem:s29+$0xFCE4] =	vst v0  }
0xbd: {  	v0 =	vld [tilespmem:s26+$0x64F0];
	_ =	sdelay $0x4  }
0xbe: {  	[tilespmem:s29+$0xFCF4] =	vst v0  }
0xbf: {  	v0 =	vld [tilespmem:s26+$0x6500];
	_ =	sdelay $0x4  }
0xc0: {  	[tilespmem:s29+$0xFD04] =	vst v0  }
0xc1: {  	v0 =	vld [tilespmem:s26+$0x6510];
	_ =	sdelay $0x4  }
0xc2: {  	[tilespmem:s29+$0xFD14] =	vst v0  }
0xc3: {  	v0 =	vld [tilespmem:s26+$0x651C];
	_ =	sdelay $0x1  }
0xc4: {  	s30 =	sor.u32 $0x4, s21  }
0xc5: {  	s31 =	smul.u32 $0x4C0, s30;
	_ =	sdelay $0x1  }
0xc6: {  	s24 =	sshra.s32 s31, $0x2;
	[tilespmem:s22+$0xFD1C] =	vst v0  }
0xc7: {  	v0 =	vld [tilespmem:s24+$0x6400];
	_ =	sdelay $0x1  }
0xc8: {  	s23 =	smul.u32 $0x4B0, s30;
	_ =	sdelay $0x1  }
0xc9: {  	s23 =	sshra.s32 s23, $0x2  }
0xca: {  	[tilespmem:s23+$0xFC00] =	vst v0  }
0xcb: {  	v0 =	vld [tilespmem:s24+$0x6410];
	_ =	sdelay $0x4  }
0xcc: {  	[tilespmem:s23+$0xFC10] =	vst v0  }
0xcd: {  	v0 =	vld [tilespmem:s24+$0x6420];
	_ =	sdelay $0x4  }
0xce: {  	[tilespmem:s23+$0xFC20] =	vst v0  }
0xcf: {  	v0 =	vld [tilespmem:s24+$0x6430];
	_ =	sdelay $0x4  }
0xd0: {  	[tilespmem:s23+$0xFC30] =	vst v0  }
0xd1: {  	v0 =	vld [tilespmem:s24+$0x6440];
	_ =	sdelay $0x4  }
0xd2: {  	[tilespmem:s23+$0xFC40] =	vst v0  }
0xd3: {  	v0 =	vld [tilespmem:s24+$0x6450];
	_ =	sdelay $0x4  }
0xd4: {  	[tilespmem:s23+$0xFC50] =	vst v0  }
0xd5: {  	v0 =	vld [tilespmem:s24+$0x6460];
	_ =	sdelay $0x4  }
0xd6: {  	[tilespmem:s23+$0xFC60] =	vst v0  }
0xd7: {  	v0 =	vld [tilespmem:s24+$0x6470];
	_ =	sdelay $0x4  }
0xd8: {  	[tilespmem:s23+$0xFC70] =	vst v0  }
0xd9: {  	v0 =	vld [tilespmem:s24+$0x6480];
	_ =	sdelay $0x4  }
0xda: {  	[tilespmem:s23+$0xFC80] =	vst v0  }
0xdb: {  	v0 =	vld [tilespmem:s24+$0x6490];
	_ =	sdelay $0x4  }
0xdc: {  	[tilespmem:s23+$0xFC90] =	vst v0  }
0xdd: {  	v0 =	vld [tilespmem:s24+$0x64A0];
	_ =	sdelay $0x4  }
0xde: {  	[tilespmem:s23+$0xFCA0] =	vst v0  }
0xdf: {  	v0 =	vld [tilespmem:s24+$0x64B0];
	_ =	sdelay $0x4  }
0xe0: {  	[tilespmem:s23+$0xFCB0] =	vst v0  }
0xe1: {  	v0 =	vld [tilespmem:s24+$0x64C0];
	_ =	sdelay $0x4  }
0xe2: {  	[tilespmem:s23+$0xFCC0] =	vst v0  }
0xe3: {  	v0 =	vld [tilespmem:s24+$0x64D0];
	_ =	sdelay $0x4  }
0xe4: {  	[tilespmem:s23+$0xFCD0] =	vst v0  }
0xe5: {  	v0 =	vld [tilespmem:s24+$0x64E0];
	_ =	sdelay $0x4  }
0xe6: {  	[tilespmem:s23+$0xFCE0] =	vst v0  }
0xe7: {  	v0 =	vld [tilespmem:s24+$0x64F0];
	_ =	sdelay $0x4  }
0xe8: {  	[tilespmem:s23+$0xFCF0] =	vst v0  }
0xe9: {  	v0 =	vld [tilespmem:s24+$0x6500];
	_ =	sdelay $0x4  }
0xea: {  	[tilespmem:s23+$0xFD00] =	vst v0  }
0xeb: {  	v0 =	vld [tilespmem:s24+$0x6510];
	_ =	sdelay $0x4  }
0xec: {  	[tilespmem:s23+$0xFD10] =	vst v0  }
0xed: {  	v0 =	vld [tilespmem:s24+$0x651C];
	_ =	sdelay $0x1  }
0xee: {  	s25 =	sor.u32 $0x5, s21  }
0xef: {  	s26 =	smul.u32 $0x4C0, s25;
	_ =	sdelay $0x1  }
0xf0: {  	s28 =	sshra.s32 s26, $0x2;
	[tilespmem:s23+$0xFD1C] =	vst v0  }
0xf1: {  	v0 =	vld [tilespmem:s28+$0x6400];
	_ =	sdelay $0x2  }
0xf2: {  	s22 =	smul.u32 $0x12C, s25;
	_ =	sdelay $0x1  }
0xf3: {  	[tilespmem:s22+$0xFC00] =	vst v0  }
0xf4: {  	v0 =	vld [tilespmem:s28+$0x6410];
	_ =	sdelay $0x4  }
0xf5: {  	[tilespmem:s22+$0xFC10] =	vst v0  }
0xf6: {  	v0 =	vld [tilespmem:s28+$0x6420];
	_ =	sdelay $0x3  }
0xf7: {  	s29 =	sand.u32 $0x7FF8, s22  }
0xf8: {  	[tilespmem:s29+$0xFC24] =	vst v0  }
0xf9: {  	v0 =	vld [tilespmem:s28+$0x6430];
	_ =	sdelay $0x4  }
0xfa: {  	[tilespmem:s22+$0xFC30] =	vst v0  }
0xfb: {  	v0 =	vld [tilespmem:s28+$0x6440];
	_ =	sdelay $0x4  }
0xfc: {  	[tilespmem:s29+$0xFC44] =	vst v0  }
0xfd: {  	v0 =	vld [tilespmem:s28+$0x6450];
	_ =	sdelay $0x4  }
0xfe: {  	[tilespmem:s22+$0xFC50] =	vst v0  }
0xff: {  	v0 =	vld [tilespmem:s28+$0x6460];
	_ =	sdelay $0x4  }
0x100: {  	[tilespmem:s29+$0xFC64] =	vst v0  }
0x101: {  	v0 =	vld [tilespmem:s28+$0x6470];
	_ =	sdelay $0x4  }
0x102: {  	[tilespmem:s22+$0xFC70] =	vst v0  }
0x103: {  	v0 =	vld [tilespmem:s28+$0x6480];
	_ =	sdelay $0x4  }
0x104: {  	[tilespmem:s29+$0xFC84] =	vst v0  }
0x105: {  	v0 =	vld [tilespmem:s28+$0x6490];
	_ =	sdelay $0x4  }
0x106: {  	[tilespmem:s22+$0xFC90] =	vst v0  }
0x107: {  	v0 =	vld [tilespmem:s28+$0x64A0];
	_ =	sdelay $0x4  }
0x108: {  	[tilespmem:s29+$0xFCA4] =	vst v0  }
0x109: {  	v0 =	vld [tilespmem:s28+$0x64B0];
	_ =	sdelay $0x4  }
0x10a: {  	[tilespmem:s22+$0xFCB0] =	vst v0  }
0x10b: {  	v0 =	vld [tilespmem:s28+$0x64C0];
	_ =	sdelay $0x4  }
0x10c: {  	[tilespmem:s29+$0xFCC4] =	vst v0  }
0x10d: {  	v0 =	vld [tilespmem:s28+$0x64D0];
	_ =	sdelay $0x4  }
0x10e: {  	[tilespmem:s22+$0xFCD0] =	vst v0  }
0x10f: {  	v0 =	vld [tilespmem:s28+$0x64E0];
	_ =	sdelay $0x4  }
0x110: {  	[tilespmem:s29+$0xFCE4] =	vst v0  }
0x111: {  	v0 =	vld [tilespmem:s28+$0x64F0];
	_ =	sdelay $0x4  }
0x112: {  	[tilespmem:s22+$0xFCF0] =	vst v0  }
0x113: {  	v0 =	vld [tilespmem:s28+$0x6500];
	_ =	sdelay $0x4  }
0x114: {  	[tilespmem:s29+$0xFD04] =	vst v0  }
0x115: {  	v0 =	vld [tilespmem:s28+$0x6510];
	_ =	sdelay $0x4  }
0x116: {  	[tilespmem:s22+$0xFD10] =	vst v0  }
0x117: {  	v0 =	vld [tilespmem:s28+$0x651C];
	_ =	sdelay $0x1  }
0x118: {  	s30 =	sor.u32 $0x6, s21  }
0x119: {  	s31 =	smul.u32 $0x4C0, s30;
	_ =	sdelay $0x1  }
0x11a: {  	s25 =	sshra.s32 s31, $0x2;
	[tilespmem:s22+$0xFD1C] =	vst v0  }
0x11b: {  	v0 =	vld [tilespmem:s25+$0x6400];
	_ =	sdelay $0x1  }
0x11c: {  	s23 =	smul.u32 $0x4B0, s30;
	_ =	sdelay $0x1  }
0x11d: {  	s23 =	sshra.s32 s23, $0x2  }
0x11e: {  	[tilespmem:s23+$0xFC00] =	vst v0  }
0x11f: {  	v0 =	vld [tilespmem:s25+$0x6410];
	_ =	sdelay $0x4  }
0x120: {  	[tilespmem:s23+$0xFC10] =	vst v0  }
0x121: {  	v0 =	vld [tilespmem:s25+$0x6420];
	_ =	sdelay $0x4  }
0x122: {  	[tilespmem:s23+$0xFC20] =	vst v0  }
0x123: {  	v0 =	vld [tilespmem:s25+$0x6430];
	_ =	sdelay $0x4  }
0x124: {  	[tilespmem:s23+$0xFC30] =	vst v0  }
0x125: {  	v0 =	vld [tilespmem:s25+$0x6440];
	_ =	sdelay $0x4  }
0x126: {  	[tilespmem:s23+$0xFC40] =	vst v0  }
0x127: {  	v0 =	vld [tilespmem:s25+$0x6450];
	_ =	sdelay $0x4  }
0x128: {  	[tilespmem:s23+$0xFC50] =	vst v0  }
0x129: {  	v0 =	vld [tilespmem:s25+$0x6460];
	_ =	sdelay $0x4  }
0x12a: {  	[tilespmem:s23+$0xFC60] =	vst v0  }
0x12b: {  	v0 =	vld [tilespmem:s25+$0x6470];
	_ =	sdelay $0x4  }
0x12c: {  	[tilespmem:s23+$0xFC70] =	vst v0  }
0x12d: {  	v0 =	vld [tilespmem:s25+$0x6480];
	_ =	sdelay $0x4  }
0x12e: {  	[tilespmem:s23+$0xFC80] =	vst v0  }
0x12f: {  	v0 =	vld [tilespmem:s25+$0x6490];
	_ =	sdelay $0x4  }
0x130: {  	[tilespmem:s23+$0xFC90] =	vst v0  }
0x131: {  	v0 =	vld [tilespmem:s25+$0x64A0];
	_ =	sdelay $0x4  }
0x132: {  	[tilespmem:s23+$0xFCA0] =	vst v0  }
0x133: {  	v0 =	vld [tilespmem:s25+$0x64B0];
	_ =	sdelay $0x4  }
0x134: {  	[tilespmem:s23+$0xFCB0] =	vst v0  }
0x135: {  	v0 =	vld [tilespmem:s25+$0x64C0];
	_ =	sdelay $0x4  }
0x136: {  	[tilespmem:s23+$0xFCC0] =	vst v0  }
0x137: {  	v0 =	vld [tilespmem:s25+$0x64D0];
	_ =	sdelay $0x4  }
0x138: {  	[tilespmem:s23+$0xFCD0] =	vst v0  }
0x139: {  	v0 =	vld [tilespmem:s25+$0x64E0];
	_ =	sdelay $0x4  }
0x13a: {  	[tilespmem:s23+$0xFCE0] =	vst v0  }
0x13b: {  	v0 =	vld [tilespmem:s25+$0x64F0];
	_ =	sdelay $0x4  }
0x13c: {  	[tilespmem:s23+$0xFCF0] =	vst v0  }
0x13d: {  	v0 =	vld [tilespmem:s25+$0x6500];
	_ =	sdelay $0x4  }
0x13e: {  	[tilespmem:s23+$0xFD00] =	vst v0  }
0x13f: {  	v0 =	vld [tilespmem:s25+$0x6510];
	_ =	sdelay $0x4  }
0x140: {  	[tilespmem:s23+$0xFD10] =	vst v0  }
0x141: {  	v0 =	vld [tilespmem:s25+$0x651C];
	_ =	sdelay $0x1  }
0x142: {  	s26 =	sor.u32 $0x7, s21  }
0x143: {  	s28 =	smul.u32 $0x4C0, s26;
	_ =	sdelay $0x1  }
0x144: {  	s29 =	sshra.s32 s28, $0x2;
	[tilespmem:s23+$0xFD1C] =	vst v0  }
0x145: {  	v0 =	vld [tilespmem:s29+$0x6400];
	_ =	sdelay $0x2  }
0x146: {  	s22 =	smul.u32 $0x12C, s26;
	_ =	sdelay $0x1  }
0x147: {  	[tilespmem:s22+$0xFC00] =	vst v0  }
0x148: {  	v0 =	vld [tilespmem:s29+$0x6410];
	_ =	sdelay $0x4  }
0x149: {  	[tilespmem:s22+$0xFC10] =	vst v0  }
0x14a: {  	v0 =	vld [tilespmem:s29+$0x6420];
	_ =	sdelay $0x3  }
0x14b: {  	s30 =	sand.u32 $0x7FF0, s22  }
0x14c: {  	[tilespmem:s30+$0xFC24] =	vst v0  }
0x14d: {  	v0 =	vld [tilespmem:s29+$0x6430];
	_ =	sdelay $0x4  }
0x14e: {  	[tilespmem:s22+$0xFC30] =	vst v0  }
0x14f: {  	v0 =	vld [tilespmem:s29+$0x6440];
	_ =	sdelay $0x4  }
0x150: {  	[tilespmem:s30+$0xFC44] =	vst v0  }
0x151: {  	v0 =	vld [tilespmem:s29+$0x6450];
	_ =	sdelay $0x4  }
0x152: {  	[tilespmem:s22+$0xFC50] =	vst v0  }
0x153: {  	v0 =	vld [tilespmem:s29+$0x6460];
	_ =	sdelay $0x4  }
0x154: {  	[tilespmem:s30+$0xFC64] =	vst v0  }
0x155: {  	v0 =	vld [tilespmem:s29+$0x6470];
	_ =	sdelay $0x4  }
0x156: {  	[tilespmem:s22+$0xFC70] =	vst v0  }
0x157: {  	v0 =	vld [tilespmem:s29+$0x6480];
	_ =	sdelay $0x4  }
0x158: {  	[tilespmem:s30+$0xFC84] =	vst v0  }
0x159: {  	v0 =	vld [tilespmem:s29+$0x6490];
	_ =	sdelay $0x4  }
0x15a: {  	[tilespmem:s22+$0xFC90] =	vst v0  }
0x15b: {  	v0 =	vld [tilespmem:s29+$0x64A0];
	_ =	sdelay $0x4  }
0x15c: {  	[tilespmem:s30+$0xFCA4] =	vst v0  }
0x15d: {  	v0 =	vld [tilespmem:s29+$0x64B0];
	_ =	sdelay $0x4  }
0x15e: {  	[tilespmem:s22+$0xFCB0] =	vst v0  }
0x15f: {  	v0 =	vld [tilespmem:s29+$0x64C0];
	_ =	sdelay $0x4  }
0x160: {  	[tilespmem:s30+$0xFCC4] =	vst v0  }
0x161: {  	v0 =	vld [tilespmem:s29+$0x64D0];
	_ =	sdelay $0x4  }
0x162: {  	[tilespmem:s22+$0xFCD0] =	vst v0  }
0x163: {  	v0 =	vld [tilespmem:s29+$0x64E0];
	_ =	sdelay $0x4  }
0x164: {  	[tilespmem:s30+$0xFCE4] =	vst v0  }
0x165: {  	v0 =	vld [tilespmem:s29+$0x64F0];
	_ =	sdelay $0x4  }
0x166: {  	[tilespmem:s22+$0xFCF0] =	vst v0  }
0x167: {  	v0 =	vld [tilespmem:s29+$0x6500];
	_ =	sdelay $0x4  }
0x168: {  	[tilespmem:s30+$0xFD04] =	vst v0  }
0x169: {  	v0 =	vld [tilespmem:s29+$0x6510];
	_ =	sdelay $0x4  }
0x16a: {  	[tilespmem:s22+$0xFD10] =	vst v0  }
0x16b: {  	p1 =	slt.u32 s21, $0x38;
	v0 =	vld [tilespmem:s29+$0x651C]  }
.Ltmp0:
0x16c: {  	_ = 	snop;
	(pc) =	sbr.rel @p1 .LBB2_3-.Ltmp0, $3  }
0x16d: {  	_ =	sdelay $0x1  }
0x16e: {  	s31 =	sadd.s32 $0x8, s21  }
0x16f: {  	s21 =	smov.u32 s31;
	[tilespmem:s22+$0xFD1C] =	vst v0  }
0x170: {  	s21 =	smul.u32 $0x9600, s19;
	p1 =	sne.s32 s19, $0xC7  }
.Ltmp1:
0x171: {  	_ = 	snop;
	(pc) =	sbr.rel @p1 .LBB2_6-.Ltmp1, $4  }
0x172: {  	s21 =	sadd.s32 s5, s21  }
0x173: {  	s21 =	sshrl.u32 s21, $0x3  }
0x174: {  	s21 =	sadd.s32 s2, s21  }
0x175: {  	[hbm4b:s21+s3] =	stream.linear.scatter [tilespmem:s13], [sflag:$0x3], $0x4B00, $0x38;
	[tilespmem:$0x19200] =	vst v63  }
.Ltmp2:
0x176: {  	(pc) =	sbr.rel .LBB2_7-.Ltmp2, $4  }
0x177: {  	_ = 	snop  }
0x178: {  	_ =	swait.ge [sflag:s14], $0x4C00  }
0x179: {  	[sflag:s14] =	ssyncset.done $0x0  }
0x17a: {  	[sflag:s14] =	ssyncadd.s32 $0xFFFFB400  }
.LBB2_6:
0x17b: {  	s21 =	sshll.u32 s19, $0x7  }
0x17c: {  	s21 =	sand.u32 $0x3FFFFF80, s21  }
.Ltmp3:
0x17d: {  	s21 =	sadd.s32 $0x80, s21;
	(pc) =	sbr.rel @p0 .LBB2_8-.Ltmp3, $4  }
0x17e: {  	[tilespmem:s10], [sflag:$0x1] =	stream.indirect.gather [hbm4b:s4+s9], $0x130, s21, s9, $0xb8;
	[tilespmem:$0x19200] =	vst v63  }
0x17f: {  	_ =	swait.ge [sflag:s14], $0x4C00  }
0x180: {  	[sflag:s14] =	ssyncset.done $0x0  }
0x181: {  	[sflag:s14] =	ssyncadd.s32 $0xFFFFB400  }
.LBB2_7:
0x182: {  	_ =	swait.ge [sflag:s15], $0x4B00  }
0x183: {  	[sflag:s15] =	ssyncset.done $0x0  }
0x184: {  	[sflag:s15] =	ssyncadd.s32 $0xFFFFB500  }
.LBB2_8:
0x185: {  	s21 =	simm.s32 $0x0  }
.LBB2_9:
0x186: {  	s22 =	smul.u32 $0x4C0, s21;
	_ =	sdelay $0x1  }
0x187: {  	s22 =	sshra.s32 s22, $0x2  }
0x188: {  	v0 =	vld [tilespmem:s22+$0xB000];
	_ =	sdelay $0x1  }
0x189: {  	s23 =	smul.u32 $0x4B0, s21;
	_ =	sdelay $0x1  }
0x18a: {  	s23 =	sshra.s32 s23, $0x2  }
0x18b: {  	[tilespmem:s23+$0x14700] =	vst v0  }
0x18c: {  	v0 =	vld [tilespmem:s22+$0xB010];
	_ =	sdelay $0x4  }
0x18d: {  	[tilespmem:s23+$0x14710] =	vst v0  }
0x18e: {  	v0 =	vld [tilespmem:s22+$0xB020];
	_ =	sdelay $0x4  }
0x18f: {  	[tilespmem:s23+$0x14720] =	vst v0  }
0x190: {  	v0 =	vld [tilespmem:s22+$0xB030];
	_ =	sdelay $0x4  }
0x191: {  	[tilespmem:s23+$0x14730] =	vst v0  }
0x192: {  	v0 =	vld [tilespmem:s22+$0xB040];
	_ =	sdelay $0x4  }
0x193: {  	[tilespmem:s23+$0x14740] =	vst v0  }
0x194: {  	v0 =	vld [tilespmem:s22+$0xB050];
	_ =	sdelay $0x4  }
0x195: {  	[tilespmem:s23+$0x14750] =	vst v0  }
0x196: {  	v0 =	vld [tilespmem:s22+$0xB060];
	_ =	sdelay $0x4  }
0x197: {  	[tilespmem:s23+$0x14760] =	vst v0  }
0x198: {  	v0 =	vld [tilespmem:s22+$0xB070];
	_ =	sdelay $0x4  }
0x199: {  	[tilespmem:s23+$0x14770] =	vst v0  }
0x19a: {  	v0 =	vld [tilespmem:s22+$0xB080];
	_ =	sdelay $0x4  }
0x19b: {  	[tilespmem:s23+$0x14780] =	vst v0  }
0x19c: {  	v0 =	vld [tilespmem:s22+$0xB090];
	_ =	sdelay $0x4  }
0x19d: {  	[tilespmem:s23+$0x14790] =	vst v0  }
0x19e: {  	v0 =	vld [tilespmem:s22+$0xB0A0];
	_ =	sdelay $0x4  }
0x19f: {  	[tilespmem:s23+$0x147A0] =	vst v0  }
0x1a0: {  	v0 =	vld [tilespmem:s22+$0xB0B0];
	_ =	sdelay $0x4  }
0x1a1: {  	[tilespmem:s23+$0x147B0] =	vst v0  }
0x1a2: {  	v0 =	vld [tilespmem:s22+$0xB0C0];
	_ =	sdelay $0x4  }
0x1a3: {  	[tilespmem:s23+$0x147C0] =	vst v0  }
0x1a4: {  	v0 =	vld [tilespmem:s22+$0xB0D0];
	_ =	sdelay $0x4  }
0x1a5: {  	[tilespmem:s23+$0x147D0] =	vst v0  }
0x1a6: {  	v0 =	vld [tilespmem:s22+$0xB0E0];
	_ =	sdelay $0x4  }
0x1a7: {  	[tilespmem:s23+$0x147E0] =	vst v0  }
0x1a8: {  	v0 =	vld [tilespmem:s22+$0xB0F0];
	_ =	sdelay $0x4  }
0x1a9: {  	[tilespmem:s23+$0x147F0] =	vst v0  }
0x1aa: {  	v0 =	vld [tilespmem:s22+$0xB100];
	_ =	sdelay $0x4  }
0x1ab: {  	[tilespmem:s23+$0x14800] =	vst v0  }
0x1ac: {  	v0 =	vld [tilespmem:s22+$0xB110];
	_ =	sdelay $0x4  }
0x1ad: {  	[tilespmem:s23+$0x14810] =	vst v0  }
0x1ae: {  	v0 =	vld [tilespmem:s22+$0xB11C];
	_ =	sdelay $0x1  }
0x1af: {  	s30 =	sor.u32 $0x1, s21  }
0x1b0: {  	s24 =	smul.u32 $0x4C0, s30;
	_ =	sdelay $0x1  }
0x1b1: {  	s31 =	sshra.s32 s24, $0x2;
	[tilespmem:s23+$0x1481C] =	vst v0  }
0x1b2: {  	v0 =	vld [tilespmem:s31+$0xB000];
	_ =	sdelay $0x2  }
0x1b3: {  	s22 =	smul.u32 $0x12C, s30;
	_ =	sdelay $0x1  }
0x1b4: {  	[tilespmem:s22+$0x14700] =	vst v0  }
0x1b5: {  	v0 =	vld [tilespmem:s31+$0xB010];
	_ =	sdelay $0x3  }
0x1b6: {  	s25 =	sor.u32 $0x14, s22  }
0x1b7: {  	[tilespmem:s25+$0x14700] =	vst v0  }
0x1b8: {  	v0 =	vld [tilespmem:s31+$0xB020];
	_ =	sdelay $0x3  }
0x1b9: {  	s26 =	sand.u32 $0x7FE8, s22  }
0x1ba: {  	[tilespmem:s26+$0x14724] =	vst v0  }
0x1bb: {  	v0 =	vld [tilespmem:s31+$0xB030];
	_ =	sdelay $0x4  }
0x1bc: {  	[tilespmem:s26+$0x14734] =	vst v0  }
0x1bd: {  	v0 =	vld [tilespmem:s31+$0xB040];
	_ =	sdelay $0x4  }
0x1be: {  	[tilespmem:s26+$0x14744] =	vst v0  }
0x1bf: {  	v0 =	vld [tilespmem:s31+$0xB050];
	_ =	sdelay $0x4  }
0x1c0: {  	[tilespmem:s26+$0x14754] =	vst v0  }
0x1c1: {  	v0 =	vld [tilespmem:s31+$0xB060];
	_ =	sdelay $0x4  }
0x1c2: {  	[tilespmem:s26+$0x14764] =	vst v0  }
0x1c3: {  	v0 =	vld [tilespmem:s31+$0xB070];
	_ =	sdelay $0x4  }
0x1c4: {  	[tilespmem:s26+$0x14774] =	vst v0  }
0x1c5: {  	v0 =	vld [tilespmem:s31+$0xB080];
	_ =	sdelay $0x4  }
0x1c6: {  	[tilespmem:s26+$0x14784] =	vst v0  }
0x1c7: {  	v0 =	vld [tilespmem:s31+$0xB090];
	_ =	sdelay $0x4  }
0x1c8: {  	[tilespmem:s26+$0x14794] =	vst v0  }
0x1c9: {  	v0 =	vld [tilespmem:s31+$0xB0A0];
	_ =	sdelay $0x4  }
0x1ca: {  	[tilespmem:s26+$0x147A4] =	vst v0  }
0x1cb: {  	v0 =	vld [tilespmem:s31+$0xB0B0];
	_ =	sdelay $0x4  }
0x1cc: {  	[tilespmem:s26+$0x147B4] =	vst v0  }
0x1cd: {  	v0 =	vld [tilespmem:s31+$0xB0C0];
	_ =	sdelay $0x4  }
0x1ce: {  	[tilespmem:s26+$0x147C4] =	vst v0  }
0x1cf: {  	v0 =	vld [tilespmem:s31+$0xB0D0];
	_ =	sdelay $0x4  }
0x1d0: {  	[tilespmem:s26+$0x147D4] =	vst v0  }
0x1d1: {  	v0 =	vld [tilespmem:s31+$0xB0E0];
	_ =	sdelay $0x4  }
0x1d2: {  	[tilespmem:s26+$0x147E4] =	vst v0  }
0x1d3: {  	v0 =	vld [tilespmem:s31+$0xB0F0];
	_ =	sdelay $0x4  }
0x1d4: {  	[tilespmem:s26+$0x147F4] =	vst v0  }
0x1d5: {  	v0 =	vld [tilespmem:s31+$0xB100];
	_ =	sdelay $0x4  }
0x1d6: {  	[tilespmem:s26+$0x14804] =	vst v0  }
0x1d7: {  	v0 =	vld [tilespmem:s31+$0xB110];
	_ =	sdelay $0x4  }
0x1d8: {  	[tilespmem:s26+$0x14814] =	vst v0  }
0x1d9: {  	v0 =	vld [tilespmem:s31+$0xB11C];
	_ =	sdelay $0x1  }
0x1da: {  	s28 =	sor.u32 $0x2, s21  }
0x1db: {  	s29 =	smul.u32 $0x4C0, s28;
	_ =	sdelay $0x1  }
0x1dc: {  	s30 =	sshra.s32 s29, $0x2;
	[tilespmem:s22+$0x1481C] =	vst v0  }
0x1dd: {  	v0 =	vld [tilespmem:s30+$0xB000];
	_ =	sdelay $0x1  }
0x1de: {  	s23 =	smul.u32 $0x4B0, s28;
	_ =	sdelay $0x1  }
0x1df: {  	s23 =	sshra.s32 s23, $0x2  }
0x1e0: {  	[tilespmem:s23+$0x14700] =	vst v0  }
0x1e1: {  	v0 =	vld [tilespmem:s30+$0xB010];
	_ =	sdelay $0x4  }
0x1e2: {  	[tilespmem:s23+$0x14710] =	vst v0  }
0x1e3: {  	v0 =	vld [tilespmem:s30+$0xB020];
	_ =	sdelay $0x4  }
0x1e4: {  	[tilespmem:s23+$0x14720] =	vst v0  }
0x1e5: {  	v0 =	vld [tilespmem:s30+$0xB030];
	_ =	sdelay $0x4  }
0x1e6: {  	[tilespmem:s23+$0x14730] =	vst v0  }
0x1e7: {  	v0 =	vld [tilespmem:s30+$0xB040];
	_ =	sdelay $0x4  }
0x1e8: {  	[tilespmem:s23+$0x14740] =	vst v0  }
0x1e9: {  	v0 =	vld [tilespmem:s30+$0xB050];
	_ =	sdelay $0x4  }
0x1ea: {  	[tilespmem:s23+$0x14750] =	vst v0  }
0x1eb: {  	v0 =	vld [tilespmem:s30+$0xB060];
	_ =	sdelay $0x4  }
0x1ec: {  	[tilespmem:s23+$0x14760] =	vst v0  }
0x1ed: {  	v0 =	vld [tilespmem:s30+$0xB070];
	_ =	sdelay $0x4  }
0x1ee: {  	[tilespmem:s23+$0x14770] =	vst v0  }
0x1ef: {  	v0 =	vld [tilespmem:s30+$0xB080];
	_ =	sdelay $0x4  }
0x1f0: {  	[tilespmem:s23+$0x14780] =	vst v0  }
0x1f1: {  	v0 =	vld [tilespmem:s30+$0xB090];
	_ =	sdelay $0x4  }
0x1f2: {  	[tilespmem:s23+$0x14790] =	vst v0  }
0x1f3: {  	v0 =	vld [tilespmem:s30+$0xB0A0];
	_ =	sdelay $0x4  }
0x1f4: {  	[tilespmem:s23+$0x147A0] =	vst v0  }
0x1f5: {  	v0 =	vld [tilespmem:s30+$0xB0B0];
	_ =	sdelay $0x4  }
0x1f6: {  	[tilespmem:s23+$0x147B0] =	vst v0  }
0x1f7: {  	v0 =	vld [tilespmem:s30+$0xB0C0];
	_ =	sdelay $0x4  }
0x1f8: {  	[tilespmem:s23+$0x147C0] =	vst v0  }
0x1f9: {  	v0 =	vld [tilespmem:s30+$0xB0D0];
	_ =	sdelay $0x4  }
0x1fa: {  	[tilespmem:s23+$0x147D0] =	vst v0  }
0x1fb: {  	v0 =	vld [tilespmem:s30+$0xB0E0];
	_ =	sdelay $0x4  }
0x1fc: {  	[tilespmem:s23+$0x147E0] =	vst v0  }
0x1fd: {  	v0 =	vld [tilespmem:s30+$0xB0F0];
	_ =	sdelay $0x4  }
0x1fe: {  	[tilespmem:s23+$0x147F0] =	vst v0  }
0x1ff: {  	v0 =	vld [tilespmem:s30+$0xB100];
	_ =	sdelay $0x4  }
0x200: {  	[tilespmem:s23+$0x14800] =	vst v0  }
0x201: {  	v0 =	vld [tilespmem:s30+$0xB110];
	_ =	sdelay $0x4  }
0x202: {  	[tilespmem:s23+$0x14810] =	vst v0  }
0x203: {  	v0 =	vld [tilespmem:s30+$0xB11C];
	_ =	sdelay $0x1  }
0x204: {  	s31 =	sor.u32 $0x3, s21  }
0x205: {  	s25 =	smul.u32 $0x4C0, s31;
	_ =	sdelay $0x1  }
0x206: {  	s26 =	sshra.s32 s25, $0x2;
	[tilespmem:s23+$0x1481C] =	vst v0  }
0x207: {  	v0 =	vld [tilespmem:s26+$0xB000];
	_ =	sdelay $0x2  }
0x208: {  	s22 =	smul.u32 $0x12C, s31;
	_ =	sdelay $0x1  }
0x209: {  	[tilespmem:s22+$0x14700] =	vst v0  }
0x20a: {  	v0 =	vld [tilespmem:s26+$0xB010];
	_ =	sdelay $0x3  }
0x20b: {  	s28 =	sor.u32 $0x14, s22  }
0x20c: {  	[tilespmem:s28+$0x14700] =	vst v0  }
0x20d: {  	v0 =	vld [tilespmem:s26+$0xB020];
	_ =	sdelay $0x3  }
0x20e: {  	s29 =	sand.u32 $0x7FE0, s22  }
0x20f: {  	[tilespmem:s29+$0x14724] =	vst v0  }
0x210: {  	v0 =	vld [tilespmem:s26+$0xB030];
	_ =	sdelay $0x4  }
0x211: {  	[tilespmem:s29+$0x14734] =	vst v0  }
0x212: {  	v0 =	vld [tilespmem:s26+$0xB040];
	_ =	sdelay $0x4  }
0x213: {  	[tilespmem:s29+$0x14744] =	vst v0  }
0x214: {  	v0 =	vld [tilespmem:s26+$0xB050];
	_ =	sdelay $0x4  }
0x215: {  	[tilespmem:s29+$0x14754] =	vst v0  }
0x216: {  	v0 =	vld [tilespmem:s26+$0xB060];
	_ =	sdelay $0x4  }
0x217: {  	[tilespmem:s29+$0x14764] =	vst v0  }
0x218: {  	v0 =	vld [tilespmem:s26+$0xB070];
	_ =	sdelay $0x4  }
0x219: {  	[tilespmem:s29+$0x14774] =	vst v0  }
0x21a: {  	v0 =	vld [tilespmem:s26+$0xB080];
	_ =	sdelay $0x4  }
0x21b: {  	[tilespmem:s29+$0x14784] =	vst v0  }
0x21c: {  	v0 =	vld [tilespmem:s26+$0xB090];
	_ =	sdelay $0x4  }
0x21d: {  	[tilespmem:s29+$0x14794] =	vst v0  }
0x21e: {  	v0 =	vld [tilespmem:s26+$0xB0A0];
	_ =	sdelay $0x4  }
0x21f: {  	[tilespmem:s29+$0x147A4] =	vst v0  }
0x220: {  	v0 =	vld [tilespmem:s26+$0xB0B0];
	_ =	sdelay $0x4  }
0x221: {  	[tilespmem:s29+$0x147B4] =	vst v0  }
0x222: {  	v0 =	vld [tilespmem:s26+$0xB0C0];
	_ =	sdelay $0x4  }
0x223: {  	[tilespmem:s29+$0x147C4] =	vst v0  }
0x224: {  	v0 =	vld [tilespmem:s26+$0xB0D0];
	_ =	sdelay $0x4  }
0x225: {  	[tilespmem:s29+$0x147D4] =	vst v0  }
0x226: {  	v0 =	vld [tilespmem:s26+$0xB0E0];
	_ =	sdelay $0x4  }
0x227: {  	[tilespmem:s29+$0x147E4] =	vst v0  }
0x228: {  	v0 =	vld [tilespmem:s26+$0xB0F0];
	_ =	sdelay $0x4  }
0x229: {  	[tilespmem:s29+$0x147F4] =	vst v0  }
0x22a: {  	v0 =	vld [tilespmem:s26+$0xB100];
	_ =	sdelay $0x4  }
0x22b: {  	[tilespmem:s29+$0x14804] =	vst v0  }
0x22c: {  	v0 =	vld [tilespmem:s26+$0xB110];
	_ =	sdelay $0x4  }
0x22d: {  	[tilespmem:s29+$0x14814] =	vst v0  }
0x22e: {  	v0 =	vld [tilespmem:s26+$0xB11C];
	_ =	sdelay $0x1  }
0x22f: {  	s30 =	sor.u32 $0x4, s21  }
0x230: {  	s31 =	smul.u32 $0x4C0, s30;
	_ =	sdelay $0x1  }
0x231: {  	s24 =	sshra.s32 s31, $0x2;
	[tilespmem:s22+$0x1481C] =	vst v0  }
0x232: {  	v0 =	vld [tilespmem:s24+$0xB000];
	_ =	sdelay $0x1  }
0x233: {  	s23 =	smul.u32 $0x4B0, s30;
	_ =	sdelay $0x1  }
0x234: {  	s23 =	sshra.s32 s23, $0x2  }
0x235: {  	[tilespmem:s23+$0x14700] =	vst v0  }
0x236: {  	v0 =	vld [tilespmem:s24+$0xB010];
	_ =	sdelay $0x4  }
0x237: {  	[tilespmem:s23+$0x14710] =	vst v0  }
0x238: {  	v0 =	vld [tilespmem:s24+$0xB020];
	_ =	sdelay $0x4  }
0x239: {  	[tilespmem:s23+$0x14720] =	vst v0  }
0x23a: {  	v0 =	vld [tilespmem:s24+$0xB030];
	_ =	sdelay $0x4  }
0x23b: {  	[tilespmem:s23+$0x14730] =	vst v0  }
0x23c: {  	v0 =	vld [tilespmem:s24+$0xB040];
	_ =	sdelay $0x4  }
0x23d: {  	[tilespmem:s23+$0x14740] =	vst v0  }
0x23e: {  	v0 =	vld [tilespmem:s24+$0xB050];
	_ =	sdelay $0x4  }
0x23f: {  	[tilespmem:s23+$0x14750] =	vst v0  }
0x240: {  	v0 =	vld [tilespmem:s24+$0xB060];
	_ =	sdelay $0x4  }
0x241: {  	[tilespmem:s23+$0x14760] =	vst v0  }
0x242: {  	v0 =	vld [tilespmem:s24+$0xB070];
	_ =	sdelay $0x4  }
0x243: {  	[tilespmem:s23+$0x14770] =	vst v0  }
0x244: {  	v0 =	vld [tilespmem:s24+$0xB080];
	_ =	sdelay $0x4  }
0x245: {  	[tilespmem:s23+$0x14780] =	vst v0  }
0x246: {  	v0 =	vld [tilespmem:s24+$0xB090];
	_ =	sdelay $0x4  }
0x247: {  	[tilespmem:s23+$0x14790] =	vst v0  }
0x248: {  	v0 =	vld [tilespmem:s24+$0xB0A0];
	_ =	sdelay $0x4  }
0x249: {  	[tilespmem:s23+$0x147A0] =	vst v0  }
0x24a: {  	v0 =	vld [tilespmem:s24+$0xB0B0];
	_ =	sdelay $0x4  }
0x24b: {  	[tilespmem:s23+$0x147B0] =	vst v0  }
0x24c: {  	v0 =	vld [tilespmem:s24+$0xB0C0];
	_ =	sdelay $0x4  }
0x24d: {  	[tilespmem:s23+$0x147C0] =	vst v0  }
0x24e: {  	v0 =	vld [tilespmem:s24+$0xB0D0];
	_ =	sdelay $0x4  }
0x24f: {  	[tilespmem:s23+$0x147D0] =	vst v0  }
0x250: {  	v0 =	vld [tilespmem:s24+$0xB0E0];
	_ =	sdelay $0x4  }
0x251: {  	[tilespmem:s23+$0x147E0] =	vst v0  }
0x252: {  	v0 =	vld [tilespmem:s24+$0xB0F0];
	_ =	sdelay $0x4  }
0x253: {  	[tilespmem:s23+$0x147F0] =	vst v0  }
0x254: {  	v0 =	vld [tilespmem:s24+$0xB100];
	_ =	sdelay $0x4  }
0x255: {  	[tilespmem:s23+$0x14800] =	vst v0  }
0x256: {  	v0 =	vld [tilespmem:s24+$0xB110];
	_ =	sdelay $0x4  }
0x257: {  	[tilespmem:s23+$0x14810] =	vst v0  }
0x258: {  	v0 =	vld [tilespmem:s24+$0xB11C];
	_ =	sdelay $0x1  }
0x259: {  	s25 =	sor.u32 $0x5, s21  }
0x25a: {  	s26 =	smul.u32 $0x4C0, s25;
	_ =	sdelay $0x1  }
0x25b: {  	s28 =	sshra.s32 s26, $0x2;
	[tilespmem:s23+$0x1481C] =	vst v0  }
0x25c: {  	v0 =	vld [tilespmem:s28+$0xB000];
	_ =	sdelay $0x2  }
0x25d: {  	s22 =	smul.u32 $0x12C, s25;
	_ =	sdelay $0x1  }
0x25e: {  	[tilespmem:s22+$0x14700] =	vst v0  }
0x25f: {  	v0 =	vld [tilespmem:s28+$0xB010];
	_ =	sdelay $0x4  }
0x260: {  	[tilespmem:s22+$0x14710] =	vst v0  }
0x261: {  	v0 =	vld [tilespmem:s28+$0xB020];
	_ =	sdelay $0x3  }
0x262: {  	s29 =	sand.u32 $0x7FF8, s22  }
0x263: {  	[tilespmem:s29+$0x14724] =	vst v0  }
0x264: {  	v0 =	vld [tilespmem:s28+$0xB030];
	_ =	sdelay $0x4  }
0x265: {  	[tilespmem:s22+$0x14730] =	vst v0  }
0x266: {  	v0 =	vld [tilespmem:s28+$0xB040];
	_ =	sdelay $0x4  }
0x267: {  	[tilespmem:s29+$0x14744] =	vst v0  }
0x268: {  	v0 =	vld [tilespmem:s28+$0xB050];
	_ =	sdelay $0x4  }
0x269: {  	[tilespmem:s22+$0x14750] =	vst v0  }
0x26a: {  	v0 =	vld [tilespmem:s28+$0xB060];
	_ =	sdelay $0x4  }
0x26b: {  	[tilespmem:s29+$0x14764] =	vst v0  }
0x26c: {  	v0 =	vld [tilespmem:s28+$0xB070];
	_ =	sdelay $0x4  }
0x26d: {  	[tilespmem:s22+$0x14770] =	vst v0  }
0x26e: {  	v0 =	vld [tilespmem:s28+$0xB080];
	_ =	sdelay $0x4  }
0x26f: {  	[tilespmem:s29+$0x14784] =	vst v0  }
0x270: {  	v0 =	vld [tilespmem:s28+$0xB090];
	_ =	sdelay $0x4  }
0x271: {  	[tilespmem:s22+$0x14790] =	vst v0  }
0x272: {  	v0 =	vld [tilespmem:s28+$0xB0A0];
	_ =	sdelay $0x4  }
0x273: {  	[tilespmem:s29+$0x147A4] =	vst v0  }
0x274: {  	v0 =	vld [tilespmem:s28+$0xB0B0];
	_ =	sdelay $0x4  }
0x275: {  	[tilespmem:s22+$0x147B0] =	vst v0  }
0x276: {  	v0 =	vld [tilespmem:s28+$0xB0C0];
	_ =	sdelay $0x4  }
0x277: {  	[tilespmem:s29+$0x147C4] =	vst v0  }
0x278: {  	v0 =	vld [tilespmem:s28+$0xB0D0];
	_ =	sdelay $0x4  }
0x279: {  	[tilespmem:s22+$0x147D0] =	vst v0  }
0x27a: {  	v0 =	vld [tilespmem:s28+$0xB0E0];
	_ =	sdelay $0x4  }
0x27b: {  	[tilespmem:s29+$0x147E4] =	vst v0  }
0x27c: {  	v0 =	vld [tilespmem:s28+$0xB0F0];
	_ =	sdelay $0x4  }
0x27d: {  	[tilespmem:s22+$0x147F0] =	vst v0  }
0x27e: {  	v0 =	vld [tilespmem:s28+$0xB100];
	_ =	sdelay $0x4  }
0x27f: {  	[tilespmem:s29+$0x14804] =	vst v0  }
0x280: {  	v0 =	vld [tilespmem:s28+$0xB110];
	_ =	sdelay $0x4  }
0x281: {  	[tilespmem:s22+$0x14810] =	vst v0  }
0x282: {  	v0 =	vld [tilespmem:s28+$0xB11C];
	_ =	sdelay $0x1  }
0x283: {  	s30 =	sor.u32 $0x6, s21  }
0x284: {  	s31 =	smul.u32 $0x4C0, s30;
	_ =	sdelay $0x1  }
0x285: {  	s25 =	sshra.s32 s31, $0x2;
	[tilespmem:s22+$0x1481C] =	vst v0  }
0x286: {  	v0 =	vld [tilespmem:s25+$0xB000];
	_ =	sdelay $0x1  }
0x287: {  	s23 =	smul.u32 $0x4B0, s30;
	_ =	sdelay $0x1  }
0x288: {  	s23 =	sshra.s32 s23, $0x2  }
0x289: {  	[tilespmem:s23+$0x14700] =	vst v0  }
0x28a: {  	v0 =	vld [tilespmem:s25+$0xB010];
	_ =	sdelay $0x4  }
0x28b: {  	[tilespmem:s23+$0x14710] =	vst v0  }
0x28c: {  	v0 =	vld [tilespmem:s25+$0xB020];
	_ =	sdelay $0x4  }
0x28d: {  	[tilespmem:s23+$0x14720] =	vst v0  }
0x28e: {  	v0 =	vld [tilespmem:s25+$0xB030];
	_ =	sdelay $0x4  }
0x28f: {  	[tilespmem:s23+$0x14730] =	vst v0  }
0x290: {  	v0 =	vld [tilespmem:s25+$0xB040];
	_ =	sdelay $0x4  }
0x291: {  	[tilespmem:s23+$0x14740] =	vst v0  }
0x292: {  	v0 =	vld [tilespmem:s25+$0xB050];
	_ =	sdelay $0x4  }
0x293: {  	[tilespmem:s23+$0x14750] =	vst v0  }
0x294: {  	v0 =	vld [tilespmem:s25+$0xB060];
	_ =	sdelay $0x4  }
0x295: {  	[tilespmem:s23+$0x14760] =	vst v0  }
0x296: {  	v0 =	vld [tilespmem:s25+$0xB070];
	_ =	sdelay $0x4  }
0x297: {  	[tilespmem:s23+$0x14770] =	vst v0  }
0x298: {  	v0 =	vld [tilespmem:s25+$0xB080];
	_ =	sdelay $0x4  }
0x299: {  	[tilespmem:s23+$0x14780] =	vst v0  }
0x29a: {  	v0 =	vld [tilespmem:s25+$0xB090];
	_ =	sdelay $0x4  }
0x29b: {  	[tilespmem:s23+$0x14790] =	vst v0  }
0x29c: {  	v0 =	vld [tilespmem:s25+$0xB0A0];
	_ =	sdelay $0x4  }
0x29d: {  	[tilespmem:s23+$0x147A0] =	vst v0  }
0x29e: {  	v0 =	vld [tilespmem:s25+$0xB0B0];
	_ =	sdelay $0x4  }
0x29f: {  	[tilespmem:s23+$0x147B0] =	vst v0  }
0x2a0: {  	v0 =	vld [tilespmem:s25+$0xB0C0];
	_ =	sdelay $0x4  }
0x2a1: {  	[tilespmem:s23+$0x147C0] =	vst v0  }
0x2a2: {  	v0 =	vld [tilespmem:s25+$0xB0D0];
	_ =	sdelay $0x4  }
0x2a3: {  	[tilespmem:s23+$0x147D0] =	vst v0  }
0x2a4: {  	v0 =	vld [tilespmem:s25+$0xB0E0];
	_ =	sdelay $0x4  }
0x2a5: {  	[tilespmem:s23+$0x147E0] =	vst v0  }
0x2a6: {  	v0 =	vld [tilespmem:s25+$0xB0F0];
	_ =	sdelay $0x4  }
0x2a7: {  	[tilespmem:s23+$0x147F0] =	vst v0  }
0x2a8: {  	v0 =	vld [tilespmem:s25+$0xB100];
	_ =	sdelay $0x4  }
0x2a9: {  	[tilespmem:s23+$0x14800] =	vst v0  }
0x2aa: {  	v0 =	vld [tilespmem:s25+$0xB110];
	_ =	sdelay $0x4  }
0x2ab: {  	[tilespmem:s23+$0x14810] =	vst v0  }
0x2ac: {  	v0 =	vld [tilespmem:s25+$0xB11C];
	_ =	sdelay $0x1  }
0x2ad: {  	s26 =	sor.u32 $0x7, s21  }
0x2ae: {  	s28 =	smul.u32 $0x4C0, s26;
	_ =	sdelay $0x1  }
0x2af: {  	s29 =	sshra.s32 s28, $0x2;
	[tilespmem:s23+$0x1481C] =	vst v0  }
0x2b0: {  	v0 =	vld [tilespmem:s29+$0xB000];
	_ =	sdelay $0x2  }
0x2b1: {  	s22 =	smul.u32 $0x12C, s26;
	_ =	sdelay $0x1  }
0x2b2: {  	[tilespmem:s22+$0x14700] =	vst v0  }
0x2b3: {  	v0 =	vld [tilespmem:s29+$0xB010];
	_ =	sdelay $0x4  }
0x2b4: {  	[tilespmem:s22+$0x14710] =	vst v0  }
0x2b5: {  	v0 =	vld [tilespmem:s29+$0xB020];
	_ =	sdelay $0x3  }
0x2b6: {  	s30 =	sand.u32 $0x7FF0, s22  }
0x2b7: {  	[tilespmem:s30+$0x14724] =	vst v0  }
0x2b8: {  	v0 =	vld [tilespmem:s29+$0xB030];
	_ =	sdelay $0x4  }
0x2b9: {  	[tilespmem:s22+$0x14730] =	vst v0  }
0x2ba: {  	v0 =	vld [tilespmem:s29+$0xB040];
	_ =	sdelay $0x4  }
0x2bb: {  	[tilespmem:s30+$0x14744] =	vst v0  }
0x2bc: {  	v0 =	vld [tilespmem:s29+$0xB050];
	_ =	sdelay $0x4  }
0x2bd: {  	[tilespmem:s22+$0x14750] =	vst v0  }
0x2be: {  	v0 =	vld [tilespmem:s29+$0xB060];
	_ =	sdelay $0x4  }
0x2bf: {  	[tilespmem:s30+$0x14764] =	vst v0  }
0x2c0: {  	v0 =	vld [tilespmem:s29+$0xB070];
	_ =	sdelay $0x4  }
0x2c1: {  	[tilespmem:s22+$0x14770] =	vst v0  }
0x2c2: {  	v0 =	vld [tilespmem:s29+$0xB080];
	_ =	sdelay $0x4  }
0x2c3: {  	[tilespmem:s30+$0x14784] =	vst v0  }
0x2c4: {  	v0 =	vld [tilespmem:s29+$0xB090];
	_ =	sdelay $0x4  }
0x2c5: {  	[tilespmem:s22+$0x14790] =	vst v0  }
0x2c6: {  	v0 =	vld [tilespmem:s29+$0xB0A0];
	_ =	sdelay $0x4  }
0x2c7: {  	[tilespmem:s30+$0x147A4] =	vst v0  }
0x2c8: {  	v0 =	vld [tilespmem:s29+$0xB0B0];
	_ =	sdelay $0x4  }
0x2c9: {  	[tilespmem:s22+$0x147B0] =	vst v0  }
0x2ca: {  	v0 =	vld [tilespmem:s29+$0xB0C0];
	_ =	sdelay $0x4  }
0x2cb: {  	[tilespmem:s30+$0x147C4] =	vst v0  }
0x2cc: {  	v0 =	vld [tilespmem:s29+$0xB0D0];
	_ =	sdelay $0x4  }
0x2cd: {  	[tilespmem:s22+$0x147D0] =	vst v0  }
0x2ce: {  	v0 =	vld [tilespmem:s29+$0xB0E0];
	_ =	sdelay $0x4  }
0x2cf: {  	[tilespmem:s30+$0x147E4] =	vst v0  }
0x2d0: {  	v0 =	vld [tilespmem:s29+$0xB0F0];
	_ =	sdelay $0x4  }
0x2d1: {  	[tilespmem:s22+$0x147F0] =	vst v0  }
0x2d2: {  	v0 =	vld [tilespmem:s29+$0xB100];
	_ =	sdelay $0x4  }
0x2d3: {  	[tilespmem:s30+$0x14804] =	vst v0  }
0x2d4: {  	v0 =	vld [tilespmem:s29+$0xB110];
	_ =	sdelay $0x4  }
0x2d5: {  	[tilespmem:s22+$0x14810] =	vst v0  }
0x2d6: {  	p0 =	slt.u32 s21, $0x38;
	v0 =	vld [tilespmem:s29+$0xB11C]  }
.Ltmp4:
0x2d7: {  	_ = 	snop;
	(pc) =	sbr.rel @p0 .LBB2_9-.Ltmp4, $3  }
0x2d8: {  	_ =	sdelay $0x1  }
0x2d9: {  	s31 =	sadd.s32 $0x8, s21  }
0x2da: {  	s21 =	smov.u32 s31;
	[tilespmem:s22+$0x1481C] =	vst v0  }
0x2db: {  	s19 =	sadd.s32 $0x1, s19  }
0x2dc: {  	s20 =	smul.u32 $0x4B00, s20;
	p0 =	sne.s32 s19, $0xC8  }
.Ltmp5:
0x2dd: {  	_ = 	snop;
	(pc) =	sbr.rel @p0 .LBB2_2-.Ltmp5, $4  }
0x2de: {  	s20 =	sadd.s32 s5, s20  }
0x2df: {  	s20 =	sshrl.u32 s20, $0x3  }
0x2e0: {  	s20 =	sadd.s32 s2, s20  }
0x2e1: {  	[hbm4b:s20+s3] =	stream.linear.scatter [tilespmem:s16], [sflag:$0x4], $0x4B00, $0x38;
	[tilespmem:$0x19200] =	vst v63  }
0x2e2: {  	s18 =	sadd.s32 $0x1, s18  }
0x2e3: {  	_ =	swait.ge [sflag:s17], $0x4B00;
	p0 =	sne.s32 s18, s7  }
.Ltmp6:
0x2e4: {  	[sflag:s17] =	ssyncset.done $0x0;
	(pc) =	sbr.rel @p0 .LBB2_1-.Ltmp6, $4  }
0x2e5: {  	[sflag:s17] =	ssyncadd.s32 $0xFFFFB500  }
0x2e6: {  	_ =	swait.ge [sflag:s15], $0x4B00  }
0x2e7: {  	[sflag:s15] =	ssyncset.done $0x0  }
0x2e8: {  	[sflag:s15] =	ssyncadd.s32 $0xFFFFB500  }
0x2e9: {  	_ =	sfence.sel $0x180000  }
0x2ea: {  	[bflag:$0x0] =	sbarrier.arrive $0xFFFF  }
0x2eb: {  	p0 =	sne.s32 s0, $0x0;
	_ =	strace $0x90000047  }
0x2ec: {  	s0 =	sadd.s32 @!p0 $0x100000, s1;
	[bflag:$0x2] =	sbarrier.arrive $0xFFFF  }
0x2ed: {  	[sflag:s0] =	ssyncadd.tile.s32 @!p0 $0x1;
	_ =	shalt  }
.Lfunc_end2:
_tile_overlayer_lowered:
.L_overlay_start_2:
0x2ee: {  	(tag) =	ssettag $0x2  }
0x2ef: {  	s0 =	rddreg [dreg:$0x0];
	s2 =	stileid.u32  }
0x2f0: {  	s1 =	rddreg [dreg:$0x1];
	p0 =	sne.s32 s2, $0x0  }
0x2f1: {  	s3 =	rddreg [dreg:$0x2];
	[bflag:$0x3] =	sbarrier.arrive $0xFFFF;
	s2 =	simm.s32 @!p0 $0x1C05  }
0x2f2: {  	[timem:s3], [sflag:s2] =	dma.local @!p0 [hbm:s0], s1  }
0x2f3: {  	s0 =	simm.s32 @!p0 $0x5  }
0x2f4: {  	_ =	swait.ge @!p0 [sflag:s0], s1  }
0x2f5: {  	s1 =	ssub.s32 @!p0 $0x0, s1;
	[sflag:s0] =	ssyncset.done @!p0 $0x0  }
0x2f6: {  	[sflag:s0] =	ssyncadd.s32 @!p0 s1  }
0x2f7: {  	[bflag:$0x3] =	sbarrier.arrive $0xFFFF  }
0x2f8: {  	_ =	shalt  }

// kernel: sparse-core-data-format-call.cloned.1.call-start
scs
called_computation_lowered:
.L_overlay_start_0:
0x0: {  	s2 =	sld [smem:$0x3FD9]  }
0x1: {  	s3 =	sld [smem:$0x3FFE];
	_ =	sdelay $0x1  }
0x2: {  	s1 =	srdreg.scid  }
0x3: {  	s0 =	sand.u32 $0x1, s1  }
0x4: {  	s18 =	sshll.u32 s0, $0xA;
	s2 =	sadd.s32 s3, s2  }
0x5: {  	s2 =	sadd.s32 s2, s18  }
0x6: {  	[smem:$0x3FC6] =	sst s2  }
0x7: {  	_ = 	snop  }
0x8: {  	s2 =	sld [smem:$0x3FD0];
	(tm) =	ssettm $0x1  }
0x9: {  	s19 =	sld [smem:$0x3FFB];
	_ =	sdelay $0x3  }
0xa: {  	_ =	strace s19  }
0xb: {  	s3 =	sld [smem:$0x3FFC];
	_ =	sdelay $0x3  }
0xc: {  	_ =	strace s3  }
0xd: {  	s3 =	sld [smem:$0x3FFD];
	_ =	sdelay $0x3  }
0xe: {  	_ =	strace s3  }
0xf: {  	_ =	strace $0x8FFFFFFF  }
0x10: {  	s20 =	sld [smem:$0x3FDB];
	_ =	sdelay $0x1  }
0x11: {  	s4 =	simm.s32 $_scs_section_size  }
0x12: {  	s5 =	simm.s32 $_size__tile_overlayer_lowered;
	s6 =	simm.s32 $_tile_overlayer_lowered  }
0x13: {  	s23 =	simm.s32 $0x1BFF;
	s22 =	sshll.u32 s6, $0x1;
	s3 =	sadd.s32 s4, s20  }
0x14: {  	s7 =	simm.s32 $0x0;
	s21 =	sshll.u32 s5, $0x1;
	s5 =	sadd.s32 s22, s3  }
0x15: {  	[timem:s7], [sflag:s23] =	dma.local [hbm:s5], s21  }
0x16: {  	_ =	swait.ge [sflag:s23], s21  }
0x17: {  	s4 =	ssub.s32 $0x0, s21;
	[sflag:s23] =	ssyncset.done $0x0  }
0x18: {  	[sflag:s23] =	ssyncadd.s32 s4;
	_ =	sdelay $0x1  }
0x19: {  	s24 =	simm.s32 $0x1B8B  }
0x1a: {  	_ =	swait.ge [sflag:s24], $0x1  }
0x1b: {  	[sflag:s24] =	ssyncset.done $0x0  }
0x1c: {  	s26 =	simm.s32 $0x1B8E;
	s25 =	sld [smem:$0x3FFE];
	[sflag:s24] =	ssyncadd.s32 $0xFFFFFFFF  }
0x1d: {  	s27 =	simm.s32 $execute0_lowered;
	[smem:$0x3FD2] =	sst s26  }
0x1e: {  	s5 =	sshll.u32 s27, $0x1;
	_ =	strace $0x80000049;
	[dreg:$0x1] =	wrdreg $0xFFFFFFFF  }
0x1f: {  	s28 =	simm.s32 $_size_execute0_lowered;
	s3 =	sadd.s32 s3, s5;
	[dreg:$0x0] =	wrdreg $0x0  }
0x20: {  	s5 =	sshll.u32 s28, $0x1;
	[dreg:$0x2] =	wrdreg s3  }
0x21: {  	[dreg:$0x3] =	wrdreg s5  }
0x22: {  	[dreg:$0x4] =	wrdreg $0xC0  }
0x23: {  	_ =	task [dreg:s7], $0x5FFFF  }
0x24: {  	[dreg:$0x1] =	wrdreg $0xFFFFFFFF  }
0x25: {  	[dreg:$0x0] =	wrdreg $0x60  }
0x26: {  	[dreg:$0x2] =	wrdreg s25  }
0x27: {  	[dreg:$0x3] =	wrdreg s2  }
0x28: {  	[dreg:$0x4] =	wrdreg $0x9  }
0x29: {  	_ =	task.clear_ibuf [dreg:s7], $0x5FFFF;
	_ =	strace $0x90000049  }
0x2a: {  	s29 =	simm.s32 $0x9;
	_ =	strace $0x8000004B  }
0x2b: {  	_ =	swait.ge [sflag:s29], $0x1  }
0x2c: {  	[sflag:s29] =	ssyncadd.s32 $0xFFFFFFFF  }
0x2d: {  	_ =	strace $0x9000004B  }
0x2e: {  	_ =	sfence  }
0x2f: {  	s30 =	sld [smem:$0x0];
	_ =	sdelay $0x2  }
0x30: {  	s31 =	sshll.u32 s1, $0xD;
	s1 =	sshrl.u32 s1, $0x2  }
0x31: {  	s3 =	sand.u32 $0x4000, s31;
	s1 =	sadd.s32 s1, s30  }
0x32: {  	s0 =	sor.u32 s3, s0;
	s1 =	sshll.u32 s1, $0x11  }
0x33: {  	s0 =	sor.u32 s1, s0  }
0x34: {  	s0 =	sadd.s32 $0x8F2B, s0  }
0x35: {  	[sflag:s0] =	ssyncadd.remote.s32 $0x1  }
0x36: {  	_ =	sfence.sel $0xFFFF  }
0x37: {  	[dreg:$0x0] =	wrdreg $0xFFFFFFFF;
	(pc) =	sbr.abs _section_cstart, $3  }
0x38: {  	[dreg:$0x1] =	wrdreg $0xFFFFFFFF  }
0x39: {  	_ =	task.clear_ibuf [dreg:s7], $0x2FFFF;
	_ =	strace $0x9FFFFFFF  }
0x3a: {  	(tm) =	ssettm $0x7FFFFFFF  }
0x3b: {  	_ =	shalt  }
tec
execute0_lowered:
.L_overlay_start_1:
0x0: {  	(tag) =	ssettag $0x1  }
0x1: {  	s0 =	srdreg.scid;
	s6 =	rddreg [dreg:$0x0]  }
0x2: {  	s3 =	rddreg [dreg:$0x1];
	s1 =	sshll.u32 s0, $0x4  }
0x3: {  	s5 =	simm.s32 $0x1;
	s0 =	stileid.u32;
	s1 =	sand.u32 $0x10, s1  }
0x4: {  	s31 =	simm.s32 $0x2;
	s18 =	simm.s32 $0x0;
	s1 =	sor.u32 s0, s1  }
0x5: {  	s8 =	simm.s32 $0xC8000;
	s17 =	simm.s32 $0x0;
	s2 =	sshll.u32 s1, $0x7  }
0x6: {  	s16 =	simm.s32 $0x0;
	s9 =	simm.s32 $0x0;
	s4 =	ssub.s32 $0x1000, s2  }
0x7: {  	s10 =	simm.s32 $0x0;
	s11 =	simm.s32 $0x0;
	s30 =	sand.u32 $0xF80, s4  }
0x8: {  	s12 =	simm.s32 $0x0;
	s13 =	simm.s32 $0x0;
	p0 =	sne.s32 s30, $0x0  }
.Ltmp0:
0x9: {  	s7 =	sshrl.u32 s4, $0xC;
	s5 =	simm.s32 @!p0 $0x0;
	(pc) =	sbr.rel .LBB1_1-.Ltmp0, $4  }
0xa: {  	s15 =	simm.s32 $0x0;
	s1 =	rddreg [dreg:$0x2];
	s5 =	sadd.s32 s5, s7  }
0xb: {  	_ =	strace $0x8000004A;
	s4 =	simm.s32 $0x1;
	s5 =	smul.u32 $0x258, s5  }
0xc: {  	s6 =	sadd.s32 $0x800, s6;
	s14 =	smov.u32 s2;
	[sflag:s4] =	ssyncpa.u1 $0x0  }
0xd: {  	[sflag:s31] =	ssyncpa.u1 $0x0;
	p0 =	por $0x0, $0x0;
	s7 =	sor.u32 $0x1, s5  }
.LBB1_4:
0xe: {  	s23 =	sshra.s32 s23, $0x2;
	s24 =	sshll.u32 s10, $0xC  }
0xf: {  	p1 =	sgt.s32 s10, $0xC7;
	s26 =	smov.u32 s10;
	s27 =	sshra.s32 s10, $0x1F  }
0x10: {  	s28 =	smov.u32 s9;
	s29 =	sshra.s32 s11, $0x1F;
	s22 =	sadd.s32 s23, s22  }
0x11: {  	s30 =	sand.u32 $0xFFFF8000, s24;
	s24 =	sshll.u32 s11, $0x3;
	s26 =	simm.s32 @!p1 $0xC7  }
0x12: {  	p1 =	sgt.s32 s9, $0xAC;
	s27 =	sand.u32 s27, s10;
	s31 =	sand.u32 s29, s11  }
0x13: {  	s29 =	sshll.u32 s10, $0x7;
	s25 =	sand.u32 $0xFFFFFC00, s24;
	s28 =	simm.s32 @!p1 $0xAC  }
0x14: {  	p1 =	sgt.s32 s11, $0xF80;
	s23 =	sadd.s32 s25, s30;
	s25 =	ssub.s32 s26, s27  }
0x15: {  	[tilespmem:s21+$0x2040 ss:$0x81] =	vst.msk $0xffff, v4;
	s27 =	smov.u32 s11;
	s30 =	sshra.s32 s9, $0x1F;
	s26 =	sadd.s32 $0xFFFFFF39, s25  }
0x16: {  	v5 =	vld [tilespmem:s20+$0xFFFFFFD0];
	[tilespmem:s21+$0x2850 ss:$0x81] =	vst.msk $0xffff, v3;
	s27 =	simm.s32 @!p1 $0xF80;
	s23 =	sshrl.u32 s23, $0xC;
	s25 =	ssub.s32 $0xC8, s25  }
0x17: {  	v58 =	vld [tilespmem:s20+$0xFFFFFFE0];
	[tilespmem:s21+$0x3060 ss:$0x81] =	vst.msk $0xffff, v2;
	p1 =	sgt.s32 s26, $0x0;
	s26 =	ssub.s32 s27, s31;
	s27 =	sand.u32 s30, s9  }
0x18: {  	v59 =	vld [tilespmem:s20+$0xFFFFFFF0];
	[tilespmem:s21+$0x0 ss:$0x81] =	vst.msk $0xffff, v1;
	s21 =	smulhi.u32 $0x147AE15, s23;
	s30 =	sand.u32 $0x78, s11;
	s27 =	ssub.s32 s28, s27  }
0x19: {  	v60 =	vld [tilespmem:s20+$0x0];
	s25 =	simm.s32 @p1 $0x0;
	s31 =	sadd.s32 $0xFFFFF080, s26;
	s26 =	ssub.s32 $0x1000, s26  }
0x1a: {  	v61 =	vld [tilespmem:s20+$0x10];
	[tilespmem:s22+$0x3870 ss:$0x81] =	vst.msk $0xffff, v0;
	p1 =	sgt.s32 s31, $0x7F;
	s28 =	sadd.s32 $0xFFFFFF54, s27;
	s31 =	sand.u32 $0x380, s29  }
0x1b: {  	v62 =	vld [tilespmem:s20+$0x20];
	[tilespmem:s22+$0x810 ss:$0x81] =	vst.msk $0xffff, v5;
	s29 =	sand.u32 $0xC00, s24;
	s21 =	smul.u32 $0xC8, s21;
	s24 =	ssub.s32 $0x12C, s27  }
0x1c: {  	v63 =	vld [tilespmem:s20+$0xFFFFFFC0];
	[tilespmem:s22+$0x1020 ss:$0x81] =	vst.msk $0xffff, v58;
	s26 =	simm.s32 @p1 $0x0;
	s20 =	sor.u32 s30, s29;
	s30 =	smul.u32 $0x19000, s9  }
0x1d: {  	[tilespmem:s22+$0x1830 ss:$0x81] =	vst.msk $0xffff, v59;
	p1 =	sgt.s32 s28, $0x7F;
	s28 =	sand.u32 $0x7, s11;
	s25 =	smul.u32 s26, s25  }
0x1e: {  	[tilespmem:s22+$0x2040 ss:$0x81] =	vst.msk $0xffff, v60;
	s24 =	simm.s32 @p1 $0x0;
	s20 =	sor.u32 s31, s20;
	s21 =	ssub.s32 s23, s21  }
0x1f: {  	[tilespmem:s22+$0x2850 ss:$0x81] =	vst.msk $0xffff, v61;
	s20 =	sshrl.u32 s20, $0x3;
	s27 =	sadd.s32 s3, s30;
	s31 =	smul.u32 s24, s25  }
0x20: {  	[tilespmem:s22+$0x3060 ss:$0x81] =	vst.msk $0xffff, v62;
	s29 =	sshll.u32 s28, $0x12;
	s21 =	sshll.u32 s21, $0x9;
	s20 =	sadd.s32 s20, s27  }
0x21: {  	[tilespmem:s22+$0x0 ss:$0x81] =	vst.msk $0xffff, v63;
	s20 =	sadd.s32 s21, s20;
	s30 =	sand.u32 $0x3FFFFFFF, s31;
	s31 =	sor.u32 $0x80, s29  }
0x22: {  	[hbm4b:s20+s31] =	stream.strided.scatter [tilespmem:s19], [sflag:$0x2], s30, s8, s31, $0x20;
	[tilespmem:$0x10100] =	vst v63  }
.LBB1_5:
0x23: {  	p1 =	slt.u32 s15, $0x2  }
0x24: {  	p2 =	sgt.s32 @!p1 s18, $0xAC  }
0x25: {  	s19 =	smov.u32 s18;
	s20 =	sshra.s32 @!p1 s18, $0x1F;
	p2 =	por !p2, p1  }
0x26: {  	s18 =	sand.u32 @!p1 s20, s18;
	s19 =	simm.s32 @p2 $0xAC  }
0x27: {  	s20 =	sshra.s32 @!p1 s17, $0x1F;
	p2 =	sgt.s32 @!p1 s17, $0xC7;
	s18 =	ssub.s32 @!p1 s19, s18  }
0x28: {  	p2 =	por !p2, p1;
	s19 =	smov.u32 s17;
	s17 =	sand.u32 @!p1 s20, s17  }
0x29: {  	s20 =	sshra.s32 @!p1 s16, $0x1F;
	s19 =	simm.s32 @p2 $0xC7;
	p2 =	sgt.s32 @!p1 s16, $0xF80  }
0x2a: {  	s17 =	ssub.s32 @!p1 s19, s17;
	p2 =	por !p2, p1;
	s19 =	smov.u32 s16  }
0x2b: {  	s16 =	sand.u32 @!p1 s20, s16;
	s20 =	sadd.s32 @!p1 $0xFFFFFF39, s17;
	s19 =	simm.s32 @p2 $0xF80  }
0x2c: {  	p2 =	sgt.s32 @!p1 s20, $0x0;
	s16 =	ssub.s32 @!p1 s19, s16  }
0x2d: {  	s17 =	ssub.s32 @!p1 $0xC8, s17;
	p2 =	por !p2, p1;
	s19 =	sadd.s32 @!p1 $0xFFFFF080, s16  }
0x2e: {  	s17 =	simm.s32 @!p2 $0x0;
	p2 =	sgt.s32 @!p1 s19, $0x7F  }
0x2f: {  	s21 =	smov.u32 s14;
	s16 =	ssub.s32 @!p1 $0x1000, s16;
	p2 =	por !p2, p1  }
0x30: {  	s20 =	sadd.s32 @!p1 $0xFFFFFF54, s18;
	s19 =	sadd.s32 $0x80, s12;
	s16 =	simm.s32 @!p2 $0x0  }
0x31: {  	p2 =	sgt.s32 s19, $0x12B;
	s16 =	smul.u32 @!p1 s16, s17;
	s17 =	simm.s32 $0x1  }
0x32: {  	p0 =	por !p0, !p0;
	p3 =	sgt.s32 @!p1 s20, $0x7F;
	s17 =	simm.s32 @!p2 $0x0  }
0x33: {  	s18 =	ssub.s32 @!p1 $0x12C, s18;
	p3 =	por !p3, p1;
	s20 =	sadd.s32 s17, s13  }
0x34: {  	s18 =	simm.s32 @!p3 $0x0;
	s17 =	sadd.s32 $0x1000, s14;
	p3 =	sgt.s32 s20, $0xC7  }
0x35: {  	s22 =	simm.s32 @!p1 $0x2;
	s19 =	simm.s32 @p2 $0x0;
	s21 =	smov.u32 @p3 s17  }
0x36: {  	s16 =	smul.u32 @!p1 s18, s16;
	s18 =	smov.u32 s9;
	p2 =	sgt.s32 s21, $0xFFF  }
0x37: {  	s9 =	smov.u32 s12;
	s21 =	smov.u32 @p2 s2;
	p2 =	sne.s32 s15, s7  }
.Ltmp1:
0x38: {  	s12 =	smov.u32 s19;
	s16 =	sand.u32 @!p1 $0x3FFFFFFF, s16;
	(pc) =	sbr.rel @!p2 .LBB1_6-.Ltmp1, $4  }
0x39: {  	s20 =	simm.s32 @p3 $0x0;
	s17 =	smov.u32 s10;
	s10 =	smov.u32 s13  }
0x3a: {  	_ =	swait.ge @!p1 [sflag:s22], s16;
	s23 =	ssub.s32 @!p1 $0x0, s16;
	s16 =	smov.u32 s11  }
0x3b: {  	s11 =	smov.u32 s14;
	s13 =	smov.u32 s20;
	[sflag:s22] =	ssyncset.done @!p1 $0x0  }
0x3c: {  	s15 =	sadd.s32 $0x1, s15;
	[sflag:s22] =	ssyncadd.s32 @!p1 s23;
	s14 =	smov.u32 s21  }
.LBB1_1:
0x3d: {  	p1 =	sge.u32 s15, s5  }
0x3e: {  	s19 =	sshrl.u32 @!p1 s13, $0x3  }
0x3f: {  	s20 =	sshll.u32 @!p1 s12, $0x3;
	s19 =	smul.u32 @!p1 $0xC00, s19  }
0x40: {  	s21 =	sshll.u32 @!p1 s13, $0x7;
	s20 =	sand.u32 @!p1 $0xFFFFFC00, s20  }
0x41: {  	s19 =	sadd.s32 @!p1 s19, s20;
	s20 =	sand.u32 @!p1 $0x380, s21  }
0x42: {  	s19 =	sor.u32 @!p1 s20, s19  }
0x43: {  	s20 =	sand.u32 @!p1 $0x7F, s12;
	s21 =	smulhi.u32 @!p1 $0xAAAAAAAB, s19  }
0x44: {  	s19 =	sor.u32 @!p1 s20, s19  }
0x45: {  	s20 =	smulhi.u32 @!p1 $0xAAAAAAAB, s19;
	s21 =	sshrl.u32 @!p1 s21, $0x8  }
0x46: {  	s22 =	smulhi.u32 @!p1 $0x147AE15, s21;
	_ =	sdelay $0x1  }
0x47: {  	s20 =	sshrl.u32 @!p1 s20, $0x8;
	s22 =	smul.u32 @!p1 $0xC8, s22  }
0x48: {  	s31 =	sadd.s32 $0xFFFFFFFF, s15;
	s20 =	smul.u32 @!p1 $0x180, s20  }
0x49: {  	s23 =	sxor.u32 @!p1 $0xFFFFFFFF, s15;
	s21 =	ssub.s32 @!p1 s21, s22;
	s22 =	smul.u32 @!p1 $0x2580, s14  }
0x4a: {  	s23 =	sshll.u32 @!p1 s23, $0xE;
	s19 =	ssub.s32 @!p1 s19, s20;
	s20 =	smul.u32 @!p1 $0x30, s21  }
0x4b: {  	s21 =	sand.u32 @!p1 $0x4000, s23;
	s23 =	sand.u32 @!p1 $0x7, s19;
	s22 =	sadd.s32 @!p1 s6, s22  }
0x4c: {  	s19 =	sshrl.u32 @!p1 s19, $0x3;
	s20 =	sadd.s32 @!p1 s20, s22;
	s22 =	sshll.u32 @!p1 s23, $0x12  }
0x4d: {  	s19 =	sadd.s32 @!p1 s19, s20;
	s20 =	sor.u32 @!p1 $0x80, s22;
	s22 =	simm.s32 @!p1 $0x12C00  }
0x4e: {  	[tilespmem:s21], [sflag:$0x1] =	stream.strided.gather @!p1 [hbm4b:s19+s20], $0x4000, s22, s20, $0x38;
	[tilespmem:$0x10100] =	vst v63  }
0x4f: {  	p1 =	sge.u32 s31, s5  }
.Ltmp2:
0x50: {  	_ = 	snop;
	(pc) =	sbr.rel @p1 .LBB1_5-.Ltmp2, $1  }
0x51: {  	_ =	sdelay $0x3  }
0x52: {  	s19 =	simm.s32 $0x1  }
0x53: {  	_ =	swait.ge [sflag:s4], $0x4000;
	s19 =	simm.s32 @!p0 $0x0  }
0x54: {  	[sflag:s4] =	ssyncset.done $0x0;
	s20 =	sshll.u32 s19, $0xE  }
0x55: {  	[sflag:s4] =	ssyncadd.s32 $0xFFFFC000;
	s20 =	sor.u32 $0x40, s20  }
0x56: {  	s19 =	smul.u32 $0x10200, s19;
	v0 =	vld [tilespmem:s20+$0x30]  }
0x57: {  	v1 =	vld [tilespmem:s20+$0xFFFFFFD0]  }
0x58: {  	s19 =	sshrl.u32 s19, $0x2;
	v5 =	vld [tilespmem:s20+$0xFFFFFFE0]  }
0x59: {  	v6 =	vld [tilespmem:s20+$0xFFFFFFF0];
	s22 =	sor.u32 $0x8000, s19  }
0x5a: {  	s31 =	sand.u32 $0x1, s15;
	v4 =	vld [tilespmem:s20+$0x0];
	s21 =	sadd.s32 $0x0, s22  }
0x5b: {  	v3 =	vld [tilespmem:s20+$0x10];
	s19 =	smul.u32 $0x10200, s31;
	[tilespmem:s21+$0x3870 ss:$0x81] =	vst.msk $0xffff, v0  }
0x5c: {  	v2 =	vld [tilespmem:s20+$0x20];
	[tilespmem:s21+$0x810 ss:$0x81] =	vst.msk $0xffff, v1  }
0x5d: {  	s19 =	sshrl.u32 s19, $0x2;
	v1 =	vld [tilespmem:s20+$0xFFFFFFC0];
	[tilespmem:s21+$0x1020 ss:$0x81] =	vst.msk $0xffff, v5;
	s20 =	sadd.s32 $0x80, s20  }
0x5e: {  	s23 =	simm.s32 $0x4;
	s24 =	simm.s32 $0x8;
	s19 =	sor.u32 $0x8000, s19;
	[tilespmem:s21+$0x1830 ss:$0x81] =	vst.msk $0xffff, v6;
	v0 =	vld [tilespmem:s20+$0x30]  }
.LBB1_3:
0x5f: {  	p1 =	sne.s32 s24, $0x1FC;
	v5 =	vld [tilespmem:s20+$0xFFFFFFD0];
	[tilespmem:s21+$0x2040 ss:$0x81] =	vst.msk $0xffff, v4  }
0x60: {  	v6 =	vld [tilespmem:s20+$0xFFFFFFE0];
	[tilespmem:s21+$0x2850 ss:$0x81] =	vst.msk $0xffff, v3  }
0x61: {  	s25 =	sshra.s32 s23, $0x2;
	s23 =	smov.u32 s24;
	v7 =	vld [tilespmem:s20+$0xFFFFFFF0];
	[tilespmem:s21+$0x3060 ss:$0x81] =	vst.msk $0xffff, v2  }
.Ltmp3:
0x62: {  	v4 =	vld [tilespmem:s20+$0x0];
	[tilespmem:s21+$0x0 ss:$0x81] =	vst.msk $0xffff, v1;
	s21 =	sadd.s32 s25, s22;
	(pc) =	sbr.rel @p1 .LBB1_3-.Ltmp3, $4  }
0x63: {  	v3 =	vld [tilespmem:s20+$0x10];
	[tilespmem:s21+$0x3870 ss:$0x81] =	vst.msk $0xffff, v0  }
0x64: {  	[tilespmem:s21+$0x810 ss:$0x81] =	vst.msk $0xffff, v5;
	v2 =	vld [tilespmem:s20+$0x20]  }
0x65: {  	v1 =	vld [tilespmem:s20+$0xFFFFFFC0];
	[tilespmem:s21+$0x1020 ss:$0x81] =	vst.msk $0xffff, v6;
	s20 =	sadd.s32 $0x80, s20  }
0x66: {  	s24 =	sadd.s32 $0x4, s24;
	v0 =	vld [tilespmem:s20+$0x30];
	[tilespmem:s21+$0x1830 ss:$0x81] =	vst.msk $0xffff, v7  }
.Ltmp4:
0x67: {  	_ = 	snop;
	(pc) =	sbr.rel .LBB1_4-.Ltmp4, $1  }
0x68: {  	_ =	sdelay $0x3  }
.LBB1_6:
0x69: {  	_ =	sfence.sel $0x180000  }
0x6a: {  	s2 =	simm.s32 $0x1;
	[bflag:$0x0] =	sbarrier.arrive $0xFFFF  }
0x6b: {  	s31 =	simm.s32 $0x2;
	[sflag:s2] =	ssyncpa.u1 $0x1  }
0x6c: {  	[sflag:s31] =	ssyncpa.u1 $0x1  }
0x6d: {  	p0 =	sne.s32 s0, $0x0;
	_ =	strace $0x9000004A  }
0x6e: {  	s0 =	sadd.s32 @!p0 $0x100000, s1;
	[bflag:$0x2] =	sbarrier.arrive $0xFFFF  }
0x6f: {  	[sflag:s0] =	ssyncadd.tile.s32 @!p0 $0x1;
	_ =	shalt  }
.Lfunc_end1:
_tile_overlayer_lowered:
.L_overlay_start_2:
0x70: {  	(tag) =	ssettag $0x2  }
0x71: {  	s0 =	rddreg [dreg:$0x0];
	s2 =	stileid.u32  }
0x72: {  	s1 =	rddreg [dreg:$0x1];
	p0 =	sne.s32 s2, $0x0  }
0x73: {  	s3 =	rddreg [dreg:$0x2];
	[bflag:$0x3] =	sbarrier.arrive $0xFFFF;
	s2 =	simm.s32 @!p0 $0x1C01  }
0x74: {  	[timem:s3], [sflag:s2] =	dma.local @!p0 [hbm:s0], s1  }
0x75: {  	s0 =	simm.s32 @!p0 $0x1  }
0x76: {  	_ =	swait.ge @!p0 [sflag:s0], s1  }
0x77: {  	s1 =	ssub.s32 @!p0 $0x0, s1;
	[sflag:s0] =	ssyncset.done @!p0 $0x0  }
0x78: {  	[sflag:s0] =	ssyncadd.s32 @!p0 s1  }
0x79: {  	[bflag:$0x3] =	sbarrier.arrive $0xFFFF  }
0x7a: {  	_ =	shalt  }

</sc_bundles>
